<compile_context>
chip_gen: v7x
topology: tpu7x:2x2x1
jax: 0.10.2.dev20260603
libtpu: 0.0.44.dev20260713+nightly
codegen_flags: <defaults>
</compile_context>

<pallas_src>
import functools

import jax
import jax.numpy as jnp
from jax import lax
from jax.experimental import pallas as pl
from jax.experimental.pallas import tpu as pltpu
from jax.experimental.pallas import tpu_sc as plsc

BATCH = 16384
N_FIELDS = 26
DIM = 16
LANES = 16

NUM_CORES = 2
NUM_SUBCORES = 16
NW = NUM_CORES * NUM_SUBCORES
BT = 128
NTILES = BATCH // BT
TILES_PER_W = NTILES // NW


def _sc_gather(ids, table, off_b):
    mesh = plsc.VectorSubcoreMesh(core_axis_name="c", subcore_axis_name="s")

    @functools.partial(
        pl.kernel,
        mesh=mesh,
        out_type=jax.ShapeDtypeStruct(
            (N_FIELDS, DIM // 8, BT, 8, BT), jnp.float32
        ),
        scratch_types=[
            pltpu.VMEM((BT, N_FIELDS), jnp.int32),
            pltpu.VMEM((N_FIELDS, BT), jnp.int32),
            pltpu.VMEM((N_FIELDS, BT, DIM), jnp.float32),
            pltpu.VMEM((N_FIELDS, DIM // 8, 8, BT), jnp.float32),
            pltpu.VMEM((N_FIELDS, LANES), jnp.int32),
            pltpu.SemaphoreType.DMA,
        ],
        compiler_params=pltpu.CompilerParams(
            use_tc_tiling_on_sc=False, needs_layout_passes=False
        ),
    )
    def k(ids_hbm, table_hbm, off_hbm, out_hbm, idx2d, idxf, rows_v, obuf,
          off_v, sem):
        wid = lax.axis_index("s") * NUM_CORES + lax.axis_index("c")
        pltpu.sync_copy(off_hbm, off_v)
        iota = jax.lax.iota(jnp.int32, LANES)
        dt_idx = jax.lax.shift_right_logical(iota, 3)
        ds_idx = jax.lax.bitwise_and(iota, 7)

        def tile_body(t, carry):
            bt = wid * TILES_PER_W + t
            pltpu.sync_copy(ids_hbm.at[pl.ds(bt * BT, BT), :], idx2d)
            for f in range(N_FIELDS):
                fsplat = jnp.full((LANES,), f, dtype=jnp.int32)
                offf = off_v[f, :]
                for kk in range(BT // LANES):
                    bidx = iota + (kk * LANES)
                    g = plsc.load_gather(idx2d, [bidx, fsplat])
                    idxf[f, pl.ds(kk * LANES, LANES)] = g + offf
            copies = [
                pltpu.async_copy(table_hbm.at[idxf.at[f]], rows_v.at[f], sem)
                for f in range(N_FIELDS)
            ]
            for cp in copies:
                cp.wait()

            def b_body(b, c2):
                bs = jnp.full((LANES,), b, dtype=jnp.int32)
                for f in range(N_FIELDS):
                    fs = jnp.full((LANES,), f, dtype=jnp.int32)
                    row = rows_v[f, b, :]
                    plsc.store_scatter(obuf, [fs, dt_idx, ds_idx, bs], row)
                return c2

            lax.fori_loop(0, BT, b_body, 0)
            pltpu.sync_copy(obuf, out_hbm.at[:, :, bt, :, :])
            return carry

        lax.fori_loop(0, TILES_PER_W, tile_body, 0)

    return k(ids, table, off_b)


def kernel(hash_ids, table, offsets_buf):
    off_b = jnp.broadcast_to(offsets_buf[:, None], (N_FIELDS, LANES))
    out5 = _sc_gather(hash_ids, table, off_b)
    return jnp.transpose(out5, (2, 4, 0, 1, 3)).reshape(BATCH, N_FIELDS, DIM)

# --- scband reference (transcript-rebuilt; emitter-appended) ---
"""Pipeline reference for scband-scalable-embedding-81862076662197 (READ-ONLY COPY).

The authoritative reference and input builder live on the scoring server;
editing this copy changes nothing except your own understanding.
"""

import jax, jax.numpy as jnp
import numpy as np

SIZES = [100000] * 26
DIM = 16
BATCH = 16384
N_FIELDS = 26


def setup_inputs(seed: int = 0) -> dict:
    key = jax.random.key(seed)
    k1, k2 = jax.random.split(key)
    hash_ids = jax.random.randint(k1, (BATCH, N_FIELDS), 0, 100000, dtype=jnp.int64 if jax.config.read('jax_enable_x64') else jnp.int32)
    hash_ids = hash_ids.astype(jnp.int32)
    total_size = sum(SIZES)
    # nn.Embedding default init: N(0, 1)
    table = jax.random.normal(k2, (total_size, DIM), dtype=jnp.float32)
    offsets = np.zeros(N_FIELDS, dtype=np.int64)
    acc = 0
    for i, s in enumerate(SIZES):
        offsets[i] = acc
        acc += s
    offsets_buf = jnp.asarray(offsets, dtype=jnp.int32)
    return {"hash_ids": hash_ids, "table": table, "offsets_buf": offsets_buf}


def reference(hash_ids, table, offsets_buf):
    # flat_ids = hash_ids + offsets (broadcast over batch)
    flat_ids = hash_ids + offsets_buf[None, :]
    # embedding lookup -> gather rows
    embeds = jnp.take(table, flat_ids, axis=0)
    return embeds

if __name__ == "__main__":
    import jax
    _d = setup_inputs()
    print(jax.jit(kernel)(*tuple(_d.values())))

</pallas_src>

<mosaic_0001>
#map = affine_map<(d0, d1) -> (0, 0)>
#map1 = affine_map<(d0, d1) -> (0, 0, 0, 0, 0)>
module attributes {stable_mosaic.version = 14 : i64} {
  func.func @k(%arg0: i32, %arg1: i32, %arg2: memref<16384x26xi32, #tpu.memory_space<hbm>>, %arg3: memref<2600000x16xf32, #tpu.memory_space<hbm>>, %arg4: memref<26x16xi32, #tpu.memory_space<hbm>>, %arg5: memref<26x2x128x8x128xf32, #tpu.memory_space<hbm>>, %arg6: memref<128x26xi32, #tpu.memory_space<vmem>>, %arg7: memref<26x128xi32, #tpu.memory_space<vmem>>, %arg8: memref<26x128x16xf32, #tpu.memory_space<vmem>>, %arg9: memref<26x2x8x128xf32, #tpu.memory_space<vmem>>, %arg10: memref<26x16xi32, #tpu.memory_space<vmem>>, %arg11: memref<!tpu.dma_semaphore, #tpu.memory_space<semaphore_mem>>) attributes {dimension_semantics = [#tpu.dimension_semantics<core_parallel>, #tpu.dimension_semantics<subcore_parallel>], iteration_bounds = array<i64: 2, 16>, scalar_prefetch = 0 : i64, scratch_operands = 6 : i64, tpu.core_type = #tpu.core_type<sc_vector_subcore>, window_params = [{transform_indices = #map}, {transform_indices = #map}, {transform_indices = #map}, {transform_indices = #map1}]} {
    %mul3A = arith.constant 2 : i32
    %mul3A_0 = arith.muli %arg1, %mul3A : i32
    %add3A = arith.addi %mul3A_0, %arg0 : i32
    "tpu.region"() ({
      %run_scoped3A = tpu.sem_alloc : memref<!tpu.dma_semaphore, #tpu.memory_space<semaphore_mem>>
      tpu.enqueue_dma source(%arg4 : memref<26x16xi32, #tpu.memory_space<hbm>>) target(%arg10 : memref<26x16xi32, #tpu.memory_space<vmem>>) target_semaphore(%run_scoped3A : memref<!tpu.dma_semaphore, #tpu.memory_space<semaphore_mem>>)
      tpu.wait_dma2 semaphore(%run_scoped3A : memref<!tpu.dma_semaphore, #tpu.memory_space<semaphore_mem>>) src(%arg4 : memref<26x16xi32, #tpu.memory_space<hbm>>) dst(%arg10 : memref<26x16xi32, #tpu.memory_space<vmem>>)
      tpu.yield
    }) : () -> ()
    %iota3A = tpu.iota {dimensions = array<i32: 0>} : vector<16xi32>
    %shift_right_logical3A = arith.constant 3 : i32
    %shift_right_logical3A_1 = vector.broadcast %shift_right_logical3A : i32 to vector<16xi32>
    %shift_right_logical3A_2 = arith.shrui %iota3A, %shift_right_logical3A_1 : vector<16xi32>
    %and3A = arith.constant 7 : i32
    %and3A_3 = vector.broadcast %and3A : i32 to vector<16xi32>
    %and3A_4 = arith.andi %iota3A, %and3A_3 : vector<16xi32>
    %scan3A = arith.constant 0 : i32
    %scan3A_5 = arith.constant 0 : i32
    %scan3A_6 = arith.constant 4 : i32
    %scan3A_7 = arith.addi %scan3A_5, %scan3A_6 : i32
    %scan3A_8 = arith.constant 1 : i32
    scf.for %scan3A_10 = %scan3A_5 to %scan3A_7 step %scan3A_8  : i32 {
      %mul3A_11 = arith.constant 4 : i32
      %mul3A_12 = arith.muli %add3A, %mul3A_11 : i32
      %add3A_13 = arith.addi %mul3A_12, %scan3A_10 : i32
      %mul3A_14 = arith.constant 128 : i32
      %mul3A_15 = arith.muli %add3A_13, %mul3A_14 : i32
      "tpu.region"() ({
        %run_scoped3A = tpu.sem_alloc : memref<!tpu.dma_semaphore, #tpu.memory_space<semaphore_mem>>
        %dma_start3A_2668 = arith.constant 0 : i32
        %dma_start3A_2669 = tpu.memref_slice %arg2[%mul3A_15, %dma_start3A_2668] : memref<16384x26xi32, #tpu.memory_space<hbm>> -> memref<128x26xi32, #tpu.memory_space<hbm>>
        %dma_start3A_2670 = arith.constant 0 : i32
        %dma_start3A_2671 = tpu.memref_slice %arg2[%mul3A_15, %dma_start3A_2670] : memref<16384x26xi32, #tpu.memory_space<hbm>> -> memref<128x26xi32, #tpu.memory_space<hbm>>
        tpu.enqueue_dma source(%dma_start3A_2671 : memref<128x26xi32, #tpu.memory_space<hbm>>) target(%arg6 : memref<128x26xi32, #tpu.memory_space<vmem>>) target_semaphore(%run_scoped3A : memref<!tpu.dma_semaphore, #tpu.memory_space<semaphore_mem>>)
        %dma_wait3A_2672 = arith.constant 0 : i32
        %dma_wait3A_2673 = tpu.memref_slice %arg2[%mul3A_15, %dma_wait3A_2672] : memref<16384x26xi32, #tpu.memory_space<hbm>> -> memref<128x26xi32, #tpu.memory_space<hbm>>
        %dma_wait3A_2674 = arith.constant 0 : i32
        %dma_wait3A_2675 = tpu.memref_slice %arg2[%mul3A_15, %dma_wait3A_2674] : memref<16384x26xi32, #tpu.memory_space<hbm>> -> memref<128x26xi32, #tpu.memory_space<hbm>>
        tpu.wait_dma2 semaphore(%run_scoped3A : memref<!tpu.dma_semaphore, #tpu.memory_space<semaphore_mem>>) src(%dma_wait3A_2675 : memref<128x26xi32, #tpu.memory_space<hbm>>) dst(%arg6 : memref<128x26xi32, #tpu.memory_space<vmem>>)
        tpu.yield
      }) : () -> ()
      %broadcast_in_dim3A = arith.constant 0 : i32
      %broadcast_in_dim3A_16 = vector.broadcast %broadcast_in_dim3A : i32 to vector<16xi32>
      %get3A = arith.constant 0 : i32
      %get3A_17 = arith.index_cast %get3A : i32 to index
      %get3A_18 = arith.constant 0 : index
      %get3A_19 = tpu.vector_load %arg10[%get3A_17, %get3A_18] {strides = array<i32>} : memref<26x16xi32, #tpu.memory_space<vmem>>, vector<16xi32>,
      %add3A_20 = arith.constant 0 : i32
      %add3A_21 = vector.broadcast %add3A_20 : i32 to vector<16xi32>
      %add3A_22 = arith.addi %iota3A, %add3A_21 : vector<16xi32>
      %gather3A = tpu.vector_load_idx %arg6[%add3A_22, %broadcast_in_dim3A_16] : memref<128x26xi32, #tpu.memory_space<vmem>>[vector<16xi32>, vector<16xi32>], vector<16xi32>,
      %add3A_23 = arith.addi %gather3A, %get3A_19 : vector<16xi32>
      %swap3A = arith.constant 0 : i32
      %swap3A_24 = arith.index_cast %swap3A : i32 to index
      %swap3A_25 = arith.constant 0 : index
      %swap3A_26 = tpu.vector_load %arg7[%swap3A_24, %swap3A_25] {strides = array<i32>} : memref<26x128xi32, #tpu.memory_space<vmem>>, vector<16xi32>,
      tpu.vector_store %arg7[%swap3A_24, %swap3A_25], %add3A_23 {strides = array<i32>} : memref<26x128xi32, #tpu.memory_space<vmem>>, vector<16xi32>,
      %add3A_27 = arith.constant 16 : i32
      %add3A_28 = vector.broadcast %add3A_27 : i32 to vector<16xi32>
      %add3A_29 = arith.addi %iota3A, %add3A_28 : vector<16xi32>
      %gather3A_30 = tpu.vector_load_idx %arg6[%add3A_29, %broadcast_in_dim3A_16] : memref<128x26xi32, #tpu.memory_space<vmem>>[vector<16xi32>, vector<16xi32>], vector<16xi32>,
      %add3A_31 = arith.addi %gather3A_30, %get3A_19 : vector<16xi32>
      %swap3A_32 = arith.constant 0 : i32
      %swap3A_33 = arith.index_cast %swap3A_32 : i32 to index
      %swap3A_34 = arith.constant 16 : index
      %swap3A_35 = tpu.vector_load %arg7[%swap3A_33, %swap3A_34] {strides = array<i32>} : memref<26x128xi32, #tpu.memory_space<vmem>>, vector<16xi32>,
      tpu.vector_store %arg7[%swap3A_33, %swap3A_34], %add3A_31 {strides = array<i32>} : memref<26x128xi32, #tpu.memory_space<vmem>>, vector<16xi32>,
      %add3A_36 = arith.constant 32 : i32
      %add3A_37 = vector.broadcast %add3A_36 : i32 to vector<16xi32>
      %add3A_38 = arith.addi %iota3A, %add3A_37 : vector<16xi32>
      %gather3A_39 = tpu.vector_load_idx %arg6[%add3A_38, %broadcast_in_dim3A_16] : memref<128x26xi32, #tpu.memory_space<vmem>>[vector<16xi32>, vector<16xi32>], vector<16xi32>,
      %add3A_40 = arith.addi %gather3A_39, %get3A_19 : vector<16xi32>
      %swap3A_41 = arith.constant 0 : i32
      %swap3A_42 = arith.index_cast %swap3A_41 : i32 to index
      %swap3A_43 = arith.constant 32 : index
      %swap3A_44 = tpu.vector_load %arg7[%swap3A_42, %swap3A_43] {strides = array<i32>} : memref<26x128xi32, #tpu.memory_space<vmem>>, vector<16xi32>,
      tpu.vector_store %arg7[%swap3A_42, %swap3A_43], %add3A_40 {strides = array<i32>} : memref<26x128xi32, #tpu.memory_space<vmem>>, vector<16xi32>,
      %add3A_45 = arith.constant 48 : i32
      %add3A_46 = vector.broadcast %add3A_45 : i32 to vector<16xi32>
      %add3A_47 = arith.addi %iota3A, %add3A_46 : vector<16xi32>
      %gather3A_48 = tpu.vector_load_idx %arg6[%add3A_47, %broadcast_in_dim3A_16] : memref<128x26xi32, #tpu.memory_space<vmem>>[vector<16xi32>, vector<16xi32>], vector<16xi32>,
      %add3A_49 = arith.addi %gather3A_48, %get3A_19 : vector<16xi32>
      %swap3A_50 = arith.constant 0 : i32
      %swap3A_51 = arith.index_cast %swap3A_50 : i32 to index
      %swap3A_52 = arith.constant 48 : index
      %swap3A_53 = tpu.vector_load %arg7[%swap3A_51, %swap3A_52] {strides = array<i32>} : memref<26x128xi32, #tpu.memory_space<vmem>>, vector<16xi32>,
      tpu.vector_store %arg7[%swap3A_51, %swap3A_52], %add3A_49 {strides = array<i32>} : memref<26x128xi32, #tpu.memory_space<vmem>>, vector<16xi32>,
      %add3A_54 = arith.constant 64 : i32
      %add3A_55 = vector.broadcast %add3A_54 : i32 to vector<16xi32>
      %add3A_56 = arith.addi %iota3A, %add3A_55 : vector<16xi32>
      %gather3A_57 = tpu.vector_load_idx %arg6[%add3A_56, %broadcast_in_dim3A_16] : memref<128x26xi32, #tpu.memory_space<vmem>>[vector<16xi32>, vector<16xi32>], vector<16xi32>,
      %add3A_58 = arith.addi %gather3A_57, %get3A_19 : vector<16xi32>
      %swap3A_59 = arith.constant 0 : i32
      %swap3A_60 = arith.index_cast %swap3A_59 : i32 to index
      %swap3A_61 = arith.constant 64 : index
      %swap3A_62 = tpu.vector_load %arg7[%swap3A_60, %swap3A_61] {strides = array<i32>} : memref<26x128xi32, #tpu.memory_space<vmem>>, vector<16xi32>,
      tpu.vector_store %arg7[%swap3A_60, %swap3A_61], %add3A_58 {strides = array<i32>} : memref<26x128xi32, #tpu.memory_space<vmem>>, vector<16xi32>,
      %add3A_63 = arith.constant 80 : i32
      %add3A_64 = vector.broadcast %add3A_63 : i32 to vector<16xi32>
      %add3A_65 = arith.addi %iota3A, %add3A_64 : vector<16xi32>
      %gather3A_66 = tpu.vector_load_idx %arg6[%add3A_65, %broadcast_in_dim3A_16] : memref<128x26xi32, #tpu.memory_space<vmem>>[vector<16xi32>, vector<16xi32>], vector<16xi32>,
      %add3A_67 = arith.addi %gather3A_66, %get3A_19 : vector<16xi32>
      %swap3A_68 = arith.constant 0 : i32
      %swap3A_69 = arith.index_cast %swap3A_68 : i32 to index
      %swap3A_70 = arith.constant 80 : index
      %swap3A_71 = tpu.vector_load %arg7[%swap3A_69, %swap3A_70] {strides = array<i32>} : memref<26x128xi32, #tpu.memory_space<vmem>>, vector<16xi32>,
      tpu.vector_store %arg7[%swap3A_69, %swap3A_70], %add3A_67 {strides = array<i32>} : memref<26x128xi32, #tpu.memory_space<vmem>>, vector<16xi32>,
      %add3A_72 = arith.constant 96 : i32
      %add3A_73 = vector.broadcast %add3A_72 : i32 to vector<16xi32>
      %add3A_74 = arith.addi %iota3A, %add3A_73 : vector<16xi32>
      %gather3A_75 = tpu.vector_load_idx %arg6[%add3A_74, %broadcast_in_dim3A_16] : memref<128x26xi32, #tpu.memory_space<vmem>>[vector<16xi32>, vector<16xi32>], vector<16xi32>,
      %add3A_76 = arith.addi %gather3A_75, %get3A_19 : vector<16xi32>
      %swap3A_77 = arith.constant 0 : i32
      %swap3A_78 = arith.index_cast %swap3A_77 : i32 to index
      %swap3A_79 = arith.constant 96 : index
      %swap3A_80 = tpu.vector_load %arg7[%swap3A_78, %swap3A_79] {strides = array<i32>} : memref<26x128xi32, #tpu.memory_space<vmem>>, vector<16xi32>,
      tpu.vector_store %arg7[%swap3A_78, %swap3A_79], %add3A_76 {strides = array<i32>} : memref<26x128xi32, #tpu.memory_space<vmem>>, vector<16xi32>,
      %add3A_81 = arith.constant 112 : i32
      %add3A_82 = vector.broadcast %add3A_81 : i32 to vector<16xi32>
      %add3A_83 = arith.addi %iota3A, %add3A_82 : vector<16xi32>
      %gather3A_84 = tpu.vector_load_idx %arg6[%add3A_83, %broadcast_in_dim3A_16] : memref<128x26xi32, #tpu.memory_space<vmem>>[vector<16xi32>, vector<16xi32>], vector<16xi32>,
      %add3A_85 = arith.addi %gather3A_84, %get3A_19 : vector<16xi32>
      %swap3A_86 = arith.constant 0 : i32
      %swap3A_87 = arith.index_cast %swap3A_86 : i32 to index
      %swap3A_88 = arith.constant 112 : index
      %swap3A_89 = tpu.vector_load %arg7[%swap3A_87, %swap3A_88] {strides = array<i32>} : memref<26x128xi32, #tpu.memory_space<vmem>>, vector<16xi32>,
      tpu.vector_store %arg7[%swap3A_87, %swap3A_88], %add3A_85 {strides = array<i32>} : memref<26x128xi32, #tpu.memory_space<vmem>>, vector<16xi32>,
      %broadcast_in_dim3A_90 = arith.constant 1 : i32
      %broadcast_in_dim3A_91 = vector.broadcast %broadcast_in_dim3A_90 : i32 to vector<16xi32>
      %get3A_92 = arith.constant 1 : i32
      %get3A_93 = arith.index_cast %get3A_92 : i32 to index
      %get3A_94 = arith.constant 0 : index
      %get3A_95 = tpu.vector_load %arg10[%get3A_93, %get3A_94] {strides = array<i32>} : memref<26x16xi32, #tpu.memory_space<vmem>>, vector<16xi32>,
      %add3A_96 = arith.constant 0 : i32
      %add3A_97 = vector.broadcast %add3A_96 : i32 to vector<16xi32>
      %add3A_98 = arith.addi %iota3A, %add3A_97 : vector<16xi32>
      %gather3A_99 = tpu.vector_load_idx %arg6[%add3A_98, %broadcast_in_dim3A_91] : memref<128x26xi32, #tpu.memory_space<vmem>>[vector<16xi32>, vector<16xi32>], vector<16xi32>,
      %add3A_100 = arith.addi %gather3A_99, %get3A_95 : vector<16xi32>
      %swap3A_101 = arith.constant 1 : i32
      %swap3A_102 = arith.index_cast %swap3A_101 : i32 to index
      %swap3A_103 = arith.constant 0 : index
      %swap3A_104 = tpu.vector_load %arg7[%swap3A_102, %swap3A_103] {strides = array<i32>} : memref<26x128xi32, #tpu.memory_space<vmem>>, vector<16xi32>,
      tpu.vector_store %arg7[%swap3A_102, %swap3A_103], %add3A_100 {strides = array<i32>} : memref<26x128xi32, #tpu.memory_space<vmem>>, vector<16xi32>,
      %add3A_105 = arith.constant 16 : i32
      %add3A_106 = vector.broadcast %add3A_105 : i32 to vector<16xi32>
      %add3A_107 = arith.addi %iota3A, %add3A_106 : vector<16xi32>
      %gather3A_108 = tpu.vector_load_idx %arg6[%add3A_107, %broadcast_in_dim3A_91] : memref<128x26xi32, #tpu.memory_space<vmem>>[vector<16xi32>, vector<16xi32>], vector<16xi32>,
      %add3A_109 = arith.addi %gather3A_108, %get3A_95 : vector<16xi32>
      %swap3A_110 = arith.constant 1 : i32
      %swap3A_111 = arith.index_cast %swap3A_110 : i32 to index
      %swap3A_112 = arith.constant 16 : index
      %swap3A_113 = tpu.vector_load %arg7[%swap3A_111, %swap3A_112] {strides = array<i32>} : memref<26x128xi32, #tpu.memory_space<vmem>>, vector<16xi32>,
      tpu.vector_store %arg7[%swap3A_111, %swap3A_112], %add3A_109 {strides = array<i32>} : memref<26x128xi32, #tpu.memory_space<vmem>>, vector<16xi32>,
      %add3A_114 = arith.constant 32 : i32
      %add3A_115 = vector.broadcast %add3A_114 : i32 to vector<16xi32>
      %add3A_116 = arith.addi %iota3A, %add3A_115 : vector<16xi32>
      %gather3A_117 = tpu.vector_load_idx %arg6[%add3A_116, %broadcast_in_dim3A_91] : memref<128x26xi32, #tpu.memory_space<vmem>>[vector<16xi32>, vector<16xi32>], vector<16xi32>,
      %add3A_118 = arith.addi %gather3A_117, %get3A_95 : vector<16xi32>
      %swap3A_119 = arith.constant 1 : i32
      %swap3A_120 = arith.index_cast %swap3A_119 : i32 to index
      %swap3A_121 = arith.constant 32 : index
      %swap3A_122 = tpu.vector_load %arg7[%swap3A_120, %swap3A_121] {strides = array<i32>} : memref<26x128xi32, #tpu.memory_space<vmem>>, vector<16xi32>,
      tpu.vector_store %arg7[%swap3A_120, %swap3A_121], %add3A_118 {strides = array<i32>} : memref<26x128xi32, #tpu.memory_space<vmem>>, vector<16xi32>,
      %add3A_123 = arith.constant 48 : i32
      %add3A_124 = vector.broadcast %add3A_123 : i32 to vector<16xi32>
      %add3A_125 = arith.addi %iota3A, %add3A_124 : vector<16xi32>
      %gather3A_126 = tpu.vector_load_idx %arg6[%add3A_125, %broadcast_in_dim3A_91] : memref<128x26xi32, #tpu.memory_space<vmem>>[vector<16xi32>, vector<16xi32>], vector<16xi32>,
      %add3A_127 = arith.addi %gather3A_126, %get3A_95 : vector<16xi32>
      %swap3A_128 = arith.constant 1 : i32
      %swap3A_129 = arith.index_cast %swap3A_128 : i32 to index
      %swap3A_130 = arith.constant 48 : index
      %swap3A_131 = tpu.vector_load %arg7[%swap3A_129, %swap3A_130] {strides = array<i32>} : memref<26x128xi32, #tpu.memory_space<vmem>>, vector<16xi32>,
      tpu.vector_store %arg7[%swap3A_129, %swap3A_130], %add3A_127 {strides = array<i32>} : memref<26x128xi32, #tpu.memory_space<vmem>>, vector<16xi32>,
      %add3A_132 = arith.constant 64 : i32
      %add3A_133 = vector.broadcast %add3A_132 : i32 to vector<16xi32>
      %add3A_134 = arith.addi %iota3A, %add3A_133 : vector<16xi32>
      %gather3A_135 = tpu.vector_load_idx %arg6[%add3A_134, %broadcast_in_dim3A_91] : memref<128x26xi32, #tpu.memory_space<vmem>>[vector<16xi32>, vector<16xi32>], vector<16xi32>,
      %add3A_136 = arith.addi %gather3A_135, %get3A_95 : vector<16xi32>
      %swap3A_137 = arith.constant 1 : i32
      %swap3A_138 = arith.index_cast %swap3A_137 : i32 to index
      %swap3A_139 = arith.constant 64 : index
      %swap3A_140 = tpu.vector_load %arg7[%swap3A_138, %swap3A_139] {strides = array<i32>} : memref<26x128xi32, #tpu.memory_space<vmem>>, vector<16xi32>,
      tpu.vector_store %arg7[%swap3A_138, %swap3A_139], %add3A_136 {strides = array<i32>} : memref<26x128xi32, #tpu.memory_space<vmem>>, vector<16xi32>,
      %add3A_141 = arith.constant 80 : i32
      %add3A_142 = vector.broadcast %add3A_141 : i32 to vector<16xi32>
      %add3A_143 = arith.addi %iota3A, %add3A_142 : vector<16xi32>
      %gather3A_144 = tpu.vector_load_idx %arg6[%add3A_143, %broadcast_in_dim3A_91] : memref<128x26xi32, #tpu.memory_space<vmem>>[vector<16xi32>, vector<16xi32>], vector<16xi32>,
      %add3A_145 = arith.addi %gather3A_144, %get3A_95 : vector<16xi32>
      %swap3A_146 = arith.constant 1 : i32
      %swap3A_147 = arith.index_cast %swap3A_146 : i32 to index
      %swap3A_148 = arith.constant 80 : index
      %swap3A_149 = tpu.vector_load %arg7[%swap3A_147, %swap3A_148] {strides = array<i32>} : memref<26x128xi32, #tpu.memory_space<vmem>>, vector<16xi32>,
      tpu.vector_store %arg7[%swap3A_147, %swap3A_148], %add3A_145 {strides = array<i32>} : memref<26x128xi32, #tpu.memory_space<vmem>>, vector<16xi32>,
      %add3A_150 = arith.constant 96 : i32
      %add3A_151 = vector.broadcast %add3A_150 : i32 to vector<16xi32>
      %add3A_152 = arith.addi %iota3A, %add3A_151 : vector<16xi32>
      %gather3A_153 = tpu.vector_load_idx %arg6[%add3A_152, %broadcast_in_dim3A_91] : memref<128x26xi32, #tpu.memory_space<vmem>>[vector<16xi32>, vector<16xi32>], vector<16xi32>,
      %add3A_154 = arith.addi %gather3A_153, %get3A_95 : vector<16xi32>
      %swap3A_155 = arith.constant 1 : i32
      %swap3A_156 = arith.index_cast %swap3A_155 : i32 to index
      %swap3A_157 = arith.constant 96 : index
      %swap3A_158 = tpu.vector_load %arg7[%swap3A_156, %swap3A_157] {strides = array<i32>} : memref<26x128xi32, #tpu.memory_space<vmem>>, vector<16xi32>,
      tpu.vector_store %arg7[%swap3A_156, %swap3A_157], %add3A_154 {strides = array<i32>} : memref<26x128xi32, #tpu.memory_space<vmem>>, vector<16xi32>,
      %add3A_159 = arith.constant 112 : i32
      %add3A_160 = vector.broadcast %add3A_159 : i32 to vector<16xi32>
      %add3A_161 = arith.addi %iota3A, %add3A_160 : vector<16xi32>
      %gather3A_162 = tpu.vector_load_idx %arg6[%add3A_161, %broadcast_in_dim3A_91] : memref<128x26xi32, #tpu.memory_space<vmem>>[vector<16xi32>, vector<16xi32>], vector<16xi32>,
      %add3A_163 = arith.addi %gather3A_162, %get3A_95 : vector<16xi32>
      %swap3A_164 = arith.constant 1 : i32
      %swap3A_165 = arith.index_cast %swap3A_164 : i32 to index
      %swap3A_166 = arith.constant 112 : index
      %swap3A_167 = tpu.vector_load %arg7[%swap3A_165, %swap3A_166] {strides = array<i32>} : memref<26x128xi32, #tpu.memory_space<vmem>>, vector<16xi32>,
      tpu.vector_store %arg7[%swap3A_165, %swap3A_166], %add3A_163 {strides = array<i32>} : memref<26x128xi32, #tpu.memory_space<vmem>>, vector<16xi32>,
      %broadcast_in_dim3A_168 = arith.constant 2 : i32
      %broadcast_in_dim3A_169 = vector.broadcast %broadcast_in_dim3A_168 : i32 to vector<16xi32>
      %get3A_170 = arith.constant 2 : i32
      %get3A_171 = arith.index_cast %get3A_170 : i32 to index
      %get3A_172 = arith.constant 0 : index
      %get3A_173 = tpu.vector_load %arg10[%get3A_171, %get3A_172] {strides = array<i32>} : memref<26x16xi32, #tpu.memory_space<vmem>>, vector<16xi32>,
      %add3A_174 = arith.constant 0 : i32
      %add3A_175 = vector.broadcast %add3A_174 : i32 to vector<16xi32>
      %add3A_176 = arith.addi %iota3A, %add3A_175 : vector<16xi32>
      %gather3A_177 = tpu.vector_load_idx %arg6[%add3A_176, %broadcast_in_dim3A_169] : memref<128x26xi32, #tpu.memory_space<vmem>>[vector<16xi32>, vector<16xi32>], vector<16xi32>,
      %add3A_178 = arith.addi %gather3A_177, %get3A_173 : vector<16xi32>
      %swap3A_179 = arith.constant 2 : i32
      %swap3A_180 = arith.index_cast %swap3A_179 : i32 to index
      %swap3A_181 = arith.constant 0 : index
      %swap3A_182 = tpu.vector_load %arg7[%swap3A_180, %swap3A_181] {strides = array<i32>} : memref<26x128xi32, #tpu.memory_space<vmem>>, vector<16xi32>,
      tpu.vector_store %arg7[%swap3A_180, %swap3A_181], %add3A_178 {strides = array<i32>} : memref<26x128xi32, #tpu.memory_space<vmem>>, vector<16xi32>,
      %add3A_183 = arith.constant 16 : i32
      %add3A_184 = vector.broadcast %add3A_183 : i32 to vector<16xi32>
      %add3A_185 = arith.addi %iota3A, %add3A_184 : vector<16xi32>
      %gather3A_186 = tpu.vector_load_idx %arg6[%add3A_185, %broadcast_in_dim3A_169] : memref<128x26xi32, #tpu.memory_space<vmem>>[vector<16xi32>, vector<16xi32>], vector<16xi32>,
      %add3A_187 = arith.addi %gather3A_186, %get3A_173 : vector<16xi32>
      %swap3A_188 = arith.constant 2 : i32
      %swap3A_189 = arith.index_cast %swap3A_188 : i32 to index
      %swap3A_190 = arith.constant 16 : index
      %swap3A_191 = tpu.vector_load %arg7[%swap3A_189, %swap3A_190] {strides = array<i32>} : memref<26x128xi32, #tpu.memory_space<vmem>>, vector<16xi32>,
      tpu.vector_store %arg7[%swap3A_189, %swap3A_190], %add3A_187 {strides = array<i32>} : memref<26x128xi32, #tpu.memory_space<vmem>>, vector<16xi32>,
      %add3A_192 = arith.constant 32 : i32
      %add3A_193 = vector.broadcast %add3A_192 : i32 to vector<16xi32>
      %add3A_194 = arith.addi %iota3A, %add3A_193 : vector<16xi32>
      %gather3A_195 = tpu.vector_load_idx %arg6[%add3A_194, %broadcast_in_dim3A_169] : memref<128x26xi32, #tpu.memory_space<vmem>>[vector<16xi32>, vector<16xi32>], vector<16xi32>,
      %add3A_196 = arith.addi %gather3A_195, %get3A_173 : vector<16xi32>
      %swap3A_197 = arith.constant 2 : i32
      %swap3A_198 = arith.index_cast %swap3A_197 : i32 to index
      %swap3A_199 = arith.constant 32 : index
      %swap3A_200 = tpu.vector_load %arg7[%swap3A_198, %swap3A_199] {strides = array<i32>} : memref<26x128xi32, #tpu.memory_space<vmem>>, vector<16xi32>,
      tpu.vector_store %arg7[%swap3A_198, %swap3A_199], %add3A_196 {strides = array<i32>} : memref<26x128xi32, #tpu.memory_space<vmem>>, vector<16xi32>,
      %add3A_201 = arith.constant 48 : i32
      %add3A_202 = vector.broadcast %add3A_201 : i32 to vector<16xi32>
      %add3A_203 = arith.addi %iota3A, %add3A_202 : vector<16xi32>
      %gather3A_204 = tpu.vector_load_idx %arg6[%add3A_203, %broadcast_in_dim3A_169] : memref<128x26xi32, #tpu.memory_space<vmem>>[vector<16xi32>, vector<16xi32>], vector<16xi32>,
      %add3A_205 = arith.addi %gather3A_204, %get3A_173 : vector<16xi32>
      %swap3A_206 = arith.constant 2 : i32
      %swap3A_207 = arith.index_cast %swap3A_206 : i32 to index
      %swap3A_208 = arith.constant 48 : index
      %swap3A_209 = tpu.vector_load %arg7[%swap3A_207, %swap3A_208] {strides = array<i32>} : memref<26x128xi32, #tpu.memory_space<vmem>>, vector<16xi32>,
      tpu.vector_store %arg7[%swap3A_207, %swap3A_208], %add3A_205 {strides = array<i32>} : memref<26x128xi32, #tpu.memory_space<vmem>>, vector<16xi32>,
      %add3A_210 = arith.constant 64 : i32
      %add3A_211 = vector.broadcast %add3A_210 : i32 to vector<16xi32>
      %add3A_212 = arith.addi %iota3A, %add3A_211 : vector<16xi32>
      %gather3A_213 = tpu.vector_load_idx %arg6[%add3A_212, %broadcast_in_dim3A_169] : memref<128x26xi32, #tpu.memory_space<vmem>>[vector<16xi32>, vector<16xi32>], vector<16xi32>,
      %add3A_214 = arith.addi %gather3A_213, %get3A_173 : vector<16xi32>
      %swap3A_215 = arith.constant 2 : i32
      %swap3A_216 = arith.index_cast %swap3A_215 : i32 to index
      %swap3A_217 = arith.constant 64 : index
      %swap3A_218 = tpu.vector_load %arg7[%swap3A_216, %swap3A_217] {strides = array<i32>} : memref<26x128xi32, #tpu.memory_space<vmem>>, vector<16xi32>,
      tpu.vector_store %arg7[%swap3A_216, %swap3A_217], %add3A_214 {strides = array<i32>} : memref<26x128xi32, #tpu.memory_space<vmem>>, vector<16xi32>,
      %add3A_219 = arith.constant 80 : i32
      %add3A_220 = vector.broadcast %add3A_219 : i32 to vector<16xi32>
      %add3A_221 = arith.addi %iota3A, %add3A_220 : vector<16xi32>
      %gather3A_222 = tpu.vector_load_idx %arg6[%add3A_221, %broadcast_in_dim3A_169] : memref<128x26xi32, #tpu.memory_space<vmem>>[vector<16xi32>, vector<16xi32>], vector<16xi32>,
      %add3A_223 = arith.addi %gather3A_222, %get3A_173 : vector<16xi32>
      %swap3A_224 = arith.constant 2 : i32
      %swap3A_225 = arith.index_cast %swap3A_224 : i32 to index
      %swap3A_226 = arith.constant 80 : index
      %swap3A_227 = tpu.vector_load %arg7[%swap3A_225, %swap3A_226] {strides = array<i32>} : memref<26x128xi32, #tpu.memory_space<vmem>>, vector<16xi32>,
      tpu.vector_store %arg7[%swap3A_225, %swap3A_226], %add3A_223 {strides = array<i32>} : memref<26x128xi32, #tpu.memory_space<vmem>>, vector<16xi32>,
      %add3A_228 = arith.constant 96 : i32
      %add3A_229 = vector.broadcast %add3A_228 : i32 to vector<16xi32>
      %add3A_230 = arith.addi %iota3A, %add3A_229 : vector<16xi32>
      %gather3A_231 = tpu.vector_load_idx %arg6[%add3A_230, %broadcast_in_dim3A_169] : memref<128x26xi32, #tpu.memory_space<vmem>>[vector<16xi32>, vector<16xi32>], vector<16xi32>,
      %add3A_232 = arith.addi %gather3A_231, %get3A_173 : vector<16xi32>
      %swap3A_233 = arith.constant 2 : i32
      %swap3A_234 = arith.index_cast %swap3A_233 : i32 to index
      %swap3A_235 = arith.constant 96 : index
      %swap3A_236 = tpu.vector_load %arg7[%swap3A_234, %swap3A_235] {strides = array<i32>} : memref<26x128xi32, #tpu.memory_space<vmem>>, vector<16xi32>,
      tpu.vector_store %arg7[%swap3A_234, %swap3A_235], %add3A_232 {strides = array<i32>} : memref<26x128xi32, #tpu.memory_space<vmem>>, vector<16xi32>,
      %add3A_237 = arith.constant 112 : i32
      %add3A_238 = vector.broadcast %add3A_237 : i32 to vector<16xi32>
      %add3A_239 = arith.addi %iota3A, %add3A_238 : vector<16xi32>
      %gather3A_240 = tpu.vector_load_idx %arg6[%add3A_239, %broadcast_in_dim3A_169] : memref<128x26xi32, #tpu.memory_space<vmem>>[vector<16xi32>, vector<16xi32>], vector<16xi32>,
      %add3A_241 = arith.addi %gather3A_240, %get3A_173 : vector<16xi32>
      %swap3A_242 = arith.constant 2 : i32
      %swap3A_243 = arith.index_cast %swap3A_242 : i32 to index
      %swap3A_244 = arith.constant 112 : index
      %swap3A_245 = tpu.vector_load %arg7[%swap3A_243, %swap3A_244] {strides = array<i32>} : memref<26x128xi32, #tpu.memory_space<vmem>>, vector<16xi32>,
      tpu.vector_store %arg7[%swap3A_243, %swap3A_244], %add3A_241 {strides = array<i32>} : memref<26x128xi32, #tpu.memory_space<vmem>>, vector<16xi32>,
      %broadcast_in_dim3A_246 = arith.constant 3 : i32
      %broadcast_in_dim3A_247 = vector.broadcast %broadcast_in_dim3A_246 : i32 to vector<16xi32>
      %get3A_248 = arith.constant 3 : i32
      %get3A_249 = arith.index_cast %get3A_248 : i32 to index
      %get3A_250 = arith.constant 0 : index
      %get3A_251 = tpu.vector_load %arg10[%get3A_249, %get3A_250] {strides = array<i32>} : memref<26x16xi32, #tpu.memory_space<vmem>>, vector<16xi32>,
      %add3A_252 = arith.constant 0 : i32
      %add3A_253 = vector.broadcast %add3A_252 : i32 to vector<16xi32>
      %add3A_254 = arith.addi %iota3A, %add3A_253 : vector<16xi32>
      %gather3A_255 = tpu.vector_load_idx %arg6[%add3A_254, %broadcast_in_dim3A_247] : memref<128x26xi32, #tpu.memory_space<vmem>>[vector<16xi32>, vector<16xi32>], vector<16xi32>,
      %add3A_256 = arith.addi %gather3A_255, %get3A_251 : vector<16xi32>
      %swap3A_257 = arith.constant 3 : i32
      %swap3A_258 = arith.index_cast %swap3A_257 : i32 to index
      %swap3A_259 = arith.constant 0 : index
      %swap3A_260 = tpu.vector_load %arg7[%swap3A_258, %swap3A_259] {strides = array<i32>} : memref<26x128xi32, #tpu.memory_space<vmem>>, vector<16xi32>,
      tpu.vector_store %arg7[%swap3A_258, %swap3A_259], %add3A_256 {strides = array<i32>} : memref<26x128xi32, #tpu.memory_space<vmem>>, vector<16xi32>,
      %add3A_261 = arith.constant 16 : i32
      %add3A_262 = vector.broadcast %add3A_261 : i32 to vector<16xi32>
      %add3A_263 = arith.addi %iota3A, %add3A_262 : vector<16xi32>
      %gather3A_264 = tpu.vector_load_idx %arg6[%add3A_263, %broadcast_in_dim3A_247] : memref<128x26xi32, #tpu.memory_space<vmem>>[vector<16xi32>, vector<16xi32>], vector<16xi32>,
      %add3A_265 = arith.addi %gather3A_264, %get3A_251 : vector<16xi32>
      %swap3A_266 = arith.constant 3 : i32
      %swap3A_267 = arith.index_cast %swap3A_266 : i32 to index
      %swap3A_268 = arith.constant 16 : index
      %swap3A_269 = tpu.vector_load %arg7[%swap3A_267, %swap3A_268] {strides = array<i32>} : memref<26x128xi32, #tpu.memory_space<vmem>>, vector<16xi32>,
      tpu.vector_store %arg7[%swap3A_267, %swap3A_268], %add3A_265 {strides = array<i32>} : memref<26x128xi32, #tpu.memory_space<vmem>>, vector<16xi32>,
      %add3A_270 = arith.constant 32 : i32
      %add3A_271 = vector.broadcast %add3A_270 : i32 to vector<16xi32>
      %add3A_272 = arith.addi %iota3A, %add3A_271 : vector<16xi32>
      %gather3A_273 = tpu.vector_load_idx %arg6[%add3A_272, %broadcast_in_dim3A_247] : memref<128x26xi32, #tpu.memory_space<vmem>>[vector<16xi32>, vector<16xi32>], vector<16xi32>,
      %add3A_274 = arith.addi %gather3A_273, %get3A_251 : vector<16xi32>
      %swap3A_275 = arith.constant 3 : i32
      %swap3A_276 = arith.index_cast %swap3A_275 : i32 to index
      %swap3A_277 = arith.constant 32 : index
      %swap3A_278 = tpu.vector_load %arg7[%swap3A_276, %swap3A_277] {strides = array<i32>} : memref<26x128xi32, #tpu.memory_space<vmem>>, vector<16xi32>,
      tpu.vector_store %arg7[%swap3A_276, %swap3A_277], %add3A_274 {strides = array<i32>} : memref<26x128xi32, #tpu.memory_space<vmem>>, vector<16xi32>,
      %add3A_279 = arith.constant 48 : i32
      %add3A_280 = vector.broadcast %add3A_279 : i32 to vector<16xi32>
      %add3A_281 = arith.addi %iota3A, %add3A_280 : vector<16xi32>
      %gather3A_282 = tpu.vector_load_idx %arg6[%add3A_281, %broadcast_in_dim3A_247] : memref<128x26xi32, #tpu.memory_space<vmem>>[vector<16xi32>, vector<16xi32>], vector<16xi32>,
      %add3A_283 = arith.addi %gather3A_282, %get3A_251 : vector<16xi32>
      %swap3A_284 = arith.constant 3 : i32
      %swap3A_285 = arith.index_cast %swap3A_284 : i32 to index
      %swap3A_286 = arith.constant 48 : index
      %swap3A_287 = tpu.vector_load %arg7[%swap3A_285, %swap3A_286] {strides = array<i32>} : memref<26x128xi32, #tpu.memory_space<vmem>>, vector<16xi32>,
      tpu.vector_store %arg7[%swap3A_285, %swap3A_286], %add3A_283 {strides = array<i32>} : memref<26x128xi32, #tpu.memory_space<vmem>>, vector<16xi32>,
      %add3A_288 = arith.constant 64 : i32
      %add3A_289 = vector.broadcast %add3A_288 : i32 to vector<16xi32>
      %add3A_290 = arith.addi %iota3A, %add3A_289 : vector<16xi32>
      %gather3A_291 = tpu.vector_load_idx %arg6[%add3A_290, %broadcast_in_dim3A_247] : memref<128x26xi32, #tpu.memory_space<vmem>>[vector<16xi32>, vector<16xi32>], vector<16xi32>,
      %add3A_292 = arith.addi %gather3A_291, %get3A_251 : vector<16xi32>
      %swap3A_293 = arith.constant 3 : i32
      %swap3A_294 = arith.index_cast %swap3A_293 : i32 to index
      %swap3A_295 = arith.constant 64 : index
      %swap3A_296 = tpu.vector_load %arg7[%swap3A_294, %swap3A_295] {strides = array<i32>} : memref<26x128xi32, #tpu.memory_space<vmem>>, vector<16xi32>,
      tpu.vector_store %arg7[%swap3A_294, %swap3A_295], %add3A_292 {strides = array<i32>} : memref<26x128xi32, #tpu.memory_space<vmem>>, vector<16xi32>,
      %add3A_297 = arith.constant 80 : i32
      %add3A_298 = vector.broadcast %add3A_297 : i32 to vector<16xi32>
      %add3A_299 = arith.addi %iota3A, %add3A_298 : vector<16xi32>
      %gather3A_300 = tpu.vector_load_idx %arg6[%add3A_299, %broadcast_in_dim3A_247] : memref<128x26xi32, #tpu.memory_space<vmem>>[vector<16xi32>, vector<16xi32>], vector<16xi32>,
      %add3A_301 = arith.addi %gather3A_300, %get3A_251 : vector<16xi32>
      %swap3A_302 = arith.constant 3 : i32
      %swap3A_303 = arith.index_cast %swap3A_302 : i32 to index
      %swap3A_304 = arith.constant 80 : index
      %swap3A_305 = tpu.vector_load %arg7[%swap3A_303, %swap3A_304] {strides = array<i32>} : memref<26x128xi32, #tpu.memory_space<vmem>>, vector<16xi32>,
      tpu.vector_store %arg7[%swap3A_303, %swap3A_304], %add3A_301 {strides = array<i32>} : memref<26x128xi32, #tpu.memory_space<vmem>>, vector<16xi32>,
      %add3A_306 = arith.constant 96 : i32
      %add3A_307 = vector.broadcast %add3A_306 : i32 to vector<16xi32>
      %add3A_308 = arith.addi %iota3A, %add3A_307 : vector<16xi32>
      %gather3A_309 = tpu.vector_load_idx %arg6[%add3A_308, %broadcast_in_dim3A_247] : memref<128x26xi32, #tpu.memory_space<vmem>>[vector<16xi32>, vector<16xi32>], vector<16xi32>,
      %add3A_310 = arith.addi %gather3A_309, %get3A_251 : vector<16xi32>
      %swap3A_311 = arith.constant 3 : i32
      %swap3A_312 = arith.index_cast %swap3A_311 : i32 to index
      %swap3A_313 = arith.constant 96 : index
      %swap3A_314 = tpu.vector_load %arg7[%swap3A_312, %swap3A_313] {strides = array<i32>} : memref<26x128xi32, #tpu.memory_space<vmem>>, vector<16xi32>,
      tpu.vector_store %arg7[%swap3A_312, %swap3A_313], %add3A_310 {strides = array<i32>} : memref<26x128xi32, #tpu.memory_space<vmem>>, vector<16xi32>,
      %add3A_315 = arith.constant 112 : i32
      %add3A_316 = vector.broadcast %add3A_315 : i32 to vector<16xi32>
      %add3A_317 = arith.addi %iota3A, %add3A_316 : vector<16xi32>
      %gather3A_318 = tpu.vector_load_idx %arg6[%add3A_317, %broadcast_in_dim3A_247] : memref<128x26xi32, #tpu.memory_space<vmem>>[vector<16xi32>, vector<16xi32>], vector<16xi32>,
      %add3A_319 = arith.addi %gather3A_318, %get3A_251 : vector<16xi32>
      %swap3A_320 = arith.constant 3 : i32
      %swap3A_321 = arith.index_cast %swap3A_320 : i32 to index
      %swap3A_322 = arith.constant 112 : index
      %swap3A_323 = tpu.vector_load %arg7[%swap3A_321, %swap3A_322] {strides = array<i32>} : memref<26x128xi32, #tpu.memory_space<vmem>>, vector<16xi32>,
      tpu.vector_store %arg7[%swap3A_321, %swap3A_322], %add3A_319 {strides = array<i32>} : memref<26x128xi32, #tpu.memory_space<vmem>>, vector<16xi32>,
      %broadcast_in_dim3A_324 = arith.constant 4 : i32
      %broadcast_in_dim3A_325 = vector.broadcast %broadcast_in_dim3A_324 : i32 to vector<16xi32>
      %get3A_326 = arith.constant 4 : i32
      %get3A_327 = arith.index_cast %get3A_326 : i32 to index
      %get3A_328 = arith.constant 0 : index
      %get3A_329 = tpu.vector_load %arg10[%get3A_327, %get3A_328] {strides = array<i32>} : memref<26x16xi32, #tpu.memory_space<vmem>>, vector<16xi32>,
      %add3A_330 = arith.constant 0 : i32
      %add3A_331 = vector.broadcast %add3A_330 : i32 to vector<16xi32>
      %add3A_332 = arith.addi %iota3A, %add3A_331 : vector<16xi32>
      %gather3A_333 = tpu.vector_load_idx %arg6[%add3A_332, %broadcast_in_dim3A_325] : memref<128x26xi32, #tpu.memory_space<vmem>>[vector<16xi32>, vector<16xi32>], vector<16xi32>,
      %add3A_334 = arith.addi %gather3A_333, %get3A_329 : vector<16xi32>
      %swap3A_335 = arith.constant 4 : i32
      %swap3A_336 = arith.index_cast %swap3A_335 : i32 to index
      %swap3A_337 = arith.constant 0 : index
      %swap3A_338 = tpu.vector_load %arg7[%swap3A_336, %swap3A_337] {strides = array<i32>} : memref<26x128xi32, #tpu.memory_space<vmem>>, vector<16xi32>,
      tpu.vector_store %arg7[%swap3A_336, %swap3A_337], %add3A_334 {strides = array<i32>} : memref<26x128xi32, #tpu.memory_space<vmem>>, vector<16xi32>,
      %add3A_339 = arith.constant 16 : i32
      %add3A_340 = vector.broadcast %add3A_339 : i32 to vector<16xi32>
      %add3A_341 = arith.addi %iota3A, %add3A_340 : vector<16xi32>
      %gather3A_342 = tpu.vector_load_idx %arg6[%add3A_341, %broadcast_in_dim3A_325] : memref<128x26xi32, #tpu.memory_space<vmem>>[vector<16xi32>, vector<16xi32>], vector<16xi32>,
      %add3A_343 = arith.addi %gather3A_342, %get3A_329 : vector<16xi32>
      %swap3A_344 = arith.constant 4 : i32
      %swap3A_345 = arith.index_cast %swap3A_344 : i32 to index
      %swap3A_346 = arith.constant 16 : index
      %swap3A_347 = tpu.vector_load %arg7[%swap3A_345, %swap3A_346] {strides = array<i32>} : memref<26x128xi32, #tpu.memory_space<vmem>>, vector<16xi32>,
      tpu.vector_store %arg7[%swap3A_345, %swap3A_346], %add3A_343 {strides = array<i32>} : memref<26x128xi32, #tpu.memory_space<vmem>>, vector<16xi32>,
      %add3A_348 = arith.constant 32 : i32
      %add3A_349 = vector.broadcast %add3A_348 : i32 to vector<16xi32>
      %add3A_350 = arith.addi %iota3A, %add3A_349 : vector<16xi32>
      %gather3A_351 = tpu.vector_load_idx %arg6[%add3A_350, %broadcast_in_dim3A_325] : memref<128x26xi32, #tpu.memory_space<vmem>>[vector<16xi32>, vector<16xi32>], vector<16xi32>,
      %add3A_352 = arith.addi %gather3A_351, %get3A_329 : vector<16xi32>
      %swap3A_353 = arith.constant 4 : i32
      %swap3A_354 = arith.index_cast %swap3A_353 : i32 to index
      %swap3A_355 = arith.constant 32 : index
      %swap3A_356 = tpu.vector_load %arg7[%swap3A_354, %swap3A_355] {strides = array<i32>} : memref<26x128xi32, #tpu.memory_space<vmem>>, vector<16xi32>,
      tpu.vector_store %arg7[%swap3A_354, %swap3A_355], %add3A_352 {strides = array<i32>} : memref<26x128xi32, #tpu.memory_space<vmem>>, vector<16xi32>,
      %add3A_357 = arith.constant 48 : i32
      %add3A_358 = vector.broadcast %add3A_357 : i32 to vector<16xi32>
      %add3A_359 = arith.addi %iota3A, %add3A_358 : vector<16xi32>
      %gather3A_360 = tpu.vector_load_idx %arg6[%add3A_359, %broadcast_in_dim3A_325] : memref<128x26xi32, #tpu.memory_space<vmem>>[vector<16xi32>, vector<16xi32>], vector<16xi32>,
      %add3A_361 = arith.addi %gather3A_360, %get3A_329 : vector<16xi32>
      %swap3A_362 = arith.constant 4 : i32
      %swap3A_363 = arith.index_cast %swap3A_362 : i32 to index
      %swap3A_364 = arith.constant 48 : index
      %swap3A_365 = tpu.vector_load %arg7[%swap3A_363, %swap3A_364] {strides = array<i32>} : memref<26x128xi32, #tpu.memory_space<vmem>>, vector<16xi32>,
      tpu.vector_store %arg7[%swap3A_363, %swap3A_364], %add3A_361 {strides = array<i32>} : memref<26x128xi32, #tpu.memory_space<vmem>>, vector<16xi32>,
      %add3A_366 = arith.constant 64 : i32
      %add3A_367 = vector.broadcast %add3A_366 : i32 to vector<16xi32>
      %add3A_368 = arith.addi %iota3A, %add3A_367 : vector<16xi32>
      %gather3A_369 = tpu.vector_load_idx %arg6[%add3A_368, %broadcast_in_dim3A_325] : memref<128x26xi32, #tpu.memory_space<vmem>>[vector<16xi32>, vector<16xi32>], vector<16xi32>,
      %add3A_370 = arith.addi %gather3A_369, %get3A_329 : vector<16xi32>
      %swap3A_371 = arith.constant 4 : i32
      %swap3A_372 = arith.index_cast %swap3A_371 : i32 to index
      %swap3A_373 = arith.constant 64 : index
      %swap3A_374 = tpu.vector_load %arg7[%swap3A_372, %swap3A_373] {strides = array<i32>} : memref<26x128xi32, #tpu.memory_space<vmem>>, vector<16xi32>,
      tpu.vector_store %arg7[%swap3A_372, %swap3A_373], %add3A_370 {strides = array<i32>} : memref<26x128xi32, #tpu.memory_space<vmem>>, vector<16xi32>,
      %add3A_375 = arith.constant 80 : i32
      %add3A_376 = vector.broadcast %add3A_375 : i32 to vector<16xi32>
      %add3A_377 = arith.addi %iota3A, %add3A_376 : vector<16xi32>
      %gather3A_378 = tpu.vector_load_idx %arg6[%add3A_377, %broadcast_in_dim3A_325] : memref<128x26xi32, #tpu.memory_space<vmem>>[vector<16xi32>, vector<16xi32>], vector<16xi32>,
      %add3A_379 = arith.addi %gather3A_378, %get3A_329 : vector<16xi32>
      %swap3A_380 = arith.constant 4 : i32
      %swap3A_381 = arith.index_cast %swap3A_380 : i32 to index
      %swap3A_382 = arith.constant 80 : index
      %swap3A_383 = tpu.vector_load %arg7[%swap3A_381, %swap3A_382] {strides = array<i32>} : memref<26x128xi32, #tpu.memory_space<vmem>>, vector<16xi32>,
      tpu.vector_store %arg7[%swap3A_381, %swap3A_382], %add3A_379 {strides = array<i32>} : memref<26x128xi32, #tpu.memory_space<vmem>>, vector<16xi32>,
      %add3A_384 = arith.constant 96 : i32
      %add3A_385 = vector.broadcast %add3A_384 : i32 to vector<16xi32>
      %add3A_386 = arith.addi %iota3A, %add3A_385 : vector<16xi32>
      %gather3A_387 = tpu.vector_load_idx %arg6[%add3A_386, %broadcast_in_dim3A_325] : memref<128x26xi32, #tpu.memory_space<vmem>>[vector<16xi32>, vector<16xi32>], vector<16xi32>,
      %add3A_388 = arith.addi %gather3A_387, %get3A_329 : vector<16xi32>
      %swap3A_389 = arith.constant 4 : i32
      %swap3A_390 = arith.index_cast %swap3A_389 : i32 to index
      %swap3A_391 = arith.constant 96 : index
      %swap3A_392 = tpu.vector_load %arg7[%swap3A_390, %swap3A_391] {strides = array<i32>} : memref<26x128xi32, #tpu.memory_space<vmem>>, vector<16xi32>,
      tpu.vector_store %arg7[%swap3A_390, %swap3A_391], %add3A_388 {strides = array<i32>} : memref<26x128xi32, #tpu.memory_space<vmem>>, vector<16xi32>,
      %add3A_393 = arith.constant 112 : i32
      %add3A_394 = vector.broadcast %add3A_393 : i32 to vector<16xi32>
      %add3A_395 = arith.addi %iota3A, %add3A_394 : vector<16xi32>
      %gather3A_396 = tpu.vector_load_idx %arg6[%add3A_395, %broadcast_in_dim3A_325] : memref<128x26xi32, #tpu.memory_space<vmem>>[vector<16xi32>, vector<16xi32>], vector<16xi32>,
      %add3A_397 = arith.addi %gather3A_396, %get3A_329 : vector<16xi32>
      %swap3A_398 = arith.constant 4 : i32
      %swap3A_399 = arith.index_cast %swap3A_398 : i32 to index
      %swap3A_400 = arith.constant 112 : index
      %swap3A_401 = tpu.vector_load %arg7[%swap3A_399, %swap3A_400] {strides = array<i32>} : memref<26x128xi32, #tpu.memory_space<vmem>>, vector<16xi32>,
      tpu.vector_store %arg7[%swap3A_399, %swap3A_400], %add3A_397 {strides = array<i32>} : memref<26x128xi32, #tpu.memory_space<vmem>>, vector<16xi32>,
      %broadcast_in_dim3A_402 = arith.constant 5 : i32
      %broadcast_in_dim3A_403 = vector.broadcast %broadcast_in_dim3A_402 : i32 to vector<16xi32>
      %get3A_404 = arith.constant 5 : i32
      %get3A_405 = arith.index_cast %get3A_404 : i32 to index
      %get3A_406 = arith.constant 0 : index
      %get3A_407 = tpu.vector_load %arg10[%get3A_405, %get3A_406] {strides = array<i32>} : memref<26x16xi32, #tpu.memory_space<vmem>>, vector<16xi32>,
      %add3A_408 = arith.constant 0 : i32
      %add3A_409 = vector.broadcast %add3A_408 : i32 to vector<16xi32>
      %add3A_410 = arith.addi %iota3A, %add3A_409 : vector<16xi32>
      %gather3A_411 = tpu.vector_load_idx %arg6[%add3A_410, %broadcast_in_dim3A_403] : memref<128x26xi32, #tpu.memory_space<vmem>>[vector<16xi32>, vector<16xi32>], vector<16xi32>,
      %add3A_412 = arith.addi %gather3A_411, %get3A_407 : vector<16xi32>
      %swap3A_413 = arith.constant 5 : i32
      %swap3A_414 = arith.index_cast %swap3A_413 : i32 to index
      %swap3A_415 = arith.constant 0 : index
      %swap3A_416 = tpu.vector_load %arg7[%swap3A_414, %swap3A_415] {strides = array<i32>} : memref<26x128xi32, #tpu.memory_space<vmem>>, vector<16xi32>,
      tpu.vector_store %arg7[%swap3A_414, %swap3A_415], %add3A_412 {strides = array<i32>} : memref<26x128xi32, #tpu.memory_space<vmem>>, vector<16xi32>,
      %add3A_417 = arith.constant 16 : i32
      %add3A_418 = vector.broadcast %add3A_417 : i32 to vector<16xi32>
      %add3A_419 = arith.addi %iota3A, %add3A_418 : vector<16xi32>
      %gather3A_420 = tpu.vector_load_idx %arg6[%add3A_419, %broadcast_in_dim3A_403] : memref<128x26xi32, #tpu.memory_space<vmem>>[vector<16xi32>, vector<16xi32>], vector<16xi32>,
      %add3A_421 = arith.addi %gather3A_420, %get3A_407 : vector<16xi32>
      %swap3A_422 = arith.constant 5 : i32
      %swap3A_423 = arith.index_cast %swap3A_422 : i32 to index
      %swap3A_424 = arith.constant 16 : index
      %swap3A_425 = tpu.vector_load %arg7[%swap3A_423, %swap3A_424] {strides = array<i32>} : memref<26x128xi32, #tpu.memory_space<vmem>>, vector<16xi32>,
      tpu.vector_store %arg7[%swap3A_423, %swap3A_424], %add3A_421 {strides = array<i32>} : memref<26x128xi32, #tpu.memory_space<vmem>>, vector<16xi32>,
      %add3A_426 = arith.constant 32 : i32
      %add3A_427 = vector.broadcast %add3A_426 : i32 to vector<16xi32>
      %add3A_428 = arith.addi %iota3A, %add3A_427 : vector<16xi32>
      %gather3A_429 = tpu.vector_load_idx %arg6[%add3A_428, %broadcast_in_dim3A_403] : memref<128x26xi32, #tpu.memory_space<vmem>>[vector<16xi32>, vector<16xi32>], vector<16xi32>,
      %add3A_430 = arith.addi %gather3A_429, %get3A_407 : vector<16xi32>
      %swap3A_431 = arith.constant 5 : i32
      %swap3A_432 = arith.index_cast %swap3A_431 : i32 to index
      %swap3A_433 = arith.constant 32 : index
      %swap3A_434 = tpu.vector_load %arg7[%swap3A_432, %swap3A_433] {strides = array<i32>} : memref<26x128xi32, #tpu.memory_space<vmem>>, vector<16xi32>,
      tpu.vector_store %arg7[%swap3A_432, %swap3A_433], %add3A_430 {strides = array<i32>} : memref<26x128xi32, #tpu.memory_space<vmem>>, vector<16xi32>,
      %add3A_435 = arith.constant 48 : i32
      %add3A_436 = vector.broadcast %add3A_435 : i32 to vector<16xi32>
      %add3A_437 = arith.addi %iota3A, %add3A_436 : vector<16xi32>
      %gather3A_438 = tpu.vector_load_idx %arg6[%add3A_437, %broadcast_in_dim3A_403] : memref<128x26xi32, #tpu.memory_space<vmem>>[vector<16xi32>, vector<16xi32>], vector<16xi32>,
      %add3A_439 = arith.addi %gather3A_438, %get3A_407 : vector<16xi32>
      %swap3A_440 = arith.constant 5 : i32
      %swap3A_441 = arith.index_cast %swap3A_440 : i32 to index
      %swap3A_442 = arith.constant 48 : index
      %swap3A_443 = tpu.vector_load %arg7[%swap3A_441, %swap3A_442] {strides = array<i32>} : memref<26x128xi32, #tpu.memory_space<vmem>>, vector<16xi32>,
      tpu.vector_store %arg7[%swap3A_441, %swap3A_442], %add3A_439 {strides = array<i32>} : memref<26x128xi32, #tpu.memory_space<vmem>>, vector<16xi32>,
      %add3A_444 = arith.constant 64 : i32
      %add3A_445 = vector.broadcast %add3A_444 : i32 to vector<16xi32>
      %add3A_446 = arith.addi %iota3A, %add3A_445 : vector<16xi32>
      %gather3A_447 = tpu.vector_load_idx %arg6[%add3A_446, %broadcast_in_dim3A_403] : memref<128x26xi32, #tpu.memory_space<vmem>>[vector<16xi32>, vector<16xi32>], vector<16xi32>,
      %add3A_448 = arith.addi %gather3A_447, %get3A_407 : vector<16xi32>
      %swap3A_449 = arith.constant 5 : i32
      %swap3A_450 = arith.index_cast %swap3A_449 : i32 to index
      %swap3A_451 = arith.constant 64 : index
      %swap3A_452 = tpu.vector_load %arg7[%swap3A_450, %swap3A_451] {strides = array<i32>} : memref<26x128xi32, #tpu.memory_space<vmem>>, vector<16xi32>,
      tpu.vector_store %arg7[%swap3A_450, %swap3A_451], %add3A_448 {strides = array<i32>} : memref<26x128xi32, #tpu.memory_space<vmem>>, vector<16xi32>,
      %add3A_453 = arith.constant 80 : i32
      %add3A_454 = vector.broadcast %add3A_453 : i32 to vector<16xi32>
      %add3A_455 = arith.addi %iota3A, %add3A_454 : vector<16xi32>
      %gather3A_456 = tpu.vector_load_idx %arg6[%add3A_455, %broadcast_in_dim3A_403] : memref<128x26xi32, #tpu.memory_space<vmem>>[vector<16xi32>, vector<16xi32>], vector<16xi32>,
      %add3A_457 = arith.addi %gather3A_456, %get3A_407 : vector<16xi32>
      %swap3A_458 = arith.constant 5 : i32
      %swap3A_459 = arith.index_cast %swap3A_458 : i32 to index
      %swap3A_460 = arith.constant 80 : index
      %swap3A_461 = tpu.vector_load %arg7[%swap3A_459, %swap3A_460] {strides = array<i32>} : memref<26x128xi32, #tpu.memory_space<vmem>>, vector<16xi32>,
      tpu.vector_store %arg7[%swap3A_459, %swap3A_460], %add3A_457 {strides = array<i32>} : memref<26x128xi32, #tpu.memory_space<vmem>>, vector<16xi32>,
      %add3A_462 = arith.constant 96 : i32
      %add3A_463 = vector.broadcast %add3A_462 : i32 to vector<16xi32>
      %add3A_464 = arith.addi %iota3A, %add3A_463 : vector<16xi32>
      %gather3A_465 = tpu.vector_load_idx %arg6[%add3A_464, %broadcast_in_dim3A_403] : memref<128x26xi32, #tpu.memory_space<vmem>>[vector<16xi32>, vector<16xi32>], vector<16xi32>,
      %add3A_466 = arith.addi %gather3A_465, %get3A_407 : vector<16xi32>
      %swap3A_467 = arith.constant 5 : i32
      %swap3A_468 = arith.index_cast %swap3A_467 : i32 to index
      %swap3A_469 = arith.constant 96 : index
      %swap3A_470 = tpu.vector_load %arg7[%swap3A_468, %swap3A_469] {strides = array<i32>} : memref<26x128xi32, #tpu.memory_space<vmem>>, vector<16xi32>,
      tpu.vector_store %arg7[%swap3A_468, %swap3A_469], %add3A_466 {strides = array<i32>} : memref<26x128xi32, #tpu.memory_space<vmem>>, vector<16xi32>,
      %add3A_471 = arith.constant 112 : i32
      %add3A_472 = vector.broadcast %add3A_471 : i32 to vector<16xi32>
      %add3A_473 = arith.addi %iota3A, %add3A_472 : vector<16xi32>
      %gather3A_474 = tpu.vector_load_idx %arg6[%add3A_473, %broadcast_in_dim3A_403] : memref<128x26xi32, #tpu.memory_space<vmem>>[vector<16xi32>, vector<16xi32>], vector<16xi32>,
      %add3A_475 = arith.addi %gather3A_474, %get3A_407 : vector<16xi32>
      %swap3A_476 = arith.constant 5 : i32
      %swap3A_477 = arith.index_cast %swap3A_476 : i32 to index
      %swap3A_478 = arith.constant 112 : index
      %swap3A_479 = tpu.vector_load %arg7[%swap3A_477, %swap3A_478] {strides = array<i32>} : memref<26x128xi32, #tpu.memory_space<vmem>>, vector<16xi32>,
      tpu.vector_store %arg7[%swap3A_477, %swap3A_478], %add3A_475 {strides = array<i32>} : memref<26x128xi32, #tpu.memory_space<vmem>>, vector<16xi32>,
      %broadcast_in_dim3A_480 = arith.constant 6 : i32
      %broadcast_in_dim3A_481 = vector.broadcast %broadcast_in_dim3A_480 : i32 to vector<16xi32>
      %get3A_482 = arith.constant 6 : i32
      %get3A_483 = arith.index_cast %get3A_482 : i32 to index
      %get3A_484 = arith.constant 0 : index
      %get3A_485 = tpu.vector_load %arg10[%get3A_483, %get3A_484] {strides = array<i32>} : memref<26x16xi32, #tpu.memory_space<vmem>>, vector<16xi32>,
      %add3A_486 = arith.constant 0 : i32
      %add3A_487 = vector.broadcast %add3A_486 : i32 to vector<16xi32>
      %add3A_488 = arith.addi %iota3A, %add3A_487 : vector<16xi32>
      %gather3A_489 = tpu.vector_load_idx %arg6[%add3A_488, %broadcast_in_dim3A_481] : memref<128x26xi32, #tpu.memory_space<vmem>>[vector<16xi32>, vector<16xi32>], vector<16xi32>,
      %add3A_490 = arith.addi %gather3A_489, %get3A_485 : vector<16xi32>
      %swap3A_491 = arith.constant 6 : i32
      %swap3A_492 = arith.index_cast %swap3A_491 : i32 to index
      %swap3A_493 = arith.constant 0 : index
      %swap3A_494 = tpu.vector_load %arg7[%swap3A_492, %swap3A_493] {strides = array<i32>} : memref<26x128xi32, #tpu.memory_space<vmem>>, vector<16xi32>,
      tpu.vector_store %arg7[%swap3A_492, %swap3A_493], %add3A_490 {strides = array<i32>} : memref<26x128xi32, #tpu.memory_space<vmem>>, vector<16xi32>,
      %add3A_495 = arith.constant 16 : i32
      %add3A_496 = vector.broadcast %add3A_495 : i32 to vector<16xi32>
      %add3A_497 = arith.addi %iota3A, %add3A_496 : vector<16xi32>
      %gather3A_498 = tpu.vector_load_idx %arg6[%add3A_497, %broadcast_in_dim3A_481] : memref<128x26xi32, #tpu.memory_space<vmem>>[vector<16xi32>, vector<16xi32>], vector<16xi32>,
      %add3A_499 = arith.addi %gather3A_498, %get3A_485 : vector<16xi32>
      %swap3A_500 = arith.constant 6 : i32
      %swap3A_501 = arith.index_cast %swap3A_500 : i32 to index
      %swap3A_502 = arith.constant 16 : index
      %swap3A_503 = tpu.vector_load %arg7[%swap3A_501, %swap3A_502] {strides = array<i32>} : memref<26x128xi32, #tpu.memory_space<vmem>>, vector<16xi32>,
      tpu.vector_store %arg7[%swap3A_501, %swap3A_502], %add3A_499 {strides = array<i32>} : memref<26x128xi32, #tpu.memory_space<vmem>>, vector<16xi32>,
      %add3A_504 = arith.constant 32 : i32
      %add3A_505 = vector.broadcast %add3A_504 : i32 to vector<16xi32>
      %add3A_506 = arith.addi %iota3A, %add3A_505 : vector<16xi32>
      %gather3A_507 = tpu.vector_load_idx %arg6[%add3A_506, %broadcast_in_dim3A_481] : memref<128x26xi32, #tpu.memory_space<vmem>>[vector<16xi32>, vector<16xi32>], vector<16xi32>,
      %add3A_508 = arith.addi %gather3A_507, %get3A_485 : vector<16xi32>
      %swap3A_509 = arith.constant 6 : i32
      %swap3A_510 = arith.index_cast %swap3A_509 : i32 to index
      %swap3A_511 = arith.constant 32 : index
      %swap3A_512 = tpu.vector_load %arg7[%swap3A_510, %swap3A_511] {strides = array<i32>} : memref<26x128xi32, #tpu.memory_space<vmem>>, vector<16xi32>,
      tpu.vector_store %arg7[%swap3A_510, %swap3A_511], %add3A_508 {strides = array<i32>} : memref<26x128xi32, #tpu.memory_space<vmem>>, vector<16xi32>,
      %add3A_513 = arith.constant 48 : i32
      %add3A_514 = vector.broadcast %add3A_513 : i32 to vector<16xi32>
      %add3A_515 = arith.addi %iota3A, %add3A_514 : vector<16xi32>
      %gather3A_516 = tpu.vector_load_idx %arg6[%add3A_515, %broadcast_in_dim3A_481] : memref<128x26xi32, #tpu.memory_space<vmem>>[vector<16xi32>, vector<16xi32>], vector<16xi32>,
      %add3A_517 = arith.addi %gather3A_516, %get3A_485 : vector<16xi32>
      %swap3A_518 = arith.constant 6 : i32
      %swap3A_519 = arith.index_cast %swap3A_518 : i32 to index
      %swap3A_520 = arith.constant 48 : index
      %swap3A_521 = tpu.vector_load %arg7[%swap3A_519, %swap3A_520] {strides = array<i32>} : memref<26x128xi32, #tpu.memory_space<vmem>>, vector<16xi32>,
      tpu.vector_store %arg7[%swap3A_519, %swap3A_520], %add3A_517 {strides = array<i32>} : memref<26x128xi32, #tpu.memory_space<vmem>>, vector<16xi32>,
      %add3A_522 = arith.constant 64 : i32
      %add3A_523 = vector.broadcast %add3A_522 : i32 to vector<16xi32>
      %add3A_524 = arith.addi %iota3A, %add3A_523 : vector<16xi32>
      %gather3A_525 = tpu.vector_load_idx %arg6[%add3A_524, %broadcast_in_dim3A_481] : memref<128x26xi32, #tpu.memory_space<vmem>>[vector<16xi32>, vector<16xi32>], vector<16xi32>,
      %add3A_526 = arith.addi %gather3A_525, %get3A_485 : vector<16xi32>
      %swap3A_527 = arith.constant 6 : i32
      %swap3A_528 = arith.index_cast %swap3A_527 : i32 to index
      %swap3A_529 = arith.constant 64 : index
      %swap3A_530 = tpu.vector_load %arg7[%swap3A_528, %swap3A_529] {strides = array<i32>} : memref<26x128xi32, #tpu.memory_space<vmem>>, vector<16xi32>,
      tpu.vector_store %arg7[%swap3A_528, %swap3A_529], %add3A_526 {strides = array<i32>} : memref<26x128xi32, #tpu.memory_space<vmem>>, vector<16xi32>,
      %add3A_531 = arith.constant 80 : i32
      %add3A_532 = vector.broadcast %add3A_531 : i32 to vector<16xi32>
      %add3A_533 = arith.addi %iota3A, %add3A_532 : vector<16xi32>
      %gather3A_534 = tpu.vector_load_idx %arg6[%add3A_533, %broadcast_in_dim3A_481] : memref<128x26xi32, #tpu.memory_space<vmem>>[vector<16xi32>, vector<16xi32>], vector<16xi32>,
      %add3A_535 = arith.addi %gather3A_534, %get3A_485 : vector<16xi32>
      %swap3A_536 = arith.constant 6 : i32
      %swap3A_537 = arith.index_cast %swap3A_536 : i32 to index
      %swap3A_538 = arith.constant 80 : index
      %swap3A_539 = tpu.vector_load %arg7[%swap3A_537, %swap3A_538] {strides = array<i32>} : memref<26x128xi32, #tpu.memory_space<vmem>>, vector<16xi32>,
      tpu.vector_store %arg7[%swap3A_537, %swap3A_538], %add3A_535 {strides = array<i32>} : memref<26x128xi32, #tpu.memory_space<vmem>>, vector<16xi32>,
      %add3A_540 = arith.constant 96 : i32
      %add3A_541 = vector.broadcast %add3A_540 : i32 to vector<16xi32>
      %add3A_542 = arith.addi %iota3A, %add3A_541 : vector<16xi32>
      %gather3A_543 = tpu.vector_load_idx %arg6[%add3A_542, %broadcast_in_dim3A_481] : memref<128x26xi32, #tpu.memory_space<vmem>>[vector<16xi32>, vector<16xi32>], vector<16xi32>,
      %add3A_544 = arith.addi %gather3A_543, %get3A_485 : vector<16xi32>
      %swap3A_545 = arith.constant 6 : i32
      %swap3A_546 = arith.index_cast %swap3A_545 : i32 to index
      %swap3A_547 = arith.constant 96 : index
      %swap3A_548 = tpu.vector_load %arg7[%swap3A_546, %swap3A_547] {strides = array<i32>} : memref<26x128xi32, #tpu.memory_space<vmem>>, vector<16xi32>,
      tpu.vector_store %arg7[%swap3A_546, %swap3A_547], %add3A_544 {strides = array<i32>} : memref<26x128xi32, #tpu.memory_space<vmem>>, vector<16xi32>,
      %add3A_549 = arith.constant 112 : i32
      %add3A_550 = vector.broadcast %add3A_549 : i32 to vector<16xi32>
      %add3A_551 = arith.addi %iota3A, %add3A_550 : vector<16xi32>
      %gather3A_552 = tpu.vector_load_idx %arg6[%add3A_551, %broadcast_in_dim3A_481] : memref<128x26xi32, #tpu.memory_space<vmem>>[vector<16xi32>, vector<16xi32>], vector<16xi32>,
      %add3A_553 = arith.addi %gather3A_552, %get3A_485 : vector<16xi32>
      %swap3A_554 = arith.constant 6 : i32
      %swap3A_555 = arith.index_cast %swap3A_554 : i32 to index
      %swap3A_556 = arith.constant 112 : index
      %swap3A_557 = tpu.vector_load %arg7[%swap3A_555, %swap3A_556] {strides = array<i32>} : memref<26x128xi32, #tpu.memory_space<vmem>>, vector<16xi32>,
      tpu.vector_store %arg7[%swap3A_555, %swap3A_556], %add3A_553 {strides = array<i32>} : memref<26x128xi32, #tpu.memory_space<vmem>>, vector<16xi32>,
      %broadcast_in_dim3A_558 = arith.constant 7 : i32
      %broadcast_in_dim3A_559 = vector.broadcast %broadcast_in_dim3A_558 : i32 to vector<16xi32>
      %get3A_560 = arith.constant 7 : i32
      %get3A_561 = arith.index_cast %get3A_560 : i32 to index
      %get3A_562 = arith.constant 0 : index
      %get3A_563 = tpu.vector_load %arg10[%get3A_561, %get3A_562] {strides = array<i32>} : memref<26x16xi32, #tpu.memory_space<vmem>>, vector<16xi32>,
      %add3A_564 = arith.constant 0 : i32
      %add3A_565 = vector.broadcast %add3A_564 : i32 to vector<16xi32>
      %add3A_566 = arith.addi %iota3A, %add3A_565 : vector<16xi32>
      %gather3A_567 = tpu.vector_load_idx %arg6[%add3A_566, %broadcast_in_dim3A_559] : memref<128x26xi32, #tpu.memory_space<vmem>>[vector<16xi32>, vector<16xi32>], vector<16xi32>,
      %add3A_568 = arith.addi %gather3A_567, %get3A_563 : vector<16xi32>
      %swap3A_569 = arith.constant 7 : i32
      %swap3A_570 = arith.index_cast %swap3A_569 : i32 to index
      %swap3A_571 = arith.constant 0 : index
      %swap3A_572 = tpu.vector_load %arg7[%swap3A_570, %swap3A_571] {strides = array<i32>} : memref<26x128xi32, #tpu.memory_space<vmem>>, vector<16xi32>,
      tpu.vector_store %arg7[%swap3A_570, %swap3A_571], %add3A_568 {strides = array<i32>} : memref<26x128xi32, #tpu.memory_space<vmem>>, vector<16xi32>,
      %add3A_573 = arith.constant 16 : i32
      %add3A_574 = vector.broadcast %add3A_573 : i32 to vector<16xi32>
      %add3A_575 = arith.addi %iota3A, %add3A_574 : vector<16xi32>
      %gather3A_576 = tpu.vector_load_idx %arg6[%add3A_575, %broadcast_in_dim3A_559] : memref<128x26xi32, #tpu.memory_space<vmem>>[vector<16xi32>, vector<16xi32>], vector<16xi32>,
      %add3A_577 = arith.addi %gather3A_576, %get3A_563 : vector<16xi32>
      %swap3A_578 = arith.constant 7 : i32
      %swap3A_579 = arith.index_cast %swap3A_578 : i32 to index
      %swap3A_580 = arith.constant 16 : index
      %swap3A_581 = tpu.vector_load %arg7[%swap3A_579, %swap3A_580] {strides = array<i32>} : memref<26x128xi32, #tpu.memory_space<vmem>>, vector<16xi32>,
      tpu.vector_store %arg7[%swap3A_579, %swap3A_580], %add3A_577 {strides = array<i32>} : memref<26x128xi32, #tpu.memory_space<vmem>>, vector<16xi32>,
      %add3A_582 = arith.constant 32 : i32
      %add3A_583 = vector.broadcast %add3A_582 : i32 to vector<16xi32>
      %add3A_584 = arith.addi %iota3A, %add3A_583 : vector<16xi32>
      %gather3A_585 = tpu.vector_load_idx %arg6[%add3A_584, %broadcast_in_dim3A_559] : memref<128x26xi32, #tpu.memory_space<vmem>>[vector<16xi32>, vector<16xi32>], vector<16xi32>,
      %add3A_586 = arith.addi %gather3A_585, %get3A_563 : vector<16xi32>
      %swap3A_587 = arith.constant 7 : i32
      %swap3A_588 = arith.index_cast %swap3A_587 : i32 to index
      %swap3A_589 = arith.constant 32 : index
      %swap3A_590 = tpu.vector_load %arg7[%swap3A_588, %swap3A_589] {strides = array<i32>} : memref<26x128xi32, #tpu.memory_space<vmem>>, vector<16xi32>,
      tpu.vector_store %arg7[%swap3A_588, %swap3A_589], %add3A_586 {strides = array<i32>} : memref<26x128xi32, #tpu.memory_space<vmem>>, vector<16xi32>,
      %add3A_591 = arith.constant 48 : i32
      %add3A_592 = vector.broadcast %add3A_591 : i32 to vector<16xi32>
      %add3A_593 = arith.addi %iota3A, %add3A_592 : vector<16xi32>
      %gather3A_594 = tpu.vector_load_idx %arg6[%add3A_593, %broadcast_in_dim3A_559] : memref<128x26xi32, #tpu.memory_space<vmem>>[vector<16xi32>, vector<16xi32>], vector<16xi32>,
      %add3A_595 = arith.addi %gather3A_594, %get3A_563 : vector<16xi32>
      %swap3A_596 = arith.constant 7 : i32
      %swap3A_597 = arith.index_cast %swap3A_596 : i32 to index
      %swap3A_598 = arith.constant 48 : index
      %swap3A_599 = tpu.vector_load %arg7[%swap3A_597, %swap3A_598] {strides = array<i32>} : memref<26x128xi32, #tpu.memory_space<vmem>>, vector<16xi32>,
      tpu.vector_store %arg7[%swap3A_597, %swap3A_598], %add3A_595 {strides = array<i32>} : memref<26x128xi32, #tpu.memory_space<vmem>>, vector<16xi32>,
      %add3A_600 = arith.constant 64 : i32
      %add3A_601 = vector.broadcast %add3A_600 : i32 to vector<16xi32>
      %add3A_602 = arith.addi %iota3A, %add3A_601 : vector<16xi32>
      %gather3A_603 = tpu.vector_load_idx %arg6[%add3A_602, %broadcast_in_dim3A_559] : memref<128x26xi32, #tpu.memory_space<vmem>>[vector<16xi32>, vector<16xi32>], vector<16xi32>,
      %add3A_604 = arith.addi %gather3A_603, %get3A_563 : vector<16xi32>
      %swap3A_605 = arith.constant 7 : i32
      %swap3A_606 = arith.index_cast %swap3A_605 : i32 to index
      %swap3A_607 = arith.constant 64 : index
      %swap3A_608 = tpu.vector_load %arg7[%swap3A_606, %swap3A_607] {strides = array<i32>} : memref<26x128xi32, #tpu.memory_space<vmem>>, vector<16xi32>,
      tpu.vector_store %arg7[%swap3A_606, %swap3A_607], %add3A_604 {strides = array<i32>} : memref<26x128xi32, #tpu.memory_space<vmem>>, vector<16xi32>,
      %add3A_609 = arith.constant 80 : i32
      %add3A_610 = vector.broadcast %add3A_609 : i32 to vector<16xi32>
      %add3A_611 = arith.addi %iota3A, %add3A_610 : vector<16xi32>
      %gather3A_612 = tpu.vector_load_idx %arg6[%add3A_611, %broadcast_in_dim3A_559] : memref<128x26xi32, #tpu.memory_space<vmem>>[vector<16xi32>, vector<16xi32>], vector<16xi32>,
      %add3A_613 = arith.addi %gather3A_612, %get3A_563 : vector<16xi32>
      %swap3A_614 = arith.constant 7 : i32
      %swap3A_615 = arith.index_cast %swap3A_614 : i32 to index
      %swap3A_616 = arith.constant 80 : index
      %swap3A_617 = tpu.vector_load %arg7[%swap3A_615, %swap3A_616] {strides = array<i32>} : memref<26x128xi32, #tpu.memory_space<vmem>>, vector<16xi32>,
      tpu.vector_store %arg7[%swap3A_615, %swap3A_616], %add3A_613 {strides = array<i32>} : memref<26x128xi32, #tpu.memory_space<vmem>>, vector<16xi32>,
      %add3A_618 = arith.constant 96 : i32
      %add3A_619 = vector.broadcast %add3A_618 : i32 to vector<16xi32>
      %add3A_620 = arith.addi %iota3A, %add3A_619 : vector<16xi32>
      %gather3A_621 = tpu.vector_load_idx %arg6[%add3A_620, %broadcast_in_dim3A_559] : memref<128x26xi32, #tpu.memory_space<vmem>>[vector<16xi32>, vector<16xi32>], vector<16xi32>,
      %add3A_622 = arith.addi %gather3A_621, %get3A_563 : vector<16xi32>
      %swap3A_623 = arith.constant 7 : i32
      %swap3A_624 = arith.index_cast %swap3A_623 : i32 to index
      %swap3A_625 = arith.constant 96 : index
      %swap3A_626 = tpu.vector_load %arg7[%swap3A_624, %swap3A_625] {strides = array<i32>} : memref<26x128xi32, #tpu.memory_space<vmem>>, vector<16xi32>,
      tpu.vector_store %arg7[%swap3A_624, %swap3A_625], %add3A_622 {strides = array<i32>} : memref<26x128xi32, #tpu.memory_space<vmem>>, vector<16xi32>,
      %add3A_627 = arith.constant 112 : i32
      %add3A_628 = vector.broadcast %add3A_627 : i32 to vector<16xi32>
      %add3A_629 = arith.addi %iota3A, %add3A_628 : vector<16xi32>
      %gather3A_630 = tpu.vector_load_idx %arg6[%add3A_629, %broadcast_in_dim3A_559] : memref<128x26xi32, #tpu.memory_space<vmem>>[vector<16xi32>, vector<16xi32>], vector<16xi32>,
      %add3A_631 = arith.addi %gather3A_630, %get3A_563 : vector<16xi32>
      %swap3A_632 = arith.constant 7 : i32
      %swap3A_633 = arith.index_cast %swap3A_632 : i32 to index
      %swap3A_634 = arith.constant 112 : index
      %swap3A_635 = tpu.vector_load %arg7[%swap3A_633, %swap3A_634] {strides = array<i32>} : memref<26x128xi32, #tpu.memory_space<vmem>>, vector<16xi32>,
      tpu.vector_store %arg7[%swap3A_633, %swap3A_634], %add3A_631 {strides = array<i32>} : memref<26x128xi32, #tpu.memory_space<vmem>>, vector<16xi32>,
      %broadcast_in_dim3A_636 = arith.constant 8 : i32
      %broadcast_in_dim3A_637 = vector.broadcast %broadcast_in_dim3A_636 : i32 to vector<16xi32>
      %get3A_638 = arith.constant 8 : i32
      %get3A_639 = arith.index_cast %get3A_638 : i32 to index
      %get3A_640 = arith.constant 0 : index
      %get3A_641 = tpu.vector_load %arg10[%get3A_639, %get3A_640] {strides = array<i32>} : memref<26x16xi32, #tpu.memory_space<vmem>>, vector<16xi32>,
      %add3A_642 = arith.constant 0 : i32
      %add3A_643 = vector.broadcast %add3A_642 : i32 to vector<16xi32>
      %add3A_644 = arith.addi %iota3A, %add3A_643 : vector<16xi32>
      %gather3A_645 = tpu.vector_load_idx %arg6[%add3A_644, %broadcast_in_dim3A_637] : memref<128x26xi32, #tpu.memory_space<vmem>>[vector<16xi32>, vector<16xi32>], vector<16xi32>,
      %add3A_646 = arith.addi %gather3A_645, %get3A_641 : vector<16xi32>
      %swap3A_647 = arith.constant 8 : i32
      %swap3A_648 = arith.index_cast %swap3A_647 : i32 to index
      %swap3A_649 = arith.constant 0 : index
      %swap3A_650 = tpu.vector_load %arg7[%swap3A_648, %swap3A_649] {strides = array<i32>} : memref<26x128xi32, #tpu.memory_space<vmem>>, vector<16xi32>,
      tpu.vector_store %arg7[%swap3A_648, %swap3A_649], %add3A_646 {strides = array<i32>} : memref<26x128xi32, #tpu.memory_space<vmem>>, vector<16xi32>,
      %add3A_651 = arith.constant 16 : i32
      %add3A_652 = vector.broadcast %add3A_651 : i32 to vector<16xi32>
      %add3A_653 = arith.addi %iota3A, %add3A_652 : vector<16xi32>
      %gather3A_654 = tpu.vector_load_idx %arg6[%add3A_653, %broadcast_in_dim3A_637] : memref<128x26xi32, #tpu.memory_space<vmem>>[vector<16xi32>, vector<16xi32>], vector<16xi32>,
      %add3A_655 = arith.addi %gather3A_654, %get3A_641 : vector<16xi32>
      %swap3A_656 = arith.constant 8 : i32
      %swap3A_657 = arith.index_cast %swap3A_656 : i32 to index
      %swap3A_658 = arith.constant 16 : index
      %swap3A_659 = tpu.vector_load %arg7[%swap3A_657, %swap3A_658] {strides = array<i32>} : memref<26x128xi32, #tpu.memory_space<vmem>>, vector<16xi32>,
      tpu.vector_store %arg7[%swap3A_657, %swap3A_658], %add3A_655 {strides = array<i32>} : memref<26x128xi32, #tpu.memory_space<vmem>>, vector<16xi32>,
      %add3A_660 = arith.constant 32 : i32
      %add3A_661 = vector.broadcast %add3A_660 : i32 to vector<16xi32>
      %add3A_662 = arith.addi %iota3A, %add3A_661 : vector<16xi32>
      %gather3A_663 = tpu.vector_load_idx %arg6[%add3A_662, %broadcast_in_dim3A_637] : memref<128x26xi32, #tpu.memory_space<vmem>>[vector<16xi32>, vector<16xi32>], vector<16xi32>,
      %add3A_664 = arith.addi %gather3A_663, %get3A_641 : vector<16xi32>
      %swap3A_665 = arith.constant 8 : i32
      %swap3A_666 = arith.index_cast %swap3A_665 : i32 to index
      %swap3A_667 = arith.constant 32 : index
      %swap3A_668 = tpu.vector_load %arg7[%swap3A_666, %swap3A_667] {strides = array<i32>} : memref<26x128xi32, #tpu.memory_space<vmem>>, vector<16xi32>,
      tpu.vector_store %arg7[%swap3A_666, %swap3A_667], %add3A_664 {strides = array<i32>} : memref<26x128xi32, #tpu.memory_space<vmem>>, vector<16xi32>,
      %add3A_669 = arith.constant 48 : i32
      %add3A_670 = vector.broadcast %add3A_669 : i32 to vector<16xi32>
      %add3A_671 = arith.addi %iota3A, %add3A_670 : vector<16xi32>
      %gather3A_672 = tpu.vector_load_idx %arg6[%add3A_671, %broadcast_in_dim3A_637] : memref<128x26xi32, #tpu.memory_space<vmem>>[vector<16xi32>, vector<16xi32>], vector<16xi32>,
      %add3A_673 = arith.addi %gather3A_672, %get3A_641 : vector<16xi32>
      %swap3A_674 = arith.constant 8 : i32
      %swap3A_675 = arith.index_cast %swap3A_674 : i32 to index
      %swap3A_676 = arith.constant 48 : index
      %swap3A_677 = tpu.vector_load %arg7[%swap3A_675, %swap3A_676] {strides = array<i32>} : memref<26x128xi32, #tpu.memory_space<vmem>>, vector<16xi32>,
      tpu.vector_store %arg7[%swap3A_675, %swap3A_676], %add3A_673 {strides = array<i32>} : memref<26x128xi32, #tpu.memory_space<vmem>>, vector<16xi32>,
      %add3A_678 = arith.constant 64 : i32
      %add3A_679 = vector.broadcast %add3A_678 : i32 to vector<16xi32>
      %add3A_680 = arith.addi %iota3A, %add3A_679 : vector<16xi32>
      %gather3A_681 = tpu.vector_load_idx %arg6[%add3A_680, %broadcast_in_dim3A_637] : memref<128x26xi32, #tpu.memory_space<vmem>>[vector<16xi32>, vector<16xi32>], vector<16xi32>,
      %add3A_682 = arith.addi %gather3A_681, %get3A_641 : vector<16xi32>
      %swap3A_683 = arith.constant 8 : i32
      %swap3A_684 = arith.index_cast %swap3A_683 : i32 to index
      %swap3A_685 = arith.constant 64 : index
      %swap3A_686 = tpu.vector_load %arg7[%swap3A_684, %swap3A_685] {strides = array<i32>} : memref<26x128xi32, #tpu.memory_space<vmem>>, vector<16xi32>,
      tpu.vector_store %arg7[%swap3A_684, %swap3A_685], %add3A_682 {strides = array<i32>} : memref<26x128xi32, #tpu.memory_space<vmem>>, vector<16xi32>,
      %add3A_687 = arith.constant 80 : i32
      %add3A_688 = vector.broadcast %add3A_687 : i32 to vector<16xi32>
      %add3A_689 = arith.addi %iota3A, %add3A_688 : vector<16xi32>
      %gather3A_690 = tpu.vector_load_idx %arg6[%add3A_689, %broadcast_in_dim3A_637] : memref<128x26xi32, #tpu.memory_space<vmem>>[vector<16xi32>, vector<16xi32>], vector<16xi32>,
      %add3A_691 = arith.addi %gather3A_690, %get3A_641 : vector<16xi32>
      %swap3A_692 = arith.constant 8 : i32
      %swap3A_693 = arith.index_cast %swap3A_692 : i32 to index
      %swap3A_694 = arith.constant 80 : index
      %swap3A_695 = tpu.vector_load %arg7[%swap3A_693, %swap3A_694] {strides = array<i32>} : memref<26x128xi32, #tpu.memory_space<vmem>>, vector<16xi32>,
      tpu.vector_store %arg7[%swap3A_693, %swap3A_694], %add3A_691 {strides = array<i32>} : memref<26x128xi32, #tpu.memory_space<vmem>>, vector<16xi32>,
      %add3A_696 = arith.constant 96 : i32
      %add3A_697 = vector.broadcast %add3A_696 : i32 to vector<16xi32>
      %add3A_698 = arith.addi %iota3A, %add3A_697 : vector<16xi32>
      %gather3A_699 = tpu.vector_load_idx %arg6[%add3A_698, %broadcast_in_dim3A_637] : memref<128x26xi32, #tpu.memory_space<vmem>>[vector<16xi32>, vector<16xi32>], vector<16xi32>,
      %add3A_700 = arith.addi %gather3A_699, %get3A_641 : vector<16xi32>
      %swap3A_701 = arith.constant 8 : i32
      %swap3A_702 = arith.index_cast %swap3A_701 : i32 to index
      %swap3A_703 = arith.constant 96 : index
      %swap3A_704 = tpu.vector_load %arg7[%swap3A_702, %swap3A_703] {strides = array<i32>} : memref<26x128xi32, #tpu.memory_space<vmem>>, vector<16xi32>,
      tpu.vector_store %arg7[%swap3A_702, %swap3A_703], %add3A_700 {strides = array<i32>} : memref<26x128xi32, #tpu.memory_space<vmem>>, vector<16xi32>,
      %add3A_705 = arith.constant 112 : i32
      %add3A_706 = vector.broadcast %add3A_705 : i32 to vector<16xi32>
      %add3A_707 = arith.addi %iota3A, %add3A_706 : vector<16xi32>
      %gather3A_708 = tpu.vector_load_idx %arg6[%add3A_707, %broadcast_in_dim3A_637] : memref<128x26xi32, #tpu.memory_space<vmem>>[vector<16xi32>, vector<16xi32>], vector<16xi32>,
      %add3A_709 = arith.addi %gather3A_708, %get3A_641 : vector<16xi32>
      %swap3A_710 = arith.constant 8 : i32
      %swap3A_711 = arith.index_cast %swap3A_710 : i32 to index
      %swap3A_712 = arith.constant 112 : index
      %swap3A_713 = tpu.vector_load %arg7[%swap3A_711, %swap3A_712] {strides = array<i32>} : memref<26x128xi32, #tpu.memory_space<vmem>>, vector<16xi32>,
      tpu.vector_store %arg7[%swap3A_711, %swap3A_712], %add3A_709 {strides = array<i32>} : memref<26x128xi32, #tpu.memory_space<vmem>>, vector<16xi32>,
      %broadcast_in_dim3A_714 = arith.constant 9 : i32
      %broadcast_in_dim3A_715 = vector.broadcast %broadcast_in_dim3A_714 : i32 to vector<16xi32>
      %get3A_716 = arith.constant 9 : i32
      %get3A_717 = arith.index_cast %get3A_716 : i32 to index
      %get3A_718 = arith.constant 0 : index
      %get3A_719 = tpu.vector_load %arg10[%get3A_717, %get3A_718] {strides = array<i32>} : memref<26x16xi32, #tpu.memory_space<vmem>>, vector<16xi32>,
      %add3A_720 = arith.constant 0 : i32
      %add3A_721 = vector.broadcast %add3A_720 : i32 to vector<16xi32>
      %add3A_722 = arith.addi %iota3A, %add3A_721 : vector<16xi32>
      %gather3A_723 = tpu.vector_load_idx %arg6[%add3A_722, %broadcast_in_dim3A_715] : memref<128x26xi32, #tpu.memory_space<vmem>>[vector<16xi32>, vector<16xi32>], vector<16xi32>,
      %add3A_724 = arith.addi %gather3A_723, %get3A_719 : vector<16xi32>
      %swap3A_725 = arith.constant 9 : i32
      %swap3A_726 = arith.index_cast %swap3A_725 : i32 to index
      %swap3A_727 = arith.constant 0 : index
      %swap3A_728 = tpu.vector_load %arg7[%swap3A_726, %swap3A_727] {strides = array<i32>} : memref<26x128xi32, #tpu.memory_space<vmem>>, vector<16xi32>,
      tpu.vector_store %arg7[%swap3A_726, %swap3A_727], %add3A_724 {strides = array<i32>} : memref<26x128xi32, #tpu.memory_space<vmem>>, vector<16xi32>,
      %add3A_729 = arith.constant 16 : i32
      %add3A_730 = vector.broadcast %add3A_729 : i32 to vector<16xi32>
      %add3A_731 = arith.addi %iota3A, %add3A_730 : vector<16xi32>
      %gather3A_732 = tpu.vector_load_idx %arg6[%add3A_731, %broadcast_in_dim3A_715] : memref<128x26xi32, #tpu.memory_space<vmem>>[vector<16xi32>, vector<16xi32>], vector<16xi32>,
      %add3A_733 = arith.addi %gather3A_732, %get3A_719 : vector<16xi32>
      %swap3A_734 = arith.constant 9 : i32
      %swap3A_735 = arith.index_cast %swap3A_734 : i32 to index
      %swap3A_736 = arith.constant 16 : index
      %swap3A_737 = tpu.vector_load %arg7[%swap3A_735, %swap3A_736] {strides = array<i32>} : memref<26x128xi32, #tpu.memory_space<vmem>>, vector<16xi32>,
      tpu.vector_store %arg7[%swap3A_735, %swap3A_736], %add3A_733 {strides = array<i32>} : memref<26x128xi32, #tpu.memory_space<vmem>>, vector<16xi32>,
      %add3A_738 = arith.constant 32 : i32
      %add3A_739 = vector.broadcast %add3A_738 : i32 to vector<16xi32>
      %add3A_740 = arith.addi %iota3A, %add3A_739 : vector<16xi32>
      %gather3A_741 = tpu.vector_load_idx %arg6[%add3A_740, %broadcast_in_dim3A_715] : memref<128x26xi32, #tpu.memory_space<vmem>>[vector<16xi32>, vector<16xi32>], vector<16xi32>,
      %add3A_742 = arith.addi %gather3A_741, %get3A_719 : vector<16xi32>
      %swap3A_743 = arith.constant 9 : i32
      %swap3A_744 = arith.index_cast %swap3A_743 : i32 to index
      %swap3A_745 = arith.constant 32 : index
      %swap3A_746 = tpu.vector_load %arg7[%swap3A_744, %swap3A_745] {strides = array<i32>} : memref<26x128xi32, #tpu.memory_space<vmem>>, vector<16xi32>,
      tpu.vector_store %arg7[%swap3A_744, %swap3A_745], %add3A_742 {strides = array<i32>} : memref<26x128xi32, #tpu.memory_space<vmem>>, vector<16xi32>,
      %add3A_747 = arith.constant 48 : i32
      %add3A_748 = vector.broadcast %add3A_747 : i32 to vector<16xi32>
      %add3A_749 = arith.addi %iota3A, %add3A_748 : vector<16xi32>
      %gather3A_750 = tpu.vector_load_idx %arg6[%add3A_749, %broadcast_in_dim3A_715] : memref<128x26xi32, #tpu.memory_space<vmem>>[vector<16xi32>, vector<16xi32>], vector<16xi32>,
      %add3A_751 = arith.addi %gather3A_750, %get3A_719 : vector<16xi32>
      %swap3A_752 = arith.constant 9 : i32
      %swap3A_753 = arith.index_cast %swap3A_752 : i32 to index
      %swap3A_754 = arith.constant 48 : index
      %swap3A_755 = tpu.vector_load %arg7[%swap3A_753, %swap3A_754] {strides = array<i32>} : memref<26x128xi32, #tpu.memory_space<vmem>>, vector<16xi32>,
      tpu.vector_store %arg7[%swap3A_753, %swap3A_754], %add3A_751 {strides = array<i32>} : memref<26x128xi32, #tpu.memory_space<vmem>>, vector<16xi32>,
      %add3A_756 = arith.constant 64 : i32
      %add3A_757 = vector.broadcast %add3A_756 : i32 to vector<16xi32>
      %add3A_758 = arith.addi %iota3A, %add3A_757 : vector<16xi32>
      %gather3A_759 = tpu.vector_load_idx %arg6[%add3A_758, %broadcast_in_dim3A_715] : memref<128x26xi32, #tpu.memory_space<vmem>>[vector<16xi32>, vector<16xi32>], vector<16xi32>,
      %add3A_760 = arith.addi %gather3A_759, %get3A_719 : vector<16xi32>
      %swap3A_761 = arith.constant 9 : i32
      %swap3A_762 = arith.index_cast %swap3A_761 : i32 to index
      %swap3A_763 = arith.constant 64 : index
      %swap3A_764 = tpu.vector_load %arg7[%swap3A_762, %swap3A_763] {strides = array<i32>} : memref<26x128xi32, #tpu.memory_space<vmem>>, vector<16xi32>,
      tpu.vector_store %arg7[%swap3A_762, %swap3A_763], %add3A_760 {strides = array<i32>} : memref<26x128xi32, #tpu.memory_space<vmem>>, vector<16xi32>,
      %add3A_765 = arith.constant 80 : i32
      %add3A_766 = vector.broadcast %add3A_765 : i32 to vector<16xi32>
      %add3A_767 = arith.addi %iota3A, %add3A_766 : vector<16xi32>
      %gather3A_768 = tpu.vector_load_idx %arg6[%add3A_767, %broadcast_in_dim3A_715] : memref<128x26xi32, #tpu.memory_space<vmem>>[vector<16xi32>, vector<16xi32>], vector<16xi32>,
      %add3A_769 = arith.addi %gather3A_768, %get3A_719 : vector<16xi32>
      %swap3A_770 = arith.constant 9 : i32
      %swap3A_771 = arith.index_cast %swap3A_770 : i32 to index
      %swap3A_772 = arith.constant 80 : index
      %swap3A_773 = tpu.vector_load %arg7[%swap3A_771, %swap3A_772] {strides = array<i32>} : memref<26x128xi32, #tpu.memory_space<vmem>>, vector<16xi32>,
      tpu.vector_store %arg7[%swap3A_771, %swap3A_772], %add3A_769 {strides = array<i32>} : memref<26x128xi32, #tpu.memory_space<vmem>>, vector<16xi32>,
      %add3A_774 = arith.constant 96 : i32
      %add3A_775 = vector.broadcast %add3A_774 : i32 to vector<16xi32>
      %add3A_776 = arith.addi %iota3A, %add3A_775 : vector<16xi32>
      %gather3A_777 = tpu.vector_load_idx %arg6[%add3A_776, %broadcast_in_dim3A_715] : memref<128x26xi32, #tpu.memory_space<vmem>>[vector<16xi32>, vector<16xi32>], vector<16xi32>,
      %add3A_778 = arith.addi %gather3A_777, %get3A_719 : vector<16xi32>
      %swap3A_779 = arith.constant 9 : i32
      %swap3A_780 = arith.index_cast %swap3A_779 : i32 to index
      %swap3A_781 = arith.constant 96 : index
      %swap3A_782 = tpu.vector_load %arg7[%swap3A_780, %swap3A_781] {strides = array<i32>} : memref<26x128xi32, #tpu.memory_space<vmem>>, vector<16xi32>,
      tpu.vector_store %arg7[%swap3A_780, %swap3A_781], %add3A_778 {strides = array<i32>} : memref<26x128xi32, #tpu.memory_space<vmem>>, vector<16xi32>,
      %add3A_783 = arith.constant 112 : i32
      %add3A_784 = vector.broadcast %add3A_783 : i32 to vector<16xi32>
      %add3A_785 = arith.addi %iota3A, %add3A_784 : vector<16xi32>
      %gather3A_786 = tpu.vector_load_idx %arg6[%add3A_785, %broadcast_in_dim3A_715] : memref<128x26xi32, #tpu.memory_space<vmem>>[vector<16xi32>, vector<16xi32>], vector<16xi32>,
      %add3A_787 = arith.addi %gather3A_786, %get3A_719 : vector<16xi32>
      %swap3A_788 = arith.constant 9 : i32
      %swap3A_789 = arith.index_cast %swap3A_788 : i32 to index
      %swap3A_790 = arith.constant 112 : index
      %swap3A_791 = tpu.vector_load %arg7[%swap3A_789, %swap3A_790] {strides = array<i32>} : memref<26x128xi32, #tpu.memory_space<vmem>>, vector<16xi32>,
      tpu.vector_store %arg7[%swap3A_789, %swap3A_790], %add3A_787 {strides = array<i32>} : memref<26x128xi32, #tpu.memory_space<vmem>>, vector<16xi32>,
      %broadcast_in_dim3A_792 = arith.constant 10 : i32
      %broadcast_in_dim3A_793 = vector.broadcast %broadcast_in_dim3A_792 : i32 to vector<16xi32>
      %get3A_794 = arith.constant 10 : i32
      %get3A_795 = arith.index_cast %get3A_794 : i32 to index
      %get3A_796 = arith.constant 0 : index
      %get3A_797 = tpu.vector_load %arg10[%get3A_795, %get3A_796] {strides = array<i32>} : memref<26x16xi32, #tpu.memory_space<vmem>>, vector<16xi32>,
      %add3A_798 = arith.constant 0 : i32
      %add3A_799 = vector.broadcast %add3A_798 : i32 to vector<16xi32>
      %add3A_800 = arith.addi %iota3A, %add3A_799 : vector<16xi32>
      %gather3A_801 = tpu.vector_load_idx %arg6[%add3A_800, %broadcast_in_dim3A_793] : memref<128x26xi32, #tpu.memory_space<vmem>>[vector<16xi32>, vector<16xi32>], vector<16xi32>,
      %add3A_802 = arith.addi %gather3A_801, %get3A_797 : vector<16xi32>
      %swap3A_803 = arith.constant 10 : i32
      %swap3A_804 = arith.index_cast %swap3A_803 : i32 to index
      %swap3A_805 = arith.constant 0 : index
      %swap3A_806 = tpu.vector_load %arg7[%swap3A_804, %swap3A_805] {strides = array<i32>} : memref<26x128xi32, #tpu.memory_space<vmem>>, vector<16xi32>,
      tpu.vector_store %arg7[%swap3A_804, %swap3A_805], %add3A_802 {strides = array<i32>} : memref<26x128xi32, #tpu.memory_space<vmem>>, vector<16xi32>,
      %add3A_807 = arith.constant 16 : i32
      %add3A_808 = vector.broadcast %add3A_807 : i32 to vector<16xi32>
      %add3A_809 = arith.addi %iota3A, %add3A_808 : vector<16xi32>
      %gather3A_810 = tpu.vector_load_idx %arg6[%add3A_809, %broadcast_in_dim3A_793] : memref<128x26xi32, #tpu.memory_space<vmem>>[vector<16xi32>, vector<16xi32>], vector<16xi32>,
      %add3A_811 = arith.addi %gather3A_810, %get3A_797 : vector<16xi32>
      %swap3A_812 = arith.constant 10 : i32
      %swap3A_813 = arith.index_cast %swap3A_812 : i32 to index
      %swap3A_814 = arith.constant 16 : index
      %swap3A_815 = tpu.vector_load %arg7[%swap3A_813, %swap3A_814] {strides = array<i32>} : memref<26x128xi32, #tpu.memory_space<vmem>>, vector<16xi32>,
      tpu.vector_store %arg7[%swap3A_813, %swap3A_814], %add3A_811 {strides = array<i32>} : memref<26x128xi32, #tpu.memory_space<vmem>>, vector<16xi32>,
      %add3A_816 = arith.constant 32 : i32
      %add3A_817 = vector.broadcast %add3A_816 : i32 to vector<16xi32>
      %add3A_818 = arith.addi %iota3A, %add3A_817 : vector<16xi32>
      %gather3A_819 = tpu.vector_load_idx %arg6[%add3A_818, %broadcast_in_dim3A_793] : memref<128x26xi32, #tpu.memory_space<vmem>>[vector<16xi32>, vector<16xi32>], vector<16xi32>,
      %add3A_820 = arith.addi %gather3A_819, %get3A_797 : vector<16xi32>
      %swap3A_821 = arith.constant 10 : i32
      %swap3A_822 = arith.index_cast %swap3A_821 : i32 to index
      %swap3A_823 = arith.constant 32 : index
      %swap3A_824 = tpu.vector_load %arg7[%swap3A_822, %swap3A_823] {strides = array<i32>} : memref<26x128xi32, #tpu.memory_space<vmem>>, vector<16xi32>,
      tpu.vector_store %arg7[%swap3A_822, %swap3A_823], %add3A_820 {strides = array<i32>} : memref<26x128xi32, #tpu.memory_space<vmem>>, vector<16xi32>,
      %add3A_825 = arith.constant 48 : i32
      %add3A_826 = vector.broadcast %add3A_825 : i32 to vector<16xi32>
      %add3A_827 = arith.addi %iota3A, %add3A_826 : vector<16xi32>
      %gather3A_828 = tpu.vector_load_idx %arg6[%add3A_827, %broadcast_in_dim3A_793] : memref<128x26xi32, #tpu.memory_space<vmem>>[vector<16xi32>, vector<16xi32>], vector<16xi32>,
      %add3A_829 = arith.addi %gather3A_828, %get3A_797 : vector<16xi32>
      %swap3A_830 = arith.constant 10 : i32
      %swap3A_831 = arith.index_cast %swap3A_830 : i32 to index
      %swap3A_832 = arith.constant 48 : index
      %swap3A_833 = tpu.vector_load %arg7[%swap3A_831, %swap3A_832] {strides = array<i32>} : memref<26x128xi32, #tpu.memory_space<vmem>>, vector<16xi32>,
      tpu.vector_store %arg7[%swap3A_831, %swap3A_832], %add3A_829 {strides = array<i32>} : memref<26x128xi32, #tpu.memory_space<vmem>>, vector<16xi32>,
      %add3A_834 = arith.constant 64 : i32
      %add3A_835 = vector.broadcast %add3A_834 : i32 to vector<16xi32>
      %add3A_836 = arith.addi %iota3A, %add3A_835 : vector<16xi32>
      %gather3A_837 = tpu.vector_load_idx %arg6[%add3A_836, %broadcast_in_dim3A_793] : memref<128x26xi32, #tpu.memory_space<vmem>>[vector<16xi32>, vector<16xi32>], vector<16xi32>,
      %add3A_838 = arith.addi %gather3A_837, %get3A_797 : vector<16xi32>
      %swap3A_839 = arith.constant 10 : i32
      %swap3A_840 = arith.index_cast %swap3A_839 : i32 to index
      %swap3A_841 = arith.constant 64 : index
      %swap3A_842 = tpu.vector_load %arg7[%swap3A_840, %swap3A_841] {strides = array<i32>} : memref<26x128xi32, #tpu.memory_space<vmem>>, vector<16xi32>,
      tpu.vector_store %arg7[%swap3A_840, %swap3A_841], %add3A_838 {strides = array<i32>} : memref<26x128xi32, #tpu.memory_space<vmem>>, vector<16xi32>,
      %add3A_843 = arith.constant 80 : i32
      %add3A_844 = vector.broadcast %add3A_843 : i32 to vector<16xi32>
      %add3A_845 = arith.addi %iota3A, %add3A_844 : vector<16xi32>
      %gather3A_846 = tpu.vector_load_idx %arg6[%add3A_845, %broadcast_in_dim3A_793] : memref<128x26xi32, #tpu.memory_space<vmem>>[vector<16xi32>, vector<16xi32>], vector<16xi32>,
      %add3A_847 = arith.addi %gather3A_846, %get3A_797 : vector<16xi32>
      %swap3A_848 = arith.constant 10 : i32
      %swap3A_849 = arith.index_cast %swap3A_848 : i32 to index
      %swap3A_850 = arith.constant 80 : index
      %swap3A_851 = tpu.vector_load %arg7[%swap3A_849, %swap3A_850] {strides = array<i32>} : memref<26x128xi32, #tpu.memory_space<vmem>>, vector<16xi32>,
      tpu.vector_store %arg7[%swap3A_849, %swap3A_850], %add3A_847 {strides = array<i32>} : memref<26x128xi32, #tpu.memory_space<vmem>>, vector<16xi32>,
      %add3A_852 = arith.constant 96 : i32
      %add3A_853 = vector.broadcast %add3A_852 : i32 to vector<16xi32>
      %add3A_854 = arith.addi %iota3A, %add3A_853 : vector<16xi32>
      %gather3A_855 = tpu.vector_load_idx %arg6[%add3A_854, %broadcast_in_dim3A_793] : memref<128x26xi32, #tpu.memory_space<vmem>>[vector<16xi32>, vector<16xi32>], vector<16xi32>,
      %add3A_856 = arith.addi %gather3A_855, %get3A_797 : vector<16xi32>
      %swap3A_857 = arith.constant 10 : i32
      %swap3A_858 = arith.index_cast %swap3A_857 : i32 to index
      %swap3A_859 = arith.constant 96 : index
      %swap3A_860 = tpu.vector_load %arg7[%swap3A_858, %swap3A_859] {strides = array<i32>} : memref<26x128xi32, #tpu.memory_space<vmem>>, vector<16xi32>,
      tpu.vector_store %arg7[%swap3A_858, %swap3A_859], %add3A_856 {strides = array<i32>} : memref<26x128xi32, #tpu.memory_space<vmem>>, vector<16xi32>,
      %add3A_861 = arith.constant 112 : i32
      %add3A_862 = vector.broadcast %add3A_861 : i32 to vector<16xi32>
      %add3A_863 = arith.addi %iota3A, %add3A_862 : vector<16xi32>
      %gather3A_864 = tpu.vector_load_idx %arg6[%add3A_863, %broadcast_in_dim3A_793] : memref<128x26xi32, #tpu.memory_space<vmem>>[vector<16xi32>, vector<16xi32>], vector<16xi32>,
      %add3A_865 = arith.addi %gather3A_864, %get3A_797 : vector<16xi32>
      %swap3A_866 = arith.constant 10 : i32
      %swap3A_867 = arith.index_cast %swap3A_866 : i32 to index
      %swap3A_868 = arith.constant 112 : index
      %swap3A_869 = tpu.vector_load %arg7[%swap3A_867, %swap3A_868] {strides = array<i32>} : memref<26x128xi32, #tpu.memory_space<vmem>>, vector<16xi32>,
      tpu.vector_store %arg7[%swap3A_867, %swap3A_868], %add3A_865 {strides = array<i32>} : memref<26x128xi32, #tpu.memory_space<vmem>>, vector<16xi32>,
      %broadcast_in_dim3A_870 = arith.constant 11 : i32
      %broadcast_in_dim3A_871 = vector.broadcast %broadcast_in_dim3A_870 : i32 to vector<16xi32>
      %get3A_872 = arith.constant 11 : i32
      %get3A_873 = arith.index_cast %get3A_872 : i32 to index
      %get3A_874 = arith.constant 0 : index
      %get3A_875 = tpu.vector_load %arg10[%get3A_873, %get3A_874] {strides = array<i32>} : memref<26x16xi32, #tpu.memory_space<vmem>>, vector<16xi32>,
      %add3A_876 = arith.constant 0 : i32
      %add3A_877 = vector.broadcast %add3A_876 : i32 to vector<16xi32>
      %add3A_878 = arith.addi %iota3A, %add3A_877 : vector<16xi32>
      %gather3A_879 = tpu.vector_load_idx %arg6[%add3A_878, %broadcast_in_dim3A_871] : memref<128x26xi32, #tpu.memory_space<vmem>>[vector<16xi32>, vector<16xi32>], vector<16xi32>,
      %add3A_880 = arith.addi %gather3A_879, %get3A_875 : vector<16xi32>
      %swap3A_881 = arith.constant 11 : i32
      %swap3A_882 = arith.index_cast %swap3A_881 : i32 to index
      %swap3A_883 = arith.constant 0 : index
      %swap3A_884 = tpu.vector_load %arg7[%swap3A_882, %swap3A_883] {strides = array<i32>} : memref<26x128xi32, #tpu.memory_space<vmem>>, vector<16xi32>,
      tpu.vector_store %arg7[%swap3A_882, %swap3A_883], %add3A_880 {strides = array<i32>} : memref<26x128xi32, #tpu.memory_space<vmem>>, vector<16xi32>,
      %add3A_885 = arith.constant 16 : i32
      %add3A_886 = vector.broadcast %add3A_885 : i32 to vector<16xi32>
      %add3A_887 = arith.addi %iota3A, %add3A_886 : vector<16xi32>
      %gather3A_888 = tpu.vector_load_idx %arg6[%add3A_887, %broadcast_in_dim3A_871] : memref<128x26xi32, #tpu.memory_space<vmem>>[vector<16xi32>, vector<16xi32>], vector<16xi32>,
      %add3A_889 = arith.addi %gather3A_888, %get3A_875 : vector<16xi32>
      %swap3A_890 = arith.constant 11 : i32
      %swap3A_891 = arith.index_cast %swap3A_890 : i32 to index
      %swap3A_892 = arith.constant 16 : index
      %swap3A_893 = tpu.vector_load %arg7[%swap3A_891, %swap3A_892] {strides = array<i32>} : memref<26x128xi32, #tpu.memory_space<vmem>>, vector<16xi32>,
      tpu.vector_store %arg7[%swap3A_891, %swap3A_892], %add3A_889 {strides = array<i32>} : memref<26x128xi32, #tpu.memory_space<vmem>>, vector<16xi32>,
      %add3A_894 = arith.constant 32 : i32
      %add3A_895 = vector.broadcast %add3A_894 : i32 to vector<16xi32>
      %add3A_896 = arith.addi %iota3A, %add3A_895 : vector<16xi32>
      %gather3A_897 = tpu.vector_load_idx %arg6[%add3A_896, %broadcast_in_dim3A_871] : memref<128x26xi32, #tpu.memory_space<vmem>>[vector<16xi32>, vector<16xi32>], vector<16xi32>,
      %add3A_898 = arith.addi %gather3A_897, %get3A_875 : vector<16xi32>
      %swap3A_899 = arith.constant 11 : i32
      %swap3A_900 = arith.index_cast %swap3A_899 : i32 to index
      %swap3A_901 = arith.constant 32 : index
      %swap3A_902 = tpu.vector_load %arg7[%swap3A_900, %swap3A_901] {strides = array<i32>} : memref<26x128xi32, #tpu.memory_space<vmem>>, vector<16xi32>,
      tpu.vector_store %arg7[%swap3A_900, %swap3A_901], %add3A_898 {strides = array<i32>} : memref<26x128xi32, #tpu.memory_space<vmem>>, vector<16xi32>,
      %add3A_903 = arith.constant 48 : i32
      %add3A_904 = vector.broadcast %add3A_903 : i32 to vector<16xi32>
      %add3A_905 = arith.addi %iota3A, %add3A_904 : vector<16xi32>
      %gather3A_906 = tpu.vector_load_idx %arg6[%add3A_905, %broadcast_in_dim3A_871] : memref<128x26xi32, #tpu.memory_space<vmem>>[vector<16xi32>, vector<16xi32>], vector<16xi32>,
      %add3A_907 = arith.addi %gather3A_906, %get3A_875 : vector<16xi32>
      %swap3A_908 = arith.constant 11 : i32
      %swap3A_909 = arith.index_cast %swap3A_908 : i32 to index
      %swap3A_910 = arith.constant 48 : index
      %swap3A_911 = tpu.vector_load %arg7[%swap3A_909, %swap3A_910] {strides = array<i32>} : memref<26x128xi32, #tpu.memory_space<vmem>>, vector<16xi32>,
      tpu.vector_store %arg7[%swap3A_909, %swap3A_910], %add3A_907 {strides = array<i32>} : memref<26x128xi32, #tpu.memory_space<vmem>>, vector<16xi32>,
      %add3A_912 = arith.constant 64 : i32
      %add3A_913 = vector.broadcast %add3A_912 : i32 to vector<16xi32>
      %add3A_914 = arith.addi %iota3A, %add3A_913 : vector<16xi32>
      %gather3A_915 = tpu.vector_load_idx %arg6[%add3A_914, %broadcast_in_dim3A_871] : memref<128x26xi32, #tpu.memory_space<vmem>>[vector<16xi32>, vector<16xi32>], vector<16xi32>,
      %add3A_916 = arith.addi %gather3A_915, %get3A_875 : vector<16xi32>
      %swap3A_917 = arith.constant 11 : i32
      %swap3A_918 = arith.index_cast %swap3A_917 : i32 to index
      %swap3A_919 = arith.constant 64 : index
      %swap3A_920 = tpu.vector_load %arg7[%swap3A_918, %swap3A_919] {strides = array<i32>} : memref<26x128xi32, #tpu.memory_space<vmem>>, vector<16xi32>,
      tpu.vector_store %arg7[%swap3A_918, %swap3A_919], %add3A_916 {strides = array<i32>} : memref<26x128xi32, #tpu.memory_space<vmem>>, vector<16xi32>,
      %add3A_921 = arith.constant 80 : i32
      %add3A_922 = vector.broadcast %add3A_921 : i32 to vector<16xi32>
      %add3A_923 = arith.addi %iota3A, %add3A_922 : vector<16xi32>
      %gather3A_924 = tpu.vector_load_idx %arg6[%add3A_923, %broadcast_in_dim3A_871] : memref<128x26xi32, #tpu.memory_space<vmem>>[vector<16xi32>, vector<16xi32>], vector<16xi32>,
      %add3A_925 = arith.addi %gather3A_924, %get3A_875 : vector<16xi32>
      %swap3A_926 = arith.constant 11 : i32
      %swap3A_927 = arith.index_cast %swap3A_926 : i32 to index
      %swap3A_928 = arith.constant 80 : index
      %swap3A_929 = tpu.vector_load %arg7[%swap3A_927, %swap3A_928] {strides = array<i32>} : memref<26x128xi32, #tpu.memory_space<vmem>>, vector<16xi32>,
      tpu.vector_store %arg7[%swap3A_927, %swap3A_928], %add3A_925 {strides = array<i32>} : memref<26x128xi32, #tpu.memory_space<vmem>>, vector<16xi32>,
      %add3A_930 = arith.constant 96 : i32
      %add3A_931 = vector.broadcast %add3A_930 : i32 to vector<16xi32>
      %add3A_932 = arith.addi %iota3A, %add3A_931 : vector<16xi32>
      %gather3A_933 = tpu.vector_load_idx %arg6[%add3A_932, %broadcast_in_dim3A_871] : memref<128x26xi32, #tpu.memory_space<vmem>>[vector<16xi32>, vector<16xi32>], vector<16xi32>,
      %add3A_934 = arith.addi %gather3A_933, %get3A_875 : vector<16xi32>
      %swap3A_935 = arith.constant 11 : i32
      %swap3A_936 = arith.index_cast %swap3A_935 : i32 to index
      %swap3A_937 = arith.constant 96 : index
      %swap3A_938 = tpu.vector_load %arg7[%swap3A_936, %swap3A_937] {strides = array<i32>} : memref<26x128xi32, #tpu.memory_space<vmem>>, vector<16xi32>,
      tpu.vector_store %arg7[%swap3A_936, %swap3A_937], %add3A_934 {strides = array<i32>} : memref<26x128xi32, #tpu.memory_space<vmem>>, vector<16xi32>,
      %add3A_939 = arith.constant 112 : i32
      %add3A_940 = vector.broadcast %add3A_939 : i32 to vector<16xi32>
      %add3A_941 = arith.addi %iota3A, %add3A_940 : vector<16xi32>
      %gather3A_942 = tpu.vector_load_idx %arg6[%add3A_941, %broadcast_in_dim3A_871] : memref<128x26xi32, #tpu.memory_space<vmem>>[vector<16xi32>, vector<16xi32>], vector<16xi32>,
      %add3A_943 = arith.addi %gather3A_942, %get3A_875 : vector<16xi32>
      %swap3A_944 = arith.constant 11 : i32
      %swap3A_945 = arith.index_cast %swap3A_944 : i32 to index
      %swap3A_946 = arith.constant 112 : index
      %swap3A_947 = tpu.vector_load %arg7[%swap3A_945, %swap3A_946] {strides = array<i32>} : memref<26x128xi32, #tpu.memory_space<vmem>>, vector<16xi32>,
      tpu.vector_store %arg7[%swap3A_945, %swap3A_946], %add3A_943 {strides = array<i32>} : memref<26x128xi32, #tpu.memory_space<vmem>>, vector<16xi32>,
      %broadcast_in_dim3A_948 = arith.constant 12 : i32
      %broadcast_in_dim3A_949 = vector.broadcast %broadcast_in_dim3A_948 : i32 to vector<16xi32>
      %get3A_950 = arith.constant 12 : i32
      %get3A_951 = arith.index_cast %get3A_950 : i32 to index
      %get3A_952 = arith.constant 0 : index
      %get3A_953 = tpu.vector_load %arg10[%get3A_951, %get3A_952] {strides = array<i32>} : memref<26x16xi32, #tpu.memory_space<vmem>>, vector<16xi32>,
      %add3A_954 = arith.constant 0 : i32
      %add3A_955 = vector.broadcast %add3A_954 : i32 to vector<16xi32>
      %add3A_956 = arith.addi %iota3A, %add3A_955 : vector<16xi32>
      %gather3A_957 = tpu.vector_load_idx %arg6[%add3A_956, %broadcast_in_dim3A_949] : memref<128x26xi32, #tpu.memory_space<vmem>>[vector<16xi32>, vector<16xi32>], vector<16xi32>,
      %add3A_958 = arith.addi %gather3A_957, %get3A_953 : vector<16xi32>
      %swap3A_959 = arith.constant 12 : i32
      %swap3A_960 = arith.index_cast %swap3A_959 : i32 to index
      %swap3A_961 = arith.constant 0 : index
      %swap3A_962 = tpu.vector_load %arg7[%swap3A_960, %swap3A_961] {strides = array<i32>} : memref<26x128xi32, #tpu.memory_space<vmem>>, vector<16xi32>,
      tpu.vector_store %arg7[%swap3A_960, %swap3A_961], %add3A_958 {strides = array<i32>} : memref<26x128xi32, #tpu.memory_space<vmem>>, vector<16xi32>,
      %add3A_963 = arith.constant 16 : i32
      %add3A_964 = vector.broadcast %add3A_963 : i32 to vector<16xi32>
      %add3A_965 = arith.addi %iota3A, %add3A_964 : vector<16xi32>
      %gather3A_966 = tpu.vector_load_idx %arg6[%add3A_965, %broadcast_in_dim3A_949] : memref<128x26xi32, #tpu.memory_space<vmem>>[vector<16xi32>, vector<16xi32>], vector<16xi32>,
      %add3A_967 = arith.addi %gather3A_966, %get3A_953 : vector<16xi32>
      %swap3A_968 = arith.constant 12 : i32
      %swap3A_969 = arith.index_cast %swap3A_968 : i32 to index
      %swap3A_970 = arith.constant 16 : index
      %swap3A_971 = tpu.vector_load %arg7[%swap3A_969, %swap3A_970] {strides = array<i32>} : memref<26x128xi32, #tpu.memory_space<vmem>>, vector<16xi32>,
      tpu.vector_store %arg7[%swap3A_969, %swap3A_970], %add3A_967 {strides = array<i32>} : memref<26x128xi32, #tpu.memory_space<vmem>>, vector<16xi32>,
      %add3A_972 = arith.constant 32 : i32
      %add3A_973 = vector.broadcast %add3A_972 : i32 to vector<16xi32>
      %add3A_974 = arith.addi %iota3A, %add3A_973 : vector<16xi32>
      %gather3A_975 = tpu.vector_load_idx %arg6[%add3A_974, %broadcast_in_dim3A_949] : memref<128x26xi32, #tpu.memory_space<vmem>>[vector<16xi32>, vector<16xi32>], vector<16xi32>,
      %add3A_976 = arith.addi %gather3A_975, %get3A_953 : vector<16xi32>
      %swap3A_977 = arith.constant 12 : i32
      %swap3A_978 = arith.index_cast %swap3A_977 : i32 to index
      %swap3A_979 = arith.constant 32 : index
      %swap3A_980 = tpu.vector_load %arg7[%swap3A_978, %swap3A_979] {strides = array<i32>} : memref<26x128xi32, #tpu.memory_space<vmem>>, vector<16xi32>,
      tpu.vector_store %arg7[%swap3A_978, %swap3A_979], %add3A_976 {strides = array<i32>} : memref<26x128xi32, #tpu.memory_space<vmem>>, vector<16xi32>,
      %add3A_981 = arith.constant 48 : i32
      %add3A_982 = vector.broadcast %add3A_981 : i32 to vector<16xi32>
      %add3A_983 = arith.addi %iota3A, %add3A_982 : vector<16xi32>
      %gather3A_984 = tpu.vector_load_idx %arg6[%add3A_983, %broadcast_in_dim3A_949] : memref<128x26xi32, #tpu.memory_space<vmem>>[vector<16xi32>, vector<16xi32>], vector<16xi32>,
      %add3A_985 = arith.addi %gather3A_984, %get3A_953 : vector<16xi32>
      %swap3A_986 = arith.constant 12 : i32
      %swap3A_987 = arith.index_cast %swap3A_986 : i32 to index
      %swap3A_988 = arith.constant 48 : index
      %swap3A_989 = tpu.vector_load %arg7[%swap3A_987, %swap3A_988] {strides = array<i32>} : memref<26x128xi32, #tpu.memory_space<vmem>>, vector<16xi32>,
      tpu.vector_store %arg7[%swap3A_987, %swap3A_988], %add3A_985 {strides = array<i32>} : memref<26x128xi32, #tpu.memory_space<vmem>>, vector<16xi32>,
      %add3A_990 = arith.constant 64 : i32
      %add3A_991 = vector.broadcast %add3A_990 : i32 to vector<16xi32>
      %add3A_992 = arith.addi %iota3A, %add3A_991 : vector<16xi32>
      %gather3A_993 = tpu.vector_load_idx %arg6[%add3A_992, %broadcast_in_dim3A_949] : memref<128x26xi32, #tpu.memory_space<vmem>>[vector<16xi32>, vector<16xi32>], vector<16xi32>,
      %add3A_994 = arith.addi %gather3A_993, %get3A_953 : vector<16xi32>
      %swap3A_995 = arith.constant 12 : i32
      %swap3A_996 = arith.index_cast %swap3A_995 : i32 to index
      %swap3A_997 = arith.constant 64 : index
      %swap3A_998 = tpu.vector_load %arg7[%swap3A_996, %swap3A_997] {strides = array<i32>} : memref<26x128xi32, #tpu.memory_space<vmem>>, vector<16xi32>,
      tpu.vector_store %arg7[%swap3A_996, %swap3A_997], %add3A_994 {strides = array<i32>} : memref<26x128xi32, #tpu.memory_space<vmem>>, vector<16xi32>,
      %add3A_999 = arith.constant 80 : i32
      %add3A_1000 = vector.broadcast %add3A_999 : i32 to vector<16xi32>
      %add3A_1001 = arith.addi %iota3A, %add3A_1000 : vector<16xi32>
      %gather3A_1002 = tpu.vector_load_idx %arg6[%add3A_1001, %broadcast_in_dim3A_949] : memref<128x26xi32, #tpu.memory_space<vmem>>[vector<16xi32>, vector<16xi32>], vector<16xi32>,
      %add3A_1003 = arith.addi %gather3A_1002, %get3A_953 : vector<16xi32>
      %swap3A_1004 = arith.constant 12 : i32
      %swap3A_1005 = arith.index_cast %swap3A_1004 : i32 to index
      %swap3A_1006 = arith.constant 80 : index
      %swap3A_1007 = tpu.vector_load %arg7[%swap3A_1005, %swap3A_1006] {strides = array<i32>} : memref<26x128xi32, #tpu.memory_space<vmem>>, vector<16xi32>,
      tpu.vector_store %arg7[%swap3A_1005, %swap3A_1006], %add3A_1003 {strides = array<i32>} : memref<26x128xi32, #tpu.memory_space<vmem>>, vector<16xi32>,
      %add3A_1008 = arith.constant 96 : i32
      %add3A_1009 = vector.broadcast %add3A_1008 : i32 to vector<16xi32>
      %add3A_1010 = arith.addi %iota3A, %add3A_1009 : vector<16xi32>
      %gather3A_1011 = tpu.vector_load_idx %arg6[%add3A_1010, %broadcast_in_dim3A_949] : memref<128x26xi32, #tpu.memory_space<vmem>>[vector<16xi32>, vector<16xi32>], vector<16xi32>,
      %add3A_1012 = arith.addi %gather3A_1011, %get3A_953 : vector<16xi32>
      %swap3A_1013 = arith.constant 12 : i32
      %swap3A_1014 = arith.index_cast %swap3A_1013 : i32 to index
      %swap3A_1015 = arith.constant 96 : index
      %swap3A_1016 = tpu.vector_load %arg7[%swap3A_1014, %swap3A_1015] {strides = array<i32>} : memref<26x128xi32, #tpu.memory_space<vmem>>, vector<16xi32>,
      tpu.vector_store %arg7[%swap3A_1014, %swap3A_1015], %add3A_1012 {strides = array<i32>} : memref<26x128xi32, #tpu.memory_space<vmem>>, vector<16xi32>,
      %add3A_1017 = arith.constant 112 : i32
      %add3A_1018 = vector.broadcast %add3A_1017 : i32 to vector<16xi32>
      %add3A_1019 = arith.addi %iota3A, %add3A_1018 : vector<16xi32>
      %gather3A_1020 = tpu.vector_load_idx %arg6[%add3A_1019, %broadcast_in_dim3A_949] : memref<128x26xi32, #tpu.memory_space<vmem>>[vector<16xi32>, vector<16xi32>], vector<16xi32>,
      %add3A_1021 = arith.addi %gather3A_1020, %get3A_953 : vector<16xi32>
      %swap3A_1022 = arith.constant 12 : i32
      %swap3A_1023 = arith.index_cast %swap3A_1022 : i32 to index
      %swap3A_1024 = arith.constant 112 : index
      %swap3A_1025 = tpu.vector_load %arg7[%swap3A_1023, %swap3A_1024] {strides = array<i32>} : memref<26x128xi32, #tpu.memory_space<vmem>>, vector<16xi32>,
      tpu.vector_store %arg7[%swap3A_1023, %swap3A_1024], %add3A_1021 {strides = array<i32>} : memref<26x128xi32, #tpu.memory_space<vmem>>, vector<16xi32>,
      %broadcast_in_dim3A_1026 = arith.constant 13 : i32
      %broadcast_in_dim3A_1027 = vector.broadcast %broadcast_in_dim3A_1026 : i32 to vector<16xi32>
      %get3A_1028 = arith.constant 13 : i32
      %get3A_1029 = arith.index_cast %get3A_1028 : i32 to index
      %get3A_1030 = arith.constant 0 : index
      %get3A_1031 = tpu.vector_load %arg10[%get3A_1029, %get3A_1030] {strides = array<i32>} : memref<26x16xi32, #tpu.memory_space<vmem>>, vector<16xi32>,
      %add3A_1032 = arith.constant 0 : i32
      %add3A_1033 = vector.broadcast %add3A_1032 : i32 to vector<16xi32>
      %add3A_1034 = arith.addi %iota3A, %add3A_1033 : vector<16xi32>
      %gather3A_1035 = tpu.vector_load_idx %arg6[%add3A_1034, %broadcast_in_dim3A_1027] : memref<128x26xi32, #tpu.memory_space<vmem>>[vector<16xi32>, vector<16xi32>], vector<16xi32>,
      %add3A_1036 = arith.addi %gather3A_1035, %get3A_1031 : vector<16xi32>
      %swap3A_1037 = arith.constant 13 : i32
      %swap3A_1038 = arith.index_cast %swap3A_1037 : i32 to index
      %swap3A_1039 = arith.constant 0 : index
      %swap3A_1040 = tpu.vector_load %arg7[%swap3A_1038, %swap3A_1039] {strides = array<i32>} : memref<26x128xi32, #tpu.memory_space<vmem>>, vector<16xi32>,
      tpu.vector_store %arg7[%swap3A_1038, %swap3A_1039], %add3A_1036 {strides = array<i32>} : memref<26x128xi32, #tpu.memory_space<vmem>>, vector<16xi32>,
      %add3A_1041 = arith.constant 16 : i32
      %add3A_1042 = vector.broadcast %add3A_1041 : i32 to vector<16xi32>
      %add3A_1043 = arith.addi %iota3A, %add3A_1042 : vector<16xi32>
      %gather3A_1044 = tpu.vector_load_idx %arg6[%add3A_1043, %broadcast_in_dim3A_1027] : memref<128x26xi32, #tpu.memory_space<vmem>>[vector<16xi32>, vector<16xi32>], vector<16xi32>,
      %add3A_1045 = arith.addi %gather3A_1044, %get3A_1031 : vector<16xi32>
      %swap3A_1046 = arith.constant 13 : i32
      %swap3A_1047 = arith.index_cast %swap3A_1046 : i32 to index
      %swap3A_1048 = arith.constant 16 : index
      %swap3A_1049 = tpu.vector_load %arg7[%swap3A_1047, %swap3A_1048] {strides = array<i32>} : memref<26x128xi32, #tpu.memory_space<vmem>>, vector<16xi32>,
      tpu.vector_store %arg7[%swap3A_1047, %swap3A_1048], %add3A_1045 {strides = array<i32>} : memref<26x128xi32, #tpu.memory_space<vmem>>, vector<16xi32>,
      %add3A_1050 = arith.constant 32 : i32
      %add3A_1051 = vector.broadcast %add3A_1050 : i32 to vector<16xi32>
      %add3A_1052 = arith.addi %iota3A, %add3A_1051 : vector<16xi32>
      %gather3A_1053 = tpu.vector_load_idx %arg6[%add3A_1052, %broadcast_in_dim3A_1027] : memref<128x26xi32, #tpu.memory_space<vmem>>[vector<16xi32>, vector<16xi32>], vector<16xi32>,
      %add3A_1054 = arith.addi %gather3A_1053, %get3A_1031 : vector<16xi32>
      %swap3A_1055 = arith.constant 13 : i32
      %swap3A_1056 = arith.index_cast %swap3A_1055 : i32 to index
      %swap3A_1057 = arith.constant 32 : index
      %swap3A_1058 = tpu.vector_load %arg7[%swap3A_1056, %swap3A_1057] {strides = array<i32>} : memref<26x128xi32, #tpu.memory_space<vmem>>, vector<16xi32>,
      tpu.vector_store %arg7[%swap3A_1056, %swap3A_1057], %add3A_1054 {strides = array<i32>} : memref<26x128xi32, #tpu.memory_space<vmem>>, vector<16xi32>,
      %add3A_1059 = arith.constant 48 : i32
      %add3A_1060 = vector.broadcast %add3A_1059 : i32 to vector<16xi32>
      %add3A_1061 = arith.addi %iota3A, %add3A_1060 : vector<16xi32>
      %gather3A_1062 = tpu.vector_load_idx %arg6[%add3A_1061, %broadcast_in_dim3A_1027] : memref<128x26xi32, #tpu.memory_space<vmem>>[vector<16xi32>, vector<16xi32>], vector<16xi32>,
      %add3A_1063 = arith.addi %gather3A_1062, %get3A_1031 : vector<16xi32>
      %swap3A_1064 = arith.constant 13 : i32
      %swap3A_1065 = arith.index_cast %swap3A_1064 : i32 to index
      %swap3A_1066 = arith.constant 48 : index
      %swap3A_1067 = tpu.vector_load %arg7[%swap3A_1065, %swap3A_1066] {strides = array<i32>} : memref<26x128xi32, #tpu.memory_space<vmem>>, vector<16xi32>,
      tpu.vector_store %arg7[%swap3A_1065, %swap3A_1066], %add3A_1063 {strides = array<i32>} : memref<26x128xi32, #tpu.memory_space<vmem>>, vector<16xi32>,
      %add3A_1068 = arith.constant 64 : i32
      %add3A_1069 = vector.broadcast %add3A_1068 : i32 to vector<16xi32>
      %add3A_1070 = arith.addi %iota3A, %add3A_1069 : vector<16xi32>
      %gather3A_1071 = tpu.vector_load_idx %arg6[%add3A_1070, %broadcast_in_dim3A_1027] : memref<128x26xi32, #tpu.memory_space<vmem>>[vector<16xi32>, vector<16xi32>], vector<16xi32>,
      %add3A_1072 = arith.addi %gather3A_1071, %get3A_1031 : vector<16xi32>
      %swap3A_1073 = arith.constant 13 : i32
      %swap3A_1074 = arith.index_cast %swap3A_1073 : i32 to index
      %swap3A_1075 = arith.constant 64 : index
      %swap3A_1076 = tpu.vector_load %arg7[%swap3A_1074, %swap3A_1075] {strides = array<i32>} : memref<26x128xi32, #tpu.memory_space<vmem>>, vector<16xi32>,
      tpu.vector_store %arg7[%swap3A_1074, %swap3A_1075], %add3A_1072 {strides = array<i32>} : memref<26x128xi32, #tpu.memory_space<vmem>>, vector<16xi32>,
      %add3A_1077 = arith.constant 80 : i32
      %add3A_1078 = vector.broadcast %add3A_1077 : i32 to vector<16xi32>
      %add3A_1079 = arith.addi %iota3A, %add3A_1078 : vector<16xi32>
      %gather3A_1080 = tpu.vector_load_idx %arg6[%add3A_1079, %broadcast_in_dim3A_1027] : memref<128x26xi32, #tpu.memory_space<vmem>>[vector<16xi32>, vector<16xi32>], vector<16xi32>,
      %add3A_1081 = arith.addi %gather3A_1080, %get3A_1031 : vector<16xi32>
      %swap3A_1082 = arith.constant 13 : i32
      %swap3A_1083 = arith.index_cast %swap3A_1082 : i32 to index
      %swap3A_1084 = arith.constant 80 : index
      %swap3A_1085 = tpu.vector_load %arg7[%swap3A_1083, %swap3A_1084] {strides = array<i32>} : memref<26x128xi32, #tpu.memory_space<vmem>>, vector<16xi32>,
      tpu.vector_store %arg7[%swap3A_1083, %swap3A_1084], %add3A_1081 {strides = array<i32>} : memref<26x128xi32, #tpu.memory_space<vmem>>, vector<16xi32>,
      %add3A_1086 = arith.constant 96 : i32
      %add3A_1087 = vector.broadcast %add3A_1086 : i32 to vector<16xi32>
      %add3A_1088 = arith.addi %iota3A, %add3A_1087 : vector<16xi32>
      %gather3A_1089 = tpu.vector_load_idx %arg6[%add3A_1088, %broadcast_in_dim3A_1027] : memref<128x26xi32, #tpu.memory_space<vmem>>[vector<16xi32>, vector<16xi32>], vector<16xi32>,
      %add3A_1090 = arith.addi %gather3A_1089, %get3A_1031 : vector<16xi32>
      %swap3A_1091 = arith.constant 13 : i32
      %swap3A_1092 = arith.index_cast %swap3A_1091 : i32 to index
      %swap3A_1093 = arith.constant 96 : index
      %swap3A_1094 = tpu.vector_load %arg7[%swap3A_1092, %swap3A_1093] {strides = array<i32>} : memref<26x128xi32, #tpu.memory_space<vmem>>, vector<16xi32>,
      tpu.vector_store %arg7[%swap3A_1092, %swap3A_1093], %add3A_1090 {strides = array<i32>} : memref<26x128xi32, #tpu.memory_space<vmem>>, vector<16xi32>,
      %add3A_1095 = arith.constant 112 : i32
      %add3A_1096 = vector.broadcast %add3A_1095 : i32 to vector<16xi32>
      %add3A_1097 = arith.addi %iota3A, %add3A_1096 : vector<16xi32>
      %gather3A_1098 = tpu.vector_load_idx %arg6[%add3A_1097, %broadcast_in_dim3A_1027] : memref<128x26xi32, #tpu.memory_space<vmem>>[vector<16xi32>, vector<16xi32>], vector<16xi32>,
      %add3A_1099 = arith.addi %gather3A_1098, %get3A_1031 : vector<16xi32>
      %swap3A_1100 = arith.constant 13 : i32
      %swap3A_1101 = arith.index_cast %swap3A_1100 : i32 to index
      %swap3A_1102 = arith.constant 112 : index
      %swap3A_1103 = tpu.vector_load %arg7[%swap3A_1101, %swap3A_1102] {strides = array<i32>} : memref<26x128xi32, #tpu.memory_space<vmem>>, vector<16xi32>,
      tpu.vector_store %arg7[%swap3A_1101, %swap3A_1102], %add3A_1099 {strides = array<i32>} : memref<26x128xi32, #tpu.memory_space<vmem>>, vector<16xi32>,
      %broadcast_in_dim3A_1104 = arith.constant 14 : i32
      %broadcast_in_dim3A_1105 = vector.broadcast %broadcast_in_dim3A_1104 : i32 to vector<16xi32>
      %get3A_1106 = arith.constant 14 : i32
      %get3A_1107 = arith.index_cast %get3A_1106 : i32 to index
      %get3A_1108 = arith.constant 0 : index
      %get3A_1109 = tpu.vector_load %arg10[%get3A_1107, %get3A_1108] {strides = array<i32>} : memref<26x16xi32, #tpu.memory_space<vmem>>, vector<16xi32>,
      %add3A_1110 = arith.constant 0 : i32
      %add3A_1111 = vector.broadcast %add3A_1110 : i32 to vector<16xi32>
      %add3A_1112 = arith.addi %iota3A, %add3A_1111 : vector<16xi32>
      %gather3A_1113 = tpu.vector_load_idx %arg6[%add3A_1112, %broadcast_in_dim3A_1105] : memref<128x26xi32, #tpu.memory_space<vmem>>[vector<16xi32>, vector<16xi32>], vector<16xi32>,
      %add3A_1114 = arith.addi %gather3A_1113, %get3A_1109 : vector<16xi32>
      %swap3A_1115 = arith.constant 14 : i32
      %swap3A_1116 = arith.index_cast %swap3A_1115 : i32 to index
      %swap3A_1117 = arith.constant 0 : index
      %swap3A_1118 = tpu.vector_load %arg7[%swap3A_1116, %swap3A_1117] {strides = array<i32>} : memref<26x128xi32, #tpu.memory_space<vmem>>, vector<16xi32>,
      tpu.vector_store %arg7[%swap3A_1116, %swap3A_1117], %add3A_1114 {strides = array<i32>} : memref<26x128xi32, #tpu.memory_space<vmem>>, vector<16xi32>,
      %add3A_1119 = arith.constant 16 : i32
      %add3A_1120 = vector.broadcast %add3A_1119 : i32 to vector<16xi32>
      %add3A_1121 = arith.addi %iota3A, %add3A_1120 : vector<16xi32>
      %gather3A_1122 = tpu.vector_load_idx %arg6[%add3A_1121, %broadcast_in_dim3A_1105] : memref<128x26xi32, #tpu.memory_space<vmem>>[vector<16xi32>, vector<16xi32>], vector<16xi32>,
      %add3A_1123 = arith.addi %gather3A_1122, %get3A_1109 : vector<16xi32>
      %swap3A_1124 = arith.constant 14 : i32
      %swap3A_1125 = arith.index_cast %swap3A_1124 : i32 to index
      %swap3A_1126 = arith.constant 16 : index
      %swap3A_1127 = tpu.vector_load %arg7[%swap3A_1125, %swap3A_1126] {strides = array<i32>} : memref<26x128xi32, #tpu.memory_space<vmem>>, vector<16xi32>,
      tpu.vector_store %arg7[%swap3A_1125, %swap3A_1126], %add3A_1123 {strides = array<i32>} : memref<26x128xi32, #tpu.memory_space<vmem>>, vector<16xi32>,
      %add3A_1128 = arith.constant 32 : i32
      %add3A_1129 = vector.broadcast %add3A_1128 : i32 to vector<16xi32>
      %add3A_1130 = arith.addi %iota3A, %add3A_1129 : vector<16xi32>
      %gather3A_1131 = tpu.vector_load_idx %arg6[%add3A_1130, %broadcast_in_dim3A_1105] : memref<128x26xi32, #tpu.memory_space<vmem>>[vector<16xi32>, vector<16xi32>], vector<16xi32>,
      %add3A_1132 = arith.addi %gather3A_1131, %get3A_1109 : vector<16xi32>
      %swap3A_1133 = arith.constant 14 : i32
      %swap3A_1134 = arith.index_cast %swap3A_1133 : i32 to index
      %swap3A_1135 = arith.constant 32 : index
      %swap3A_1136 = tpu.vector_load %arg7[%swap3A_1134, %swap3A_1135] {strides = array<i32>} : memref<26x128xi32, #tpu.memory_space<vmem>>, vector<16xi32>,
      tpu.vector_store %arg7[%swap3A_1134, %swap3A_1135], %add3A_1132 {strides = array<i32>} : memref<26x128xi32, #tpu.memory_space<vmem>>, vector<16xi32>,
      %add3A_1137 = arith.constant 48 : i32
      %add3A_1138 = vector.broadcast %add3A_1137 : i32 to vector<16xi32>
      %add3A_1139 = arith.addi %iota3A, %add3A_1138 : vector<16xi32>
      %gather3A_1140 = tpu.vector_load_idx %arg6[%add3A_1139, %broadcast_in_dim3A_1105] : memref<128x26xi32, #tpu.memory_space<vmem>>[vector<16xi32>, vector<16xi32>], vector<16xi32>,
      %add3A_1141 = arith.addi %gather3A_1140, %get3A_1109 : vector<16xi32>
      %swap3A_1142 = arith.constant 14 : i32
      %swap3A_1143 = arith.index_cast %swap3A_1142 : i32 to index
      %swap3A_1144 = arith.constant 48 : index
      %swap3A_1145 = tpu.vector_load %arg7[%swap3A_1143, %swap3A_1144] {strides = array<i32>} : memref<26x128xi32, #tpu.memory_space<vmem>>, vector<16xi32>,
      tpu.vector_store %arg7[%swap3A_1143, %swap3A_1144], %add3A_1141 {strides = array<i32>} : memref<26x128xi32, #tpu.memory_space<vmem>>, vector<16xi32>,
      %add3A_1146 = arith.constant 64 : i32
      %add3A_1147 = vector.broadcast %add3A_1146 : i32 to vector<16xi32>
      %add3A_1148 = arith.addi %iota3A, %add3A_1147 : vector<16xi32>
      %gather3A_1149 = tpu.vector_load_idx %arg6[%add3A_1148, %broadcast_in_dim3A_1105] : memref<128x26xi32, #tpu.memory_space<vmem>>[vector<16xi32>, vector<16xi32>], vector<16xi32>,
      %add3A_1150 = arith.addi %gather3A_1149, %get3A_1109 : vector<16xi32>
      %swap3A_1151 = arith.constant 14 : i32
      %swap3A_1152 = arith.index_cast %swap3A_1151 : i32 to index
      %swap3A_1153 = arith.constant 64 : index
      %swap3A_1154 = tpu.vector_load %arg7[%swap3A_1152, %swap3A_1153] {strides = array<i32>} : memref<26x128xi32, #tpu.memory_space<vmem>>, vector<16xi32>,
      tpu.vector_store %arg7[%swap3A_1152, %swap3A_1153], %add3A_1150 {strides = array<i32>} : memref<26x128xi32, #tpu.memory_space<vmem>>, vector<16xi32>,
      %add3A_1155 = arith.constant 80 : i32
      %add3A_1156 = vector.broadcast %add3A_1155 : i32 to vector<16xi32>
      %add3A_1157 = arith.addi %iota3A, %add3A_1156 : vector<16xi32>
      %gather3A_1158 = tpu.vector_load_idx %arg6[%add3A_1157, %broadcast_in_dim3A_1105] : memref<128x26xi32, #tpu.memory_space<vmem>>[vector<16xi32>, vector<16xi32>], vector<16xi32>,
      %add3A_1159 = arith.addi %gather3A_1158, %get3A_1109 : vector<16xi32>
      %swap3A_1160 = arith.constant 14 : i32
      %swap3A_1161 = arith.index_cast %swap3A_1160 : i32 to index
      %swap3A_1162 = arith.constant 80 : index
      %swap3A_1163 = tpu.vector_load %arg7[%swap3A_1161, %swap3A_1162] {strides = array<i32>} : memref<26x128xi32, #tpu.memory_space<vmem>>, vector<16xi32>,
      tpu.vector_store %arg7[%swap3A_1161, %swap3A_1162], %add3A_1159 {strides = array<i32>} : memref<26x128xi32, #tpu.memory_space<vmem>>, vector<16xi32>,
      %add3A_1164 = arith.constant 96 : i32
      %add3A_1165 = vector.broadcast %add3A_1164 : i32 to vector<16xi32>
      %add3A_1166 = arith.addi %iota3A, %add3A_1165 : vector<16xi32>
      %gather3A_1167 = tpu.vector_load_idx %arg6[%add3A_1166, %broadcast_in_dim3A_1105] : memref<128x26xi32, #tpu.memory_space<vmem>>[vector<16xi32>, vector<16xi32>], vector<16xi32>,
      %add3A_1168 = arith.addi %gather3A_1167, %get3A_1109 : vector<16xi32>
      %swap3A_1169 = arith.constant 14 : i32
      %swap3A_1170 = arith.index_cast %swap3A_1169 : i32 to index
      %swap3A_1171 = arith.constant 96 : index
      %swap3A_1172 = tpu.vector_load %arg7[%swap3A_1170, %swap3A_1171] {strides = array<i32>} : memref<26x128xi32, #tpu.memory_space<vmem>>, vector<16xi32>,
      tpu.vector_store %arg7[%swap3A_1170, %swap3A_1171], %add3A_1168 {strides = array<i32>} : memref<26x128xi32, #tpu.memory_space<vmem>>, vector<16xi32>,
      %add3A_1173 = arith.constant 112 : i32
      %add3A_1174 = vector.broadcast %add3A_1173 : i32 to vector<16xi32>
      %add3A_1175 = arith.addi %iota3A, %add3A_1174 : vector<16xi32>
      %gather3A_1176 = tpu.vector_load_idx %arg6[%add3A_1175, %broadcast_in_dim3A_1105] : memref<128x26xi32, #tpu.memory_space<vmem>>[vector<16xi32>, vector<16xi32>], vector<16xi32>,
      %add3A_1177 = arith.addi %gather3A_1176, %get3A_1109 : vector<16xi32>
      %swap3A_1178 = arith.constant 14 : i32
      %swap3A_1179 = arith.index_cast %swap3A_1178 : i32 to index
      %swap3A_1180 = arith.constant 112 : index
      %swap3A_1181 = tpu.vector_load %arg7[%swap3A_1179, %swap3A_1180] {strides = array<i32>} : memref<26x128xi32, #tpu.memory_space<vmem>>, vector<16xi32>,
      tpu.vector_store %arg7[%swap3A_1179, %swap3A_1180], %add3A_1177 {strides = array<i32>} : memref<26x128xi32, #tpu.memory_space<vmem>>, vector<16xi32>,
      %broadcast_in_dim3A_1182 = arith.constant 15 : i32
      %broadcast_in_dim3A_1183 = vector.broadcast %broadcast_in_dim3A_1182 : i32 to vector<16xi32>
      %get3A_1184 = arith.constant 15 : i32
      %get3A_1185 = arith.index_cast %get3A_1184 : i32 to index
      %get3A_1186 = arith.constant 0 : index
      %get3A_1187 = tpu.vector_load %arg10[%get3A_1185, %get3A_1186] {strides = array<i32>} : memref<26x16xi32, #tpu.memory_space<vmem>>, vector<16xi32>,
      %add3A_1188 = arith.constant 0 : i32
      %add3A_1189 = vector.broadcast %add3A_1188 : i32 to vector<16xi32>
      %add3A_1190 = arith.addi %iota3A, %add3A_1189 : vector<16xi32>
      %gather3A_1191 = tpu.vector_load_idx %arg6[%add3A_1190, %broadcast_in_dim3A_1183] : memref<128x26xi32, #tpu.memory_space<vmem>>[vector<16xi32>, vector<16xi32>], vector<16xi32>,
      %add3A_1192 = arith.addi %gather3A_1191, %get3A_1187 : vector<16xi32>
      %swap3A_1193 = arith.constant 15 : i32
      %swap3A_1194 = arith.index_cast %swap3A_1193 : i32 to index
      %swap3A_1195 = arith.constant 0 : index
      %swap3A_1196 = tpu.vector_load %arg7[%swap3A_1194, %swap3A_1195] {strides = array<i32>} : memref<26x128xi32, #tpu.memory_space<vmem>>, vector<16xi32>,
      tpu.vector_store %arg7[%swap3A_1194, %swap3A_1195], %add3A_1192 {strides = array<i32>} : memref<26x128xi32, #tpu.memory_space<vmem>>, vector<16xi32>,
      %add3A_1197 = arith.constant 16 : i32
      %add3A_1198 = vector.broadcast %add3A_1197 : i32 to vector<16xi32>
      %add3A_1199 = arith.addi %iota3A, %add3A_1198 : vector<16xi32>
      %gather3A_1200 = tpu.vector_load_idx %arg6[%add3A_1199, %broadcast_in_dim3A_1183] : memref<128x26xi32, #tpu.memory_space<vmem>>[vector<16xi32>, vector<16xi32>], vector<16xi32>,
      %add3A_1201 = arith.addi %gather3A_1200, %get3A_1187 : vector<16xi32>
      %swap3A_1202 = arith.constant 15 : i32
      %swap3A_1203 = arith.index_cast %swap3A_1202 : i32 to index
      %swap3A_1204 = arith.constant 16 : index
      %swap3A_1205 = tpu.vector_load %arg7[%swap3A_1203, %swap3A_1204] {strides = array<i32>} : memref<26x128xi32, #tpu.memory_space<vmem>>, vector<16xi32>,
      tpu.vector_store %arg7[%swap3A_1203, %swap3A_1204], %add3A_1201 {strides = array<i32>} : memref<26x128xi32, #tpu.memory_space<vmem>>, vector<16xi32>,
      %add3A_1206 = arith.constant 32 : i32
      %add3A_1207 = vector.broadcast %add3A_1206 : i32 to vector<16xi32>
      %add3A_1208 = arith.addi %iota3A, %add3A_1207 : vector<16xi32>
      %gather3A_1209 = tpu.vector_load_idx %arg6[%add3A_1208, %broadcast_in_dim3A_1183] : memref<128x26xi32, #tpu.memory_space<vmem>>[vector<16xi32>, vector<16xi32>], vector<16xi32>,
      %add3A_1210 = arith.addi %gather3A_1209, %get3A_1187 : vector<16xi32>
      %swap3A_1211 = arith.constant 15 : i32
      %swap3A_1212 = arith.index_cast %swap3A_1211 : i32 to index
      %swap3A_1213 = arith.constant 32 : index
      %swap3A_1214 = tpu.vector_load %arg7[%swap3A_1212, %swap3A_1213] {strides = array<i32>} : memref<26x128xi32, #tpu.memory_space<vmem>>, vector<16xi32>,
      tpu.vector_store %arg7[%swap3A_1212, %swap3A_1213], %add3A_1210 {strides = array<i32>} : memref<26x128xi32, #tpu.memory_space<vmem>>, vector<16xi32>,
      %add3A_1215 = arith.constant 48 : i32
      %add3A_1216 = vector.broadcast %add3A_1215 : i32 to vector<16xi32>
      %add3A_1217 = arith.addi %iota3A, %add3A_1216 : vector<16xi32>
      %gather3A_1218 = tpu.vector_load_idx %arg6[%add3A_1217, %broadcast_in_dim3A_1183] : memref<128x26xi32, #tpu.memory_space<vmem>>[vector<16xi32>, vector<16xi32>], vector<16xi32>,
      %add3A_1219 = arith.addi %gather3A_1218, %get3A_1187 : vector<16xi32>
      %swap3A_1220 = arith.constant 15 : i32
      %swap3A_1221 = arith.index_cast %swap3A_1220 : i32 to index
      %swap3A_1222 = arith.constant 48 : index
      %swap3A_1223 = tpu.vector_load %arg7[%swap3A_1221, %swap3A_1222] {strides = array<i32>} : memref<26x128xi32, #tpu.memory_space<vmem>>, vector<16xi32>,
      tpu.vector_store %arg7[%swap3A_1221, %swap3A_1222], %add3A_1219 {strides = array<i32>} : memref<26x128xi32, #tpu.memory_space<vmem>>, vector<16xi32>,
      %add3A_1224 = arith.constant 64 : i32
      %add3A_1225 = vector.broadcast %add3A_1224 : i32 to vector<16xi32>
      %add3A_1226 = arith.addi %iota3A, %add3A_1225 : vector<16xi32>
      %gather3A_1227 = tpu.vector_load_idx %arg6[%add3A_1226, %broadcast_in_dim3A_1183] : memref<128x26xi32, #tpu.memory_space<vmem>>[vector<16xi32>, vector<16xi32>], vector<16xi32>,
      %add3A_1228 = arith.addi %gather3A_1227, %get3A_1187 : vector<16xi32>
      %swap3A_1229 = arith.constant 15 : i32
      %swap3A_1230 = arith.index_cast %swap3A_1229 : i32 to index
      %swap3A_1231 = arith.constant 64 : index
      %swap3A_1232 = tpu.vector_load %arg7[%swap3A_1230, %swap3A_1231] {strides = array<i32>} : memref<26x128xi32, #tpu.memory_space<vmem>>, vector<16xi32>,
      tpu.vector_store %arg7[%swap3A_1230, %swap3A_1231], %add3A_1228 {strides = array<i32>} : memref<26x128xi32, #tpu.memory_space<vmem>>, vector<16xi32>,
      %add3A_1233 = arith.constant 80 : i32
      %add3A_1234 = vector.broadcast %add3A_1233 : i32 to vector<16xi32>
      %add3A_1235 = arith.addi %iota3A, %add3A_1234 : vector<16xi32>
      %gather3A_1236 = tpu.vector_load_idx %arg6[%add3A_1235, %broadcast_in_dim3A_1183] : memref<128x26xi32, #tpu.memory_space<vmem>>[vector<16xi32>, vector<16xi32>], vector<16xi32>,
      %add3A_1237 = arith.addi %gather3A_1236, %get3A_1187 : vector<16xi32>
      %swap3A_1238 = arith.constant 15 : i32
      %swap3A_1239 = arith.index_cast %swap3A_1238 : i32 to index
      %swap3A_1240 = arith.constant 80 : index
      %swap3A_1241 = tpu.vector_load %arg7[%swap3A_1239, %swap3A_1240] {strides = array<i32>} : memref<26x128xi32, #tpu.memory_space<vmem>>, vector<16xi32>,
      tpu.vector_store %arg7[%swap3A_1239, %swap3A_1240], %add3A_1237 {strides = array<i32>} : memref<26x128xi32, #tpu.memory_space<vmem>>, vector<16xi32>,
      %add3A_1242 = arith.constant 96 : i32
      %add3A_1243 = vector.broadcast %add3A_1242 : i32 to vector<16xi32>
      %add3A_1244 = arith.addi %iota3A, %add3A_1243 : vector<16xi32>
      %gather3A_1245 = tpu.vector_load_idx %arg6[%add3A_1244, %broadcast_in_dim3A_1183] : memref<128x26xi32, #tpu.memory_space<vmem>>[vector<16xi32>, vector<16xi32>], vector<16xi32>,
      %add3A_1246 = arith.addi %gather3A_1245, %get3A_1187 : vector<16xi32>
      %swap3A_1247 = arith.constant 15 : i32
      %swap3A_1248 = arith.index_cast %swap3A_1247 : i32 to index
      %swap3A_1249 = arith.constant 96 : index
      %swap3A_1250 = tpu.vector_load %arg7[%swap3A_1248, %swap3A_1249] {strides = array<i32>} : memref<26x128xi32, #tpu.memory_space<vmem>>, vector<16xi32>,
      tpu.vector_store %arg7[%swap3A_1248, %swap3A_1249], %add3A_1246 {strides = array<i32>} : memref<26x128xi32, #tpu.memory_space<vmem>>, vector<16xi32>,
      %add3A_1251 = arith.constant 112 : i32
      %add3A_1252 = vector.broadcast %add3A_1251 : i32 to vector<16xi32>
      %add3A_1253 = arith.addi %iota3A, %add3A_1252 : vector<16xi32>
      %gather3A_1254 = tpu.vector_load_idx %arg6[%add3A_1253, %broadcast_in_dim3A_1183] : memref<128x26xi32, #tpu.memory_space<vmem>>[vector<16xi32>, vector<16xi32>], vector<16xi32>,
      %add3A_1255 = arith.addi %gather3A_1254, %get3A_1187 : vector<16xi32>
      %swap3A_1256 = arith.constant 15 : i32
      %swap3A_1257 = arith.index_cast %swap3A_1256 : i32 to index
      %swap3A_1258 = arith.constant 112 : index
      %swap3A_1259 = tpu.vector_load %arg7[%swap3A_1257, %swap3A_1258] {strides = array<i32>} : memref<26x128xi32, #tpu.memory_space<vmem>>, vector<16xi32>,
      tpu.vector_store %arg7[%swap3A_1257, %swap3A_1258], %add3A_1255 {strides = array<i32>} : memref<26x128xi32, #tpu.memory_space<vmem>>, vector<16xi32>,
      %broadcast_in_dim3A_1260 = arith.constant 16 : i32
      %broadcast_in_dim3A_1261 = vector.broadcast %broadcast_in_dim3A_1260 : i32 to vector<16xi32>
      %get3A_1262 = arith.constant 16 : i32
      %get3A_1263 = arith.index_cast %get3A_1262 : i32 to index
      %get3A_1264 = arith.constant 0 : index
      %get3A_1265 = tpu.vector_load %arg10[%get3A_1263, %get3A_1264] {strides = array<i32>} : memref<26x16xi32, #tpu.memory_space<vmem>>, vector<16xi32>,
      %add3A_1266 = arith.constant 0 : i32
      %add3A_1267 = vector.broadcast %add3A_1266 : i32 to vector<16xi32>
      %add3A_1268 = arith.addi %iota3A, %add3A_1267 : vector<16xi32>
      %gather3A_1269 = tpu.vector_load_idx %arg6[%add3A_1268, %broadcast_in_dim3A_1261] : memref<128x26xi32, #tpu.memory_space<vmem>>[vector<16xi32>, vector<16xi32>], vector<16xi32>,
      %add3A_1270 = arith.addi %gather3A_1269, %get3A_1265 : vector<16xi32>
      %swap3A_1271 = arith.constant 16 : i32
      %swap3A_1272 = arith.index_cast %swap3A_1271 : i32 to index
      %swap3A_1273 = arith.constant 0 : index
      %swap3A_1274 = tpu.vector_load %arg7[%swap3A_1272, %swap3A_1273] {strides = array<i32>} : memref<26x128xi32, #tpu.memory_space<vmem>>, vector<16xi32>,
      tpu.vector_store %arg7[%swap3A_1272, %swap3A_1273], %add3A_1270 {strides = array<i32>} : memref<26x128xi32, #tpu.memory_space<vmem>>, vector<16xi32>,
      %add3A_1275 = arith.constant 16 : i32
      %add3A_1276 = vector.broadcast %add3A_1275 : i32 to vector<16xi32>
      %add3A_1277 = arith.addi %iota3A, %add3A_1276 : vector<16xi32>
      %gather3A_1278 = tpu.vector_load_idx %arg6[%add3A_1277, %broadcast_in_dim3A_1261] : memref<128x26xi32, #tpu.memory_space<vmem>>[vector<16xi32>, vector<16xi32>], vector<16xi32>,
      %add3A_1279 = arith.addi %gather3A_1278, %get3A_1265 : vector<16xi32>
      %swap3A_1280 = arith.constant 16 : i32
      %swap3A_1281 = arith.index_cast %swap3A_1280 : i32 to index
      %swap3A_1282 = arith.constant 16 : index
      %swap3A_1283 = tpu.vector_load %arg7[%swap3A_1281, %swap3A_1282] {strides = array<i32>} : memref<26x128xi32, #tpu.memory_space<vmem>>, vector<16xi32>,
      tpu.vector_store %arg7[%swap3A_1281, %swap3A_1282], %add3A_1279 {strides = array<i32>} : memref<26x128xi32, #tpu.memory_space<vmem>>, vector<16xi32>,
      %add3A_1284 = arith.constant 32 : i32
      %add3A_1285 = vector.broadcast %add3A_1284 : i32 to vector<16xi32>
      %add3A_1286 = arith.addi %iota3A, %add3A_1285 : vector<16xi32>
      %gather3A_1287 = tpu.vector_load_idx %arg6[%add3A_1286, %broadcast_in_dim3A_1261] : memref<128x26xi32, #tpu.memory_space<vmem>>[vector<16xi32>, vector<16xi32>], vector<16xi32>,
      %add3A_1288 = arith.addi %gather3A_1287, %get3A_1265 : vector<16xi32>
      %swap3A_1289 = arith.constant 16 : i32
      %swap3A_1290 = arith.index_cast %swap3A_1289 : i32 to index
      %swap3A_1291 = arith.constant 32 : index
      %swap3A_1292 = tpu.vector_load %arg7[%swap3A_1290, %swap3A_1291] {strides = array<i32>} : memref<26x128xi32, #tpu.memory_space<vmem>>, vector<16xi32>,
      tpu.vector_store %arg7[%swap3A_1290, %swap3A_1291], %add3A_1288 {strides = array<i32>} : memref<26x128xi32, #tpu.memory_space<vmem>>, vector<16xi32>,
      %add3A_1293 = arith.constant 48 : i32
      %add3A_1294 = vector.broadcast %add3A_1293 : i32 to vector<16xi32>
      %add3A_1295 = arith.addi %iota3A, %add3A_1294 : vector<16xi32>
      %gather3A_1296 = tpu.vector_load_idx %arg6[%add3A_1295, %broadcast_in_dim3A_1261] : memref<128x26xi32, #tpu.memory_space<vmem>>[vector<16xi32>, vector<16xi32>], vector<16xi32>,
      %add3A_1297 = arith.addi %gather3A_1296, %get3A_1265 : vector<16xi32>
      %swap3A_1298 = arith.constant 16 : i32
      %swap3A_1299 = arith.index_cast %swap3A_1298 : i32 to index
      %swap3A_1300 = arith.constant 48 : index
      %swap3A_1301 = tpu.vector_load %arg7[%swap3A_1299, %swap3A_1300] {strides = array<i32>} : memref<26x128xi32, #tpu.memory_space<vmem>>, vector<16xi32>,
      tpu.vector_store %arg7[%swap3A_1299, %swap3A_1300], %add3A_1297 {strides = array<i32>} : memref<26x128xi32, #tpu.memory_space<vmem>>, vector<16xi32>,
      %add3A_1302 = arith.constant 64 : i32
      %add3A_1303 = vector.broadcast %add3A_1302 : i32 to vector<16xi32>
      %add3A_1304 = arith.addi %iota3A, %add3A_1303 : vector<16xi32>
      %gather3A_1305 = tpu.vector_load_idx %arg6[%add3A_1304, %broadcast_in_dim3A_1261] : memref<128x26xi32, #tpu.memory_space<vmem>>[vector<16xi32>, vector<16xi32>], vector<16xi32>,
      %add3A_1306 = arith.addi %gather3A_1305, %get3A_1265 : vector<16xi32>
      %swap3A_1307 = arith.constant 16 : i32
      %swap3A_1308 = arith.index_cast %swap3A_1307 : i32 to index
      %swap3A_1309 = arith.constant 64 : index
      %swap3A_1310 = tpu.vector_load %arg7[%swap3A_1308, %swap3A_1309] {strides = array<i32>} : memref<26x128xi32, #tpu.memory_space<vmem>>, vector<16xi32>,
      tpu.vector_store %arg7[%swap3A_1308, %swap3A_1309], %add3A_1306 {strides = array<i32>} : memref<26x128xi32, #tpu.memory_space<vmem>>, vector<16xi32>,
      %add3A_1311 = arith.constant 80 : i32
      %add3A_1312 = vector.broadcast %add3A_1311 : i32 to vector<16xi32>
      %add3A_1313 = arith.addi %iota3A, %add3A_1312 : vector<16xi32>
      %gather3A_1314 = tpu.vector_load_idx %arg6[%add3A_1313, %broadcast_in_dim3A_1261] : memref<128x26xi32, #tpu.memory_space<vmem>>[vector<16xi32>, vector<16xi32>], vector<16xi32>,
      %add3A_1315 = arith.addi %gather3A_1314, %get3A_1265 : vector<16xi32>
      %swap3A_1316 = arith.constant 16 : i32
      %swap3A_1317 = arith.index_cast %swap3A_1316 : i32 to index
      %swap3A_1318 = arith.constant 80 : index
      %swap3A_1319 = tpu.vector_load %arg7[%swap3A_1317, %swap3A_1318] {strides = array<i32>} : memref<26x128xi32, #tpu.memory_space<vmem>>, vector<16xi32>,
      tpu.vector_store %arg7[%swap3A_1317, %swap3A_1318], %add3A_1315 {strides = array<i32>} : memref<26x128xi32, #tpu.memory_space<vmem>>, vector<16xi32>,
      %add3A_1320 = arith.constant 96 : i32
      %add3A_1321 = vector.broadcast %add3A_1320 : i32 to vector<16xi32>
      %add3A_1322 = arith.addi %iota3A, %add3A_1321 : vector<16xi32>
      %gather3A_1323 = tpu.vector_load_idx %arg6[%add3A_1322, %broadcast_in_dim3A_1261] : memref<128x26xi32, #tpu.memory_space<vmem>>[vector<16xi32>, vector<16xi32>], vector<16xi32>,
      %add3A_1324 = arith.addi %gather3A_1323, %get3A_1265 : vector<16xi32>
      %swap3A_1325 = arith.constant 16 : i32
      %swap3A_1326 = arith.index_cast %swap3A_1325 : i32 to index
      %swap3A_1327 = arith.constant 96 : index
      %swap3A_1328 = tpu.vector_load %arg7[%swap3A_1326, %swap3A_1327] {strides = array<i32>} : memref<26x128xi32, #tpu.memory_space<vmem>>, vector<16xi32>,
      tpu.vector_store %arg7[%swap3A_1326, %swap3A_1327], %add3A_1324 {strides = array<i32>} : memref<26x128xi32, #tpu.memory_space<vmem>>, vector<16xi32>,
      %add3A_1329 = arith.constant 112 : i32
      %add3A_1330 = vector.broadcast %add3A_1329 : i32 to vector<16xi32>
      %add3A_1331 = arith.addi %iota3A, %add3A_1330 : vector<16xi32>
      %gather3A_1332 = tpu.vector_load_idx %arg6[%add3A_1331, %broadcast_in_dim3A_1261] : memref<128x26xi32, #tpu.memory_space<vmem>>[vector<16xi32>, vector<16xi32>], vector<16xi32>,
      %add3A_1333 = arith.addi %gather3A_1332, %get3A_1265 : vector<16xi32>
      %swap3A_1334 = arith.constant 16 : i32
      %swap3A_1335 = arith.index_cast %swap3A_1334 : i32 to index
      %swap3A_1336 = arith.constant 112 : index
      %swap3A_1337 = tpu.vector_load %arg7[%swap3A_1335, %swap3A_1336] {strides = array<i32>} : memref<26x128xi32, #tpu.memory_space<vmem>>, vector<16xi32>,
      tpu.vector_store %arg7[%swap3A_1335, %swap3A_1336], %add3A_1333 {strides = array<i32>} : memref<26x128xi32, #tpu.memory_space<vmem>>, vector<16xi32>,
      %broadcast_in_dim3A_1338 = arith.constant 17 : i32
      %broadcast_in_dim3A_1339 = vector.broadcast %broadcast_in_dim3A_1338 : i32 to vector<16xi32>
      %get3A_1340 = arith.constant 17 : i32
      %get3A_1341 = arith.index_cast %get3A_1340 : i32 to index
      %get3A_1342 = arith.constant 0 : index
      %get3A_1343 = tpu.vector_load %arg10[%get3A_1341, %get3A_1342] {strides = array<i32>} : memref<26x16xi32, #tpu.memory_space<vmem>>, vector<16xi32>,
      %add3A_1344 = arith.constant 0 : i32
      %add3A_1345 = vector.broadcast %add3A_1344 : i32 to vector<16xi32>
      %add3A_1346 = arith.addi %iota3A, %add3A_1345 : vector<16xi32>
      %gather3A_1347 = tpu.vector_load_idx %arg6[%add3A_1346, %broadcast_in_dim3A_1339] : memref<128x26xi32, #tpu.memory_space<vmem>>[vector<16xi32>, vector<16xi32>], vector<16xi32>,
      %add3A_1348 = arith.addi %gather3A_1347, %get3A_1343 : vector<16xi32>
      %swap3A_1349 = arith.constant 17 : i32
      %swap3A_1350 = arith.index_cast %swap3A_1349 : i32 to index
      %swap3A_1351 = arith.constant 0 : index
      %swap3A_1352 = tpu.vector_load %arg7[%swap3A_1350, %swap3A_1351] {strides = array<i32>} : memref<26x128xi32, #tpu.memory_space<vmem>>, vector<16xi32>,
      tpu.vector_store %arg7[%swap3A_1350, %swap3A_1351], %add3A_1348 {strides = array<i32>} : memref<26x128xi32, #tpu.memory_space<vmem>>, vector<16xi32>,
      %add3A_1353 = arith.constant 16 : i32
      %add3A_1354 = vector.broadcast %add3A_1353 : i32 to vector<16xi32>
      %add3A_1355 = arith.addi %iota3A, %add3A_1354 : vector<16xi32>
      %gather3A_1356 = tpu.vector_load_idx %arg6[%add3A_1355, %broadcast_in_dim3A_1339] : memref<128x26xi32, #tpu.memory_space<vmem>>[vector<16xi32>, vector<16xi32>], vector<16xi32>,
      %add3A_1357 = arith.addi %gather3A_1356, %get3A_1343 : vector<16xi32>
      %swap3A_1358 = arith.constant 17 : i32
      %swap3A_1359 = arith.index_cast %swap3A_1358 : i32 to index
      %swap3A_1360 = arith.constant 16 : index
      %swap3A_1361 = tpu.vector_load %arg7[%swap3A_1359, %swap3A_1360] {strides = array<i32>} : memref<26x128xi32, #tpu.memory_space<vmem>>, vector<16xi32>,
      tpu.vector_store %arg7[%swap3A_1359, %swap3A_1360], %add3A_1357 {strides = array<i32>} : memref<26x128xi32, #tpu.memory_space<vmem>>, vector<16xi32>,
      %add3A_1362 = arith.constant 32 : i32
      %add3A_1363 = vector.broadcast %add3A_1362 : i32 to vector<16xi32>
      %add3A_1364 = arith.addi %iota3A, %add3A_1363 : vector<16xi32>
      %gather3A_1365 = tpu.vector_load_idx %arg6[%add3A_1364, %broadcast_in_dim3A_1339] : memref<128x26xi32, #tpu.memory_space<vmem>>[vector<16xi32>, vector<16xi32>], vector<16xi32>,
      %add3A_1366 = arith.addi %gather3A_1365, %get3A_1343 : vector<16xi32>
      %swap3A_1367 = arith.constant 17 : i32
      %swap3A_1368 = arith.index_cast %swap3A_1367 : i32 to index
      %swap3A_1369 = arith.constant 32 : index
      %swap3A_1370 = tpu.vector_load %arg7[%swap3A_1368, %swap3A_1369] {strides = array<i32>} : memref<26x128xi32, #tpu.memory_space<vmem>>, vector<16xi32>,
      tpu.vector_store %arg7[%swap3A_1368, %swap3A_1369], %add3A_1366 {strides = array<i32>} : memref<26x128xi32, #tpu.memory_space<vmem>>, vector<16xi32>,
      %add3A_1371 = arith.constant 48 : i32
      %add3A_1372 = vector.broadcast %add3A_1371 : i32 to vector<16xi32>
      %add3A_1373 = arith.addi %iota3A, %add3A_1372 : vector<16xi32>
      %gather3A_1374 = tpu.vector_load_idx %arg6[%add3A_1373, %broadcast_in_dim3A_1339] : memref<128x26xi32, #tpu.memory_space<vmem>>[vector<16xi32>, vector<16xi32>], vector<16xi32>,
      %add3A_1375 = arith.addi %gather3A_1374, %get3A_1343 : vector<16xi32>
      %swap3A_1376 = arith.constant 17 : i32
      %swap3A_1377 = arith.index_cast %swap3A_1376 : i32 to index
      %swap3A_1378 = arith.constant 48 : index
      %swap3A_1379 = tpu.vector_load %arg7[%swap3A_1377, %swap3A_1378] {strides = array<i32>} : memref<26x128xi32, #tpu.memory_space<vmem>>, vector<16xi32>,
      tpu.vector_store %arg7[%swap3A_1377, %swap3A_1378], %add3A_1375 {strides = array<i32>} : memref<26x128xi32, #tpu.memory_space<vmem>>, vector<16xi32>,
      %add3A_1380 = arith.constant 64 : i32
      %add3A_1381 = vector.broadcast %add3A_1380 : i32 to vector<16xi32>
      %add3A_1382 = arith.addi %iota3A, %add3A_1381 : vector<16xi32>
      %gather3A_1383 = tpu.vector_load_idx %arg6[%add3A_1382, %broadcast_in_dim3A_1339] : memref<128x26xi32, #tpu.memory_space<vmem>>[vector<16xi32>, vector<16xi32>], vector<16xi32>,
      %add3A_1384 = arith.addi %gather3A_1383, %get3A_1343 : vector<16xi32>
      %swap3A_1385 = arith.constant 17 : i32
      %swap3A_1386 = arith.index_cast %swap3A_1385 : i32 to index
      %swap3A_1387 = arith.constant 64 : index
      %swap3A_1388 = tpu.vector_load %arg7[%swap3A_1386, %swap3A_1387] {strides = array<i32>} : memref<26x128xi32, #tpu.memory_space<vmem>>, vector<16xi32>,
      tpu.vector_store %arg7[%swap3A_1386, %swap3A_1387], %add3A_1384 {strides = array<i32>} : memref<26x128xi32, #tpu.memory_space<vmem>>, vector<16xi32>,
      %add3A_1389 = arith.constant 80 : i32
      %add3A_1390 = vector.broadcast %add3A_1389 : i32 to vector<16xi32>
      %add3A_1391 = arith.addi %iota3A, %add3A_1390 : vector<16xi32>
      %gather3A_1392 = tpu.vector_load_idx %arg6[%add3A_1391, %broadcast_in_dim3A_1339] : memref<128x26xi32, #tpu.memory_space<vmem>>[vector<16xi32>, vector<16xi32>], vector<16xi32>,
      %add3A_1393 = arith.addi %gather3A_1392, %get3A_1343 : vector<16xi32>
      %swap3A_1394 = arith.constant 17 : i32
      %swap3A_1395 = arith.index_cast %swap3A_1394 : i32 to index
      %swap3A_1396 = arith.constant 80 : index
      %swap3A_1397 = tpu.vector_load %arg7[%swap3A_1395, %swap3A_1396] {strides = array<i32>} : memref<26x128xi32, #tpu.memory_space<vmem>>, vector<16xi32>,
      tpu.vector_store %arg7[%swap3A_1395, %swap3A_1396], %add3A_1393 {strides = array<i32>} : memref<26x128xi32, #tpu.memory_space<vmem>>, vector<16xi32>,
      %add3A_1398 = arith.constant 96 : i32
      %add3A_1399 = vector.broadcast %add3A_1398 : i32 to vector<16xi32>
      %add3A_1400 = arith.addi %iota3A, %add3A_1399 : vector<16xi32>
      %gather3A_1401 = tpu.vector_load_idx %arg6[%add3A_1400, %broadcast_in_dim3A_1339] : memref<128x26xi32, #tpu.memory_space<vmem>>[vector<16xi32>, vector<16xi32>], vector<16xi32>,
      %add3A_1402 = arith.addi %gather3A_1401, %get3A_1343 : vector<16xi32>
      %swap3A_1403 = arith.constant 17 : i32
      %swap3A_1404 = arith.index_cast %swap3A_1403 : i32 to index
      %swap3A_1405 = arith.constant 96 : index
      %swap3A_1406 = tpu.vector_load %arg7[%swap3A_1404, %swap3A_1405] {strides = array<i32>} : memref<26x128xi32, #tpu.memory_space<vmem>>, vector<16xi32>,
      tpu.vector_store %arg7[%swap3A_1404, %swap3A_1405], %add3A_1402 {strides = array<i32>} : memref<26x128xi32, #tpu.memory_space<vmem>>, vector<16xi32>,
      %add3A_1407 = arith.constant 112 : i32
      %add3A_1408 = vector.broadcast %add3A_1407 : i32 to vector<16xi32>
      %add3A_1409 = arith.addi %iota3A, %add3A_1408 : vector<16xi32>
      %gather3A_1410 = tpu.vector_load_idx %arg6[%add3A_1409, %broadcast_in_dim3A_1339] : memref<128x26xi32, #tpu.memory_space<vmem>>[vector<16xi32>, vector<16xi32>], vector<16xi32>,
      %add3A_1411 = arith.addi %gather3A_1410, %get3A_1343 : vector<16xi32>
      %swap3A_1412 = arith.constant 17 : i32
      %swap3A_1413 = arith.index_cast %swap3A_1412 : i32 to index
      %swap3A_1414 = arith.constant 112 : index
      %swap3A_1415 = tpu.vector_load %arg7[%swap3A_1413, %swap3A_1414] {strides = array<i32>} : memref<26x128xi32, #tpu.memory_space<vmem>>, vector<16xi32>,
      tpu.vector_store %arg7[%swap3A_1413, %swap3A_1414], %add3A_1411 {strides = array<i32>} : memref<26x128xi32, #tpu.memory_space<vmem>>, vector<16xi32>,
      %broadcast_in_dim3A_1416 = arith.constant 18 : i32
      %broadcast_in_dim3A_1417 = vector.broadcast %broadcast_in_dim3A_1416 : i32 to vector<16xi32>
      %get3A_1418 = arith.constant 18 : i32
      %get3A_1419 = arith.index_cast %get3A_1418 : i32 to index
      %get3A_1420 = arith.constant 0 : index
      %get3A_1421 = tpu.vector_load %arg10[%get3A_1419, %get3A_1420] {strides = array<i32>} : memref<26x16xi32, #tpu.memory_space<vmem>>, vector<16xi32>,
      %add3A_1422 = arith.constant 0 : i32
      %add3A_1423 = vector.broadcast %add3A_1422 : i32 to vector<16xi32>
      %add3A_1424 = arith.addi %iota3A, %add3A_1423 : vector<16xi32>
      %gather3A_1425 = tpu.vector_load_idx %arg6[%add3A_1424, %broadcast_in_dim3A_1417] : memref<128x26xi32, #tpu.memory_space<vmem>>[vector<16xi32>, vector<16xi32>], vector<16xi32>,
      %add3A_1426 = arith.addi %gather3A_1425, %get3A_1421 : vector<16xi32>
      %swap3A_1427 = arith.constant 18 : i32
      %swap3A_1428 = arith.index_cast %swap3A_1427 : i32 to index
      %swap3A_1429 = arith.constant 0 : index
      %swap3A_1430 = tpu.vector_load %arg7[%swap3A_1428, %swap3A_1429] {strides = array<i32>} : memref<26x128xi32, #tpu.memory_space<vmem>>, vector<16xi32>,
      tpu.vector_store %arg7[%swap3A_1428, %swap3A_1429], %add3A_1426 {strides = array<i32>} : memref<26x128xi32, #tpu.memory_space<vmem>>, vector<16xi32>,
      %add3A_1431 = arith.constant 16 : i32
      %add3A_1432 = vector.broadcast %add3A_1431 : i32 to vector<16xi32>
      %add3A_1433 = arith.addi %iota3A, %add3A_1432 : vector<16xi32>
      %gather3A_1434 = tpu.vector_load_idx %arg6[%add3A_1433, %broadcast_in_dim3A_1417] : memref<128x26xi32, #tpu.memory_space<vmem>>[vector<16xi32>, vector<16xi32>], vector<16xi32>,
      %add3A_1435 = arith.addi %gather3A_1434, %get3A_1421 : vector<16xi32>
      %swap3A_1436 = arith.constant 18 : i32
      %swap3A_1437 = arith.index_cast %swap3A_1436 : i32 to index
      %swap3A_1438 = arith.constant 16 : index
      %swap3A_1439 = tpu.vector_load %arg7[%swap3A_1437, %swap3A_1438] {strides = array<i32>} : memref<26x128xi32, #tpu.memory_space<vmem>>, vector<16xi32>,
      tpu.vector_store %arg7[%swap3A_1437, %swap3A_1438], %add3A_1435 {strides = array<i32>} : memref<26x128xi32, #tpu.memory_space<vmem>>, vector<16xi32>,
      %add3A_1440 = arith.constant 32 : i32
      %add3A_1441 = vector.broadcast %add3A_1440 : i32 to vector<16xi32>
      %add3A_1442 = arith.addi %iota3A, %add3A_1441 : vector<16xi32>
      %gather3A_1443 = tpu.vector_load_idx %arg6[%add3A_1442, %broadcast_in_dim3A_1417] : memref<128x26xi32, #tpu.memory_space<vmem>>[vector<16xi32>, vector<16xi32>], vector<16xi32>,
      %add3A_1444 = arith.addi %gather3A_1443, %get3A_1421 : vector<16xi32>
      %swap3A_1445 = arith.constant 18 : i32
      %swap3A_1446 = arith.index_cast %swap3A_1445 : i32 to index
      %swap3A_1447 = arith.constant 32 : index
      %swap3A_1448 = tpu.vector_load %arg7[%swap3A_1446, %swap3A_1447] {strides = array<i32>} : memref<26x128xi32, #tpu.memory_space<vmem>>, vector<16xi32>,
      tpu.vector_store %arg7[%swap3A_1446, %swap3A_1447], %add3A_1444 {strides = array<i32>} : memref<26x128xi32, #tpu.memory_space<vmem>>, vector<16xi32>,
      %add3A_1449 = arith.constant 48 : i32
      %add3A_1450 = vector.broadcast %add3A_1449 : i32 to vector<16xi32>
      %add3A_1451 = arith.addi %iota3A, %add3A_1450 : vector<16xi32>
      %gather3A_1452 = tpu.vector_load_idx %arg6[%add3A_1451, %broadcast_in_dim3A_1417] : memref<128x26xi32, #tpu.memory_space<vmem>>[vector<16xi32>, vector<16xi32>], vector<16xi32>,
      %add3A_1453 = arith.addi %gather3A_1452, %get3A_1421 : vector<16xi32>
      %swap3A_1454 = arith.constant 18 : i32
      %swap3A_1455 = arith.index_cast %swap3A_1454 : i32 to index
      %swap3A_1456 = arith.constant 48 : index
      %swap3A_1457 = tpu.vector_load %arg7[%swap3A_1455, %swap3A_1456] {strides = array<i32>} : memref<26x128xi32, #tpu.memory_space<vmem>>, vector<16xi32>,
      tpu.vector_store %arg7[%swap3A_1455, %swap3A_1456], %add3A_1453 {strides = array<i32>} : memref<26x128xi32, #tpu.memory_space<vmem>>, vector<16xi32>,
      %add3A_1458 = arith.constant 64 : i32
      %add3A_1459 = vector.broadcast %add3A_1458 : i32 to vector<16xi32>
      %add3A_1460 = arith.addi %iota3A, %add3A_1459 : vector<16xi32>
      %gather3A_1461 = tpu.vector_load_idx %arg6[%add3A_1460, %broadcast_in_dim3A_1417] : memref<128x26xi32, #tpu.memory_space<vmem>>[vector<16xi32>, vector<16xi32>], vector<16xi32>,
      %add3A_1462 = arith.addi %gather3A_1461, %get3A_1421 : vector<16xi32>
      %swap3A_1463 = arith.constant 18 : i32
      %swap3A_1464 = arith.index_cast %swap3A_1463 : i32 to index
      %swap3A_1465 = arith.constant 64 : index
      %swap3A_1466 = tpu.vector_load %arg7[%swap3A_1464, %swap3A_1465] {strides = array<i32>} : memref<26x128xi32, #tpu.memory_space<vmem>>, vector<16xi32>,
      tpu.vector_store %arg7[%swap3A_1464, %swap3A_1465], %add3A_1462 {strides = array<i32>} : memref<26x128xi32, #tpu.memory_space<vmem>>, vector<16xi32>,
      %add3A_1467 = arith.constant 80 : i32
      %add3A_1468 = vector.broadcast %add3A_1467 : i32 to vector<16xi32>
      %add3A_1469 = arith.addi %iota3A, %add3A_1468 : vector<16xi32>
      %gather3A_1470 = tpu.vector_load_idx %arg6[%add3A_1469, %broadcast_in_dim3A_1417] : memref<128x26xi32, #tpu.memory_space<vmem>>[vector<16xi32>, vector<16xi32>], vector<16xi32>,
      %add3A_1471 = arith.addi %gather3A_1470, %get3A_1421 : vector<16xi32>
      %swap3A_1472 = arith.constant 18 : i32
      %swap3A_1473 = arith.index_cast %swap3A_1472 : i32 to index
      %swap3A_1474 = arith.constant 80 : index
      %swap3A_1475 = tpu.vector_load %arg7[%swap3A_1473, %swap3A_1474] {strides = array<i32>} : memref<26x128xi32, #tpu.memory_space<vmem>>, vector<16xi32>,
      tpu.vector_store %arg7[%swap3A_1473, %swap3A_1474], %add3A_1471 {strides = array<i32>} : memref<26x128xi32, #tpu.memory_space<vmem>>, vector<16xi32>,
      %add3A_1476 = arith.constant 96 : i32
      %add3A_1477 = vector.broadcast %add3A_1476 : i32 to vector<16xi32>
      %add3A_1478 = arith.addi %iota3A, %add3A_1477 : vector<16xi32>
      %gather3A_1479 = tpu.vector_load_idx %arg6[%add3A_1478, %broadcast_in_dim3A_1417] : memref<128x26xi32, #tpu.memory_space<vmem>>[vector<16xi32>, vector<16xi32>], vector<16xi32>,
      %add3A_1480 = arith.addi %gather3A_1479, %get3A_1421 : vector<16xi32>
      %swap3A_1481 = arith.constant 18 : i32
      %swap3A_1482 = arith.index_cast %swap3A_1481 : i32 to index
      %swap3A_1483 = arith.constant 96 : index
      %swap3A_1484 = tpu.vector_load %arg7[%swap3A_1482, %swap3A_1483] {strides = array<i32>} : memref<26x128xi32, #tpu.memory_space<vmem>>, vector<16xi32>,
      tpu.vector_store %arg7[%swap3A_1482, %swap3A_1483], %add3A_1480 {strides = array<i32>} : memref<26x128xi32, #tpu.memory_space<vmem>>, vector<16xi32>,
      %add3A_1485 = arith.constant 112 : i32
      %add3A_1486 = vector.broadcast %add3A_1485 : i32 to vector<16xi32>
      %add3A_1487 = arith.addi %iota3A, %add3A_1486 : vector<16xi32>
      %gather3A_1488 = tpu.vector_load_idx %arg6[%add3A_1487, %broadcast_in_dim3A_1417] : memref<128x26xi32, #tpu.memory_space<vmem>>[vector<16xi32>, vector<16xi32>], vector<16xi32>,
      %add3A_1489 = arith.addi %gather3A_1488, %get3A_1421 : vector<16xi32>
      %swap3A_1490 = arith.constant 18 : i32
      %swap3A_1491 = arith.index_cast %swap3A_1490 : i32 to index
      %swap3A_1492 = arith.constant 112 : index
      %swap3A_1493 = tpu.vector_load %arg7[%swap3A_1491, %swap3A_1492] {strides = array<i32>} : memref<26x128xi32, #tpu.memory_space<vmem>>, vector<16xi32>,
      tpu.vector_store %arg7[%swap3A_1491, %swap3A_1492], %add3A_1489 {strides = array<i32>} : memref<26x128xi32, #tpu.memory_space<vmem>>, vector<16xi32>,
      %broadcast_in_dim3A_1494 = arith.constant 19 : i32
      %broadcast_in_dim3A_1495 = vector.broadcast %broadcast_in_dim3A_1494 : i32 to vector<16xi32>
      %get3A_1496 = arith.constant 19 : i32
      %get3A_1497 = arith.index_cast %get3A_1496 : i32 to index
      %get3A_1498 = arith.constant 0 : index
      %get3A_1499 = tpu.vector_load %arg10[%get3A_1497, %get3A_1498] {strides = array<i32>} : memref<26x16xi32, #tpu.memory_space<vmem>>, vector<16xi32>,
      %add3A_1500 = arith.constant 0 : i32
      %add3A_1501 = vector.broadcast %add3A_1500 : i32 to vector<16xi32>
      %add3A_1502 = arith.addi %iota3A, %add3A_1501 : vector<16xi32>
      %gather3A_1503 = tpu.vector_load_idx %arg6[%add3A_1502, %broadcast_in_dim3A_1495] : memref<128x26xi32, #tpu.memory_space<vmem>>[vector<16xi32>, vector<16xi32>], vector<16xi32>,
      %add3A_1504 = arith.addi %gather3A_1503, %get3A_1499 : vector<16xi32>
      %swap3A_1505 = arith.constant 19 : i32
      %swap3A_1506 = arith.index_cast %swap3A_1505 : i32 to index
      %swap3A_1507 = arith.constant 0 : index
      %swap3A_1508 = tpu.vector_load %arg7[%swap3A_1506, %swap3A_1507] {strides = array<i32>} : memref<26x128xi32, #tpu.memory_space<vmem>>, vector<16xi32>,
      tpu.vector_store %arg7[%swap3A_1506, %swap3A_1507], %add3A_1504 {strides = array<i32>} : memref<26x128xi32, #tpu.memory_space<vmem>>, vector<16xi32>,
      %add3A_1509 = arith.constant 16 : i32
      %add3A_1510 = vector.broadcast %add3A_1509 : i32 to vector<16xi32>
      %add3A_1511 = arith.addi %iota3A, %add3A_1510 : vector<16xi32>
      %gather3A_1512 = tpu.vector_load_idx %arg6[%add3A_1511, %broadcast_in_dim3A_1495] : memref<128x26xi32, #tpu.memory_space<vmem>>[vector<16xi32>, vector<16xi32>], vector<16xi32>,
      %add3A_1513 = arith.addi %gather3A_1512, %get3A_1499 : vector<16xi32>
      %swap3A_1514 = arith.constant 19 : i32
      %swap3A_1515 = arith.index_cast %swap3A_1514 : i32 to index
      %swap3A_1516 = arith.constant 16 : index
      %swap3A_1517 = tpu.vector_load %arg7[%swap3A_1515, %swap3A_1516] {strides = array<i32>} : memref<26x128xi32, #tpu.memory_space<vmem>>, vector<16xi32>,
      tpu.vector_store %arg7[%swap3A_1515, %swap3A_1516], %add3A_1513 {strides = array<i32>} : memref<26x128xi32, #tpu.memory_space<vmem>>, vector<16xi32>,
      %add3A_1518 = arith.constant 32 : i32
      %add3A_1519 = vector.broadcast %add3A_1518 : i32 to vector<16xi32>
      %add3A_1520 = arith.addi %iota3A, %add3A_1519 : vector<16xi32>
      %gather3A_1521 = tpu.vector_load_idx %arg6[%add3A_1520, %broadcast_in_dim3A_1495] : memref<128x26xi32, #tpu.memory_space<vmem>>[vector<16xi32>, vector<16xi32>], vector<16xi32>,
      %add3A_1522 = arith.addi %gather3A_1521, %get3A_1499 : vector<16xi32>
      %swap3A_1523 = arith.constant 19 : i32
      %swap3A_1524 = arith.index_cast %swap3A_1523 : i32 to index
      %swap3A_1525 = arith.constant 32 : index
      %swap3A_1526 = tpu.vector_load %arg7[%swap3A_1524, %swap3A_1525] {strides = array<i32>} : memref<26x128xi32, #tpu.memory_space<vmem>>, vector<16xi32>,
      tpu.vector_store %arg7[%swap3A_1524, %swap3A_1525], %add3A_1522 {strides = array<i32>} : memref<26x128xi32, #tpu.memory_space<vmem>>, vector<16xi32>,
      %add3A_1527 = arith.constant 48 : i32
      %add3A_1528 = vector.broadcast %add3A_1527 : i32 to vector<16xi32>
      %add3A_1529 = arith.addi %iota3A, %add3A_1528 : vector<16xi32>
      %gather3A_1530 = tpu.vector_load_idx %arg6[%add3A_1529, %broadcast_in_dim3A_1495] : memref<128x26xi32, #tpu.memory_space<vmem>>[vector<16xi32>, vector<16xi32>], vector<16xi32>,
      %add3A_1531 = arith.addi %gather3A_1530, %get3A_1499 : vector<16xi32>
      %swap3A_1532 = arith.constant 19 : i32
      %swap3A_1533 = arith.index_cast %swap3A_1532 : i32 to index
      %swap3A_1534 = arith.constant 48 : index
      %swap3A_1535 = tpu.vector_load %arg7[%swap3A_1533, %swap3A_1534] {strides = array<i32>} : memref<26x128xi32, #tpu.memory_space<vmem>>, vector<16xi32>,
      tpu.vector_store %arg7[%swap3A_1533, %swap3A_1534], %add3A_1531 {strides = array<i32>} : memref<26x128xi32, #tpu.memory_space<vmem>>, vector<16xi32>,
      %add3A_1536 = arith.constant 64 : i32
      %add3A_1537 = vector.broadcast %add3A_1536 : i32 to vector<16xi32>
      %add3A_1538 = arith.addi %iota3A, %add3A_1537 : vector<16xi32>
      %gather3A_1539 = tpu.vector_load_idx %arg6[%add3A_1538, %broadcast_in_dim3A_1495] : memref<128x26xi32, #tpu.memory_space<vmem>>[vector<16xi32>, vector<16xi32>], vector<16xi32>,
      %add3A_1540 = arith.addi %gather3A_1539, %get3A_1499 : vector<16xi32>
      %swap3A_1541 = arith.constant 19 : i32
      %swap3A_1542 = arith.index_cast %swap3A_1541 : i32 to index
      %swap3A_1543 = arith.constant 64 : index
      %swap3A_1544 = tpu.vector_load %arg7[%swap3A_1542, %swap3A_1543] {strides = array<i32>} : memref<26x128xi32, #tpu.memory_space<vmem>>, vector<16xi32>,
      tpu.vector_store %arg7[%swap3A_1542, %swap3A_1543], %add3A_1540 {strides = array<i32>} : memref<26x128xi32, #tpu.memory_space<vmem>>, vector<16xi32>,
      %add3A_1545 = arith.constant 80 : i32
      %add3A_1546 = vector.broadcast %add3A_1545 : i32 to vector<16xi32>
      %add3A_1547 = arith.addi %iota3A, %add3A_1546 : vector<16xi32>
      %gather3A_1548 = tpu.vector_load_idx %arg6[%add3A_1547, %broadcast_in_dim3A_1495] : memref<128x26xi32, #tpu.memory_space<vmem>>[vector<16xi32>, vector<16xi32>], vector<16xi32>,
      %add3A_1549 = arith.addi %gather3A_1548, %get3A_1499 : vector<16xi32>
      %swap3A_1550 = arith.constant 19 : i32
      %swap3A_1551 = arith.index_cast %swap3A_1550 : i32 to index
      %swap3A_1552 = arith.constant 80 : index
      %swap3A_1553 = tpu.vector_load %arg7[%swap3A_1551, %swap3A_1552] {strides = array<i32>} : memref<26x128xi32, #tpu.memory_space<vmem>>, vector<16xi32>,
      tpu.vector_store %arg7[%swap3A_1551, %swap3A_1552], %add3A_1549 {strides = array<i32>} : memref<26x128xi32, #tpu.memory_space<vmem>>, vector<16xi32>,
      %add3A_1554 = arith.constant 96 : i32
      %add3A_1555 = vector.broadcast %add3A_1554 : i32 to vector<16xi32>
      %add3A_1556 = arith.addi %iota3A, %add3A_1555 : vector<16xi32>
      %gather3A_1557 = tpu.vector_load_idx %arg6[%add3A_1556, %broadcast_in_dim3A_1495] : memref<128x26xi32, #tpu.memory_space<vmem>>[vector<16xi32>, vector<16xi32>], vector<16xi32>,
      %add3A_1558 = arith.addi %gather3A_1557, %get3A_1499 : vector<16xi32>
      %swap3A_1559 = arith.constant 19 : i32
      %swap3A_1560 = arith.index_cast %swap3A_1559 : i32 to index
      %swap3A_1561 = arith.constant 96 : index
      %swap3A_1562 = tpu.vector_load %arg7[%swap3A_1560, %swap3A_1561] {strides = array<i32>} : memref<26x128xi32, #tpu.memory_space<vmem>>, vector<16xi32>,
      tpu.vector_store %arg7[%swap3A_1560, %swap3A_1561], %add3A_1558 {strides = array<i32>} : memref<26x128xi32, #tpu.memory_space<vmem>>, vector<16xi32>,
      %add3A_1563 = arith.constant 112 : i32
      %add3A_1564 = vector.broadcast %add3A_1563 : i32 to vector<16xi32>
      %add3A_1565 = arith.addi %iota3A, %add3A_1564 : vector<16xi32>
      %gather3A_1566 = tpu.vector_load_idx %arg6[%add3A_1565, %broadcast_in_dim3A_1495] : memref<128x26xi32, #tpu.memory_space<vmem>>[vector<16xi32>, vector<16xi32>], vector<16xi32>,
      %add3A_1567 = arith.addi %gather3A_1566, %get3A_1499 : vector<16xi32>
      %swap3A_1568 = arith.constant 19 : i32
      %swap3A_1569 = arith.index_cast %swap3A_1568 : i32 to index
      %swap3A_1570 = arith.constant 112 : index
      %swap3A_1571 = tpu.vector_load %arg7[%swap3A_1569, %swap3A_1570] {strides = array<i32>} : memref<26x128xi32, #tpu.memory_space<vmem>>, vector<16xi32>,
      tpu.vector_store %arg7[%swap3A_1569, %swap3A_1570], %add3A_1567 {strides = array<i32>} : memref<26x128xi32, #tpu.memory_space<vmem>>, vector<16xi32>,
      %broadcast_in_dim3A_1572 = arith.constant 20 : i32
      %broadcast_in_dim3A_1573 = vector.broadcast %broadcast_in_dim3A_1572 : i32 to vector<16xi32>
      %get3A_1574 = arith.constant 20 : i32
      %get3A_1575 = arith.index_cast %get3A_1574 : i32 to index
      %get3A_1576 = arith.constant 0 : index
      %get3A_1577 = tpu.vector_load %arg10[%get3A_1575, %get3A_1576] {strides = array<i32>} : memref<26x16xi32, #tpu.memory_space<vmem>>, vector<16xi32>,
      %add3A_1578 = arith.constant 0 : i32
      %add3A_1579 = vector.broadcast %add3A_1578 : i32 to vector<16xi32>
      %add3A_1580 = arith.addi %iota3A, %add3A_1579 : vector<16xi32>
      %gather3A_1581 = tpu.vector_load_idx %arg6[%add3A_1580, %broadcast_in_dim3A_1573] : memref<128x26xi32, #tpu.memory_space<vmem>>[vector<16xi32>, vector<16xi32>], vector<16xi32>,
      %add3A_1582 = arith.addi %gather3A_1581, %get3A_1577 : vector<16xi32>
      %swap3A_1583 = arith.constant 20 : i32
      %swap3A_1584 = arith.index_cast %swap3A_1583 : i32 to index
      %swap3A_1585 = arith.constant 0 : index
      %swap3A_1586 = tpu.vector_load %arg7[%swap3A_1584, %swap3A_1585] {strides = array<i32>} : memref<26x128xi32, #tpu.memory_space<vmem>>, vector<16xi32>,
      tpu.vector_store %arg7[%swap3A_1584, %swap3A_1585], %add3A_1582 {strides = array<i32>} : memref<26x128xi32, #tpu.memory_space<vmem>>, vector<16xi32>,
      %add3A_1587 = arith.constant 16 : i32
      %add3A_1588 = vector.broadcast %add3A_1587 : i32 to vector<16xi32>
      %add3A_1589 = arith.addi %iota3A, %add3A_1588 : vector<16xi32>
      %gather3A_1590 = tpu.vector_load_idx %arg6[%add3A_1589, %broadcast_in_dim3A_1573] : memref<128x26xi32, #tpu.memory_space<vmem>>[vector<16xi32>, vector<16xi32>], vector<16xi32>,
      %add3A_1591 = arith.addi %gather3A_1590, %get3A_1577 : vector<16xi32>
      %swap3A_1592 = arith.constant 20 : i32
      %swap3A_1593 = arith.index_cast %swap3A_1592 : i32 to index
      %swap3A_1594 = arith.constant 16 : index
      %swap3A_1595 = tpu.vector_load %arg7[%swap3A_1593, %swap3A_1594] {strides = array<i32>} : memref<26x128xi32, #tpu.memory_space<vmem>>, vector<16xi32>,
      tpu.vector_store %arg7[%swap3A_1593, %swap3A_1594], %add3A_1591 {strides = array<i32>} : memref<26x128xi32, #tpu.memory_space<vmem>>, vector<16xi32>,
      %add3A_1596 = arith.constant 32 : i32
      %add3A_1597 = vector.broadcast %add3A_1596 : i32 to vector<16xi32>
      %add3A_1598 = arith.addi %iota3A, %add3A_1597 : vector<16xi32>
      %gather3A_1599 = tpu.vector_load_idx %arg6[%add3A_1598, %broadcast_in_dim3A_1573] : memref<128x26xi32, #tpu.memory_space<vmem>>[vector<16xi32>, vector<16xi32>], vector<16xi32>,
      %add3A_1600 = arith.addi %gather3A_1599, %get3A_1577 : vector<16xi32>
      %swap3A_1601 = arith.constant 20 : i32
      %swap3A_1602 = arith.index_cast %swap3A_1601 : i32 to index
      %swap3A_1603 = arith.constant 32 : index
      %swap3A_1604 = tpu.vector_load %arg7[%swap3A_1602, %swap3A_1603] {strides = array<i32>} : memref<26x128xi32, #tpu.memory_space<vmem>>, vector<16xi32>,
      tpu.vector_store %arg7[%swap3A_1602, %swap3A_1603], %add3A_1600 {strides = array<i32>} : memref<26x128xi32, #tpu.memory_space<vmem>>, vector<16xi32>,
      %add3A_1605 = arith.constant 48 : i32
      %add3A_1606 = vector.broadcast %add3A_1605 : i32 to vector<16xi32>
      %add3A_1607 = arith.addi %iota3A, %add3A_1606 : vector<16xi32>
      %gather3A_1608 = tpu.vector_load_idx %arg6[%add3A_1607, %broadcast_in_dim3A_1573] : memref<128x26xi32, #tpu.memory_space<vmem>>[vector<16xi32>, vector<16xi32>], vector<16xi32>,
      %add3A_1609 = arith.addi %gather3A_1608, %get3A_1577 : vector<16xi32>
      %swap3A_1610 = arith.constant 20 : i32
      %swap3A_1611 = arith.index_cast %swap3A_1610 : i32 to index
      %swap3A_1612 = arith.constant 48 : index
      %swap3A_1613 = tpu.vector_load %arg7[%swap3A_1611, %swap3A_1612] {strides = array<i32>} : memref<26x128xi32, #tpu.memory_space<vmem>>, vector<16xi32>,
      tpu.vector_store %arg7[%swap3A_1611, %swap3A_1612], %add3A_1609 {strides = array<i32>} : memref<26x128xi32, #tpu.memory_space<vmem>>, vector<16xi32>,
      %add3A_1614 = arith.constant 64 : i32
      %add3A_1615 = vector.broadcast %add3A_1614 : i32 to vector<16xi32>
      %add3A_1616 = arith.addi %iota3A, %add3A_1615 : vector<16xi32>
      %gather3A_1617 = tpu.vector_load_idx %arg6[%add3A_1616, %broadcast_in_dim3A_1573] : memref<128x26xi32, #tpu.memory_space<vmem>>[vector<16xi32>, vector<16xi32>], vector<16xi32>,
      %add3A_1618 = arith.addi %gather3A_1617, %get3A_1577 : vector<16xi32>
      %swap3A_1619 = arith.constant 20 : i32
      %swap3A_1620 = arith.index_cast %swap3A_1619 : i32 to index
      %swap3A_1621 = arith.constant 64 : index
      %swap3A_1622 = tpu.vector_load %arg7[%swap3A_1620, %swap3A_1621] {strides = array<i32>} : memref<26x128xi32, #tpu.memory_space<vmem>>, vector<16xi32>,
      tpu.vector_store %arg7[%swap3A_1620, %swap3A_1621], %add3A_1618 {strides = array<i32>} : memref<26x128xi32, #tpu.memory_space<vmem>>, vector<16xi32>,
      %add3A_1623 = arith.constant 80 : i32
      %add3A_1624 = vector.broadcast %add3A_1623 : i32 to vector<16xi32>
      %add3A_1625 = arith.addi %iota3A, %add3A_1624 : vector<16xi32>
      %gather3A_1626 = tpu.vector_load_idx %arg6[%add3A_1625, %broadcast_in_dim3A_1573] : memref<128x26xi32, #tpu.memory_space<vmem>>[vector<16xi32>, vector<16xi32>], vector<16xi32>,
      %add3A_1627 = arith.addi %gather3A_1626, %get3A_1577 : vector<16xi32>
      %swap3A_1628 = arith.constant 20 : i32
      %swap3A_1629 = arith.index_cast %swap3A_1628 : i32 to index
      %swap3A_1630 = arith.constant 80 : index
      %swap3A_1631 = tpu.vector_load %arg7[%swap3A_1629, %swap3A_1630] {strides = array<i32>} : memref<26x128xi32, #tpu.memory_space<vmem>>, vector<16xi32>,
      tpu.vector_store %arg7[%swap3A_1629, %swap3A_1630], %add3A_1627 {strides = array<i32>} : memref<26x128xi32, #tpu.memory_space<vmem>>, vector<16xi32>,
      %add3A_1632 = arith.constant 96 : i32
      %add3A_1633 = vector.broadcast %add3A_1632 : i32 to vector<16xi32>
      %add3A_1634 = arith.addi %iota3A, %add3A_1633 : vector<16xi32>
      %gather3A_1635 = tpu.vector_load_idx %arg6[%add3A_1634, %broadcast_in_dim3A_1573] : memref<128x26xi32, #tpu.memory_space<vmem>>[vector<16xi32>, vector<16xi32>], vector<16xi32>,
      %add3A_1636 = arith.addi %gather3A_1635, %get3A_1577 : vector<16xi32>
      %swap3A_1637 = arith.constant 20 : i32
      %swap3A_1638 = arith.index_cast %swap3A_1637 : i32 to index
      %swap3A_1639 = arith.constant 96 : index
      %swap3A_1640 = tpu.vector_load %arg7[%swap3A_1638, %swap3A_1639] {strides = array<i32>} : memref<26x128xi32, #tpu.memory_space<vmem>>, vector<16xi32>,
      tpu.vector_store %arg7[%swap3A_1638, %swap3A_1639], %add3A_1636 {strides = array<i32>} : memref<26x128xi32, #tpu.memory_space<vmem>>, vector<16xi32>,
      %add3A_1641 = arith.constant 112 : i32
      %add3A_1642 = vector.broadcast %add3A_1641 : i32 to vector<16xi32>
      %add3A_1643 = arith.addi %iota3A, %add3A_1642 : vector<16xi32>
      %gather3A_1644 = tpu.vector_load_idx %arg6[%add3A_1643, %broadcast_in_dim3A_1573] : memref<128x26xi32, #tpu.memory_space<vmem>>[vector<16xi32>, vector<16xi32>], vector<16xi32>,
      %add3A_1645 = arith.addi %gather3A_1644, %get3A_1577 : vector<16xi32>
      %swap3A_1646 = arith.constant 20 : i32
      %swap3A_1647 = arith.index_cast %swap3A_1646 : i32 to index
      %swap3A_1648 = arith.constant 112 : index
      %swap3A_1649 = tpu.vector_load %arg7[%swap3A_1647, %swap3A_1648] {strides = array<i32>} : memref<26x128xi32, #tpu.memory_space<vmem>>, vector<16xi32>,
      tpu.vector_store %arg7[%swap3A_1647, %swap3A_1648], %add3A_1645 {strides = array<i32>} : memref<26x128xi32, #tpu.memory_space<vmem>>, vector<16xi32>,
      %broadcast_in_dim3A_1650 = arith.constant 21 : i32
      %broadcast_in_dim3A_1651 = vector.broadcast %broadcast_in_dim3A_1650 : i32 to vector<16xi32>
      %get3A_1652 = arith.constant 21 : i32
      %get3A_1653 = arith.index_cast %get3A_1652 : i32 to index
      %get3A_1654 = arith.constant 0 : index
      %get3A_1655 = tpu.vector_load %arg10[%get3A_1653, %get3A_1654] {strides = array<i32>} : memref<26x16xi32, #tpu.memory_space<vmem>>, vector<16xi32>,
      %add3A_1656 = arith.constant 0 : i32
      %add3A_1657 = vector.broadcast %add3A_1656 : i32 to vector<16xi32>
      %add3A_1658 = arith.addi %iota3A, %add3A_1657 : vector<16xi32>
      %gather3A_1659 = tpu.vector_load_idx %arg6[%add3A_1658, %broadcast_in_dim3A_1651] : memref<128x26xi32, #tpu.memory_space<vmem>>[vector<16xi32>, vector<16xi32>], vector<16xi32>,
      %add3A_1660 = arith.addi %gather3A_1659, %get3A_1655 : vector<16xi32>
      %swap3A_1661 = arith.constant 21 : i32
      %swap3A_1662 = arith.index_cast %swap3A_1661 : i32 to index
      %swap3A_1663 = arith.constant 0 : index
      %swap3A_1664 = tpu.vector_load %arg7[%swap3A_1662, %swap3A_1663] {strides = array<i32>} : memref<26x128xi32, #tpu.memory_space<vmem>>, vector<16xi32>,
      tpu.vector_store %arg7[%swap3A_1662, %swap3A_1663], %add3A_1660 {strides = array<i32>} : memref<26x128xi32, #tpu.memory_space<vmem>>, vector<16xi32>,
      %add3A_1665 = arith.constant 16 : i32
      %add3A_1666 = vector.broadcast %add3A_1665 : i32 to vector<16xi32>
      %add3A_1667 = arith.addi %iota3A, %add3A_1666 : vector<16xi32>
      %gather3A_1668 = tpu.vector_load_idx %arg6[%add3A_1667, %broadcast_in_dim3A_1651] : memref<128x26xi32, #tpu.memory_space<vmem>>[vector<16xi32>, vector<16xi32>], vector<16xi32>,
      %add3A_1669 = arith.addi %gather3A_1668, %get3A_1655 : vector<16xi32>
      %swap3A_1670 = arith.constant 21 : i32
      %swap3A_1671 = arith.index_cast %swap3A_1670 : i32 to index
      %swap3A_1672 = arith.constant 16 : index
      %swap3A_1673 = tpu.vector_load %arg7[%swap3A_1671, %swap3A_1672] {strides = array<i32>} : memref<26x128xi32, #tpu.memory_space<vmem>>, vector<16xi32>,
      tpu.vector_store %arg7[%swap3A_1671, %swap3A_1672], %add3A_1669 {strides = array<i32>} : memref<26x128xi32, #tpu.memory_space<vmem>>, vector<16xi32>,
      %add3A_1674 = arith.constant 32 : i32
      %add3A_1675 = vector.broadcast %add3A_1674 : i32 to vector<16xi32>
      %add3A_1676 = arith.addi %iota3A, %add3A_1675 : vector<16xi32>
      %gather3A_1677 = tpu.vector_load_idx %arg6[%add3A_1676, %broadcast_in_dim3A_1651] : memref<128x26xi32, #tpu.memory_space<vmem>>[vector<16xi32>, vector<16xi32>], vector<16xi32>,
      %add3A_1678 = arith.addi %gather3A_1677, %get3A_1655 : vector<16xi32>
      %swap3A_1679 = arith.constant 21 : i32
      %swap3A_1680 = arith.index_cast %swap3A_1679 : i32 to index
      %swap3A_1681 = arith.constant 32 : index
      %swap3A_1682 = tpu.vector_load %arg7[%swap3A_1680, %swap3A_1681] {strides = array<i32>} : memref<26x128xi32, #tpu.memory_space<vmem>>, vector<16xi32>,
      tpu.vector_store %arg7[%swap3A_1680, %swap3A_1681], %add3A_1678 {strides = array<i32>} : memref<26x128xi32, #tpu.memory_space<vmem>>, vector<16xi32>,
      %add3A_1683 = arith.constant 48 : i32
      %add3A_1684 = vector.broadcast %add3A_1683 : i32 to vector<16xi32>
      %add3A_1685 = arith.addi %iota3A, %add3A_1684 : vector<16xi32>
      %gather3A_1686 = tpu.vector_load_idx %arg6[%add3A_1685, %broadcast_in_dim3A_1651] : memref<128x26xi32, #tpu.memory_space<vmem>>[vector<16xi32>, vector<16xi32>], vector<16xi32>,
      %add3A_1687 = arith.addi %gather3A_1686, %get3A_1655 : vector<16xi32>
      %swap3A_1688 = arith.constant 21 : i32
      %swap3A_1689 = arith.index_cast %swap3A_1688 : i32 to index
      %swap3A_1690 = arith.constant 48 : index
      %swap3A_1691 = tpu.vector_load %arg7[%swap3A_1689, %swap3A_1690] {strides = array<i32>} : memref<26x128xi32, #tpu.memory_space<vmem>>, vector<16xi32>,
      tpu.vector_store %arg7[%swap3A_1689, %swap3A_1690], %add3A_1687 {strides = array<i32>} : memref<26x128xi32, #tpu.memory_space<vmem>>, vector<16xi32>,
      %add3A_1692 = arith.constant 64 : i32
      %add3A_1693 = vector.broadcast %add3A_1692 : i32 to vector<16xi32>
      %add3A_1694 = arith.addi %iota3A, %add3A_1693 : vector<16xi32>
      %gather3A_1695 = tpu.vector_load_idx %arg6[%add3A_1694, %broadcast_in_dim3A_1651] : memref<128x26xi32, #tpu.memory_space<vmem>>[vector<16xi32>, vector<16xi32>], vector<16xi32>,
      %add3A_1696 = arith.addi %gather3A_1695, %get3A_1655 : vector<16xi32>
      %swap3A_1697 = arith.constant 21 : i32
      %swap3A_1698 = arith.index_cast %swap3A_1697 : i32 to index
      %swap3A_1699 = arith.constant 64 : index
      %swap3A_1700 = tpu.vector_load %arg7[%swap3A_1698, %swap3A_1699] {strides = array<i32>} : memref<26x128xi32, #tpu.memory_space<vmem>>, vector<16xi32>,
      tpu.vector_store %arg7[%swap3A_1698, %swap3A_1699], %add3A_1696 {strides = array<i32>} : memref<26x128xi32, #tpu.memory_space<vmem>>, vector<16xi32>,
      %add3A_1701 = arith.constant 80 : i32
      %add3A_1702 = vector.broadcast %add3A_1701 : i32 to vector<16xi32>
      %add3A_1703 = arith.addi %iota3A, %add3A_1702 : vector<16xi32>
      %gather3A_1704 = tpu.vector_load_idx %arg6[%add3A_1703, %broadcast_in_dim3A_1651] : memref<128x26xi32, #tpu.memory_space<vmem>>[vector<16xi32>, vector<16xi32>], vector<16xi32>,
      %add3A_1705 = arith.addi %gather3A_1704, %get3A_1655 : vector<16xi32>
      %swap3A_1706 = arith.constant 21 : i32
      %swap3A_1707 = arith.index_cast %swap3A_1706 : i32 to index
      %swap3A_1708 = arith.constant 80 : index
      %swap3A_1709 = tpu.vector_load %arg7[%swap3A_1707, %swap3A_1708] {strides = array<i32>} : memref<26x128xi32, #tpu.memory_space<vmem>>, vector<16xi32>,
      tpu.vector_store %arg7[%swap3A_1707, %swap3A_1708], %add3A_1705 {strides = array<i32>} : memref<26x128xi32, #tpu.memory_space<vmem>>, vector<16xi32>,
      %add3A_1710 = arith.constant 96 : i32
      %add3A_1711 = vector.broadcast %add3A_1710 : i32 to vector<16xi32>
      %add3A_1712 = arith.addi %iota3A, %add3A_1711 : vector<16xi32>
      %gather3A_1713 = tpu.vector_load_idx %arg6[%add3A_1712, %broadcast_in_dim3A_1651] : memref<128x26xi32, #tpu.memory_space<vmem>>[vector<16xi32>, vector<16xi32>], vector<16xi32>,
      %add3A_1714 = arith.addi %gather3A_1713, %get3A_1655 : vector<16xi32>
      %swap3A_1715 = arith.constant 21 : i32
      %swap3A_1716 = arith.index_cast %swap3A_1715 : i32 to index
      %swap3A_1717 = arith.constant 96 : index
      %swap3A_1718 = tpu.vector_load %arg7[%swap3A_1716, %swap3A_1717] {strides = array<i32>} : memref<26x128xi32, #tpu.memory_space<vmem>>, vector<16xi32>,
      tpu.vector_store %arg7[%swap3A_1716, %swap3A_1717], %add3A_1714 {strides = array<i32>} : memref<26x128xi32, #tpu.memory_space<vmem>>, vector<16xi32>,
      %add3A_1719 = arith.constant 112 : i32
      %add3A_1720 = vector.broadcast %add3A_1719 : i32 to vector<16xi32>
      %add3A_1721 = arith.addi %iota3A, %add3A_1720 : vector<16xi32>
      %gather3A_1722 = tpu.vector_load_idx %arg6[%add3A_1721, %broadcast_in_dim3A_1651] : memref<128x26xi32, #tpu.memory_space<vmem>>[vector<16xi32>, vector<16xi32>], vector<16xi32>,
      %add3A_1723 = arith.addi %gather3A_1722, %get3A_1655 : vector<16xi32>
      %swap3A_1724 = arith.constant 21 : i32
      %swap3A_1725 = arith.index_cast %swap3A_1724 : i32 to index
      %swap3A_1726 = arith.constant 112 : index
      %swap3A_1727 = tpu.vector_load %arg7[%swap3A_1725, %swap3A_1726] {strides = array<i32>} : memref<26x128xi32, #tpu.memory_space<vmem>>, vector<16xi32>,
      tpu.vector_store %arg7[%swap3A_1725, %swap3A_1726], %add3A_1723 {strides = array<i32>} : memref<26x128xi32, #tpu.memory_space<vmem>>, vector<16xi32>,
      %broadcast_in_dim3A_1728 = arith.constant 22 : i32
      %broadcast_in_dim3A_1729 = vector.broadcast %broadcast_in_dim3A_1728 : i32 to vector<16xi32>
      %get3A_1730 = arith.constant 22 : i32
      %get3A_1731 = arith.index_cast %get3A_1730 : i32 to index
      %get3A_1732 = arith.constant 0 : index
      %get3A_1733 = tpu.vector_load %arg10[%get3A_1731, %get3A_1732] {strides = array<i32>} : memref<26x16xi32, #tpu.memory_space<vmem>>, vector<16xi32>,
      %add3A_1734 = arith.constant 0 : i32
      %add3A_1735 = vector.broadcast %add3A_1734 : i32 to vector<16xi32>
      %add3A_1736 = arith.addi %iota3A, %add3A_1735 : vector<16xi32>
      %gather3A_1737 = tpu.vector_load_idx %arg6[%add3A_1736, %broadcast_in_dim3A_1729] : memref<128x26xi32, #tpu.memory_space<vmem>>[vector<16xi32>, vector<16xi32>], vector<16xi32>,
      %add3A_1738 = arith.addi %gather3A_1737, %get3A_1733 : vector<16xi32>
      %swap3A_1739 = arith.constant 22 : i32
      %swap3A_1740 = arith.index_cast %swap3A_1739 : i32 to index
      %swap3A_1741 = arith.constant 0 : index
      %swap3A_1742 = tpu.vector_load %arg7[%swap3A_1740, %swap3A_1741] {strides = array<i32>} : memref<26x128xi32, #tpu.memory_space<vmem>>, vector<16xi32>,
      tpu.vector_store %arg7[%swap3A_1740, %swap3A_1741], %add3A_1738 {strides = array<i32>} : memref<26x128xi32, #tpu.memory_space<vmem>>, vector<16xi32>,
      %add3A_1743 = arith.constant 16 : i32
      %add3A_1744 = vector.broadcast %add3A_1743 : i32 to vector<16xi32>
      %add3A_1745 = arith.addi %iota3A, %add3A_1744 : vector<16xi32>
      %gather3A_1746 = tpu.vector_load_idx %arg6[%add3A_1745, %broadcast_in_dim3A_1729] : memref<128x26xi32, #tpu.memory_space<vmem>>[vector<16xi32>, vector<16xi32>], vector<16xi32>,
      %add3A_1747 = arith.addi %gather3A_1746, %get3A_1733 : vector<16xi32>
      %swap3A_1748 = arith.constant 22 : i32
      %swap3A_1749 = arith.index_cast %swap3A_1748 : i32 to index
      %swap3A_1750 = arith.constant 16 : index
      %swap3A_1751 = tpu.vector_load %arg7[%swap3A_1749, %swap3A_1750] {strides = array<i32>} : memref<26x128xi32, #tpu.memory_space<vmem>>, vector<16xi32>,
      tpu.vector_store %arg7[%swap3A_1749, %swap3A_1750], %add3A_1747 {strides = array<i32>} : memref<26x128xi32, #tpu.memory_space<vmem>>, vector<16xi32>,
      %add3A_1752 = arith.constant 32 : i32
      %add3A_1753 = vector.broadcast %add3A_1752 : i32 to vector<16xi32>
      %add3A_1754 = arith.addi %iota3A, %add3A_1753 : vector<16xi32>
      %gather3A_1755 = tpu.vector_load_idx %arg6[%add3A_1754, %broadcast_in_dim3A_1729] : memref<128x26xi32, #tpu.memory_space<vmem>>[vector<16xi32>, vector<16xi32>], vector<16xi32>,
      %add3A_1756 = arith.addi %gather3A_1755, %get3A_1733 : vector<16xi32>
      %swap3A_1757 = arith.constant 22 : i32
      %swap3A_1758 = arith.index_cast %swap3A_1757 : i32 to index
      %swap3A_1759 = arith.constant 32 : index
      %swap3A_1760 = tpu.vector_load %arg7[%swap3A_1758, %swap3A_1759] {strides = array<i32>} : memref<26x128xi32, #tpu.memory_space<vmem>>, vector<16xi32>,
      tpu.vector_store %arg7[%swap3A_1758, %swap3A_1759], %add3A_1756 {strides = array<i32>} : memref<26x128xi32, #tpu.memory_space<vmem>>, vector<16xi32>,
      %add3A_1761 = arith.constant 48 : i32
      %add3A_1762 = vector.broadcast %add3A_1761 : i32 to vector<16xi32>
      %add3A_1763 = arith.addi %iota3A, %add3A_1762 : vector<16xi32>
      %gather3A_1764 = tpu.vector_load_idx %arg6[%add3A_1763, %broadcast_in_dim3A_1729] : memref<128x26xi32, #tpu.memory_space<vmem>>[vector<16xi32>, vector<16xi32>], vector<16xi32>,
      %add3A_1765 = arith.addi %gather3A_1764, %get3A_1733 : vector<16xi32>
      %swap3A_1766 = arith.constant 22 : i32
      %swap3A_1767 = arith.index_cast %swap3A_1766 : i32 to index
      %swap3A_1768 = arith.constant 48 : index
      %swap3A_1769 = tpu.vector_load %arg7[%swap3A_1767, %swap3A_1768] {strides = array<i32>} : memref<26x128xi32, #tpu.memory_space<vmem>>, vector<16xi32>,
      tpu.vector_store %arg7[%swap3A_1767, %swap3A_1768], %add3A_1765 {strides = array<i32>} : memref<26x128xi32, #tpu.memory_space<vmem>>, vector<16xi32>,
      %add3A_1770 = arith.constant 64 : i32
      %add3A_1771 = vector.broadcast %add3A_1770 : i32 to vector<16xi32>
      %add3A_1772 = arith.addi %iota3A, %add3A_1771 : vector<16xi32>
      %gather3A_1773 = tpu.vector_load_idx %arg6[%add3A_1772, %broadcast_in_dim3A_1729] : memref<128x26xi32, #tpu.memory_space<vmem>>[vector<16xi32>, vector<16xi32>], vector<16xi32>,
      %add3A_1774 = arith.addi %gather3A_1773, %get3A_1733 : vector<16xi32>
      %swap3A_1775 = arith.constant 22 : i32
      %swap3A_1776 = arith.index_cast %swap3A_1775 : i32 to index
      %swap3A_1777 = arith.constant 64 : index
      %swap3A_1778 = tpu.vector_load %arg7[%swap3A_1776, %swap3A_1777] {strides = array<i32>} : memref<26x128xi32, #tpu.memory_space<vmem>>, vector<16xi32>,
      tpu.vector_store %arg7[%swap3A_1776, %swap3A_1777], %add3A_1774 {strides = array<i32>} : memref<26x128xi32, #tpu.memory_space<vmem>>, vector<16xi32>,
      %add3A_1779 = arith.constant 80 : i32
      %add3A_1780 = vector.broadcast %add3A_1779 : i32 to vector<16xi32>
      %add3A_1781 = arith.addi %iota3A, %add3A_1780 : vector<16xi32>
      %gather3A_1782 = tpu.vector_load_idx %arg6[%add3A_1781, %broadcast_in_dim3A_1729] : memref<128x26xi32, #tpu.memory_space<vmem>>[vector<16xi32>, vector<16xi32>], vector<16xi32>,
      %add3A_1783 = arith.addi %gather3A_1782, %get3A_1733 : vector<16xi32>
      %swap3A_1784 = arith.constant 22 : i32
      %swap3A_1785 = arith.index_cast %swap3A_1784 : i32 to index
      %swap3A_1786 = arith.constant 80 : index
      %swap3A_1787 = tpu.vector_load %arg7[%swap3A_1785, %swap3A_1786] {strides = array<i32>} : memref<26x128xi32, #tpu.memory_space<vmem>>, vector<16xi32>,
      tpu.vector_store %arg7[%swap3A_1785, %swap3A_1786], %add3A_1783 {strides = array<i32>} : memref<26x128xi32, #tpu.memory_space<vmem>>, vector<16xi32>,
      %add3A_1788 = arith.constant 96 : i32
      %add3A_1789 = vector.broadcast %add3A_1788 : i32 to vector<16xi32>
      %add3A_1790 = arith.addi %iota3A, %add3A_1789 : vector<16xi32>
      %gather3A_1791 = tpu.vector_load_idx %arg6[%add3A_1790, %broadcast_in_dim3A_1729] : memref<128x26xi32, #tpu.memory_space<vmem>>[vector<16xi32>, vector<16xi32>], vector<16xi32>,
      %add3A_1792 = arith.addi %gather3A_1791, %get3A_1733 : vector<16xi32>
      %swap3A_1793 = arith.constant 22 : i32
      %swap3A_1794 = arith.index_cast %swap3A_1793 : i32 to index
      %swap3A_1795 = arith.constant 96 : index
      %swap3A_1796 = tpu.vector_load %arg7[%swap3A_1794, %swap3A_1795] {strides = array<i32>} : memref<26x128xi32, #tpu.memory_space<vmem>>, vector<16xi32>,
      tpu.vector_store %arg7[%swap3A_1794, %swap3A_1795], %add3A_1792 {strides = array<i32>} : memref<26x128xi32, #tpu.memory_space<vmem>>, vector<16xi32>,
      %add3A_1797 = arith.constant 112 : i32
      %add3A_1798 = vector.broadcast %add3A_1797 : i32 to vector<16xi32>
      %add3A_1799 = arith.addi %iota3A, %add3A_1798 : vector<16xi32>
      %gather3A_1800 = tpu.vector_load_idx %arg6[%add3A_1799, %broadcast_in_dim3A_1729] : memref<128x26xi32, #tpu.memory_space<vmem>>[vector<16xi32>, vector<16xi32>], vector<16xi32>,
      %add3A_1801 = arith.addi %gather3A_1800, %get3A_1733 : vector<16xi32>
      %swap3A_1802 = arith.constant 22 : i32
      %swap3A_1803 = arith.index_cast %swap3A_1802 : i32 to index
      %swap3A_1804 = arith.constant 112 : index
      %swap3A_1805 = tpu.vector_load %arg7[%swap3A_1803, %swap3A_1804] {strides = array<i32>} : memref<26x128xi32, #tpu.memory_space<vmem>>, vector<16xi32>,
      tpu.vector_store %arg7[%swap3A_1803, %swap3A_1804], %add3A_1801 {strides = array<i32>} : memref<26x128xi32, #tpu.memory_space<vmem>>, vector<16xi32>,
      %broadcast_in_dim3A_1806 = arith.constant 23 : i32
      %broadcast_in_dim3A_1807 = vector.broadcast %broadcast_in_dim3A_1806 : i32 to vector<16xi32>
      %get3A_1808 = arith.constant 23 : i32
      %get3A_1809 = arith.index_cast %get3A_1808 : i32 to index
      %get3A_1810 = arith.constant 0 : index
      %get3A_1811 = tpu.vector_load %arg10[%get3A_1809, %get3A_1810] {strides = array<i32>} : memref<26x16xi32, #tpu.memory_space<vmem>>, vector<16xi32>,
      %add3A_1812 = arith.constant 0 : i32
      %add3A_1813 = vector.broadcast %add3A_1812 : i32 to vector<16xi32>
      %add3A_1814 = arith.addi %iota3A, %add3A_1813 : vector<16xi32>
      %gather3A_1815 = tpu.vector_load_idx %arg6[%add3A_1814, %broadcast_in_dim3A_1807] : memref<128x26xi32, #tpu.memory_space<vmem>>[vector<16xi32>, vector<16xi32>], vector<16xi32>,
      %add3A_1816 = arith.addi %gather3A_1815, %get3A_1811 : vector<16xi32>
      %swap3A_1817 = arith.constant 23 : i32
      %swap3A_1818 = arith.index_cast %swap3A_1817 : i32 to index
      %swap3A_1819 = arith.constant 0 : index
      %swap3A_1820 = tpu.vector_load %arg7[%swap3A_1818, %swap3A_1819] {strides = array<i32>} : memref<26x128xi32, #tpu.memory_space<vmem>>, vector<16xi32>,
      tpu.vector_store %arg7[%swap3A_1818, %swap3A_1819], %add3A_1816 {strides = array<i32>} : memref<26x128xi32, #tpu.memory_space<vmem>>, vector<16xi32>,
      %add3A_1821 = arith.constant 16 : i32
      %add3A_1822 = vector.broadcast %add3A_1821 : i32 to vector<16xi32>
      %add3A_1823 = arith.addi %iota3A, %add3A_1822 : vector<16xi32>
      %gather3A_1824 = tpu.vector_load_idx %arg6[%add3A_1823, %broadcast_in_dim3A_1807] : memref<128x26xi32, #tpu.memory_space<vmem>>[vector<16xi32>, vector<16xi32>], vector<16xi32>,
      %add3A_1825 = arith.addi %gather3A_1824, %get3A_1811 : vector<16xi32>
      %swap3A_1826 = arith.constant 23 : i32
      %swap3A_1827 = arith.index_cast %swap3A_1826 : i32 to index
      %swap3A_1828 = arith.constant 16 : index
      %swap3A_1829 = tpu.vector_load %arg7[%swap3A_1827, %swap3A_1828] {strides = array<i32>} : memref<26x128xi32, #tpu.memory_space<vmem>>, vector<16xi32>,
      tpu.vector_store %arg7[%swap3A_1827, %swap3A_1828], %add3A_1825 {strides = array<i32>} : memref<26x128xi32, #tpu.memory_space<vmem>>, vector<16xi32>,
      %add3A_1830 = arith.constant 32 : i32
      %add3A_1831 = vector.broadcast %add3A_1830 : i32 to vector<16xi32>
      %add3A_1832 = arith.addi %iota3A, %add3A_1831 : vector<16xi32>
      %gather3A_1833 = tpu.vector_load_idx %arg6[%add3A_1832, %broadcast_in_dim3A_1807] : memref<128x26xi32, #tpu.memory_space<vmem>>[vector<16xi32>, vector<16xi32>], vector<16xi32>,
      %add3A_1834 = arith.addi %gather3A_1833, %get3A_1811 : vector<16xi32>
      %swap3A_1835 = arith.constant 23 : i32
      %swap3A_1836 = arith.index_cast %swap3A_1835 : i32 to index
      %swap3A_1837 = arith.constant 32 : index
      %swap3A_1838 = tpu.vector_load %arg7[%swap3A_1836, %swap3A_1837] {strides = array<i32>} : memref<26x128xi32, #tpu.memory_space<vmem>>, vector<16xi32>,
      tpu.vector_store %arg7[%swap3A_1836, %swap3A_1837], %add3A_1834 {strides = array<i32>} : memref<26x128xi32, #tpu.memory_space<vmem>>, vector<16xi32>,
      %add3A_1839 = arith.constant 48 : i32
      %add3A_1840 = vector.broadcast %add3A_1839 : i32 to vector<16xi32>
      %add3A_1841 = arith.addi %iota3A, %add3A_1840 : vector<16xi32>
      %gather3A_1842 = tpu.vector_load_idx %arg6[%add3A_1841, %broadcast_in_dim3A_1807] : memref<128x26xi32, #tpu.memory_space<vmem>>[vector<16xi32>, vector<16xi32>], vector<16xi32>,
      %add3A_1843 = arith.addi %gather3A_1842, %get3A_1811 : vector<16xi32>
      %swap3A_1844 = arith.constant 23 : i32
      %swap3A_1845 = arith.index_cast %swap3A_1844 : i32 to index
      %swap3A_1846 = arith.constant 48 : index
      %swap3A_1847 = tpu.vector_load %arg7[%swap3A_1845, %swap3A_1846] {strides = array<i32>} : memref<26x128xi32, #tpu.memory_space<vmem>>, vector<16xi32>,
      tpu.vector_store %arg7[%swap3A_1845, %swap3A_1846], %add3A_1843 {strides = array<i32>} : memref<26x128xi32, #tpu.memory_space<vmem>>, vector<16xi32>,
      %add3A_1848 = arith.constant 64 : i32
      %add3A_1849 = vector.broadcast %add3A_1848 : i32 to vector<16xi32>
      %add3A_1850 = arith.addi %iota3A, %add3A_1849 : vector<16xi32>
      %gather3A_1851 = tpu.vector_load_idx %arg6[%add3A_1850, %broadcast_in_dim3A_1807] : memref<128x26xi32, #tpu.memory_space<vmem>>[vector<16xi32>, vector<16xi32>], vector<16xi32>,
      %add3A_1852 = arith.addi %gather3A_1851, %get3A_1811 : vector<16xi32>
      %swap3A_1853 = arith.constant 23 : i32
      %swap3A_1854 = arith.index_cast %swap3A_1853 : i32 to index
      %swap3A_1855 = arith.constant 64 : index
      %swap3A_1856 = tpu.vector_load %arg7[%swap3A_1854, %swap3A_1855] {strides = array<i32>} : memref<26x128xi32, #tpu.memory_space<vmem>>, vector<16xi32>,
      tpu.vector_store %arg7[%swap3A_1854, %swap3A_1855], %add3A_1852 {strides = array<i32>} : memref<26x128xi32, #tpu.memory_space<vmem>>, vector<16xi32>,
      %add3A_1857 = arith.constant 80 : i32
      %add3A_1858 = vector.broadcast %add3A_1857 : i32 to vector<16xi32>
      %add3A_1859 = arith.addi %iota3A, %add3A_1858 : vector<16xi32>
      %gather3A_1860 = tpu.vector_load_idx %arg6[%add3A_1859, %broadcast_in_dim3A_1807] : memref<128x26xi32, #tpu.memory_space<vmem>>[vector<16xi32>, vector<16xi32>], vector<16xi32>,
      %add3A_1861 = arith.addi %gather3A_1860, %get3A_1811 : vector<16xi32>
      %swap3A_1862 = arith.constant 23 : i32
      %swap3A_1863 = arith.index_cast %swap3A_1862 : i32 to index
      %swap3A_1864 = arith.constant 80 : index
      %swap3A_1865 = tpu.vector_load %arg7[%swap3A_1863, %swap3A_1864] {strides = array<i32>} : memref<26x128xi32, #tpu.memory_space<vmem>>, vector<16xi32>,
      tpu.vector_store %arg7[%swap3A_1863, %swap3A_1864], %add3A_1861 {strides = array<i32>} : memref<26x128xi32, #tpu.memory_space<vmem>>, vector<16xi32>,
      %add3A_1866 = arith.constant 96 : i32
      %add3A_1867 = vector.broadcast %add3A_1866 : i32 to vector<16xi32>
      %add3A_1868 = arith.addi %iota3A, %add3A_1867 : vector<16xi32>
      %gather3A_1869 = tpu.vector_load_idx %arg6[%add3A_1868, %broadcast_in_dim3A_1807] : memref<128x26xi32, #tpu.memory_space<vmem>>[vector<16xi32>, vector<16xi32>], vector<16xi32>,
      %add3A_1870 = arith.addi %gather3A_1869, %get3A_1811 : vector<16xi32>
      %swap3A_1871 = arith.constant 23 : i32
      %swap3A_1872 = arith.index_cast %swap3A_1871 : i32 to index
      %swap3A_1873 = arith.constant 96 : index
      %swap3A_1874 = tpu.vector_load %arg7[%swap3A_1872, %swap3A_1873] {strides = array<i32>} : memref<26x128xi32, #tpu.memory_space<vmem>>, vector<16xi32>,
      tpu.vector_store %arg7[%swap3A_1872, %swap3A_1873], %add3A_1870 {strides = array<i32>} : memref<26x128xi32, #tpu.memory_space<vmem>>, vector<16xi32>,
      %add3A_1875 = arith.constant 112 : i32
      %add3A_1876 = vector.broadcast %add3A_1875 : i32 to vector<16xi32>
      %add3A_1877 = arith.addi %iota3A, %add3A_1876 : vector<16xi32>
      %gather3A_1878 = tpu.vector_load_idx %arg6[%add3A_1877, %broadcast_in_dim3A_1807] : memref<128x26xi32, #tpu.memory_space<vmem>>[vector<16xi32>, vector<16xi32>], vector<16xi32>,
      %add3A_1879 = arith.addi %gather3A_1878, %get3A_1811 : vector<16xi32>
      %swap3A_1880 = arith.constant 23 : i32
      %swap3A_1881 = arith.index_cast %swap3A_1880 : i32 to index
      %swap3A_1882 = arith.constant 112 : index
      %swap3A_1883 = tpu.vector_load %arg7[%swap3A_1881, %swap3A_1882] {strides = array<i32>} : memref<26x128xi32, #tpu.memory_space<vmem>>, vector<16xi32>,
      tpu.vector_store %arg7[%swap3A_1881, %swap3A_1882], %add3A_1879 {strides = array<i32>} : memref<26x128xi32, #tpu.memory_space<vmem>>, vector<16xi32>,
      %broadcast_in_dim3A_1884 = arith.constant 24 : i32
      %broadcast_in_dim3A_1885 = vector.broadcast %broadcast_in_dim3A_1884 : i32 to vector<16xi32>
      %get3A_1886 = arith.constant 24 : i32
      %get3A_1887 = arith.index_cast %get3A_1886 : i32 to index
      %get3A_1888 = arith.constant 0 : index
      %get3A_1889 = tpu.vector_load %arg10[%get3A_1887, %get3A_1888] {strides = array<i32>} : memref<26x16xi32, #tpu.memory_space<vmem>>, vector<16xi32>,
      %add3A_1890 = arith.constant 0 : i32
      %add3A_1891 = vector.broadcast %add3A_1890 : i32 to vector<16xi32>
      %add3A_1892 = arith.addi %iota3A, %add3A_1891 : vector<16xi32>
      %gather3A_1893 = tpu.vector_load_idx %arg6[%add3A_1892, %broadcast_in_dim3A_1885] : memref<128x26xi32, #tpu.memory_space<vmem>>[vector<16xi32>, vector<16xi32>], vector<16xi32>,
      %add3A_1894 = arith.addi %gather3A_1893, %get3A_1889 : vector<16xi32>
      %swap3A_1895 = arith.constant 24 : i32
      %swap3A_1896 = arith.index_cast %swap3A_1895 : i32 to index
      %swap3A_1897 = arith.constant 0 : index
      %swap3A_1898 = tpu.vector_load %arg7[%swap3A_1896, %swap3A_1897] {strides = array<i32>} : memref<26x128xi32, #tpu.memory_space<vmem>>, vector<16xi32>,
      tpu.vector_store %arg7[%swap3A_1896, %swap3A_1897], %add3A_1894 {strides = array<i32>} : memref<26x128xi32, #tpu.memory_space<vmem>>, vector<16xi32>,
      %add3A_1899 = arith.constant 16 : i32
      %add3A_1900 = vector.broadcast %add3A_1899 : i32 to vector<16xi32>
      %add3A_1901 = arith.addi %iota3A, %add3A_1900 : vector<16xi32>
      %gather3A_1902 = tpu.vector_load_idx %arg6[%add3A_1901, %broadcast_in_dim3A_1885] : memref<128x26xi32, #tpu.memory_space<vmem>>[vector<16xi32>, vector<16xi32>], vector<16xi32>,
      %add3A_1903 = arith.addi %gather3A_1902, %get3A_1889 : vector<16xi32>
      %swap3A_1904 = arith.constant 24 : i32
      %swap3A_1905 = arith.index_cast %swap3A_1904 : i32 to index
      %swap3A_1906 = arith.constant 16 : index
      %swap3A_1907 = tpu.vector_load %arg7[%swap3A_1905, %swap3A_1906] {strides = array<i32>} : memref<26x128xi32, #tpu.memory_space<vmem>>, vector<16xi32>,
      tpu.vector_store %arg7[%swap3A_1905, %swap3A_1906], %add3A_1903 {strides = array<i32>} : memref<26x128xi32, #tpu.memory_space<vmem>>, vector<16xi32>,
      %add3A_1908 = arith.constant 32 : i32
      %add3A_1909 = vector.broadcast %add3A_1908 : i32 to vector<16xi32>
      %add3A_1910 = arith.addi %iota3A, %add3A_1909 : vector<16xi32>
      %gather3A_1911 = tpu.vector_load_idx %arg6[%add3A_1910, %broadcast_in_dim3A_1885] : memref<128x26xi32, #tpu.memory_space<vmem>>[vector<16xi32>, vector<16xi32>], vector<16xi32>,
      %add3A_1912 = arith.addi %gather3A_1911, %get3A_1889 : vector<16xi32>
      %swap3A_1913 = arith.constant 24 : i32
      %swap3A_1914 = arith.index_cast %swap3A_1913 : i32 to index
      %swap3A_1915 = arith.constant 32 : index
      %swap3A_1916 = tpu.vector_load %arg7[%swap3A_1914, %swap3A_1915] {strides = array<i32>} : memref<26x128xi32, #tpu.memory_space<vmem>>, vector<16xi32>,
      tpu.vector_store %arg7[%swap3A_1914, %swap3A_1915], %add3A_1912 {strides = array<i32>} : memref<26x128xi32, #tpu.memory_space<vmem>>, vector<16xi32>,
      %add3A_1917 = arith.constant 48 : i32
      %add3A_1918 = vector.broadcast %add3A_1917 : i32 to vector<16xi32>
      %add3A_1919 = arith.addi %iota3A, %add3A_1918 : vector<16xi32>
      %gather3A_1920 = tpu.vector_load_idx %arg6[%add3A_1919, %broadcast_in_dim3A_1885] : memref<128x26xi32, #tpu.memory_space<vmem>>[vector<16xi32>, vector<16xi32>], vector<16xi32>,
      %add3A_1921 = arith.addi %gather3A_1920, %get3A_1889 : vector<16xi32>
      %swap3A_1922 = arith.constant 24 : i32
      %swap3A_1923 = arith.index_cast %swap3A_1922 : i32 to index
      %swap3A_1924 = arith.constant 48 : index
      %swap3A_1925 = tpu.vector_load %arg7[%swap3A_1923, %swap3A_1924] {strides = array<i32>} : memref<26x128xi32, #tpu.memory_space<vmem>>, vector<16xi32>,
      tpu.vector_store %arg7[%swap3A_1923, %swap3A_1924], %add3A_1921 {strides = array<i32>} : memref<26x128xi32, #tpu.memory_space<vmem>>, vector<16xi32>,
      %add3A_1926 = arith.constant 64 : i32
      %add3A_1927 = vector.broadcast %add3A_1926 : i32 to vector<16xi32>
      %add3A_1928 = arith.addi %iota3A, %add3A_1927 : vector<16xi32>
      %gather3A_1929 = tpu.vector_load_idx %arg6[%add3A_1928, %broadcast_in_dim3A_1885] : memref<128x26xi32, #tpu.memory_space<vmem>>[vector<16xi32>, vector<16xi32>], vector<16xi32>,
      %add3A_1930 = arith.addi %gather3A_1929, %get3A_1889 : vector<16xi32>
      %swap3A_1931 = arith.constant 24 : i32
      %swap3A_1932 = arith.index_cast %swap3A_1931 : i32 to index
      %swap3A_1933 = arith.constant 64 : index
      %swap3A_1934 = tpu.vector_load %arg7[%swap3A_1932, %swap3A_1933] {strides = array<i32>} : memref<26x128xi32, #tpu.memory_space<vmem>>, vector<16xi32>,
      tpu.vector_store %arg7[%swap3A_1932, %swap3A_1933], %add3A_1930 {strides = array<i32>} : memref<26x128xi32, #tpu.memory_space<vmem>>, vector<16xi32>,
      %add3A_1935 = arith.constant 80 : i32
      %add3A_1936 = vector.broadcast %add3A_1935 : i32 to vector<16xi32>
      %add3A_1937 = arith.addi %iota3A, %add3A_1936 : vector<16xi32>
      %gather3A_1938 = tpu.vector_load_idx %arg6[%add3A_1937, %broadcast_in_dim3A_1885] : memref<128x26xi32, #tpu.memory_space<vmem>>[vector<16xi32>, vector<16xi32>], vector<16xi32>,
      %add3A_1939 = arith.addi %gather3A_1938, %get3A_1889 : vector<16xi32>
      %swap3A_1940 = arith.constant 24 : i32
      %swap3A_1941 = arith.index_cast %swap3A_1940 : i32 to index
      %swap3A_1942 = arith.constant 80 : index
      %swap3A_1943 = tpu.vector_load %arg7[%swap3A_1941, %swap3A_1942] {strides = array<i32>} : memref<26x128xi32, #tpu.memory_space<vmem>>, vector<16xi32>,
      tpu.vector_store %arg7[%swap3A_1941, %swap3A_1942], %add3A_1939 {strides = array<i32>} : memref<26x128xi32, #tpu.memory_space<vmem>>, vector<16xi32>,
      %add3A_1944 = arith.constant 96 : i32
      %add3A_1945 = vector.broadcast %add3A_1944 : i32 to vector<16xi32>
      %add3A_1946 = arith.addi %iota3A, %add3A_1945 : vector<16xi32>
      %gather3A_1947 = tpu.vector_load_idx %arg6[%add3A_1946, %broadcast_in_dim3A_1885] : memref<128x26xi32, #tpu.memory_space<vmem>>[vector<16xi32>, vector<16xi32>], vector<16xi32>,
      %add3A_1948 = arith.addi %gather3A_1947, %get3A_1889 : vector<16xi32>
      %swap3A_1949 = arith.constant 24 : i32
      %swap3A_1950 = arith.index_cast %swap3A_1949 : i32 to index
      %swap3A_1951 = arith.constant 96 : index
      %swap3A_1952 = tpu.vector_load %arg7[%swap3A_1950, %swap3A_1951] {strides = array<i32>} : memref<26x128xi32, #tpu.memory_space<vmem>>, vector<16xi32>,
      tpu.vector_store %arg7[%swap3A_1950, %swap3A_1951], %add3A_1948 {strides = array<i32>} : memref<26x128xi32, #tpu.memory_space<vmem>>, vector<16xi32>,
      %add3A_1953 = arith.constant 112 : i32
      %add3A_1954 = vector.broadcast %add3A_1953 : i32 to vector<16xi32>
      %add3A_1955 = arith.addi %iota3A, %add3A_1954 : vector<16xi32>
      %gather3A_1956 = tpu.vector_load_idx %arg6[%add3A_1955, %broadcast_in_dim3A_1885] : memref<128x26xi32, #tpu.memory_space<vmem>>[vector<16xi32>, vector<16xi32>], vector<16xi32>,
      %add3A_1957 = arith.addi %gather3A_1956, %get3A_1889 : vector<16xi32>
      %swap3A_1958 = arith.constant 24 : i32
      %swap3A_1959 = arith.index_cast %swap3A_1958 : i32 to index
      %swap3A_1960 = arith.constant 112 : index
      %swap3A_1961 = tpu.vector_load %arg7[%swap3A_1959, %swap3A_1960] {strides = array<i32>} : memref<26x128xi32, #tpu.memory_space<vmem>>, vector<16xi32>,
      tpu.vector_store %arg7[%swap3A_1959, %swap3A_1960], %add3A_1957 {strides = array<i32>} : memref<26x128xi32, #tpu.memory_space<vmem>>, vector<16xi32>,
      %broadcast_in_dim3A_1962 = arith.constant 25 : i32
      %broadcast_in_dim3A_1963 = vector.broadcast %broadcast_in_dim3A_1962 : i32 to vector<16xi32>
      %get3A_1964 = arith.constant 25 : i32
      %get3A_1965 = arith.index_cast %get3A_1964 : i32 to index
      %get3A_1966 = arith.constant 0 : index
      %get3A_1967 = tpu.vector_load %arg10[%get3A_1965, %get3A_1966] {strides = array<i32>} : memref<26x16xi32, #tpu.memory_space<vmem>>, vector<16xi32>,
      %add3A_1968 = arith.constant 0 : i32
      %add3A_1969 = vector.broadcast %add3A_1968 : i32 to vector<16xi32>
      %add3A_1970 = arith.addi %iota3A, %add3A_1969 : vector<16xi32>
      %gather3A_1971 = tpu.vector_load_idx %arg6[%add3A_1970, %broadcast_in_dim3A_1963] : memref<128x26xi32, #tpu.memory_space<vmem>>[vector<16xi32>, vector<16xi32>], vector<16xi32>,
      %add3A_1972 = arith.addi %gather3A_1971, %get3A_1967 : vector<16xi32>
      %swap3A_1973 = arith.constant 25 : i32
      %swap3A_1974 = arith.index_cast %swap3A_1973 : i32 to index
      %swap3A_1975 = arith.constant 0 : index
      %swap3A_1976 = tpu.vector_load %arg7[%swap3A_1974, %swap3A_1975] {strides = array<i32>} : memref<26x128xi32, #tpu.memory_space<vmem>>, vector<16xi32>,
      tpu.vector_store %arg7[%swap3A_1974, %swap3A_1975], %add3A_1972 {strides = array<i32>} : memref<26x128xi32, #tpu.memory_space<vmem>>, vector<16xi32>,
      %add3A_1977 = arith.constant 16 : i32
      %add3A_1978 = vector.broadcast %add3A_1977 : i32 to vector<16xi32>
      %add3A_1979 = arith.addi %iota3A, %add3A_1978 : vector<16xi32>
      %gather3A_1980 = tpu.vector_load_idx %arg6[%add3A_1979, %broadcast_in_dim3A_1963] : memref<128x26xi32, #tpu.memory_space<vmem>>[vector<16xi32>, vector<16xi32>], vector<16xi32>,
      %add3A_1981 = arith.addi %gather3A_1980, %get3A_1967 : vector<16xi32>
      %swap3A_1982 = arith.constant 25 : i32
      %swap3A_1983 = arith.index_cast %swap3A_1982 : i32 to index
      %swap3A_1984 = arith.constant 16 : index
      %swap3A_1985 = tpu.vector_load %arg7[%swap3A_1983, %swap3A_1984] {strides = array<i32>} : memref<26x128xi32, #tpu.memory_space<vmem>>, vector<16xi32>,
      tpu.vector_store %arg7[%swap3A_1983, %swap3A_1984], %add3A_1981 {strides = array<i32>} : memref<26x128xi32, #tpu.memory_space<vmem>>, vector<16xi32>,
      %add3A_1986 = arith.constant 32 : i32
      %add3A_1987 = vector.broadcast %add3A_1986 : i32 to vector<16xi32>
      %add3A_1988 = arith.addi %iota3A, %add3A_1987 : vector<16xi32>
      %gather3A_1989 = tpu.vector_load_idx %arg6[%add3A_1988, %broadcast_in_dim3A_1963] : memref<128x26xi32, #tpu.memory_space<vmem>>[vector<16xi32>, vector<16xi32>], vector<16xi32>,
      %add3A_1990 = arith.addi %gather3A_1989, %get3A_1967 : vector<16xi32>
      %swap3A_1991 = arith.constant 25 : i32
      %swap3A_1992 = arith.index_cast %swap3A_1991 : i32 to index
      %swap3A_1993 = arith.constant 32 : index
      %swap3A_1994 = tpu.vector_load %arg7[%swap3A_1992, %swap3A_1993] {strides = array<i32>} : memref<26x128xi32, #tpu.memory_space<vmem>>, vector<16xi32>,
      tpu.vector_store %arg7[%swap3A_1992, %swap3A_1993], %add3A_1990 {strides = array<i32>} : memref<26x128xi32, #tpu.memory_space<vmem>>, vector<16xi32>,
      %add3A_1995 = arith.constant 48 : i32
      %add3A_1996 = vector.broadcast %add3A_1995 : i32 to vector<16xi32>
      %add3A_1997 = arith.addi %iota3A, %add3A_1996 : vector<16xi32>
      %gather3A_1998 = tpu.vector_load_idx %arg6[%add3A_1997, %broadcast_in_dim3A_1963] : memref<128x26xi32, #tpu.memory_space<vmem>>[vector<16xi32>, vector<16xi32>], vector<16xi32>,
      %add3A_1999 = arith.addi %gather3A_1998, %get3A_1967 : vector<16xi32>
      %swap3A_2000 = arith.constant 25 : i32
      %swap3A_2001 = arith.index_cast %swap3A_2000 : i32 to index
      %swap3A_2002 = arith.constant 48 : index
      %swap3A_2003 = tpu.vector_load %arg7[%swap3A_2001, %swap3A_2002] {strides = array<i32>} : memref<26x128xi32, #tpu.memory_space<vmem>>, vector<16xi32>,
      tpu.vector_store %arg7[%swap3A_2001, %swap3A_2002], %add3A_1999 {strides = array<i32>} : memref<26x128xi32, #tpu.memory_space<vmem>>, vector<16xi32>,
      %add3A_2004 = arith.constant 64 : i32
      %add3A_2005 = vector.broadcast %add3A_2004 : i32 to vector<16xi32>
      %add3A_2006 = arith.addi %iota3A, %add3A_2005 : vector<16xi32>
      %gather3A_2007 = tpu.vector_load_idx %arg6[%add3A_2006, %broadcast_in_dim3A_1963] : memref<128x26xi32, #tpu.memory_space<vmem>>[vector<16xi32>, vector<16xi32>], vector<16xi32>,
      %add3A_2008 = arith.addi %gather3A_2007, %get3A_1967 : vector<16xi32>
      %swap3A_2009 = arith.constant 25 : i32
      %swap3A_2010 = arith.index_cast %swap3A_2009 : i32 to index
      %swap3A_2011 = arith.constant 64 : index
      %swap3A_2012 = tpu.vector_load %arg7[%swap3A_2010, %swap3A_2011] {strides = array<i32>} : memref<26x128xi32, #tpu.memory_space<vmem>>, vector<16xi32>,
      tpu.vector_store %arg7[%swap3A_2010, %swap3A_2011], %add3A_2008 {strides = array<i32>} : memref<26x128xi32, #tpu.memory_space<vmem>>, vector<16xi32>,
      %add3A_2013 = arith.constant 80 : i32
      %add3A_2014 = vector.broadcast %add3A_2013 : i32 to vector<16xi32>
      %add3A_2015 = arith.addi %iota3A, %add3A_2014 : vector<16xi32>
      %gather3A_2016 = tpu.vector_load_idx %arg6[%add3A_2015, %broadcast_in_dim3A_1963] : memref<128x26xi32, #tpu.memory_space<vmem>>[vector<16xi32>, vector<16xi32>], vector<16xi32>,
      %add3A_2017 = arith.addi %gather3A_2016, %get3A_1967 : vector<16xi32>
      %swap3A_2018 = arith.constant 25 : i32
      %swap3A_2019 = arith.index_cast %swap3A_2018 : i32 to index
      %swap3A_2020 = arith.constant 80 : index
      %swap3A_2021 = tpu.vector_load %arg7[%swap3A_2019, %swap3A_2020] {strides = array<i32>} : memref<26x128xi32, #tpu.memory_space<vmem>>, vector<16xi32>,
      tpu.vector_store %arg7[%swap3A_2019, %swap3A_2020], %add3A_2017 {strides = array<i32>} : memref<26x128xi32, #tpu.memory_space<vmem>>, vector<16xi32>,
      %add3A_2022 = arith.constant 96 : i32
      %add3A_2023 = vector.broadcast %add3A_2022 : i32 to vector<16xi32>
      %add3A_2024 = arith.addi %iota3A, %add3A_2023 : vector<16xi32>
      %gather3A_2025 = tpu.vector_load_idx %arg6[%add3A_2024, %broadcast_in_dim3A_1963] : memref<128x26xi32, #tpu.memory_space<vmem>>[vector<16xi32>, vector<16xi32>], vector<16xi32>,
      %add3A_2026 = arith.addi %gather3A_2025, %get3A_1967 : vector<16xi32>
      %swap3A_2027 = arith.constant 25 : i32
      %swap3A_2028 = arith.index_cast %swap3A_2027 : i32 to index
      %swap3A_2029 = arith.constant 96 : index
      %swap3A_2030 = tpu.vector_load %arg7[%swap3A_2028, %swap3A_2029] {strides = array<i32>} : memref<26x128xi32, #tpu.memory_space<vmem>>, vector<16xi32>,
      tpu.vector_store %arg7[%swap3A_2028, %swap3A_2029], %add3A_2026 {strides = array<i32>} : memref<26x128xi32, #tpu.memory_space<vmem>>, vector<16xi32>,
      %add3A_2031 = arith.constant 112 : i32
      %add3A_2032 = vector.broadcast %add3A_2031 : i32 to vector<16xi32>
      %add3A_2033 = arith.addi %iota3A, %add3A_2032 : vector<16xi32>
      %gather3A_2034 = tpu.vector_load_idx %arg6[%add3A_2033, %broadcast_in_dim3A_1963] : memref<128x26xi32, #tpu.memory_space<vmem>>[vector<16xi32>, vector<16xi32>], vector<16xi32>,
      %add3A_2035 = arith.addi %gather3A_2034, %get3A_1967 : vector<16xi32>
      %swap3A_2036 = arith.constant 25 : i32
      %swap3A_2037 = arith.index_cast %swap3A_2036 : i32 to index
      %swap3A_2038 = arith.constant 112 : index
      %swap3A_2039 = tpu.vector_load %arg7[%swap3A_2037, %swap3A_2038] {strides = array<i32>} : memref<26x128xi32, #tpu.memory_space<vmem>>, vector<16xi32>,
      tpu.vector_store %arg7[%swap3A_2037, %swap3A_2038], %add3A_2035 {strides = array<i32>} : memref<26x128xi32, #tpu.memory_space<vmem>>, vector<16xi32>,
      %dma_start3A = arith.constant 0 : i32
      %dma_start3A_2040 = arith.constant 0 : i32
      %dma_start3A_2041 = arith.constant 0 : i32
      %dma_start3A_2042 = arith.constant 0 : i32
      %dma_start3A_2043 = tpu.memref_slice %arg8[%dma_start3A_2040, %dma_start3A_2041, %dma_start3A_2042] : memref<26x128x16xf32, #tpu.memory_space<vmem>> -> memref<1x128x16xf32, #tpu.memory_space<vmem>>
      %dma_start3A_2044 = tpu.memref_squeeze %dma_start3A_2043 : memref<1x128x16xf32, #tpu.memory_space<vmem>> -> memref<128x16xf32, #tpu.memory_space<vmem>>
      %dma_start3A_2045 = arith.constant 0 : i32
      %dma_start3A_2046 = tpu.memref_slice %arg7[%dma_start3A, %dma_start3A_2045] : memref<26x128xi32, #tpu.memory_space<vmem>> -> memref<1x128xi32, #tpu.memory_space<vmem>>
      %dma_start3A_2047 = tpu.memref_squeeze %dma_start3A_2046 : memref<1x128xi32, #tpu.memory_space<vmem>> -> memref<128xi32, #tpu.memory_space<vmem>>
      %dma_start3A_2048 = arith.constant 0 : i32
      %dma_start3A_2049 = arith.constant 0 : i32
      %dma_start3A_2050 = tpu.memref_slice %arg3[%dma_start3A_2048, %dma_start3A_2049] : memref<2600000x16xf32, #tpu.memory_space<hbm>> -> memref<2600000x16xf32, #tpu.memory_space<hbm>>
      tpu.enqueue_indirect_dma source(%dma_start3A_2050 : memref<2600000x16xf32, #tpu.memory_space<hbm>>) target(%dma_start3A_2044 : memref<128x16xf32, #tpu.memory_space<vmem>>) offsets(%dma_start3A_2047 : memref<128xi32, #tpu.memory_space<vmem>>) semaphore(%arg11 : memref<!tpu.dma_semaphore, #tpu.memory_space<semaphore_mem>>)
      %dma_start3A_2051 = arith.constant 1 : i32
      %dma_start3A_2052 = arith.constant 1 : i32
      %dma_start3A_2053 = arith.constant 0 : i32
      %dma_start3A_2054 = arith.constant 0 : i32
      %dma_start3A_2055 = tpu.memref_slice %arg8[%dma_start3A_2052, %dma_start3A_2053, %dma_start3A_2054] : memref<26x128x16xf32, #tpu.memory_space<vmem>> -> memref<1x128x16xf32, #tpu.memory_space<vmem>>
      %dma_start3A_2056 = tpu.memref_squeeze %dma_start3A_2055 : memref<1x128x16xf32, #tpu.memory_space<vmem>> -> memref<128x16xf32, #tpu.memory_space<vmem>>
      %dma_start3A_2057 = arith.constant 0 : i32
      %dma_start3A_2058 = tpu.memref_slice %arg7[%dma_start3A_2051, %dma_start3A_2057] : memref<26x128xi32, #tpu.memory_space<vmem>> -> memref<1x128xi32, #tpu.memory_space<vmem>>
      %dma_start3A_2059 = tpu.memref_squeeze %dma_start3A_2058 : memref<1x128xi32, #tpu.memory_space<vmem>> -> memref<128xi32, #tpu.memory_space<vmem>>
      %dma_start3A_2060 = arith.constant 0 : i32
      %dma_start3A_2061 = arith.constant 0 : i32
      %dma_start3A_2062 = tpu.memref_slice %arg3[%dma_start3A_2060, %dma_start3A_2061] : memref<2600000x16xf32, #tpu.memory_space<hbm>> -> memref<2600000x16xf32, #tpu.memory_space<hbm>>
      tpu.enqueue_indirect_dma source(%dma_start3A_2062 : memref<2600000x16xf32, #tpu.memory_space<hbm>>) target(%dma_start3A_2056 : memref<128x16xf32, #tpu.memory_space<vmem>>) offsets(%dma_start3A_2059 : memref<128xi32, #tpu.memory_space<vmem>>) semaphore(%arg11 : memref<!tpu.dma_semaphore, #tpu.memory_space<semaphore_mem>>)
      %dma_start3A_2063 = arith.constant 2 : i32
      %dma_start3A_2064 = arith.constant 2 : i32
      %dma_start3A_2065 = arith.constant 0 : i32
      %dma_start3A_2066 = arith.constant 0 : i32
      %dma_start3A_2067 = tpu.memref_slice %arg8[%dma_start3A_2064, %dma_start3A_2065, %dma_start3A_2066] : memref<26x128x16xf32, #tpu.memory_space<vmem>> -> memref<1x128x16xf32, #tpu.memory_space<vmem>>
      %dma_start3A_2068 = tpu.memref_squeeze %dma_start3A_2067 : memref<1x128x16xf32, #tpu.memory_space<vmem>> -> memref<128x16xf32, #tpu.memory_space<vmem>>
      %dma_start3A_2069 = arith.constant 0 : i32
      %dma_start3A_2070 = tpu.memref_slice %arg7[%dma_start3A_2063, %dma_start3A_2069] : memref<26x128xi32, #tpu.memory_space<vmem>> -> memref<1x128xi32, #tpu.memory_space<vmem>>
      %dma_start3A_2071 = tpu.memref_squeeze %dma_start3A_2070 : memref<1x128xi32, #tpu.memory_space<vmem>> -> memref<128xi32, #tpu.memory_space<vmem>>
      %dma_start3A_2072 = arith.constant 0 : i32
      %dma_start3A_2073 = arith.constant 0 : i32
      %dma_start3A_2074 = tpu.memref_slice %arg3[%dma_start3A_2072, %dma_start3A_2073] : memref<2600000x16xf32, #tpu.memory_space<hbm>> -> memref<2600000x16xf32, #tpu.memory_space<hbm>>
      tpu.enqueue_indirect_dma source(%dma_start3A_2074 : memref<2600000x16xf32, #tpu.memory_space<hbm>>) target(%dma_start3A_2068 : memref<128x16xf32, #tpu.memory_space<vmem>>) offsets(%dma_start3A_2071 : memref<128xi32, #tpu.memory_space<vmem>>) semaphore(%arg11 : memref<!tpu.dma_semaphore, #tpu.memory_space<semaphore_mem>>)
      %dma_start3A_2075 = arith.constant 3 : i32
      %dma_start3A_2076 = arith.constant 3 : i32
      %dma_start3A_2077 = arith.constant 0 : i32
      %dma_start3A_2078 = arith.constant 0 : i32
      %dma_start3A_2079 = tpu.memref_slice %arg8[%dma_start3A_2076, %dma_start3A_2077, %dma_start3A_2078] : memref<26x128x16xf32, #tpu.memory_space<vmem>> -> memref<1x128x16xf32, #tpu.memory_space<vmem>>
      %dma_start3A_2080 = tpu.memref_squeeze %dma_start3A_2079 : memref<1x128x16xf32, #tpu.memory_space<vmem>> -> memref<128x16xf32, #tpu.memory_space<vmem>>
      %dma_start3A_2081 = arith.constant 0 : i32
      %dma_start3A_2082 = tpu.memref_slice %arg7[%dma_start3A_2075, %dma_start3A_2081] : memref<26x128xi32, #tpu.memory_space<vmem>> -> memref<1x128xi32, #tpu.memory_space<vmem>>
      %dma_start3A_2083 = tpu.memref_squeeze %dma_start3A_2082 : memref<1x128xi32, #tpu.memory_space<vmem>> -> memref<128xi32, #tpu.memory_space<vmem>>
      %dma_start3A_2084 = arith.constant 0 : i32
      %dma_start3A_2085 = arith.constant 0 : i32
      %dma_start3A_2086 = tpu.memref_slice %arg3[%dma_start3A_2084, %dma_start3A_2085] : memref<2600000x16xf32, #tpu.memory_space<hbm>> -> memref<2600000x16xf32, #tpu.memory_space<hbm>>
      tpu.enqueue_indirect_dma source(%dma_start3A_2086 : memref<2600000x16xf32, #tpu.memory_space<hbm>>) target(%dma_start3A_2080 : memref<128x16xf32, #tpu.memory_space<vmem>>) offsets(%dma_start3A_2083 : memref<128xi32, #tpu.memory_space<vmem>>) semaphore(%arg11 : memref<!tpu.dma_semaphore, #tpu.memory_space<semaphore_mem>>)
      %dma_start3A_2087 = arith.constant 4 : i32
      %dma_start3A_2088 = arith.constant 4 : i32
      %dma_start3A_2089 = arith.constant 0 : i32
      %dma_start3A_2090 = arith.constant 0 : i32
      %dma_start3A_2091 = tpu.memref_slice %arg8[%dma_start3A_2088, %dma_start3A_2089, %dma_start3A_2090] : memref<26x128x16xf32, #tpu.memory_space<vmem>> -> memref<1x128x16xf32, #tpu.memory_space<vmem>>
      %dma_start3A_2092 = tpu.memref_squeeze %dma_start3A_2091 : memref<1x128x16xf32, #tpu.memory_space<vmem>> -> memref<128x16xf32, #tpu.memory_space<vmem>>
      %dma_start3A_2093 = arith.constant 0 : i32
      %dma_start3A_2094 = tpu.memref_slice %arg7[%dma_start3A_2087, %dma_start3A_2093] : memref<26x128xi32, #tpu.memory_space<vmem>> -> memref<1x128xi32, #tpu.memory_space<vmem>>
      %dma_start3A_2095 = tpu.memref_squeeze %dma_start3A_2094 : memref<1x128xi32, #tpu.memory_space<vmem>> -> memref<128xi32, #tpu.memory_space<vmem>>
      %dma_start3A_2096 = arith.constant 0 : i32
      %dma_start3A_2097 = arith.constant 0 : i32
      %dma_start3A_2098 = tpu.memref_slice %arg3[%dma_start3A_2096, %dma_start3A_2097] : memref<2600000x16xf32, #tpu.memory_space<hbm>> -> memref<2600000x16xf32, #tpu.memory_space<hbm>>
      tpu.enqueue_indirect_dma source(%dma_start3A_2098 : memref<2600000x16xf32, #tpu.memory_space<hbm>>) target(%dma_start3A_2092 : memref<128x16xf32, #tpu.memory_space<vmem>>) offsets(%dma_start3A_2095 : memref<128xi32, #tpu.memory_space<vmem>>) semaphore(%arg11 : memref<!tpu.dma_semaphore, #tpu.memory_space<semaphore_mem>>)
      %dma_start3A_2099 = arith.constant 5 : i32
      %dma_start3A_2100 = arith.constant 5 : i32
      %dma_start3A_2101 = arith.constant 0 : i32
      %dma_start3A_2102 = arith.constant 0 : i32
      %dma_start3A_2103 = tpu.memref_slice %arg8[%dma_start3A_2100, %dma_start3A_2101, %dma_start3A_2102] : memref<26x128x16xf32, #tpu.memory_space<vmem>> -> memref<1x128x16xf32, #tpu.memory_space<vmem>>
      %dma_start3A_2104 = tpu.memref_squeeze %dma_start3A_2103 : memref<1x128x16xf32, #tpu.memory_space<vmem>> -> memref<128x16xf32, #tpu.memory_space<vmem>>
      %dma_start3A_2105 = arith.constant 0 : i32
      %dma_start3A_2106 = tpu.memref_slice %arg7[%dma_start3A_2099, %dma_start3A_2105] : memref<26x128xi32, #tpu.memory_space<vmem>> -> memref<1x128xi32, #tpu.memory_space<vmem>>
      %dma_start3A_2107 = tpu.memref_squeeze %dma_start3A_2106 : memref<1x128xi32, #tpu.memory_space<vmem>> -> memref<128xi32, #tpu.memory_space<vmem>>
      %dma_start3A_2108 = arith.constant 0 : i32
      %dma_start3A_2109 = arith.constant 0 : i32
      %dma_start3A_2110 = tpu.memref_slice %arg3[%dma_start3A_2108, %dma_start3A_2109] : memref<2600000x16xf32, #tpu.memory_space<hbm>> -> memref<2600000x16xf32, #tpu.memory_space<hbm>>
      tpu.enqueue_indirect_dma source(%dma_start3A_2110 : memref<2600000x16xf32, #tpu.memory_space<hbm>>) target(%dma_start3A_2104 : memref<128x16xf32, #tpu.memory_space<vmem>>) offsets(%dma_start3A_2107 : memref<128xi32, #tpu.memory_space<vmem>>) semaphore(%arg11 : memref<!tpu.dma_semaphore, #tpu.memory_space<semaphore_mem>>)
      %dma_start3A_2111 = arith.constant 6 : i32
      %dma_start3A_2112 = arith.constant 6 : i32
      %dma_start3A_2113 = arith.constant 0 : i32
      %dma_start3A_2114 = arith.constant 0 : i32
      %dma_start3A_2115 = tpu.memref_slice %arg8[%dma_start3A_2112, %dma_start3A_2113, %dma_start3A_2114] : memref<26x128x16xf32, #tpu.memory_space<vmem>> -> memref<1x128x16xf32, #tpu.memory_space<vmem>>
      %dma_start3A_2116 = tpu.memref_squeeze %dma_start3A_2115 : memref<1x128x16xf32, #tpu.memory_space<vmem>> -> memref<128x16xf32, #tpu.memory_space<vmem>>
      %dma_start3A_2117 = arith.constant 0 : i32
      %dma_start3A_2118 = tpu.memref_slice %arg7[%dma_start3A_2111, %dma_start3A_2117] : memref<26x128xi32, #tpu.memory_space<vmem>> -> memref<1x128xi32, #tpu.memory_space<vmem>>
      %dma_start3A_2119 = tpu.memref_squeeze %dma_start3A_2118 : memref<1x128xi32, #tpu.memory_space<vmem>> -> memref<128xi32, #tpu.memory_space<vmem>>
      %dma_start3A_2120 = arith.constant 0 : i32
      %dma_start3A_2121 = arith.constant 0 : i32
      %dma_start3A_2122 = tpu.memref_slice %arg3[%dma_start3A_2120, %dma_start3A_2121] : memref<2600000x16xf32, #tpu.memory_space<hbm>> -> memref<2600000x16xf32, #tpu.memory_space<hbm>>
      tpu.enqueue_indirect_dma source(%dma_start3A_2122 : memref<2600000x16xf32, #tpu.memory_space<hbm>>) target(%dma_start3A_2116 : memref<128x16xf32, #tpu.memory_space<vmem>>) offsets(%dma_start3A_2119 : memref<128xi32, #tpu.memory_space<vmem>>) semaphore(%arg11 : memref<!tpu.dma_semaphore, #tpu.memory_space<semaphore_mem>>)
      %dma_start3A_2123 = arith.constant 7 : i32
      %dma_start3A_2124 = arith.constant 7 : i32
      %dma_start3A_2125 = arith.constant 0 : i32
      %dma_start3A_2126 = arith.constant 0 : i32
      %dma_start3A_2127 = tpu.memref_slice %arg8[%dma_start3A_2124, %dma_start3A_2125, %dma_start3A_2126] : memref<26x128x16xf32, #tpu.memory_space<vmem>> -> memref<1x128x16xf32, #tpu.memory_space<vmem>>
      %dma_start3A_2128 = tpu.memref_squeeze %dma_start3A_2127 : memref<1x128x16xf32, #tpu.memory_space<vmem>> -> memref<128x16xf32, #tpu.memory_space<vmem>>
      %dma_start3A_2129 = arith.constant 0 : i32
      %dma_start3A_2130 = tpu.memref_slice %arg7[%dma_start3A_2123, %dma_start3A_2129] : memref<26x128xi32, #tpu.memory_space<vmem>> -> memref<1x128xi32, #tpu.memory_space<vmem>>
      %dma_start3A_2131 = tpu.memref_squeeze %dma_start3A_2130 : memref<1x128xi32, #tpu.memory_space<vmem>> -> memref<128xi32, #tpu.memory_space<vmem>>
      %dma_start3A_2132 = arith.constant 0 : i32
      %dma_start3A_2133 = arith.constant 0 : i32
      %dma_start3A_2134 = tpu.memref_slice %arg3[%dma_start3A_2132, %dma_start3A_2133] : memref<2600000x16xf32, #tpu.memory_space<hbm>> -> memref<2600000x16xf32, #tpu.memory_space<hbm>>
      tpu.enqueue_indirect_dma source(%dma_start3A_2134 : memref<2600000x16xf32, #tpu.memory_space<hbm>>) target(%dma_start3A_2128 : memref<128x16xf32, #tpu.memory_space<vmem>>) offsets(%dma_start3A_2131 : memref<128xi32, #tpu.memory_space<vmem>>) semaphore(%arg11 : memref<!tpu.dma_semaphore, #tpu.memory_space<semaphore_mem>>)
      %dma_start3A_2135 = arith.constant 8 : i32
      %dma_start3A_2136 = arith.constant 8 : i32
      %dma_start3A_2137 = arith.constant 0 : i32
      %dma_start3A_2138 = arith.constant 0 : i32
      %dma_start3A_2139 = tpu.memref_slice %arg8[%dma_start3A_2136, %dma_start3A_2137, %dma_start3A_2138] : memref<26x128x16xf32, #tpu.memory_space<vmem>> -> memref<1x128x16xf32, #tpu.memory_space<vmem>>
      %dma_start3A_2140 = tpu.memref_squeeze %dma_start3A_2139 : memref<1x128x16xf32, #tpu.memory_space<vmem>> -> memref<128x16xf32, #tpu.memory_space<vmem>>
      %dma_start3A_2141 = arith.constant 0 : i32
      %dma_start3A_2142 = tpu.memref_slice %arg7[%dma_start3A_2135, %dma_start3A_2141] : memref<26x128xi32, #tpu.memory_space<vmem>> -> memref<1x128xi32, #tpu.memory_space<vmem>>
      %dma_start3A_2143 = tpu.memref_squeeze %dma_start3A_2142 : memref<1x128xi32, #tpu.memory_space<vmem>> -> memref<128xi32, #tpu.memory_space<vmem>>
      %dma_start3A_2144 = arith.constant 0 : i32
      %dma_start3A_2145 = arith.constant 0 : i32
      %dma_start3A_2146 = tpu.memref_slice %arg3[%dma_start3A_2144, %dma_start3A_2145] : memref<2600000x16xf32, #tpu.memory_space<hbm>> -> memref<2600000x16xf32, #tpu.memory_space<hbm>>
      tpu.enqueue_indirect_dma source(%dma_start3A_2146 : memref<2600000x16xf32, #tpu.memory_space<hbm>>) target(%dma_start3A_2140 : memref<128x16xf32, #tpu.memory_space<vmem>>) offsets(%dma_start3A_2143 : memref<128xi32, #tpu.memory_space<vmem>>) semaphore(%arg11 : memref<!tpu.dma_semaphore, #tpu.memory_space<semaphore_mem>>)
      %dma_start3A_2147 = arith.constant 9 : i32
      %dma_start3A_2148 = arith.constant 9 : i32
      %dma_start3A_2149 = arith.constant 0 : i32
      %dma_start3A_2150 = arith.constant 0 : i32
      %dma_start3A_2151 = tpu.memref_slice %arg8[%dma_start3A_2148, %dma_start3A_2149, %dma_start3A_2150] : memref<26x128x16xf32, #tpu.memory_space<vmem>> -> memref<1x128x16xf32, #tpu.memory_space<vmem>>
      %dma_start3A_2152 = tpu.memref_squeeze %dma_start3A_2151 : memref<1x128x16xf32, #tpu.memory_space<vmem>> -> memref<128x16xf32, #tpu.memory_space<vmem>>
      %dma_start3A_2153 = arith.constant 0 : i32
      %dma_start3A_2154 = tpu.memref_slice %arg7[%dma_start3A_2147, %dma_start3A_2153] : memref<26x128xi32, #tpu.memory_space<vmem>> -> memref<1x128xi32, #tpu.memory_space<vmem>>
      %dma_start3A_2155 = tpu.memref_squeeze %dma_start3A_2154 : memref<1x128xi32, #tpu.memory_space<vmem>> -> memref<128xi32, #tpu.memory_space<vmem>>
      %dma_start3A_2156 = arith.constant 0 : i32
      %dma_start3A_2157 = arith.constant 0 : i32
      %dma_start3A_2158 = tpu.memref_slice %arg3[%dma_start3A_2156, %dma_start3A_2157] : memref<2600000x16xf32, #tpu.memory_space<hbm>> -> memref<2600000x16xf32, #tpu.memory_space<hbm>>
      tpu.enqueue_indirect_dma source(%dma_start3A_2158 : memref<2600000x16xf32, #tpu.memory_space<hbm>>) target(%dma_start3A_2152 : memref<128x16xf32, #tpu.memory_space<vmem>>) offsets(%dma_start3A_2155 : memref<128xi32, #tpu.memory_space<vmem>>) semaphore(%arg11 : memref<!tpu.dma_semaphore, #tpu.memory_space<semaphore_mem>>)
      %dma_start3A_2159 = arith.constant 10 : i32
      %dma_start3A_2160 = arith.constant 10 : i32
      %dma_start3A_2161 = arith.constant 0 : i32
      %dma_start3A_2162 = arith.constant 0 : i32
      %dma_start3A_2163 = tpu.memref_slice %arg8[%dma_start3A_2160, %dma_start3A_2161, %dma_start3A_2162] : memref<26x128x16xf32, #tpu.memory_space<vmem>> -> memref<1x128x16xf32, #tpu.memory_space<vmem>>
      %dma_start3A_2164 = tpu.memref_squeeze %dma_start3A_2163 : memref<1x128x16xf32, #tpu.memory_space<vmem>> -> memref<128x16xf32, #tpu.memory_space<vmem>>
      %dma_start3A_2165 = arith.constant 0 : i32
      %dma_start3A_2166 = tpu.memref_slice %arg7[%dma_start3A_2159, %dma_start3A_2165] : memref<26x128xi32, #tpu.memory_space<vmem>> -> memref<1x128xi32, #tpu.memory_space<vmem>>
      %dma_start3A_2167 = tpu.memref_squeeze %dma_start3A_2166 : memref<1x128xi32, #tpu.memory_space<vmem>> -> memref<128xi32, #tpu.memory_space<vmem>>
      %dma_start3A_2168 = arith.constant 0 : i32
      %dma_start3A_2169 = arith.constant 0 : i32
      %dma_start3A_2170 = tpu.memref_slice %arg3[%dma_start3A_2168, %dma_start3A_2169] : memref<2600000x16xf32, #tpu.memory_space<hbm>> -> memref<2600000x16xf32, #tpu.memory_space<hbm>>
      tpu.enqueue_indirect_dma source(%dma_start3A_2170 : memref<2600000x16xf32, #tpu.memory_space<hbm>>) target(%dma_start3A_2164 : memref<128x16xf32, #tpu.memory_space<vmem>>) offsets(%dma_start3A_2167 : memref<128xi32, #tpu.memory_space<vmem>>) semaphore(%arg11 : memref<!tpu.dma_semaphore, #tpu.memory_space<semaphore_mem>>)
      %dma_start3A_2171 = arith.constant 11 : i32
      %dma_start3A_2172 = arith.constant 11 : i32
      %dma_start3A_2173 = arith.constant 0 : i32
      %dma_start3A_2174 = arith.constant 0 : i32
      %dma_start3A_2175 = tpu.memref_slice %arg8[%dma_start3A_2172, %dma_start3A_2173, %dma_start3A_2174] : memref<26x128x16xf32, #tpu.memory_space<vmem>> -> memref<1x128x16xf32, #tpu.memory_space<vmem>>
      %dma_start3A_2176 = tpu.memref_squeeze %dma_start3A_2175 : memref<1x128x16xf32, #tpu.memory_space<vmem>> -> memref<128x16xf32, #tpu.memory_space<vmem>>
      %dma_start3A_2177 = arith.constant 0 : i32
      %dma_start3A_2178 = tpu.memref_slice %arg7[%dma_start3A_2171, %dma_start3A_2177] : memref<26x128xi32, #tpu.memory_space<vmem>> -> memref<1x128xi32, #tpu.memory_space<vmem>>
      %dma_start3A_2179 = tpu.memref_squeeze %dma_start3A_2178 : memref<1x128xi32, #tpu.memory_space<vmem>> -> memref<128xi32, #tpu.memory_space<vmem>>
      %dma_start3A_2180 = arith.constant 0 : i32
      %dma_start3A_2181 = arith.constant 0 : i32
      %dma_start3A_2182 = tpu.memref_slice %arg3[%dma_start3A_2180, %dma_start3A_2181] : memref<2600000x16xf32, #tpu.memory_space<hbm>> -> memref<2600000x16xf32, #tpu.memory_space<hbm>>
      tpu.enqueue_indirect_dma source(%dma_start3A_2182 : memref<2600000x16xf32, #tpu.memory_space<hbm>>) target(%dma_start3A_2176 : memref<128x16xf32, #tpu.memory_space<vmem>>) offsets(%dma_start3A_2179 : memref<128xi32, #tpu.memory_space<vmem>>) semaphore(%arg11 : memref<!tpu.dma_semaphore, #tpu.memory_space<semaphore_mem>>)
      %dma_start3A_2183 = arith.constant 12 : i32
      %dma_start3A_2184 = arith.constant 12 : i32
      %dma_start3A_2185 = arith.constant 0 : i32
      %dma_start3A_2186 = arith.constant 0 : i32
      %dma_start3A_2187 = tpu.memref_slice %arg8[%dma_start3A_2184, %dma_start3A_2185, %dma_start3A_2186] : memref<26x128x16xf32, #tpu.memory_space<vmem>> -> memref<1x128x16xf32, #tpu.memory_space<vmem>>
      %dma_start3A_2188 = tpu.memref_squeeze %dma_start3A_2187 : memref<1x128x16xf32, #tpu.memory_space<vmem>> -> memref<128x16xf32, #tpu.memory_space<vmem>>
      %dma_start3A_2189 = arith.constant 0 : i32
      %dma_start3A_2190 = tpu.memref_slice %arg7[%dma_start3A_2183, %dma_start3A_2189] : memref<26x128xi32, #tpu.memory_space<vmem>> -> memref<1x128xi32, #tpu.memory_space<vmem>>
      %dma_start3A_2191 = tpu.memref_squeeze %dma_start3A_2190 : memref<1x128xi32, #tpu.memory_space<vmem>> -> memref<128xi32, #tpu.memory_space<vmem>>
      %dma_start3A_2192 = arith.constant 0 : i32
      %dma_start3A_2193 = arith.constant 0 : i32
      %dma_start3A_2194 = tpu.memref_slice %arg3[%dma_start3A_2192, %dma_start3A_2193] : memref<2600000x16xf32, #tpu.memory_space<hbm>> -> memref<2600000x16xf32, #tpu.memory_space<hbm>>
      tpu.enqueue_indirect_dma source(%dma_start3A_2194 : memref<2600000x16xf32, #tpu.memory_space<hbm>>) target(%dma_start3A_2188 : memref<128x16xf32, #tpu.memory_space<vmem>>) offsets(%dma_start3A_2191 : memref<128xi32, #tpu.memory_space<vmem>>) semaphore(%arg11 : memref<!tpu.dma_semaphore, #tpu.memory_space<semaphore_mem>>)
      %dma_start3A_2195 = arith.constant 13 : i32
      %dma_start3A_2196 = arith.constant 13 : i32
      %dma_start3A_2197 = arith.constant 0 : i32
      %dma_start3A_2198 = arith.constant 0 : i32
      %dma_start3A_2199 = tpu.memref_slice %arg8[%dma_start3A_2196, %dma_start3A_2197, %dma_start3A_2198] : memref<26x128x16xf32, #tpu.memory_space<vmem>> -> memref<1x128x16xf32, #tpu.memory_space<vmem>>
      %dma_start3A_2200 = tpu.memref_squeeze %dma_start3A_2199 : memref<1x128x16xf32, #tpu.memory_space<vmem>> -> memref<128x16xf32, #tpu.memory_space<vmem>>
      %dma_start3A_2201 = arith.constant 0 : i32
      %dma_start3A_2202 = tpu.memref_slice %arg7[%dma_start3A_2195, %dma_start3A_2201] : memref<26x128xi32, #tpu.memory_space<vmem>> -> memref<1x128xi32, #tpu.memory_space<vmem>>
      %dma_start3A_2203 = tpu.memref_squeeze %dma_start3A_2202 : memref<1x128xi32, #tpu.memory_space<vmem>> -> memref<128xi32, #tpu.memory_space<vmem>>
      %dma_start3A_2204 = arith.constant 0 : i32
      %dma_start3A_2205 = arith.constant 0 : i32
      %dma_start3A_2206 = tpu.memref_slice %arg3[%dma_start3A_2204, %dma_start3A_2205] : memref<2600000x16xf32, #tpu.memory_space<hbm>> -> memref<2600000x16xf32, #tpu.memory_space<hbm>>
      tpu.enqueue_indirect_dma source(%dma_start3A_2206 : memref<2600000x16xf32, #tpu.memory_space<hbm>>) target(%dma_start3A_2200 : memref<128x16xf32, #tpu.memory_space<vmem>>) offsets(%dma_start3A_2203 : memref<128xi32, #tpu.memory_space<vmem>>) semaphore(%arg11 : memref<!tpu.dma_semaphore, #tpu.memory_space<semaphore_mem>>)
      %dma_start3A_2207 = arith.constant 14 : i32
      %dma_start3A_2208 = arith.constant 14 : i32
      %dma_start3A_2209 = arith.constant 0 : i32
      %dma_start3A_2210 = arith.constant 0 : i32
      %dma_start3A_2211 = tpu.memref_slice %arg8[%dma_start3A_2208, %dma_start3A_2209, %dma_start3A_2210] : memref<26x128x16xf32, #tpu.memory_space<vmem>> -> memref<1x128x16xf32, #tpu.memory_space<vmem>>
      %dma_start3A_2212 = tpu.memref_squeeze %dma_start3A_2211 : memref<1x128x16xf32, #tpu.memory_space<vmem>> -> memref<128x16xf32, #tpu.memory_space<vmem>>
      %dma_start3A_2213 = arith.constant 0 : i32
      %dma_start3A_2214 = tpu.memref_slice %arg7[%dma_start3A_2207, %dma_start3A_2213] : memref<26x128xi32, #tpu.memory_space<vmem>> -> memref<1x128xi32, #tpu.memory_space<vmem>>
      %dma_start3A_2215 = tpu.memref_squeeze %dma_start3A_2214 : memref<1x128xi32, #tpu.memory_space<vmem>> -> memref<128xi32, #tpu.memory_space<vmem>>
      %dma_start3A_2216 = arith.constant 0 : i32
      %dma_start3A_2217 = arith.constant 0 : i32
      %dma_start3A_2218 = tpu.memref_slice %arg3[%dma_start3A_2216, %dma_start3A_2217] : memref<2600000x16xf32, #tpu.memory_space<hbm>> -> memref<2600000x16xf32, #tpu.memory_space<hbm>>
      tpu.enqueue_indirect_dma source(%dma_start3A_2218 : memref<2600000x16xf32, #tpu.memory_space<hbm>>) target(%dma_start3A_2212 : memref<128x16xf32, #tpu.memory_space<vmem>>) offsets(%dma_start3A_2215 : memref<128xi32, #tpu.memory_space<vmem>>) semaphore(%arg11 : memref<!tpu.dma_semaphore, #tpu.memory_space<semaphore_mem>>)
      %dma_start3A_2219 = arith.constant 15 : i32
      %dma_start3A_2220 = arith.constant 15 : i32
      %dma_start3A_2221 = arith.constant 0 : i32
      %dma_start3A_2222 = arith.constant 0 : i32
      %dma_start3A_2223 = tpu.memref_slice %arg8[%dma_start3A_2220, %dma_start3A_2221, %dma_start3A_2222] : memref<26x128x16xf32, #tpu.memory_space<vmem>> -> memref<1x128x16xf32, #tpu.memory_space<vmem>>
      %dma_start3A_2224 = tpu.memref_squeeze %dma_start3A_2223 : memref<1x128x16xf32, #tpu.memory_space<vmem>> -> memref<128x16xf32, #tpu.memory_space<vmem>>
      %dma_start3A_2225 = arith.constant 0 : i32
      %dma_start3A_2226 = tpu.memref_slice %arg7[%dma_start3A_2219, %dma_start3A_2225] : memref<26x128xi32, #tpu.memory_space<vmem>> -> memref<1x128xi32, #tpu.memory_space<vmem>>
      %dma_start3A_2227 = tpu.memref_squeeze %dma_start3A_2226 : memref<1x128xi32, #tpu.memory_space<vmem>> -> memref<128xi32, #tpu.memory_space<vmem>>
      %dma_start3A_2228 = arith.constant 0 : i32
      %dma_start3A_2229 = arith.constant 0 : i32
      %dma_start3A_2230 = tpu.memref_slice %arg3[%dma_start3A_2228, %dma_start3A_2229] : memref<2600000x16xf32, #tpu.memory_space<hbm>> -> memref<2600000x16xf32, #tpu.memory_space<hbm>>
      tpu.enqueue_indirect_dma source(%dma_start3A_2230 : memref<2600000x16xf32, #tpu.memory_space<hbm>>) target(%dma_start3A_2224 : memref<128x16xf32, #tpu.memory_space<vmem>>) offsets(%dma_start3A_2227 : memref<128xi32, #tpu.memory_space<vmem>>) semaphore(%arg11 : memref<!tpu.dma_semaphore, #tpu.memory_space<semaphore_mem>>)
      %dma_start3A_2231 = arith.constant 16 : i32
      %dma_start3A_2232 = arith.constant 16 : i32
      %dma_start3A_2233 = arith.constant 0 : i32
      %dma_start3A_2234 = arith.constant 0 : i32
      %dma_start3A_2235 = tpu.memref_slice %arg8[%dma_start3A_2232, %dma_start3A_2233, %dma_start3A_2234] : memref<26x128x16xf32, #tpu.memory_space<vmem>> -> memref<1x128x16xf32, #tpu.memory_space<vmem>>
      %dma_start3A_2236 = tpu.memref_squeeze %dma_start3A_2235 : memref<1x128x16xf32, #tpu.memory_space<vmem>> -> memref<128x16xf32, #tpu.memory_space<vmem>>
      %dma_start3A_2237 = arith.constant 0 : i32
      %dma_start3A_2238 = tpu.memref_slice %arg7[%dma_start3A_2231, %dma_start3A_2237] : memref<26x128xi32, #tpu.memory_space<vmem>> -> memref<1x128xi32, #tpu.memory_space<vmem>>
      %dma_start3A_2239 = tpu.memref_squeeze %dma_start3A_2238 : memref<1x128xi32, #tpu.memory_space<vmem>> -> memref<128xi32, #tpu.memory_space<vmem>>
      %dma_start3A_2240 = arith.constant 0 : i32
      %dma_start3A_2241 = arith.constant 0 : i32
      %dma_start3A_2242 = tpu.memref_slice %arg3[%dma_start3A_2240, %dma_start3A_2241] : memref<2600000x16xf32, #tpu.memory_space<hbm>> -> memref<2600000x16xf32, #tpu.memory_space<hbm>>
      tpu.enqueue_indirect_dma source(%dma_start3A_2242 : memref<2600000x16xf32, #tpu.memory_space<hbm>>) target(%dma_start3A_2236 : memref<128x16xf32, #tpu.memory_space<vmem>>) offsets(%dma_start3A_2239 : memref<128xi32, #tpu.memory_space<vmem>>) semaphore(%arg11 : memref<!tpu.dma_semaphore, #tpu.memory_space<semaphore_mem>>)
      %dma_start3A_2243 = arith.constant 17 : i32
      %dma_start3A_2244 = arith.constant 17 : i32
      %dma_start3A_2245 = arith.constant 0 : i32
      %dma_start3A_2246 = arith.constant 0 : i32
      %dma_start3A_2247 = tpu.memref_slice %arg8[%dma_start3A_2244, %dma_start3A_2245, %dma_start3A_2246] : memref<26x128x16xf32, #tpu.memory_space<vmem>> -> memref<1x128x16xf32, #tpu.memory_space<vmem>>
      %dma_start3A_2248 = tpu.memref_squeeze %dma_start3A_2247 : memref<1x128x16xf32, #tpu.memory_space<vmem>> -> memref<128x16xf32, #tpu.memory_space<vmem>>
      %dma_start3A_2249 = arith.constant 0 : i32
      %dma_start3A_2250 = tpu.memref_slice %arg7[%dma_start3A_2243, %dma_start3A_2249] : memref<26x128xi32, #tpu.memory_space<vmem>> -> memref<1x128xi32, #tpu.memory_space<vmem>>
      %dma_start3A_2251 = tpu.memref_squeeze %dma_start3A_2250 : memref<1x128xi32, #tpu.memory_space<vmem>> -> memref<128xi32, #tpu.memory_space<vmem>>
      %dma_start3A_2252 = arith.constant 0 : i32
      %dma_start3A_2253 = arith.constant 0 : i32
      %dma_start3A_2254 = tpu.memref_slice %arg3[%dma_start3A_2252, %dma_start3A_2253] : memref<2600000x16xf32, #tpu.memory_space<hbm>> -> memref<2600000x16xf32, #tpu.memory_space<hbm>>
      tpu.enqueue_indirect_dma source(%dma_start3A_2254 : memref<2600000x16xf32, #tpu.memory_space<hbm>>) target(%dma_start3A_2248 : memref<128x16xf32, #tpu.memory_space<vmem>>) offsets(%dma_start3A_2251 : memref<128xi32, #tpu.memory_space<vmem>>) semaphore(%arg11 : memref<!tpu.dma_semaphore, #tpu.memory_space<semaphore_mem>>)
      %dma_start3A_2255 = arith.constant 18 : i32
      %dma_start3A_2256 = arith.constant 18 : i32
      %dma_start3A_2257 = arith.constant 0 : i32
      %dma_start3A_2258 = arith.constant 0 : i32
      %dma_start3A_2259 = tpu.memref_slice %arg8[%dma_start3A_2256, %dma_start3A_2257, %dma_start3A_2258] : memref<26x128x16xf32, #tpu.memory_space<vmem>> -> memref<1x128x16xf32, #tpu.memory_space<vmem>>
      %dma_start3A_2260 = tpu.memref_squeeze %dma_start3A_2259 : memref<1x128x16xf32, #tpu.memory_space<vmem>> -> memref<128x16xf32, #tpu.memory_space<vmem>>
      %dma_start3A_2261 = arith.constant 0 : i32
      %dma_start3A_2262 = tpu.memref_slice %arg7[%dma_start3A_2255, %dma_start3A_2261] : memref<26x128xi32, #tpu.memory_space<vmem>> -> memref<1x128xi32, #tpu.memory_space<vmem>>
      %dma_start3A_2263 = tpu.memref_squeeze %dma_start3A_2262 : memref<1x128xi32, #tpu.memory_space<vmem>> -> memref<128xi32, #tpu.memory_space<vmem>>
      %dma_start3A_2264 = arith.constant 0 : i32
      %dma_start3A_2265 = arith.constant 0 : i32
      %dma_start3A_2266 = tpu.memref_slice %arg3[%dma_start3A_2264, %dma_start3A_2265] : memref<2600000x16xf32, #tpu.memory_space<hbm>> -> memref<2600000x16xf32, #tpu.memory_space<hbm>>
      tpu.enqueue_indirect_dma source(%dma_start3A_2266 : memref<2600000x16xf32, #tpu.memory_space<hbm>>) target(%dma_start3A_2260 : memref<128x16xf32, #tpu.memory_space<vmem>>) offsets(%dma_start3A_2263 : memref<128xi32, #tpu.memory_space<vmem>>) semaphore(%arg11 : memref<!tpu.dma_semaphore, #tpu.memory_space<semaphore_mem>>)
      %dma_start3A_2267 = arith.constant 19 : i32
      %dma_start3A_2268 = arith.constant 19 : i32
      %dma_start3A_2269 = arith.constant 0 : i32
      %dma_start3A_2270 = arith.constant 0 : i32
      %dma_start3A_2271 = tpu.memref_slice %arg8[%dma_start3A_2268, %dma_start3A_2269, %dma_start3A_2270] : memref<26x128x16xf32, #tpu.memory_space<vmem>> -> memref<1x128x16xf32, #tpu.memory_space<vmem>>
      %dma_start3A_2272 = tpu.memref_squeeze %dma_start3A_2271 : memref<1x128x16xf32, #tpu.memory_space<vmem>> -> memref<128x16xf32, #tpu.memory_space<vmem>>
      %dma_start3A_2273 = arith.constant 0 : i32
      %dma_start3A_2274 = tpu.memref_slice %arg7[%dma_start3A_2267, %dma_start3A_2273] : memref<26x128xi32, #tpu.memory_space<vmem>> -> memref<1x128xi32, #tpu.memory_space<vmem>>
      %dma_start3A_2275 = tpu.memref_squeeze %dma_start3A_2274 : memref<1x128xi32, #tpu.memory_space<vmem>> -> memref<128xi32, #tpu.memory_space<vmem>>
      %dma_start3A_2276 = arith.constant 0 : i32
      %dma_start3A_2277 = arith.constant 0 : i32
      %dma_start3A_2278 = tpu.memref_slice %arg3[%dma_start3A_2276, %dma_start3A_2277] : memref<2600000x16xf32, #tpu.memory_space<hbm>> -> memref<2600000x16xf32, #tpu.memory_space<hbm>>
      tpu.enqueue_indirect_dma source(%dma_start3A_2278 : memref<2600000x16xf32, #tpu.memory_space<hbm>>) target(%dma_start3A_2272 : memref<128x16xf32, #tpu.memory_space<vmem>>) offsets(%dma_start3A_2275 : memref<128xi32, #tpu.memory_space<vmem>>) semaphore(%arg11 : memref<!tpu.dma_semaphore, #tpu.memory_space<semaphore_mem>>)
      %dma_start3A_2279 = arith.constant 20 : i32
      %dma_start3A_2280 = arith.constant 20 : i32
      %dma_start3A_2281 = arith.constant 0 : i32
      %dma_start3A_2282 = arith.constant 0 : i32
      %dma_start3A_2283 = tpu.memref_slice %arg8[%dma_start3A_2280, %dma_start3A_2281, %dma_start3A_2282] : memref<26x128x16xf32, #tpu.memory_space<vmem>> -> memref<1x128x16xf32, #tpu.memory_space<vmem>>
      %dma_start3A_2284 = tpu.memref_squeeze %dma_start3A_2283 : memref<1x128x16xf32, #tpu.memory_space<vmem>> -> memref<128x16xf32, #tpu.memory_space<vmem>>
      %dma_start3A_2285 = arith.constant 0 : i32
      %dma_start3A_2286 = tpu.memref_slice %arg7[%dma_start3A_2279, %dma_start3A_2285] : memref<26x128xi32, #tpu.memory_space<vmem>> -> memref<1x128xi32, #tpu.memory_space<vmem>>
      %dma_start3A_2287 = tpu.memref_squeeze %dma_start3A_2286 : memref<1x128xi32, #tpu.memory_space<vmem>> -> memref<128xi32, #tpu.memory_space<vmem>>
      %dma_start3A_2288 = arith.constant 0 : i32
      %dma_start3A_2289 = arith.constant 0 : i32
      %dma_start3A_2290 = tpu.memref_slice %arg3[%dma_start3A_2288, %dma_start3A_2289] : memref<2600000x16xf32, #tpu.memory_space<hbm>> -> memref<2600000x16xf32, #tpu.memory_space<hbm>>
      tpu.enqueue_indirect_dma source(%dma_start3A_2290 : memref<2600000x16xf32, #tpu.memory_space<hbm>>) target(%dma_start3A_2284 : memref<128x16xf32, #tpu.memory_space<vmem>>) offsets(%dma_start3A_2287 : memref<128xi32, #tpu.memory_space<vmem>>) semaphore(%arg11 : memref<!tpu.dma_semaphore, #tpu.memory_space<semaphore_mem>>)
      %dma_start3A_2291 = arith.constant 21 : i32
      %dma_start3A_2292 = arith.constant 21 : i32
      %dma_start3A_2293 = arith.constant 0 : i32
      %dma_start3A_2294 = arith.constant 0 : i32
      %dma_start3A_2295 = tpu.memref_slice %arg8[%dma_start3A_2292, %dma_start3A_2293, %dma_start3A_2294] : memref<26x128x16xf32, #tpu.memory_space<vmem>> -> memref<1x128x16xf32, #tpu.memory_space<vmem>>
      %dma_start3A_2296 = tpu.memref_squeeze %dma_start3A_2295 : memref<1x128x16xf32, #tpu.memory_space<vmem>> -> memref<128x16xf32, #tpu.memory_space<vmem>>
      %dma_start3A_2297 = arith.constant 0 : i32
      %dma_start3A_2298 = tpu.memref_slice %arg7[%dma_start3A_2291, %dma_start3A_2297] : memref<26x128xi32, #tpu.memory_space<vmem>> -> memref<1x128xi32, #tpu.memory_space<vmem>>
      %dma_start3A_2299 = tpu.memref_squeeze %dma_start3A_2298 : memref<1x128xi32, #tpu.memory_space<vmem>> -> memref<128xi32, #tpu.memory_space<vmem>>
      %dma_start3A_2300 = arith.constant 0 : i32
      %dma_start3A_2301 = arith.constant 0 : i32
      %dma_start3A_2302 = tpu.memref_slice %arg3[%dma_start3A_2300, %dma_start3A_2301] : memref<2600000x16xf32, #tpu.memory_space<hbm>> -> memref<2600000x16xf32, #tpu.memory_space<hbm>>
      tpu.enqueue_indirect_dma source(%dma_start3A_2302 : memref<2600000x16xf32, #tpu.memory_space<hbm>>) target(%dma_start3A_2296 : memref<128x16xf32, #tpu.memory_space<vmem>>) offsets(%dma_start3A_2299 : memref<128xi32, #tpu.memory_space<vmem>>) semaphore(%arg11 : memref<!tpu.dma_semaphore, #tpu.memory_space<semaphore_mem>>)
      %dma_start3A_2303 = arith.constant 22 : i32
      %dma_start3A_2304 = arith.constant 22 : i32
      %dma_start3A_2305 = arith.constant 0 : i32
      %dma_start3A_2306 = arith.constant 0 : i32
      %dma_start3A_2307 = tpu.memref_slice %arg8[%dma_start3A_2304, %dma_start3A_2305, %dma_start3A_2306] : memref<26x128x16xf32, #tpu.memory_space<vmem>> -> memref<1x128x16xf32, #tpu.memory_space<vmem>>
      %dma_start3A_2308 = tpu.memref_squeeze %dma_start3A_2307 : memref<1x128x16xf32, #tpu.memory_space<vmem>> -> memref<128x16xf32, #tpu.memory_space<vmem>>
      %dma_start3A_2309 = arith.constant 0 : i32
      %dma_start3A_2310 = tpu.memref_slice %arg7[%dma_start3A_2303, %dma_start3A_2309] : memref<26x128xi32, #tpu.memory_space<vmem>> -> memref<1x128xi32, #tpu.memory_space<vmem>>
      %dma_start3A_2311 = tpu.memref_squeeze %dma_start3A_2310 : memref<1x128xi32, #tpu.memory_space<vmem>> -> memref<128xi32, #tpu.memory_space<vmem>>
      %dma_start3A_2312 = arith.constant 0 : i32
      %dma_start3A_2313 = arith.constant 0 : i32
      %dma_start3A_2314 = tpu.memref_slice %arg3[%dma_start3A_2312, %dma_start3A_2313] : memref<2600000x16xf32, #tpu.memory_space<hbm>> -> memref<2600000x16xf32, #tpu.memory_space<hbm>>
      tpu.enqueue_indirect_dma source(%dma_start3A_2314 : memref<2600000x16xf32, #tpu.memory_space<hbm>>) target(%dma_start3A_2308 : memref<128x16xf32, #tpu.memory_space<vmem>>) offsets(%dma_start3A_2311 : memref<128xi32, #tpu.memory_space<vmem>>) semaphore(%arg11 : memref<!tpu.dma_semaphore, #tpu.memory_space<semaphore_mem>>)
      %dma_start3A_2315 = arith.constant 23 : i32
      %dma_start3A_2316 = arith.constant 23 : i32
      %dma_start3A_2317 = arith.constant 0 : i32
      %dma_start3A_2318 = arith.constant 0 : i32
      %dma_start3A_2319 = tpu.memref_slice %arg8[%dma_start3A_2316, %dma_start3A_2317, %dma_start3A_2318] : memref<26x128x16xf32, #tpu.memory_space<vmem>> -> memref<1x128x16xf32, #tpu.memory_space<vmem>>
      %dma_start3A_2320 = tpu.memref_squeeze %dma_start3A_2319 : memref<1x128x16xf32, #tpu.memory_space<vmem>> -> memref<128x16xf32, #tpu.memory_space<vmem>>
      %dma_start3A_2321 = arith.constant 0 : i32
      %dma_start3A_2322 = tpu.memref_slice %arg7[%dma_start3A_2315, %dma_start3A_2321] : memref<26x128xi32, #tpu.memory_space<vmem>> -> memref<1x128xi32, #tpu.memory_space<vmem>>
      %dma_start3A_2323 = tpu.memref_squeeze %dma_start3A_2322 : memref<1x128xi32, #tpu.memory_space<vmem>> -> memref<128xi32, #tpu.memory_space<vmem>>
      %dma_start3A_2324 = arith.constant 0 : i32
      %dma_start3A_2325 = arith.constant 0 : i32
      %dma_start3A_2326 = tpu.memref_slice %arg3[%dma_start3A_2324, %dma_start3A_2325] : memref<2600000x16xf32, #tpu.memory_space<hbm>> -> memref<2600000x16xf32, #tpu.memory_space<hbm>>
      tpu.enqueue_indirect_dma source(%dma_start3A_2326 : memref<2600000x16xf32, #tpu.memory_space<hbm>>) target(%dma_start3A_2320 : memref<128x16xf32, #tpu.memory_space<vmem>>) offsets(%dma_start3A_2323 : memref<128xi32, #tpu.memory_space<vmem>>) semaphore(%arg11 : memref<!tpu.dma_semaphore, #tpu.memory_space<semaphore_mem>>)
      %dma_start3A_2327 = arith.constant 24 : i32
      %dma_start3A_2328 = arith.constant 24 : i32
      %dma_start3A_2329 = arith.constant 0 : i32
      %dma_start3A_2330 = arith.constant 0 : i32
      %dma_start3A_2331 = tpu.memref_slice %arg8[%dma_start3A_2328, %dma_start3A_2329, %dma_start3A_2330] : memref<26x128x16xf32, #tpu.memory_space<vmem>> -> memref<1x128x16xf32, #tpu.memory_space<vmem>>
      %dma_start3A_2332 = tpu.memref_squeeze %dma_start3A_2331 : memref<1x128x16xf32, #tpu.memory_space<vmem>> -> memref<128x16xf32, #tpu.memory_space<vmem>>
      %dma_start3A_2333 = arith.constant 0 : i32
      %dma_start3A_2334 = tpu.memref_slice %arg7[%dma_start3A_2327, %dma_start3A_2333] : memref<26x128xi32, #tpu.memory_space<vmem>> -> memref<1x128xi32, #tpu.memory_space<vmem>>
      %dma_start3A_2335 = tpu.memref_squeeze %dma_start3A_2334 : memref<1x128xi32, #tpu.memory_space<vmem>> -> memref<128xi32, #tpu.memory_space<vmem>>
      %dma_start3A_2336 = arith.constant 0 : i32
      %dma_start3A_2337 = arith.constant 0 : i32
      %dma_start3A_2338 = tpu.memref_slice %arg3[%dma_start3A_2336, %dma_start3A_2337] : memref<2600000x16xf32, #tpu.memory_space<hbm>> -> memref<2600000x16xf32, #tpu.memory_space<hbm>>
      tpu.enqueue_indirect_dma source(%dma_start3A_2338 : memref<2600000x16xf32, #tpu.memory_space<hbm>>) target(%dma_start3A_2332 : memref<128x16xf32, #tpu.memory_space<vmem>>) offsets(%dma_start3A_2335 : memref<128xi32, #tpu.memory_space<vmem>>) semaphore(%arg11 : memref<!tpu.dma_semaphore, #tpu.memory_space<semaphore_mem>>)
      %dma_start3A_2339 = arith.constant 25 : i32
      %dma_start3A_2340 = arith.constant 25 : i32
      %dma_start3A_2341 = arith.constant 0 : i32
      %dma_start3A_2342 = arith.constant 0 : i32
      %dma_start3A_2343 = tpu.memref_slice %arg8[%dma_start3A_2340, %dma_start3A_2341, %dma_start3A_2342] : memref<26x128x16xf32, #tpu.memory_space<vmem>> -> memref<1x128x16xf32, #tpu.memory_space<vmem>>
      %dma_start3A_2344 = tpu.memref_squeeze %dma_start3A_2343 : memref<1x128x16xf32, #tpu.memory_space<vmem>> -> memref<128x16xf32, #tpu.memory_space<vmem>>
      %dma_start3A_2345 = arith.constant 0 : i32
      %dma_start3A_2346 = tpu.memref_slice %arg7[%dma_start3A_2339, %dma_start3A_2345] : memref<26x128xi32, #tpu.memory_space<vmem>> -> memref<1x128xi32, #tpu.memory_space<vmem>>
      %dma_start3A_2347 = tpu.memref_squeeze %dma_start3A_2346 : memref<1x128xi32, #tpu.memory_space<vmem>> -> memref<128xi32, #tpu.memory_space<vmem>>
      %dma_start3A_2348 = arith.constant 0 : i32
      %dma_start3A_2349 = arith.constant 0 : i32
      %dma_start3A_2350 = tpu.memref_slice %arg3[%dma_start3A_2348, %dma_start3A_2349] : memref<2600000x16xf32, #tpu.memory_space<hbm>> -> memref<2600000x16xf32, #tpu.memory_space<hbm>>
      tpu.enqueue_indirect_dma source(%dma_start3A_2350 : memref<2600000x16xf32, #tpu.memory_space<hbm>>) target(%dma_start3A_2344 : memref<128x16xf32, #tpu.memory_space<vmem>>) offsets(%dma_start3A_2347 : memref<128xi32, #tpu.memory_space<vmem>>) semaphore(%arg11 : memref<!tpu.dma_semaphore, #tpu.memory_space<semaphore_mem>>)
      %dma_wait3A = arith.constant 0 : i32
      %dma_wait3A_2351 = arith.constant 0 : i32
      %dma_wait3A_2352 = arith.constant 0 : i32
      %dma_wait3A_2353 = arith.constant 0 : i32
      %dma_wait3A_2354 = tpu.memref_slice %arg8[%dma_wait3A_2351, %dma_wait3A_2352, %dma_wait3A_2353] : memref<26x128x16xf32, #tpu.memory_space<vmem>> -> memref<1x128x16xf32, #tpu.memory_space<vmem>>
      %dma_wait3A_2355 = tpu.memref_squeeze %dma_wait3A_2354 : memref<1x128x16xf32, #tpu.memory_space<vmem>> -> memref<128x16xf32, #tpu.memory_space<vmem>>
      %dma_wait3A_2356 = arith.constant 0 : i32
      %dma_wait3A_2357 = tpu.memref_slice %arg7[%dma_wait3A, %dma_wait3A_2356] : memref<26x128xi32, #tpu.memory_space<vmem>> -> memref<1x128xi32, #tpu.memory_space<vmem>>
      %dma_wait3A_2358 = tpu.memref_squeeze %dma_wait3A_2357 : memref<1x128xi32, #tpu.memory_space<vmem>> -> memref<128xi32, #tpu.memory_space<vmem>>
      %dma_wait3A_2359 = arith.constant 0 : i32
      %dma_wait3A_2360 = arith.constant 0 : i32
      %dma_wait3A_2361 = tpu.memref_slice %arg3[%dma_wait3A_2359, %dma_wait3A_2360] : memref<2600000x16xf32, #tpu.memory_space<hbm>> -> memref<2600000x16xf32, #tpu.memory_space<hbm>>
      tpu.wait_indirect_dma semaphore(%arg11 : memref<!tpu.dma_semaphore, #tpu.memory_space<semaphore_mem>>) src(%dma_wait3A_2361 : memref<2600000x16xf32, #tpu.memory_space<hbm>>) dst(%dma_wait3A_2355 : memref<128x16xf32, #tpu.memory_space<vmem>>)
      %dma_wait3A_2362 = arith.constant 1 : i32
      %dma_wait3A_2363 = arith.constant 1 : i32
      %dma_wait3A_2364 = arith.constant 0 : i32
      %dma_wait3A_2365 = arith.constant 0 : i32
      %dma_wait3A_2366 = tpu.memref_slice %arg8[%dma_wait3A_2363, %dma_wait3A_2364, %dma_wait3A_2365] : memref<26x128x16xf32, #tpu.memory_space<vmem>> -> memref<1x128x16xf32, #tpu.memory_space<vmem>>
      %dma_wait3A_2367 = tpu.memref_squeeze %dma_wait3A_2366 : memref<1x128x16xf32, #tpu.memory_space<vmem>> -> memref<128x16xf32, #tpu.memory_space<vmem>>
      %dma_wait3A_2368 = arith.constant 0 : i32
      %dma_wait3A_2369 = tpu.memref_slice %arg7[%dma_wait3A_2362, %dma_wait3A_2368] : memref<26x128xi32, #tpu.memory_space<vmem>> -> memref<1x128xi32, #tpu.memory_space<vmem>>
      %dma_wait3A_2370 = tpu.memref_squeeze %dma_wait3A_2369 : memref<1x128xi32, #tpu.memory_space<vmem>> -> memref<128xi32, #tpu.memory_space<vmem>>
      %dma_wait3A_2371 = arith.constant 0 : i32
      %dma_wait3A_2372 = arith.constant 0 : i32
      %dma_wait3A_2373 = tpu.memref_slice %arg3[%dma_wait3A_2371, %dma_wait3A_2372] : memref<2600000x16xf32, #tpu.memory_space<hbm>> -> memref<2600000x16xf32, #tpu.memory_space<hbm>>
      tpu.wait_indirect_dma semaphore(%arg11 : memref<!tpu.dma_semaphore, #tpu.memory_space<semaphore_mem>>) src(%dma_wait3A_2373 : memref<2600000x16xf32, #tpu.memory_space<hbm>>) dst(%dma_wait3A_2367 : memref<128x16xf32, #tpu.memory_space<vmem>>)
      %dma_wait3A_2374 = arith.constant 2 : i32
      %dma_wait3A_2375 = arith.constant 2 : i32
      %dma_wait3A_2376 = arith.constant 0 : i32
      %dma_wait3A_2377 = arith.constant 0 : i32
      %dma_wait3A_2378 = tpu.memref_slice %arg8[%dma_wait3A_2375, %dma_wait3A_2376, %dma_wait3A_2377] : memref<26x128x16xf32, #tpu.memory_space<vmem>> -> memref<1x128x16xf32, #tpu.memory_space<vmem>>
      %dma_wait3A_2379 = tpu.memref_squeeze %dma_wait3A_2378 : memref<1x128x16xf32, #tpu.memory_space<vmem>> -> memref<128x16xf32, #tpu.memory_space<vmem>>
      %dma_wait3A_2380 = arith.constant 0 : i32
      %dma_wait3A_2381 = tpu.memref_slice %arg7[%dma_wait3A_2374, %dma_wait3A_2380] : memref<26x128xi32, #tpu.memory_space<vmem>> -> memref<1x128xi32, #tpu.memory_space<vmem>>
      %dma_wait3A_2382 = tpu.memref_squeeze %dma_wait3A_2381 : memref<1x128xi32, #tpu.memory_space<vmem>> -> memref<128xi32, #tpu.memory_space<vmem>>
      %dma_wait3A_2383 = arith.constant 0 : i32
      %dma_wait3A_2384 = arith.constant 0 : i32
      %dma_wait3A_2385 = tpu.memref_slice %arg3[%dma_wait3A_2383, %dma_wait3A_2384] : memref<2600000x16xf32, #tpu.memory_space<hbm>> -> memref<2600000x16xf32, #tpu.memory_space<hbm>>
      tpu.wait_indirect_dma semaphore(%arg11 : memref<!tpu.dma_semaphore, #tpu.memory_space<semaphore_mem>>) src(%dma_wait3A_2385 : memref<2600000x16xf32, #tpu.memory_space<hbm>>) dst(%dma_wait3A_2379 : memref<128x16xf32, #tpu.memory_space<vmem>>)
      %dma_wait3A_2386 = arith.constant 3 : i32
      %dma_wait3A_2387 = arith.constant 3 : i32
      %dma_wait3A_2388 = arith.constant 0 : i32
      %dma_wait3A_2389 = arith.constant 0 : i32
      %dma_wait3A_2390 = tpu.memref_slice %arg8[%dma_wait3A_2387, %dma_wait3A_2388, %dma_wait3A_2389] : memref<26x128x16xf32, #tpu.memory_space<vmem>> -> memref<1x128x16xf32, #tpu.memory_space<vmem>>
      %dma_wait3A_2391 = tpu.memref_squeeze %dma_wait3A_2390 : memref<1x128x16xf32, #tpu.memory_space<vmem>> -> memref<128x16xf32, #tpu.memory_space<vmem>>
      %dma_wait3A_2392 = arith.constant 0 : i32
      %dma_wait3A_2393 = tpu.memref_slice %arg7[%dma_wait3A_2386, %dma_wait3A_2392] : memref<26x128xi32, #tpu.memory_space<vmem>> -> memref<1x128xi32, #tpu.memory_space<vmem>>
      %dma_wait3A_2394 = tpu.memref_squeeze %dma_wait3A_2393 : memref<1x128xi32, #tpu.memory_space<vmem>> -> memref<128xi32, #tpu.memory_space<vmem>>
      %dma_wait3A_2395 = arith.constant 0 : i32
      %dma_wait3A_2396 = arith.constant 0 : i32
      %dma_wait3A_2397 = tpu.memref_slice %arg3[%dma_wait3A_2395, %dma_wait3A_2396] : memref<2600000x16xf32, #tpu.memory_space<hbm>> -> memref<2600000x16xf32, #tpu.memory_space<hbm>>
      tpu.wait_indirect_dma semaphore(%arg11 : memref<!tpu.dma_semaphore, #tpu.memory_space<semaphore_mem>>) src(%dma_wait3A_2397 : memref<2600000x16xf32, #tpu.memory_space<hbm>>) dst(%dma_wait3A_2391 : memref<128x16xf32, #tpu.memory_space<vmem>>)
      %dma_wait3A_2398 = arith.constant 4 : i32
      %dma_wait3A_2399 = arith.constant 4 : i32
      %dma_wait3A_2400 = arith.constant 0 : i32
      %dma_wait3A_2401 = arith.constant 0 : i32
      %dma_wait3A_2402 = tpu.memref_slice %arg8[%dma_wait3A_2399, %dma_wait3A_2400, %dma_wait3A_2401] : memref<26x128x16xf32, #tpu.memory_space<vmem>> -> memref<1x128x16xf32, #tpu.memory_space<vmem>>
      %dma_wait3A_2403 = tpu.memref_squeeze %dma_wait3A_2402 : memref<1x128x16xf32, #tpu.memory_space<vmem>> -> memref<128x16xf32, #tpu.memory_space<vmem>>
      %dma_wait3A_2404 = arith.constant 0 : i32
      %dma_wait3A_2405 = tpu.memref_slice %arg7[%dma_wait3A_2398, %dma_wait3A_2404] : memref<26x128xi32, #tpu.memory_space<vmem>> -> memref<1x128xi32, #tpu.memory_space<vmem>>
      %dma_wait3A_2406 = tpu.memref_squeeze %dma_wait3A_2405 : memref<1x128xi32, #tpu.memory_space<vmem>> -> memref<128xi32, #tpu.memory_space<vmem>>
      %dma_wait3A_2407 = arith.constant 0 : i32
      %dma_wait3A_2408 = arith.constant 0 : i32
      %dma_wait3A_2409 = tpu.memref_slice %arg3[%dma_wait3A_2407, %dma_wait3A_2408] : memref<2600000x16xf32, #tpu.memory_space<hbm>> -> memref<2600000x16xf32, #tpu.memory_space<hbm>>
      tpu.wait_indirect_dma semaphore(%arg11 : memref<!tpu.dma_semaphore, #tpu.memory_space<semaphore_mem>>) src(%dma_wait3A_2409 : memref<2600000x16xf32, #tpu.memory_space<hbm>>) dst(%dma_wait3A_2403 : memref<128x16xf32, #tpu.memory_space<vmem>>)
      %dma_wait3A_2410 = arith.constant 5 : i32
      %dma_wait3A_2411 = arith.constant 5 : i32
      %dma_wait3A_2412 = arith.constant 0 : i32
      %dma_wait3A_2413 = arith.constant 0 : i32
      %dma_wait3A_2414 = tpu.memref_slice %arg8[%dma_wait3A_2411, %dma_wait3A_2412, %dma_wait3A_2413] : memref<26x128x16xf32, #tpu.memory_space<vmem>> -> memref<1x128x16xf32, #tpu.memory_space<vmem>>
      %dma_wait3A_2415 = tpu.memref_squeeze %dma_wait3A_2414 : memref<1x128x16xf32, #tpu.memory_space<vmem>> -> memref<128x16xf32, #tpu.memory_space<vmem>>
      %dma_wait3A_2416 = arith.constant 0 : i32
      %dma_wait3A_2417 = tpu.memref_slice %arg7[%dma_wait3A_2410, %dma_wait3A_2416] : memref<26x128xi32, #tpu.memory_space<vmem>> -> memref<1x128xi32, #tpu.memory_space<vmem>>
      %dma_wait3A_2418 = tpu.memref_squeeze %dma_wait3A_2417 : memref<1x128xi32, #tpu.memory_space<vmem>> -> memref<128xi32, #tpu.memory_space<vmem>>
      %dma_wait3A_2419 = arith.constant 0 : i32
      %dma_wait3A_2420 = arith.constant 0 : i32
      %dma_wait3A_2421 = tpu.memref_slice %arg3[%dma_wait3A_2419, %dma_wait3A_2420] : memref<2600000x16xf32, #tpu.memory_space<hbm>> -> memref<2600000x16xf32, #tpu.memory_space<hbm>>
      tpu.wait_indirect_dma semaphore(%arg11 : memref<!tpu.dma_semaphore, #tpu.memory_space<semaphore_mem>>) src(%dma_wait3A_2421 : memref<2600000x16xf32, #tpu.memory_space<hbm>>) dst(%dma_wait3A_2415 : memref<128x16xf32, #tpu.memory_space<vmem>>)
      %dma_wait3A_2422 = arith.constant 6 : i32
      %dma_wait3A_2423 = arith.constant 6 : i32
      %dma_wait3A_2424 = arith.constant 0 : i32
      %dma_wait3A_2425 = arith.constant 0 : i32
      %dma_wait3A_2426 = tpu.memref_slice %arg8[%dma_wait3A_2423, %dma_wait3A_2424, %dma_wait3A_2425] : memref<26x128x16xf32, #tpu.memory_space<vmem>> -> memref<1x128x16xf32, #tpu.memory_space<vmem>>
      %dma_wait3A_2427 = tpu.memref_squeeze %dma_wait3A_2426 : memref<1x128x16xf32, #tpu.memory_space<vmem>> -> memref<128x16xf32, #tpu.memory_space<vmem>>
      %dma_wait3A_2428 = arith.constant 0 : i32
      %dma_wait3A_2429 = tpu.memref_slice %arg7[%dma_wait3A_2422, %dma_wait3A_2428] : memref<26x128xi32, #tpu.memory_space<vmem>> -> memref<1x128xi32, #tpu.memory_space<vmem>>
      %dma_wait3A_2430 = tpu.memref_squeeze %dma_wait3A_2429 : memref<1x128xi32, #tpu.memory_space<vmem>> -> memref<128xi32, #tpu.memory_space<vmem>>
      %dma_wait3A_2431 = arith.constant 0 : i32
      %dma_wait3A_2432 = arith.constant 0 : i32
      %dma_wait3A_2433 = tpu.memref_slice %arg3[%dma_wait3A_2431, %dma_wait3A_2432] : memref<2600000x16xf32, #tpu.memory_space<hbm>> -> memref<2600000x16xf32, #tpu.memory_space<hbm>>
      tpu.wait_indirect_dma semaphore(%arg11 : memref<!tpu.dma_semaphore, #tpu.memory_space<semaphore_mem>>) src(%dma_wait3A_2433 : memref<2600000x16xf32, #tpu.memory_space<hbm>>) dst(%dma_wait3A_2427 : memref<128x16xf32, #tpu.memory_space<vmem>>)
      %dma_wait3A_2434 = arith.constant 7 : i32
      %dma_wait3A_2435 = arith.constant 7 : i32
      %dma_wait3A_2436 = arith.constant 0 : i32
      %dma_wait3A_2437 = arith.constant 0 : i32
      %dma_wait3A_2438 = tpu.memref_slice %arg8[%dma_wait3A_2435, %dma_wait3A_2436, %dma_wait3A_2437] : memref<26x128x16xf32, #tpu.memory_space<vmem>> -> memref<1x128x16xf32, #tpu.memory_space<vmem>>
      %dma_wait3A_2439 = tpu.memref_squeeze %dma_wait3A_2438 : memref<1x128x16xf32, #tpu.memory_space<vmem>> -> memref<128x16xf32, #tpu.memory_space<vmem>>
      %dma_wait3A_2440 = arith.constant 0 : i32
      %dma_wait3A_2441 = tpu.memref_slice %arg7[%dma_wait3A_2434, %dma_wait3A_2440] : memref<26x128xi32, #tpu.memory_space<vmem>> -> memref<1x128xi32, #tpu.memory_space<vmem>>
      %dma_wait3A_2442 = tpu.memref_squeeze %dma_wait3A_2441 : memref<1x128xi32, #tpu.memory_space<vmem>> -> memref<128xi32, #tpu.memory_space<vmem>>
      %dma_wait3A_2443 = arith.constant 0 : i32
      %dma_wait3A_2444 = arith.constant 0 : i32
      %dma_wait3A_2445 = tpu.memref_slice %arg3[%dma_wait3A_2443, %dma_wait3A_2444] : memref<2600000x16xf32, #tpu.memory_space<hbm>> -> memref<2600000x16xf32, #tpu.memory_space<hbm>>
      tpu.wait_indirect_dma semaphore(%arg11 : memref<!tpu.dma_semaphore, #tpu.memory_space<semaphore_mem>>) src(%dma_wait3A_2445 : memref<2600000x16xf32, #tpu.memory_space<hbm>>) dst(%dma_wait3A_2439 : memref<128x16xf32, #tpu.memory_space<vmem>>)
      %dma_wait3A_2446 = arith.constant 8 : i32
      %dma_wait3A_2447 = arith.constant 8 : i32
      %dma_wait3A_2448 = arith.constant 0 : i32
      %dma_wait3A_2449 = arith.constant 0 : i32
      %dma_wait3A_2450 = tpu.memref_slice %arg8[%dma_wait3A_2447, %dma_wait3A_2448, %dma_wait3A_2449] : memref<26x128x16xf32, #tpu.memory_space<vmem>> -> memref<1x128x16xf32, #tpu.memory_space<vmem>>
      %dma_wait3A_2451 = tpu.memref_squeeze %dma_wait3A_2450 : memref<1x128x16xf32, #tpu.memory_space<vmem>> -> memref<128x16xf32, #tpu.memory_space<vmem>>
      %dma_wait3A_2452 = arith.constant 0 : i32
      %dma_wait3A_2453 = tpu.memref_slice %arg7[%dma_wait3A_2446, %dma_wait3A_2452] : memref<26x128xi32, #tpu.memory_space<vmem>> -> memref<1x128xi32, #tpu.memory_space<vmem>>
      %dma_wait3A_2454 = tpu.memref_squeeze %dma_wait3A_2453 : memref<1x128xi32, #tpu.memory_space<vmem>> -> memref<128xi32, #tpu.memory_space<vmem>>
      %dma_wait3A_2455 = arith.constant 0 : i32
      %dma_wait3A_2456 = arith.constant 0 : i32
      %dma_wait3A_2457 = tpu.memref_slice %arg3[%dma_wait3A_2455, %dma_wait3A_2456] : memref<2600000x16xf32, #tpu.memory_space<hbm>> -> memref<2600000x16xf32, #tpu.memory_space<hbm>>
      tpu.wait_indirect_dma semaphore(%arg11 : memref<!tpu.dma_semaphore, #tpu.memory_space<semaphore_mem>>) src(%dma_wait3A_2457 : memref<2600000x16xf32, #tpu.memory_space<hbm>>) dst(%dma_wait3A_2451 : memref<128x16xf32, #tpu.memory_space<vmem>>)
      %dma_wait3A_2458 = arith.constant 9 : i32
      %dma_wait3A_2459 = arith.constant 9 : i32
      %dma_wait3A_2460 = arith.constant 0 : i32
      %dma_wait3A_2461 = arith.constant 0 : i32
      %dma_wait3A_2462 = tpu.memref_slice %arg8[%dma_wait3A_2459, %dma_wait3A_2460, %dma_wait3A_2461] : memref<26x128x16xf32, #tpu.memory_space<vmem>> -> memref<1x128x16xf32, #tpu.memory_space<vmem>>
      %dma_wait3A_2463 = tpu.memref_squeeze %dma_wait3A_2462 : memref<1x128x16xf32, #tpu.memory_space<vmem>> -> memref<128x16xf32, #tpu.memory_space<vmem>>
      %dma_wait3A_2464 = arith.constant 0 : i32
      %dma_wait3A_2465 = tpu.memref_slice %arg7[%dma_wait3A_2458, %dma_wait3A_2464] : memref<26x128xi32, #tpu.memory_space<vmem>> -> memref<1x128xi32, #tpu.memory_space<vmem>>
      %dma_wait3A_2466 = tpu.memref_squeeze %dma_wait3A_2465 : memref<1x128xi32, #tpu.memory_space<vmem>> -> memref<128xi32, #tpu.memory_space<vmem>>
      %dma_wait3A_2467 = arith.constant 0 : i32
      %dma_wait3A_2468 = arith.constant 0 : i32
      %dma_wait3A_2469 = tpu.memref_slice %arg3[%dma_wait3A_2467, %dma_wait3A_2468] : memref<2600000x16xf32, #tpu.memory_space<hbm>> -> memref<2600000x16xf32, #tpu.memory_space<hbm>>
      tpu.wait_indirect_dma semaphore(%arg11 : memref<!tpu.dma_semaphore, #tpu.memory_space<semaphore_mem>>) src(%dma_wait3A_2469 : memref<2600000x16xf32, #tpu.memory_space<hbm>>) dst(%dma_wait3A_2463 : memref<128x16xf32, #tpu.memory_space<vmem>>)
      %dma_wait3A_2470 = arith.constant 10 : i32
      %dma_wait3A_2471 = arith.constant 10 : i32
      %dma_wait3A_2472 = arith.constant 0 : i32
      %dma_wait3A_2473 = arith.constant 0 : i32
      %dma_wait3A_2474 = tpu.memref_slice %arg8[%dma_wait3A_2471, %dma_wait3A_2472, %dma_wait3A_2473] : memref<26x128x16xf32, #tpu.memory_space<vmem>> -> memref<1x128x16xf32, #tpu.memory_space<vmem>>
      %dma_wait3A_2475 = tpu.memref_squeeze %dma_wait3A_2474 : memref<1x128x16xf32, #tpu.memory_space<vmem>> -> memref<128x16xf32, #tpu.memory_space<vmem>>
      %dma_wait3A_2476 = arith.constant 0 : i32
      %dma_wait3A_2477 = tpu.memref_slice %arg7[%dma_wait3A_2470, %dma_wait3A_2476] : memref<26x128xi32, #tpu.memory_space<vmem>> -> memref<1x128xi32, #tpu.memory_space<vmem>>
      %dma_wait3A_2478 = tpu.memref_squeeze %dma_wait3A_2477 : memref<1x128xi32, #tpu.memory_space<vmem>> -> memref<128xi32, #tpu.memory_space<vmem>>
      %dma_wait3A_2479 = arith.constant 0 : i32
      %dma_wait3A_2480 = arith.constant 0 : i32
      %dma_wait3A_2481 = tpu.memref_slice %arg3[%dma_wait3A_2479, %dma_wait3A_2480] : memref<2600000x16xf32, #tpu.memory_space<hbm>> -> memref<2600000x16xf32, #tpu.memory_space<hbm>>
      tpu.wait_indirect_dma semaphore(%arg11 : memref<!tpu.dma_semaphore, #tpu.memory_space<semaphore_mem>>) src(%dma_wait3A_2481 : memref<2600000x16xf32, #tpu.memory_space<hbm>>) dst(%dma_wait3A_2475 : memref<128x16xf32, #tpu.memory_space<vmem>>)
      %dma_wait3A_2482 = arith.constant 11 : i32
      %dma_wait3A_2483 = arith.constant 11 : i32
      %dma_wait3A_2484 = arith.constant 0 : i32
      %dma_wait3A_2485 = arith.constant 0 : i32
      %dma_wait3A_2486 = tpu.memref_slice %arg8[%dma_wait3A_2483, %dma_wait3A_2484, %dma_wait3A_2485] : memref<26x128x16xf32, #tpu.memory_space<vmem>> -> memref<1x128x16xf32, #tpu.memory_space<vmem>>
      %dma_wait3A_2487 = tpu.memref_squeeze %dma_wait3A_2486 : memref<1x128x16xf32, #tpu.memory_space<vmem>> -> memref<128x16xf32, #tpu.memory_space<vmem>>
      %dma_wait3A_2488 = arith.constant 0 : i32
      %dma_wait3A_2489 = tpu.memref_slice %arg7[%dma_wait3A_2482, %dma_wait3A_2488] : memref<26x128xi32, #tpu.memory_space<vmem>> -> memref<1x128xi32, #tpu.memory_space<vmem>>
      %dma_wait3A_2490 = tpu.memref_squeeze %dma_wait3A_2489 : memref<1x128xi32, #tpu.memory_space<vmem>> -> memref<128xi32, #tpu.memory_space<vmem>>
      %dma_wait3A_2491 = arith.constant 0 : i32
      %dma_wait3A_2492 = arith.constant 0 : i32
      %dma_wait3A_2493 = tpu.memref_slice %arg3[%dma_wait3A_2491, %dma_wait3A_2492] : memref<2600000x16xf32, #tpu.memory_space<hbm>> -> memref<2600000x16xf32, #tpu.memory_space<hbm>>
      tpu.wait_indirect_dma semaphore(%arg11 : memref<!tpu.dma_semaphore, #tpu.memory_space<semaphore_mem>>) src(%dma_wait3A_2493 : memref<2600000x16xf32, #tpu.memory_space<hbm>>) dst(%dma_wait3A_2487 : memref<128x16xf32, #tpu.memory_space<vmem>>)
      %dma_wait3A_2494 = arith.constant 12 : i32
      %dma_wait3A_2495 = arith.constant 12 : i32
      %dma_wait3A_2496 = arith.constant 0 : i32
      %dma_wait3A_2497 = arith.constant 0 : i32
      %dma_wait3A_2498 = tpu.memref_slice %arg8[%dma_wait3A_2495, %dma_wait3A_2496, %dma_wait3A_2497] : memref<26x128x16xf32, #tpu.memory_space<vmem>> -> memref<1x128x16xf32, #tpu.memory_space<vmem>>
      %dma_wait3A_2499 = tpu.memref_squeeze %dma_wait3A_2498 : memref<1x128x16xf32, #tpu.memory_space<vmem>> -> memref<128x16xf32, #tpu.memory_space<vmem>>
      %dma_wait3A_2500 = arith.constant 0 : i32
      %dma_wait3A_2501 = tpu.memref_slice %arg7[%dma_wait3A_2494, %dma_wait3A_2500] : memref<26x128xi32, #tpu.memory_space<vmem>> -> memref<1x128xi32, #tpu.memory_space<vmem>>
      %dma_wait3A_2502 = tpu.memref_squeeze %dma_wait3A_2501 : memref<1x128xi32, #tpu.memory_space<vmem>> -> memref<128xi32, #tpu.memory_space<vmem>>
      %dma_wait3A_2503 = arith.constant 0 : i32
      %dma_wait3A_2504 = arith.constant 0 : i32
      %dma_wait3A_2505 = tpu.memref_slice %arg3[%dma_wait3A_2503, %dma_wait3A_2504] : memref<2600000x16xf32, #tpu.memory_space<hbm>> -> memref<2600000x16xf32, #tpu.memory_space<hbm>>
      tpu.wait_indirect_dma semaphore(%arg11 : memref<!tpu.dma_semaphore, #tpu.memory_space<semaphore_mem>>) src(%dma_wait3A_2505 : memref<2600000x16xf32, #tpu.memory_space<hbm>>) dst(%dma_wait3A_2499 : memref<128x16xf32, #tpu.memory_space<vmem>>)
      %dma_wait3A_2506 = arith.constant 13 : i32
      %dma_wait3A_2507 = arith.constant 13 : i32
      %dma_wait3A_2508 = arith.constant 0 : i32
      %dma_wait3A_2509 = arith.constant 0 : i32
      %dma_wait3A_2510 = tpu.memref_slice %arg8[%dma_wait3A_2507, %dma_wait3A_2508, %dma_wait3A_2509] : memref<26x128x16xf32, #tpu.memory_space<vmem>> -> memref<1x128x16xf32, #tpu.memory_space<vmem>>
      %dma_wait3A_2511 = tpu.memref_squeeze %dma_wait3A_2510 : memref<1x128x16xf32, #tpu.memory_space<vmem>> -> memref<128x16xf32, #tpu.memory_space<vmem>>
      %dma_wait3A_2512 = arith.constant 0 : i32
      %dma_wait3A_2513 = tpu.memref_slice %arg7[%dma_wait3A_2506, %dma_wait3A_2512] : memref<26x128xi32, #tpu.memory_space<vmem>> -> memref<1x128xi32, #tpu.memory_space<vmem>>
      %dma_wait3A_2514 = tpu.memref_squeeze %dma_wait3A_2513 : memref<1x128xi32, #tpu.memory_space<vmem>> -> memref<128xi32, #tpu.memory_space<vmem>>
      %dma_wait3A_2515 = arith.constant 0 : i32
      %dma_wait3A_2516 = arith.constant 0 : i32
      %dma_wait3A_2517 = tpu.memref_slice %arg3[%dma_wait3A_2515, %dma_wait3A_2516] : memref<2600000x16xf32, #tpu.memory_space<hbm>> -> memref<2600000x16xf32, #tpu.memory_space<hbm>>
      tpu.wait_indirect_dma semaphore(%arg11 : memref<!tpu.dma_semaphore, #tpu.memory_space<semaphore_mem>>) src(%dma_wait3A_2517 : memref<2600000x16xf32, #tpu.memory_space<hbm>>) dst(%dma_wait3A_2511 : memref<128x16xf32, #tpu.memory_space<vmem>>)
      %dma_wait3A_2518 = arith.constant 14 : i32
      %dma_wait3A_2519 = arith.constant 14 : i32
      %dma_wait3A_2520 = arith.constant 0 : i32
      %dma_wait3A_2521 = arith.constant 0 : i32
      %dma_wait3A_2522 = tpu.memref_slice %arg8[%dma_wait3A_2519, %dma_wait3A_2520, %dma_wait3A_2521] : memref<26x128x16xf32, #tpu.memory_space<vmem>> -> memref<1x128x16xf32, #tpu.memory_space<vmem>>
      %dma_wait3A_2523 = tpu.memref_squeeze %dma_wait3A_2522 : memref<1x128x16xf32, #tpu.memory_space<vmem>> -> memref<128x16xf32, #tpu.memory_space<vmem>>
      %dma_wait3A_2524 = arith.constant 0 : i32
      %dma_wait3A_2525 = tpu.memref_slice %arg7[%dma_wait3A_2518, %dma_wait3A_2524] : memref<26x128xi32, #tpu.memory_space<vmem>> -> memref<1x128xi32, #tpu.memory_space<vmem>>
      %dma_wait3A_2526 = tpu.memref_squeeze %dma_wait3A_2525 : memref<1x128xi32, #tpu.memory_space<vmem>> -> memref<128xi32, #tpu.memory_space<vmem>>
      %dma_wait3A_2527 = arith.constant 0 : i32
      %dma_wait3A_2528 = arith.constant 0 : i32
      %dma_wait3A_2529 = tpu.memref_slice %arg3[%dma_wait3A_2527, %dma_wait3A_2528] : memref<2600000x16xf32, #tpu.memory_space<hbm>> -> memref<2600000x16xf32, #tpu.memory_space<hbm>>
      tpu.wait_indirect_dma semaphore(%arg11 : memref<!tpu.dma_semaphore, #tpu.memory_space<semaphore_mem>>) src(%dma_wait3A_2529 : memref<2600000x16xf32, #tpu.memory_space<hbm>>) dst(%dma_wait3A_2523 : memref<128x16xf32, #tpu.memory_space<vmem>>)
      %dma_wait3A_2530 = arith.constant 15 : i32
      %dma_wait3A_2531 = arith.constant 15 : i32
      %dma_wait3A_2532 = arith.constant 0 : i32
      %dma_wait3A_2533 = arith.constant 0 : i32
      %dma_wait3A_2534 = tpu.memref_slice %arg8[%dma_wait3A_2531, %dma_wait3A_2532, %dma_wait3A_2533] : memref<26x128x16xf32, #tpu.memory_space<vmem>> -> memref<1x128x16xf32, #tpu.memory_space<vmem>>
      %dma_wait3A_2535 = tpu.memref_squeeze %dma_wait3A_2534 : memref<1x128x16xf32, #tpu.memory_space<vmem>> -> memref<128x16xf32, #tpu.memory_space<vmem>>
      %dma_wait3A_2536 = arith.constant 0 : i32
      %dma_wait3A_2537 = tpu.memref_slice %arg7[%dma_wait3A_2530, %dma_wait3A_2536] : memref<26x128xi32, #tpu.memory_space<vmem>> -> memref<1x128xi32, #tpu.memory_space<vmem>>
      %dma_wait3A_2538 = tpu.memref_squeeze %dma_wait3A_2537 : memref<1x128xi32, #tpu.memory_space<vmem>> -> memref<128xi32, #tpu.memory_space<vmem>>
      %dma_wait3A_2539 = arith.constant 0 : i32
      %dma_wait3A_2540 = arith.constant 0 : i32
      %dma_wait3A_2541 = tpu.memref_slice %arg3[%dma_wait3A_2539, %dma_wait3A_2540] : memref<2600000x16xf32, #tpu.memory_space<hbm>> -> memref<2600000x16xf32, #tpu.memory_space<hbm>>
      tpu.wait_indirect_dma semaphore(%arg11 : memref<!tpu.dma_semaphore, #tpu.memory_space<semaphore_mem>>) src(%dma_wait3A_2541 : memref<2600000x16xf32, #tpu.memory_space<hbm>>) dst(%dma_wait3A_2535 : memref<128x16xf32, #tpu.memory_space<vmem>>)
      %dma_wait3A_2542 = arith.constant 16 : i32
      %dma_wait3A_2543 = arith.constant 16 : i32
      %dma_wait3A_2544 = arith.constant 0 : i32
      %dma_wait3A_2545 = arith.constant 0 : i32
      %dma_wait3A_2546 = tpu.memref_slice %arg8[%dma_wait3A_2543, %dma_wait3A_2544, %dma_wait3A_2545] : memref<26x128x16xf32, #tpu.memory_space<vmem>> -> memref<1x128x16xf32, #tpu.memory_space<vmem>>
      %dma_wait3A_2547 = tpu.memref_squeeze %dma_wait3A_2546 : memref<1x128x16xf32, #tpu.memory_space<vmem>> -> memref<128x16xf32, #tpu.memory_space<vmem>>
      %dma_wait3A_2548 = arith.constant 0 : i32
      %dma_wait3A_2549 = tpu.memref_slice %arg7[%dma_wait3A_2542, %dma_wait3A_2548] : memref<26x128xi32, #tpu.memory_space<vmem>> -> memref<1x128xi32, #tpu.memory_space<vmem>>
      %dma_wait3A_2550 = tpu.memref_squeeze %dma_wait3A_2549 : memref<1x128xi32, #tpu.memory_space<vmem>> -> memref<128xi32, #tpu.memory_space<vmem>>
      %dma_wait3A_2551 = arith.constant 0 : i32
      %dma_wait3A_2552 = arith.constant 0 : i32
      %dma_wait3A_2553 = tpu.memref_slice %arg3[%dma_wait3A_2551, %dma_wait3A_2552] : memref<2600000x16xf32, #tpu.memory_space<hbm>> -> memref<2600000x16xf32, #tpu.memory_space<hbm>>
      tpu.wait_indirect_dma semaphore(%arg11 : memref<!tpu.dma_semaphore, #tpu.memory_space<semaphore_mem>>) src(%dma_wait3A_2553 : memref<2600000x16xf32, #tpu.memory_space<hbm>>) dst(%dma_wait3A_2547 : memref<128x16xf32, #tpu.memory_space<vmem>>)
      %dma_wait3A_2554 = arith.constant 17 : i32
      %dma_wait3A_2555 = arith.constant 17 : i32
      %dma_wait3A_2556 = arith.constant 0 : i32
      %dma_wait3A_2557 = arith.constant 0 : i32
      %dma_wait3A_2558 = tpu.memref_slice %arg8[%dma_wait3A_2555, %dma_wait3A_2556, %dma_wait3A_2557] : memref<26x128x16xf32, #tpu.memory_space<vmem>> -> memref<1x128x16xf32, #tpu.memory_space<vmem>>
      %dma_wait3A_2559 = tpu.memref_squeeze %dma_wait3A_2558 : memref<1x128x16xf32, #tpu.memory_space<vmem>> -> memref<128x16xf32, #tpu.memory_space<vmem>>
      %dma_wait3A_2560 = arith.constant 0 : i32
      %dma_wait3A_2561 = tpu.memref_slice %arg7[%dma_wait3A_2554, %dma_wait3A_2560] : memref<26x128xi32, #tpu.memory_space<vmem>> -> memref<1x128xi32, #tpu.memory_space<vmem>>
      %dma_wait3A_2562 = tpu.memref_squeeze %dma_wait3A_2561 : memref<1x128xi32, #tpu.memory_space<vmem>> -> memref<128xi32, #tpu.memory_space<vmem>>
      %dma_wait3A_2563 = arith.constant 0 : i32
      %dma_wait3A_2564 = arith.constant 0 : i32
      %dma_wait3A_2565 = tpu.memref_slice %arg3[%dma_wait3A_2563, %dma_wait3A_2564] : memref<2600000x16xf32, #tpu.memory_space<hbm>> -> memref<2600000x16xf32, #tpu.memory_space<hbm>>
      tpu.wait_indirect_dma semaphore(%arg11 : memref<!tpu.dma_semaphore, #tpu.memory_space<semaphore_mem>>) src(%dma_wait3A_2565 : memref<2600000x16xf32, #tpu.memory_space<hbm>>) dst(%dma_wait3A_2559 : memref<128x16xf32, #tpu.memory_space<vmem>>)
      %dma_wait3A_2566 = arith.constant 18 : i32
      %dma_wait3A_2567 = arith.constant 18 : i32
      %dma_wait3A_2568 = arith.constant 0 : i32
      %dma_wait3A_2569 = arith.constant 0 : i32
      %dma_wait3A_2570 = tpu.memref_slice %arg8[%dma_wait3A_2567, %dma_wait3A_2568, %dma_wait3A_2569] : memref<26x128x16xf32, #tpu.memory_space<vmem>> -> memref<1x128x16xf32, #tpu.memory_space<vmem>>
      %dma_wait3A_2571 = tpu.memref_squeeze %dma_wait3A_2570 : memref<1x128x16xf32, #tpu.memory_space<vmem>> -> memref<128x16xf32, #tpu.memory_space<vmem>>
      %dma_wait3A_2572 = arith.constant 0 : i32
      %dma_wait3A_2573 = tpu.memref_slice %arg7[%dma_wait3A_2566, %dma_wait3A_2572] : memref<26x128xi32, #tpu.memory_space<vmem>> -> memref<1x128xi32, #tpu.memory_space<vmem>>
      %dma_wait3A_2574 = tpu.memref_squeeze %dma_wait3A_2573 : memref<1x128xi32, #tpu.memory_space<vmem>> -> memref<128xi32, #tpu.memory_space<vmem>>
      %dma_wait3A_2575 = arith.constant 0 : i32
      %dma_wait3A_2576 = arith.constant 0 : i32
      %dma_wait3A_2577 = tpu.memref_slice %arg3[%dma_wait3A_2575, %dma_wait3A_2576] : memref<2600000x16xf32, #tpu.memory_space<hbm>> -> memref<2600000x16xf32, #tpu.memory_space<hbm>>
      tpu.wait_indirect_dma semaphore(%arg11 : memref<!tpu.dma_semaphore, #tpu.memory_space<semaphore_mem>>) src(%dma_wait3A_2577 : memref<2600000x16xf32, #tpu.memory_space<hbm>>) dst(%dma_wait3A_2571 : memref<128x16xf32, #tpu.memory_space<vmem>>)
      %dma_wait3A_2578 = arith.constant 19 : i32
      %dma_wait3A_2579 = arith.constant 19 : i32
      %dma_wait3A_2580 = arith.constant 0 : i32
      %dma_wait3A_2581 = arith.constant 0 : i32
      %dma_wait3A_2582 = tpu.memref_slice %arg8[%dma_wait3A_2579, %dma_wait3A_2580, %dma_wait3A_2581] : memref<26x128x16xf32, #tpu.memory_space<vmem>> -> memref<1x128x16xf32, #tpu.memory_space<vmem>>
      %dma_wait3A_2583 = tpu.memref_squeeze %dma_wait3A_2582 : memref<1x128x16xf32, #tpu.memory_space<vmem>> -> memref<128x16xf32, #tpu.memory_space<vmem>>
      %dma_wait3A_2584 = arith.constant 0 : i32
      %dma_wait3A_2585 = tpu.memref_slice %arg7[%dma_wait3A_2578, %dma_wait3A_2584] : memref<26x128xi32, #tpu.memory_space<vmem>> -> memref<1x128xi32, #tpu.memory_space<vmem>>
      %dma_wait3A_2586 = tpu.memref_squeeze %dma_wait3A_2585 : memref<1x128xi32, #tpu.memory_space<vmem>> -> memref<128xi32, #tpu.memory_space<vmem>>
      %dma_wait3A_2587 = arith.constant 0 : i32
      %dma_wait3A_2588 = arith.constant 0 : i32
      %dma_wait3A_2589 = tpu.memref_slice %arg3[%dma_wait3A_2587, %dma_wait3A_2588] : memref<2600000x16xf32, #tpu.memory_space<hbm>> -> memref<2600000x16xf32, #tpu.memory_space<hbm>>
      tpu.wait_indirect_dma semaphore(%arg11 : memref<!tpu.dma_semaphore, #tpu.memory_space<semaphore_mem>>) src(%dma_wait3A_2589 : memref<2600000x16xf32, #tpu.memory_space<hbm>>) dst(%dma_wait3A_2583 : memref<128x16xf32, #tpu.memory_space<vmem>>)
      %dma_wait3A_2590 = arith.constant 20 : i32
      %dma_wait3A_2591 = arith.constant 20 : i32
      %dma_wait3A_2592 = arith.constant 0 : i32
      %dma_wait3A_2593 = arith.constant 0 : i32
      %dma_wait3A_2594 = tpu.memref_slice %arg8[%dma_wait3A_2591, %dma_wait3A_2592, %dma_wait3A_2593] : memref<26x128x16xf32, #tpu.memory_space<vmem>> -> memref<1x128x16xf32, #tpu.memory_space<vmem>>
      %dma_wait3A_2595 = tpu.memref_squeeze %dma_wait3A_2594 : memref<1x128x16xf32, #tpu.memory_space<vmem>> -> memref<128x16xf32, #tpu.memory_space<vmem>>
      %dma_wait3A_2596 = arith.constant 0 : i32
      %dma_wait3A_2597 = tpu.memref_slice %arg7[%dma_wait3A_2590, %dma_wait3A_2596] : memref<26x128xi32, #tpu.memory_space<vmem>> -> memref<1x128xi32, #tpu.memory_space<vmem>>
      %dma_wait3A_2598 = tpu.memref_squeeze %dma_wait3A_2597 : memref<1x128xi32, #tpu.memory_space<vmem>> -> memref<128xi32, #tpu.memory_space<vmem>>
      %dma_wait3A_2599 = arith.constant 0 : i32
      %dma_wait3A_2600 = arith.constant 0 : i32
      %dma_wait3A_2601 = tpu.memref_slice %arg3[%dma_wait3A_2599, %dma_wait3A_2600] : memref<2600000x16xf32, #tpu.memory_space<hbm>> -> memref<2600000x16xf32, #tpu.memory_space<hbm>>
      tpu.wait_indirect_dma semaphore(%arg11 : memref<!tpu.dma_semaphore, #tpu.memory_space<semaphore_mem>>) src(%dma_wait3A_2601 : memref<2600000x16xf32, #tpu.memory_space<hbm>>) dst(%dma_wait3A_2595 : memref<128x16xf32, #tpu.memory_space<vmem>>)
      %dma_wait3A_2602 = arith.constant 21 : i32
      %dma_wait3A_2603 = arith.constant 21 : i32
      %dma_wait3A_2604 = arith.constant 0 : i32
      %dma_wait3A_2605 = arith.constant 0 : i32
      %dma_wait3A_2606 = tpu.memref_slice %arg8[%dma_wait3A_2603, %dma_wait3A_2604, %dma_wait3A_2605] : memref<26x128x16xf32, #tpu.memory_space<vmem>> -> memref<1x128x16xf32, #tpu.memory_space<vmem>>
      %dma_wait3A_2607 = tpu.memref_squeeze %dma_wait3A_2606 : memref<1x128x16xf32, #tpu.memory_space<vmem>> -> memref<128x16xf32, #tpu.memory_space<vmem>>
      %dma_wait3A_2608 = arith.constant 0 : i32
      %dma_wait3A_2609 = tpu.memref_slice %arg7[%dma_wait3A_2602, %dma_wait3A_2608] : memref<26x128xi32, #tpu.memory_space<vmem>> -> memref<1x128xi32, #tpu.memory_space<vmem>>
      %dma_wait3A_2610 = tpu.memref_squeeze %dma_wait3A_2609 : memref<1x128xi32, #tpu.memory_space<vmem>> -> memref<128xi32, #tpu.memory_space<vmem>>
      %dma_wait3A_2611 = arith.constant 0 : i32
      %dma_wait3A_2612 = arith.constant 0 : i32
      %dma_wait3A_2613 = tpu.memref_slice %arg3[%dma_wait3A_2611, %dma_wait3A_2612] : memref<2600000x16xf32, #tpu.memory_space<hbm>> -> memref<2600000x16xf32, #tpu.memory_space<hbm>>
      tpu.wait_indirect_dma semaphore(%arg11 : memref<!tpu.dma_semaphore, #tpu.memory_space<semaphore_mem>>) src(%dma_wait3A_2613 : memref<2600000x16xf32, #tpu.memory_space<hbm>>) dst(%dma_wait3A_2607 : memref<128x16xf32, #tpu.memory_space<vmem>>)
      %dma_wait3A_2614 = arith.constant 22 : i32
      %dma_wait3A_2615 = arith.constant 22 : i32
      %dma_wait3A_2616 = arith.constant 0 : i32
      %dma_wait3A_2617 = arith.constant 0 : i32
      %dma_wait3A_2618 = tpu.memref_slice %arg8[%dma_wait3A_2615, %dma_wait3A_2616, %dma_wait3A_2617] : memref<26x128x16xf32, #tpu.memory_space<vmem>> -> memref<1x128x16xf32, #tpu.memory_space<vmem>>
      %dma_wait3A_2619 = tpu.memref_squeeze %dma_wait3A_2618 : memref<1x128x16xf32, #tpu.memory_space<vmem>> -> memref<128x16xf32, #tpu.memory_space<vmem>>
      %dma_wait3A_2620 = arith.constant 0 : i32
      %dma_wait3A_2621 = tpu.memref_slice %arg7[%dma_wait3A_2614, %dma_wait3A_2620] : memref<26x128xi32, #tpu.memory_space<vmem>> -> memref<1x128xi32, #tpu.memory_space<vmem>>
      %dma_wait3A_2622 = tpu.memref_squeeze %dma_wait3A_2621 : memref<1x128xi32, #tpu.memory_space<vmem>> -> memref<128xi32, #tpu.memory_space<vmem>>
      %dma_wait3A_2623 = arith.constant 0 : i32
      %dma_wait3A_2624 = arith.constant 0 : i32
      %dma_wait3A_2625 = tpu.memref_slice %arg3[%dma_wait3A_2623, %dma_wait3A_2624] : memref<2600000x16xf32, #tpu.memory_space<hbm>> -> memref<2600000x16xf32, #tpu.memory_space<hbm>>
      tpu.wait_indirect_dma semaphore(%arg11 : memref<!tpu.dma_semaphore, #tpu.memory_space<semaphore_mem>>) src(%dma_wait3A_2625 : memref<2600000x16xf32, #tpu.memory_space<hbm>>) dst(%dma_wait3A_2619 : memref<128x16xf32, #tpu.memory_space<vmem>>)
      %dma_wait3A_2626 = arith.constant 23 : i32
      %dma_wait3A_2627 = arith.constant 23 : i32
      %dma_wait3A_2628 = arith.constant 0 : i32
      %dma_wait3A_2629 = arith.constant 0 : i32
      %dma_wait3A_2630 = tpu.memref_slice %arg8[%dma_wait3A_2627, %dma_wait3A_2628, %dma_wait3A_2629] : memref<26x128x16xf32, #tpu.memory_space<vmem>> -> memref<1x128x16xf32, #tpu.memory_space<vmem>>
      %dma_wait3A_2631 = tpu.memref_squeeze %dma_wait3A_2630 : memref<1x128x16xf32, #tpu.memory_space<vmem>> -> memref<128x16xf32, #tpu.memory_space<vmem>>
      %dma_wait3A_2632 = arith.constant 0 : i32
      %dma_wait3A_2633 = tpu.memref_slice %arg7[%dma_wait3A_2626, %dma_wait3A_2632] : memref<26x128xi32, #tpu.memory_space<vmem>> -> memref<1x128xi32, #tpu.memory_space<vmem>>
      %dma_wait3A_2634 = tpu.memref_squeeze %dma_wait3A_2633 : memref<1x128xi32, #tpu.memory_space<vmem>> -> memref<128xi32, #tpu.memory_space<vmem>>
      %dma_wait3A_2635 = arith.constant 0 : i32
      %dma_wait3A_2636 = arith.constant 0 : i32
      %dma_wait3A_2637 = tpu.memref_slice %arg3[%dma_wait3A_2635, %dma_wait3A_2636] : memref<2600000x16xf32, #tpu.memory_space<hbm>> -> memref<2600000x16xf32, #tpu.memory_space<hbm>>
      tpu.wait_indirect_dma semaphore(%arg11 : memref<!tpu.dma_semaphore, #tpu.memory_space<semaphore_mem>>) src(%dma_wait3A_2637 : memref<2600000x16xf32, #tpu.memory_space<hbm>>) dst(%dma_wait3A_2631 : memref<128x16xf32, #tpu.memory_space<vmem>>)
      %dma_wait3A_2638 = arith.constant 24 : i32
      %dma_wait3A_2639 = arith.constant 24 : i32
      %dma_wait3A_2640 = arith.constant 0 : i32
      %dma_wait3A_2641 = arith.constant 0 : i32
      %dma_wait3A_2642 = tpu.memref_slice %arg8[%dma_wait3A_2639, %dma_wait3A_2640, %dma_wait3A_2641] : memref<26x128x16xf32, #tpu.memory_space<vmem>> -> memref<1x128x16xf32, #tpu.memory_space<vmem>>
      %dma_wait3A_2643 = tpu.memref_squeeze %dma_wait3A_2642 : memref<1x128x16xf32, #tpu.memory_space<vmem>> -> memref<128x16xf32, #tpu.memory_space<vmem>>
      %dma_wait3A_2644 = arith.constant 0 : i32
      %dma_wait3A_2645 = tpu.memref_slice %arg7[%dma_wait3A_2638, %dma_wait3A_2644] : memref<26x128xi32, #tpu.memory_space<vmem>> -> memref<1x128xi32, #tpu.memory_space<vmem>>
      %dma_wait3A_2646 = tpu.memref_squeeze %dma_wait3A_2645 : memref<1x128xi32, #tpu.memory_space<vmem>> -> memref<128xi32, #tpu.memory_space<vmem>>
      %dma_wait3A_2647 = arith.constant 0 : i32
      %dma_wait3A_2648 = arith.constant 0 : i32
      %dma_wait3A_2649 = tpu.memref_slice %arg3[%dma_wait3A_2647, %dma_wait3A_2648] : memref<2600000x16xf32, #tpu.memory_space<hbm>> -> memref<2600000x16xf32, #tpu.memory_space<hbm>>
      tpu.wait_indirect_dma semaphore(%arg11 : memref<!tpu.dma_semaphore, #tpu.memory_space<semaphore_mem>>) src(%dma_wait3A_2649 : memref<2600000x16xf32, #tpu.memory_space<hbm>>) dst(%dma_wait3A_2643 : memref<128x16xf32, #tpu.memory_space<vmem>>)
      %dma_wait3A_2650 = arith.constant 25 : i32
      %dma_wait3A_2651 = arith.constant 25 : i32
      %dma_wait3A_2652 = arith.constant 0 : i32
      %dma_wait3A_2653 = arith.constant 0 : i32
      %dma_wait3A_2654 = tpu.memref_slice %arg8[%dma_wait3A_2651, %dma_wait3A_2652, %dma_wait3A_2653] : memref<26x128x16xf32, #tpu.memory_space<vmem>> -> memref<1x128x16xf32, #tpu.memory_space<vmem>>
      %dma_wait3A_2655 = tpu.memref_squeeze %dma_wait3A_2654 : memref<1x128x16xf32, #tpu.memory_space<vmem>> -> memref<128x16xf32, #tpu.memory_space<vmem>>
      %dma_wait3A_2656 = arith.constant 0 : i32
      %dma_wait3A_2657 = tpu.memref_slice %arg7[%dma_wait3A_2650, %dma_wait3A_2656] : memref<26x128xi32, #tpu.memory_space<vmem>> -> memref<1x128xi32, #tpu.memory_space<vmem>>
      %dma_wait3A_2658 = tpu.memref_squeeze %dma_wait3A_2657 : memref<1x128xi32, #tpu.memory_space<vmem>> -> memref<128xi32, #tpu.memory_space<vmem>>
      %dma_wait3A_2659 = arith.constant 0 : i32
      %dma_wait3A_2660 = arith.constant 0 : i32
      %dma_wait3A_2661 = tpu.memref_slice %arg3[%dma_wait3A_2659, %dma_wait3A_2660] : memref<2600000x16xf32, #tpu.memory_space<hbm>> -> memref<2600000x16xf32, #tpu.memory_space<hbm>>
      tpu.wait_indirect_dma semaphore(%arg11 : memref<!tpu.dma_semaphore, #tpu.memory_space<semaphore_mem>>) src(%dma_wait3A_2661 : memref<2600000x16xf32, #tpu.memory_space<hbm>>) dst(%dma_wait3A_2655 : memref<128x16xf32, #tpu.memory_space<vmem>>)
      %scan3A_2662 = arith.constant 0 : i32
      %scan3A_2663 = arith.constant 0 : i32
      %scan3A_2664 = arith.constant 128 : i32
      %scan3A_2665 = arith.addi %scan3A_2663, %scan3A_2664 : i32
      %scan3A_2666 = arith.constant 1 : i32
      scf.for %scan3A_2668 = %scan3A_2663 to %scan3A_2665 step %scan3A_2666  : i32 {
        %broadcast_in_dim3A_2669 = vector.broadcast %scan3A_2668 : i32 to vector<16xi32>
        %broadcast_in_dim3A_2670 = arith.constant 0 : i32
        %broadcast_in_dim3A_2671 = vector.broadcast %broadcast_in_dim3A_2670 : i32 to vector<16xi32>
        %get3A_2672 = arith.constant 0 : i32
        %get3A_2673 = arith.index_cast %get3A_2672 : i32 to index
        %get3A_2674 = arith.index_cast %scan3A_2668 : i32 to index
        %get3A_2675 = arith.constant 0 : index
        %get3A_2676 = tpu.vector_load %arg8[%get3A_2673, %get3A_2674, %get3A_2675] {strides = array<i32>} : memref<26x128x16xf32, #tpu.memory_space<vmem>>, vector<16xf32>,
        tpu.vector_store_idx %arg9[%broadcast_in_dim3A_2671, %shift_right_logical3A_2, %and3A_4, %broadcast_in_dim3A_2669], %get3A_2676 : memref<26x2x8x128xf32, #tpu.memory_space<vmem>>[vector<16xi32>, vector<16xi32>, vector<16xi32>, vector<16xi32>], vector<16xf32>,
        %broadcast_in_dim3A_2677 = arith.constant 1 : i32
        %broadcast_in_dim3A_2678 = vector.broadcast %broadcast_in_dim3A_2677 : i32 to vector<16xi32>
        %get3A_2679 = arith.constant 1 : i32
        %get3A_2680 = arith.index_cast %get3A_2679 : i32 to index
        %get3A_2681 = arith.index_cast %scan3A_2668 : i32 to index
        %get3A_2682 = arith.constant 0 : index
        %get3A_2683 = tpu.vector_load %arg8[%get3A_2680, %get3A_2681, %get3A_2682] {strides = array<i32>} : memref<26x128x16xf32, #tpu.memory_space<vmem>>, vector<16xf32>,
        tpu.vector_store_idx %arg9[%broadcast_in_dim3A_2678, %shift_right_logical3A_2, %and3A_4, %broadcast_in_dim3A_2669], %get3A_2683 : memref<26x2x8x128xf32, #tpu.memory_space<vmem>>[vector<16xi32>, vector<16xi32>, vector<16xi32>, vector<16xi32>], vector<16xf32>,
        %broadcast_in_dim3A_2684 = arith.constant 2 : i32
        %broadcast_in_dim3A_2685 = vector.broadcast %broadcast_in_dim3A_2684 : i32 to vector<16xi32>
        %get3A_2686 = arith.constant 2 : i32
        %get3A_2687 = arith.index_cast %get3A_2686 : i32 to index
        %get3A_2688 = arith.index_cast %scan3A_2668 : i32 to index
        %get3A_2689 = arith.constant 0 : index
        %get3A_2690 = tpu.vector_load %arg8[%get3A_2687, %get3A_2688, %get3A_2689] {strides = array<i32>} : memref<26x128x16xf32, #tpu.memory_space<vmem>>, vector<16xf32>,
        tpu.vector_store_idx %arg9[%broadcast_in_dim3A_2685, %shift_right_logical3A_2, %and3A_4, %broadcast_in_dim3A_2669], %get3A_2690 : memref<26x2x8x128xf32, #tpu.memory_space<vmem>>[vector<16xi32>, vector<16xi32>, vector<16xi32>, vector<16xi32>], vector<16xf32>,
        %broadcast_in_dim3A_2691 = arith.constant 3 : i32
        %broadcast_in_dim3A_2692 = vector.broadcast %broadcast_in_dim3A_2691 : i32 to vector<16xi32>
        %get3A_2693 = arith.constant 3 : i32
        %get3A_2694 = arith.index_cast %get3A_2693 : i32 to index
        %get3A_2695 = arith.index_cast %scan3A_2668 : i32 to index
        %get3A_2696 = arith.constant 0 : index
        %get3A_2697 = tpu.vector_load %arg8[%get3A_2694, %get3A_2695, %get3A_2696] {strides = array<i32>} : memref<26x128x16xf32, #tpu.memory_space<vmem>>, vector<16xf32>,
        tpu.vector_store_idx %arg9[%broadcast_in_dim3A_2692, %shift_right_logical3A_2, %and3A_4, %broadcast_in_dim3A_2669], %get3A_2697 : memref<26x2x8x128xf32, #tpu.memory_space<vmem>>[vector<16xi32>, vector<16xi32>, vector<16xi32>, vector<16xi32>], vector<16xf32>,
        %broadcast_in_dim3A_2698 = arith.constant 4 : i32
        %broadcast_in_dim3A_2699 = vector.broadcast %broadcast_in_dim3A_2698 : i32 to vector<16xi32>
        %get3A_2700 = arith.constant 4 : i32
        %get3A_2701 = arith.index_cast %get3A_2700 : i32 to index
        %get3A_2702 = arith.index_cast %scan3A_2668 : i32 to index
        %get3A_2703 = arith.constant 0 : index
        %get3A_2704 = tpu.vector_load %arg8[%get3A_2701, %get3A_2702, %get3A_2703] {strides = array<i32>} : memref<26x128x16xf32, #tpu.memory_space<vmem>>, vector<16xf32>,
        tpu.vector_store_idx %arg9[%broadcast_in_dim3A_2699, %shift_right_logical3A_2, %and3A_4, %broadcast_in_dim3A_2669], %get3A_2704 : memref<26x2x8x128xf32, #tpu.memory_space<vmem>>[vector<16xi32>, vector<16xi32>, vector<16xi32>, vector<16xi32>], vector<16xf32>,
        %broadcast_in_dim3A_2705 = arith.constant 5 : i32
        %broadcast_in_dim3A_2706 = vector.broadcast %broadcast_in_dim3A_2705 : i32 to vector<16xi32>
        %get3A_2707 = arith.constant 5 : i32
        %get3A_2708 = arith.index_cast %get3A_2707 : i32 to index
        %get3A_2709 = arith.index_cast %scan3A_2668 : i32 to index
        %get3A_2710 = arith.constant 0 : index
        %get3A_2711 = tpu.vector_load %arg8[%get3A_2708, %get3A_2709, %get3A_2710] {strides = array<i32>} : memref<26x128x16xf32, #tpu.memory_space<vmem>>, vector<16xf32>,
        tpu.vector_store_idx %arg9[%broadcast_in_dim3A_2706, %shift_right_logical3A_2, %and3A_4, %broadcast_in_dim3A_2669], %get3A_2711 : memref<26x2x8x128xf32, #tpu.memory_space<vmem>>[vector<16xi32>, vector<16xi32>, vector<16xi32>, vector<16xi32>], vector<16xf32>,
        %broadcast_in_dim3A_2712 = arith.constant 6 : i32
        %broadcast_in_dim3A_2713 = vector.broadcast %broadcast_in_dim3A_2712 : i32 to vector<16xi32>
        %get3A_2714 = arith.constant 6 : i32
        %get3A_2715 = arith.index_cast %get3A_2714 : i32 to index
        %get3A_2716 = arith.index_cast %scan3A_2668 : i32 to index
        %get3A_2717 = arith.constant 0 : index
        %get3A_2718 = tpu.vector_load %arg8[%get3A_2715, %get3A_2716, %get3A_2717] {strides = array<i32>} : memref<26x128x16xf32, #tpu.memory_space<vmem>>, vector<16xf32>,
        tpu.vector_store_idx %arg9[%broadcast_in_dim3A_2713, %shift_right_logical3A_2, %and3A_4, %broadcast_in_dim3A_2669], %get3A_2718 : memref<26x2x8x128xf32, #tpu.memory_space<vmem>>[vector<16xi32>, vector<16xi32>, vector<16xi32>, vector<16xi32>], vector<16xf32>,
        %broadcast_in_dim3A_2719 = arith.constant 7 : i32
        %broadcast_in_dim3A_2720 = vector.broadcast %broadcast_in_dim3A_2719 : i32 to vector<16xi32>
        %get3A_2721 = arith.constant 7 : i32
        %get3A_2722 = arith.index_cast %get3A_2721 : i32 to index
        %get3A_2723 = arith.index_cast %scan3A_2668 : i32 to index
        %get3A_2724 = arith.constant 0 : index
        %get3A_2725 = tpu.vector_load %arg8[%get3A_2722, %get3A_2723, %get3A_2724] {strides = array<i32>} : memref<26x128x16xf32, #tpu.memory_space<vmem>>, vector<16xf32>,
        tpu.vector_store_idx %arg9[%broadcast_in_dim3A_2720, %shift_right_logical3A_2, %and3A_4, %broadcast_in_dim3A_2669], %get3A_2725 : memref<26x2x8x128xf32, #tpu.memory_space<vmem>>[vector<16xi32>, vector<16xi32>, vector<16xi32>, vector<16xi32>], vector<16xf32>,
        %broadcast_in_dim3A_2726 = arith.constant 8 : i32
        %broadcast_in_dim3A_2727 = vector.broadcast %broadcast_in_dim3A_2726 : i32 to vector<16xi32>
        %get3A_2728 = arith.constant 8 : i32
        %get3A_2729 = arith.index_cast %get3A_2728 : i32 to index
        %get3A_2730 = arith.index_cast %scan3A_2668 : i32 to index
        %get3A_2731 = arith.constant 0 : index
        %get3A_2732 = tpu.vector_load %arg8[%get3A_2729, %get3A_2730, %get3A_2731] {strides = array<i32>} : memref<26x128x16xf32, #tpu.memory_space<vmem>>, vector<16xf32>,
        tpu.vector_store_idx %arg9[%broadcast_in_dim3A_2727, %shift_right_logical3A_2, %and3A_4, %broadcast_in_dim3A_2669], %get3A_2732 : memref<26x2x8x128xf32, #tpu.memory_space<vmem>>[vector<16xi32>, vector<16xi32>, vector<16xi32>, vector<16xi32>], vector<16xf32>,
        %broadcast_in_dim3A_2733 = arith.constant 9 : i32
        %broadcast_in_dim3A_2734 = vector.broadcast %broadcast_in_dim3A_2733 : i32 to vector<16xi32>
        %get3A_2735 = arith.constant 9 : i32
        %get3A_2736 = arith.index_cast %get3A_2735 : i32 to index
        %get3A_2737 = arith.index_cast %scan3A_2668 : i32 to index
        %get3A_2738 = arith.constant 0 : index
        %get3A_2739 = tpu.vector_load %arg8[%get3A_2736, %get3A_2737, %get3A_2738] {strides = array<i32>} : memref<26x128x16xf32, #tpu.memory_space<vmem>>, vector<16xf32>,
        tpu.vector_store_idx %arg9[%broadcast_in_dim3A_2734, %shift_right_logical3A_2, %and3A_4, %broadcast_in_dim3A_2669], %get3A_2739 : memref<26x2x8x128xf32, #tpu.memory_space<vmem>>[vector<16xi32>, vector<16xi32>, vector<16xi32>, vector<16xi32>], vector<16xf32>,
        %broadcast_in_dim3A_2740 = arith.constant 10 : i32
        %broadcast_in_dim3A_2741 = vector.broadcast %broadcast_in_dim3A_2740 : i32 to vector<16xi32>
        %get3A_2742 = arith.constant 10 : i32
        %get3A_2743 = arith.index_cast %get3A_2742 : i32 to index
        %get3A_2744 = arith.index_cast %scan3A_2668 : i32 to index
        %get3A_2745 = arith.constant 0 : index
        %get3A_2746 = tpu.vector_load %arg8[%get3A_2743, %get3A_2744, %get3A_2745] {strides = array<i32>} : memref<26x128x16xf32, #tpu.memory_space<vmem>>, vector<16xf32>,
        tpu.vector_store_idx %arg9[%broadcast_in_dim3A_2741, %shift_right_logical3A_2, %and3A_4, %broadcast_in_dim3A_2669], %get3A_2746 : memref<26x2x8x128xf32, #tpu.memory_space<vmem>>[vector<16xi32>, vector<16xi32>, vector<16xi32>, vector<16xi32>], vector<16xf32>,
        %broadcast_in_dim3A_2747 = arith.constant 11 : i32
        %broadcast_in_dim3A_2748 = vector.broadcast %broadcast_in_dim3A_2747 : i32 to vector<16xi32>
        %get3A_2749 = arith.constant 11 : i32
        %get3A_2750 = arith.index_cast %get3A_2749 : i32 to index
        %get3A_2751 = arith.index_cast %scan3A_2668 : i32 to index
        %get3A_2752 = arith.constant 0 : index
        %get3A_2753 = tpu.vector_load %arg8[%get3A_2750, %get3A_2751, %get3A_2752] {strides = array<i32>} : memref<26x128x16xf32, #tpu.memory_space<vmem>>, vector<16xf32>,
        tpu.vector_store_idx %arg9[%broadcast_in_dim3A_2748, %shift_right_logical3A_2, %and3A_4, %broadcast_in_dim3A_2669], %get3A_2753 : memref<26x2x8x128xf32, #tpu.memory_space<vmem>>[vector<16xi32>, vector<16xi32>, vector<16xi32>, vector<16xi32>], vector<16xf32>,
        %broadcast_in_dim3A_2754 = arith.constant 12 : i32
        %broadcast_in_dim3A_2755 = vector.broadcast %broadcast_in_dim3A_2754 : i32 to vector<16xi32>
        %get3A_2756 = arith.constant 12 : i32
        %get3A_2757 = arith.index_cast %get3A_2756 : i32 to index
        %get3A_2758 = arith.index_cast %scan3A_2668 : i32 to index
        %get3A_2759 = arith.constant 0 : index
        %get3A_2760 = tpu.vector_load %arg8[%get3A_2757, %get3A_2758, %get3A_2759] {strides = array<i32>} : memref<26x128x16xf32, #tpu.memory_space<vmem>>, vector<16xf32>,
        tpu.vector_store_idx %arg9[%broadcast_in_dim3A_2755, %shift_right_logical3A_2, %and3A_4, %broadcast_in_dim3A_2669], %get3A_2760 : memref<26x2x8x128xf32, #tpu.memory_space<vmem>>[vector<16xi32>, vector<16xi32>, vector<16xi32>, vector<16xi32>], vector<16xf32>,
        %broadcast_in_dim3A_2761 = arith.constant 13 : i32
        %broadcast_in_dim3A_2762 = vector.broadcast %broadcast_in_dim3A_2761 : i32 to vector<16xi32>
        %get3A_2763 = arith.constant 13 : i32
        %get3A_2764 = arith.index_cast %get3A_2763 : i32 to index
        %get3A_2765 = arith.index_cast %scan3A_2668 : i32 to index
        %get3A_2766 = arith.constant 0 : index
        %get3A_2767 = tpu.vector_load %arg8[%get3A_2764, %get3A_2765, %get3A_2766] {strides = array<i32>} : memref<26x128x16xf32, #tpu.memory_space<vmem>>, vector<16xf32>,
        tpu.vector_store_idx %arg9[%broadcast_in_dim3A_2762, %shift_right_logical3A_2, %and3A_4, %broadcast_in_dim3A_2669], %get3A_2767 : memref<26x2x8x128xf32, #tpu.memory_space<vmem>>[vector<16xi32>, vector<16xi32>, vector<16xi32>, vector<16xi32>], vector<16xf32>,
        %broadcast_in_dim3A_2768 = arith.constant 14 : i32
        %broadcast_in_dim3A_2769 = vector.broadcast %broadcast_in_dim3A_2768 : i32 to vector<16xi32>
        %get3A_2770 = arith.constant 14 : i32
        %get3A_2771 = arith.index_cast %get3A_2770 : i32 to index
        %get3A_2772 = arith.index_cast %scan3A_2668 : i32 to index
        %get3A_2773 = arith.constant 0 : index
        %get3A_2774 = tpu.vector_load %arg8[%get3A_2771, %get3A_2772, %get3A_2773] {strides = array<i32>} : memref<26x128x16xf32, #tpu.memory_space<vmem>>, vector<16xf32>,
        tpu.vector_store_idx %arg9[%broadcast_in_dim3A_2769, %shift_right_logical3A_2, %and3A_4, %broadcast_in_dim3A_2669], %get3A_2774 : memref<26x2x8x128xf32, #tpu.memory_space<vmem>>[vector<16xi32>, vector<16xi32>, vector<16xi32>, vector<16xi32>], vector<16xf32>,
        %broadcast_in_dim3A_2775 = arith.constant 15 : i32
        %broadcast_in_dim3A_2776 = vector.broadcast %broadcast_in_dim3A_2775 : i32 to vector<16xi32>
        %get3A_2777 = arith.constant 15 : i32
        %get3A_2778 = arith.index_cast %get3A_2777 : i32 to index
        %get3A_2779 = arith.index_cast %scan3A_2668 : i32 to index
        %get3A_2780 = arith.constant 0 : index
        %get3A_2781 = tpu.vector_load %arg8[%get3A_2778, %get3A_2779, %get3A_2780] {strides = array<i32>} : memref<26x128x16xf32, #tpu.memory_space<vmem>>, vector<16xf32>,
        tpu.vector_store_idx %arg9[%broadcast_in_dim3A_2776, %shift_right_logical3A_2, %and3A_4, %broadcast_in_dim3A_2669], %get3A_2781 : memref<26x2x8x128xf32, #tpu.memory_space<vmem>>[vector<16xi32>, vector<16xi32>, vector<16xi32>, vector<16xi32>], vector<16xf32>,
        %broadcast_in_dim3A_2782 = arith.constant 16 : i32
        %broadcast_in_dim3A_2783 = vector.broadcast %broadcast_in_dim3A_2782 : i32 to vector<16xi32>
        %get3A_2784 = arith.constant 16 : i32
        %get3A_2785 = arith.index_cast %get3A_2784 : i32 to index
        %get3A_2786 = arith.index_cast %scan3A_2668 : i32 to index
        %get3A_2787 = arith.constant 0 : index
        %get3A_2788 = tpu.vector_load %arg8[%get3A_2785, %get3A_2786, %get3A_2787] {strides = array<i32>} : memref<26x128x16xf32, #tpu.memory_space<vmem>>, vector<16xf32>,
        tpu.vector_store_idx %arg9[%broadcast_in_dim3A_2783, %shift_right_logical3A_2, %and3A_4, %broadcast_in_dim3A_2669], %get3A_2788 : memref<26x2x8x128xf32, #tpu.memory_space<vmem>>[vector<16xi32>, vector<16xi32>, vector<16xi32>, vector<16xi32>], vector<16xf32>,
        %broadcast_in_dim3A_2789 = arith.constant 17 : i32
        %broadcast_in_dim3A_2790 = vector.broadcast %broadcast_in_dim3A_2789 : i32 to vector<16xi32>
        %get3A_2791 = arith.constant 17 : i32
        %get3A_2792 = arith.index_cast %get3A_2791 : i32 to index
        %get3A_2793 = arith.index_cast %scan3A_2668 : i32 to index
        %get3A_2794 = arith.constant 0 : index
        %get3A_2795 = tpu.vector_load %arg8[%get3A_2792, %get3A_2793, %get3A_2794] {strides = array<i32>} : memref<26x128x16xf32, #tpu.memory_space<vmem>>, vector<16xf32>,
        tpu.vector_store_idx %arg9[%broadcast_in_dim3A_2790, %shift_right_logical3A_2, %and3A_4, %broadcast_in_dim3A_2669], %get3A_2795 : memref<26x2x8x128xf32, #tpu.memory_space<vmem>>[vector<16xi32>, vector<16xi32>, vector<16xi32>, vector<16xi32>], vector<16xf32>,
        %broadcast_in_dim3A_2796 = arith.constant 18 : i32
        %broadcast_in_dim3A_2797 = vector.broadcast %broadcast_in_dim3A_2796 : i32 to vector<16xi32>
        %get3A_2798 = arith.constant 18 : i32
        %get3A_2799 = arith.index_cast %get3A_2798 : i32 to index
        %get3A_2800 = arith.index_cast %scan3A_2668 : i32 to index
        %get3A_2801 = arith.constant 0 : index
        %get3A_2802 = tpu.vector_load %arg8[%get3A_2799, %get3A_2800, %get3A_2801] {strides = array<i32>} : memref<26x128x16xf32, #tpu.memory_space<vmem>>, vector<16xf32>,
        tpu.vector_store_idx %arg9[%broadcast_in_dim3A_2797, %shift_right_logical3A_2, %and3A_4, %broadcast_in_dim3A_2669], %get3A_2802 : memref<26x2x8x128xf32, #tpu.memory_space<vmem>>[vector<16xi32>, vector<16xi32>, vector<16xi32>, vector<16xi32>], vector<16xf32>,
        %broadcast_in_dim3A_2803 = arith.constant 19 : i32
        %broadcast_in_dim3A_2804 = vector.broadcast %broadcast_in_dim3A_2803 : i32 to vector<16xi32>
        %get3A_2805 = arith.constant 19 : i32
        %get3A_2806 = arith.index_cast %get3A_2805 : i32 to index
        %get3A_2807 = arith.index_cast %scan3A_2668 : i32 to index
        %get3A_2808 = arith.constant 0 : index
        %get3A_2809 = tpu.vector_load %arg8[%get3A_2806, %get3A_2807, %get3A_2808] {strides = array<i32>} : memref<26x128x16xf32, #tpu.memory_space<vmem>>, vector<16xf32>,
        tpu.vector_store_idx %arg9[%broadcast_in_dim3A_2804, %shift_right_logical3A_2, %and3A_4, %broadcast_in_dim3A_2669], %get3A_2809 : memref<26x2x8x128xf32, #tpu.memory_space<vmem>>[vector<16xi32>, vector<16xi32>, vector<16xi32>, vector<16xi32>], vector<16xf32>,
        %broadcast_in_dim3A_2810 = arith.constant 20 : i32
        %broadcast_in_dim3A_2811 = vector.broadcast %broadcast_in_dim3A_2810 : i32 to vector<16xi32>
        %get3A_2812 = arith.constant 20 : i32
        %get3A_2813 = arith.index_cast %get3A_2812 : i32 to index
        %get3A_2814 = arith.index_cast %scan3A_2668 : i32 to index
        %get3A_2815 = arith.constant 0 : index
        %get3A_2816 = tpu.vector_load %arg8[%get3A_2813, %get3A_2814, %get3A_2815] {strides = array<i32>} : memref<26x128x16xf32, #tpu.memory_space<vmem>>, vector<16xf32>,
        tpu.vector_store_idx %arg9[%broadcast_in_dim3A_2811, %shift_right_logical3A_2, %and3A_4, %broadcast_in_dim3A_2669], %get3A_2816 : memref<26x2x8x128xf32, #tpu.memory_space<vmem>>[vector<16xi32>, vector<16xi32>, vector<16xi32>, vector<16xi32>], vector<16xf32>,
        %broadcast_in_dim3A_2817 = arith.constant 21 : i32
        %broadcast_in_dim3A_2818 = vector.broadcast %broadcast_in_dim3A_2817 : i32 to vector<16xi32>
        %get3A_2819 = arith.constant 21 : i32
        %get3A_2820 = arith.index_cast %get3A_2819 : i32 to index
        %get3A_2821 = arith.index_cast %scan3A_2668 : i32 to index
        %get3A_2822 = arith.constant 0 : index
        %get3A_2823 = tpu.vector_load %arg8[%get3A_2820, %get3A_2821, %get3A_2822] {strides = array<i32>} : memref<26x128x16xf32, #tpu.memory_space<vmem>>, vector<16xf32>,
        tpu.vector_store_idx %arg9[%broadcast_in_dim3A_2818, %shift_right_logical3A_2, %and3A_4, %broadcast_in_dim3A_2669], %get3A_2823 : memref<26x2x8x128xf32, #tpu.memory_space<vmem>>[vector<16xi32>, vector<16xi32>, vector<16xi32>, vector<16xi32>], vector<16xf32>,
        %broadcast_in_dim3A_2824 = arith.constant 22 : i32
        %broadcast_in_dim3A_2825 = vector.broadcast %broadcast_in_dim3A_2824 : i32 to vector<16xi32>
        %get3A_2826 = arith.constant 22 : i32
        %get3A_2827 = arith.index_cast %get3A_2826 : i32 to index
        %get3A_2828 = arith.index_cast %scan3A_2668 : i32 to index
        %get3A_2829 = arith.constant 0 : index
        %get3A_2830 = tpu.vector_load %arg8[%get3A_2827, %get3A_2828, %get3A_2829] {strides = array<i32>} : memref<26x128x16xf32, #tpu.memory_space<vmem>>, vector<16xf32>,
        tpu.vector_store_idx %arg9[%broadcast_in_dim3A_2825, %shift_right_logical3A_2, %and3A_4, %broadcast_in_dim3A_2669], %get3A_2830 : memref<26x2x8x128xf32, #tpu.memory_space<vmem>>[vector<16xi32>, vector<16xi32>, vector<16xi32>, vector<16xi32>], vector<16xf32>,
        %broadcast_in_dim3A_2831 = arith.constant 23 : i32
        %broadcast_in_dim3A_2832 = vector.broadcast %broadcast_in_dim3A_2831 : i32 to vector<16xi32>
        %get3A_2833 = arith.constant 23 : i32
        %get3A_2834 = arith.index_cast %get3A_2833 : i32 to index
        %get3A_2835 = arith.index_cast %scan3A_2668 : i32 to index
        %get3A_2836 = arith.constant 0 : index
        %get3A_2837 = tpu.vector_load %arg8[%get3A_2834, %get3A_2835, %get3A_2836] {strides = array<i32>} : memref<26x128x16xf32, #tpu.memory_space<vmem>>, vector<16xf32>,
        tpu.vector_store_idx %arg9[%broadcast_in_dim3A_2832, %shift_right_logical3A_2, %and3A_4, %broadcast_in_dim3A_2669], %get3A_2837 : memref<26x2x8x128xf32, #tpu.memory_space<vmem>>[vector<16xi32>, vector<16xi32>, vector<16xi32>, vector<16xi32>], vector<16xf32>,
        %broadcast_in_dim3A_2838 = arith.constant 24 : i32
        %broadcast_in_dim3A_2839 = vector.broadcast %broadcast_in_dim3A_2838 : i32 to vector<16xi32>
        %get3A_2840 = arith.constant 24 : i32
        %get3A_2841 = arith.index_cast %get3A_2840 : i32 to index
        %get3A_2842 = arith.index_cast %scan3A_2668 : i32 to index
        %get3A_2843 = arith.constant 0 : index
        %get3A_2844 = tpu.vector_load %arg8[%get3A_2841, %get3A_2842, %get3A_2843] {strides = array<i32>} : memref<26x128x16xf32, #tpu.memory_space<vmem>>, vector<16xf32>,
        tpu.vector_store_idx %arg9[%broadcast_in_dim3A_2839, %shift_right_logical3A_2, %and3A_4, %broadcast_in_dim3A_2669], %get3A_2844 : memref<26x2x8x128xf32, #tpu.memory_space<vmem>>[vector<16xi32>, vector<16xi32>, vector<16xi32>, vector<16xi32>], vector<16xf32>,
        %broadcast_in_dim3A_2845 = arith.constant 25 : i32
        %broadcast_in_dim3A_2846 = vector.broadcast %broadcast_in_dim3A_2845 : i32 to vector<16xi32>
        %get3A_2847 = arith.constant 25 : i32
        %get3A_2848 = arith.index_cast %get3A_2847 : i32 to index
        %get3A_2849 = arith.index_cast %scan3A_2668 : i32 to index
        %get3A_2850 = arith.constant 0 : index
        %get3A_2851 = tpu.vector_load %arg8[%get3A_2848, %get3A_2849, %get3A_2850] {strides = array<i32>} : memref<26x128x16xf32, #tpu.memory_space<vmem>>, vector<16xf32>,
        tpu.vector_store_idx %arg9[%broadcast_in_dim3A_2846, %shift_right_logical3A_2, %and3A_4, %broadcast_in_dim3A_2669], %get3A_2851 : memref<26x2x8x128xf32, #tpu.memory_space<vmem>>[vector<16xi32>, vector<16xi32>, vector<16xi32>, vector<16xi32>], vector<16xf32>,
      }
      %scan3A_2667 = arith.constant 128 : i32
      "tpu.region"() ({
        %run_scoped3A = tpu.sem_alloc : memref<!tpu.dma_semaphore, #tpu.memory_space<semaphore_mem>>
        %dma_start3A_2668 = arith.constant 0 : i32
        %dma_start3A_2669 = arith.constant 0 : i32
        %dma_start3A_2670 = arith.constant 0 : i32
        %dma_start3A_2671 = arith.constant 0 : i32
        %dma_start3A_2672 = tpu.memref_slice %arg5[%dma_start3A_2668, %dma_start3A_2669, %add3A_13, %dma_start3A_2670, %dma_start3A_2671] : memref<26x2x128x8x128xf32, #tpu.memory_space<hbm>> -> memref<26x2x1x8x128xf32, #tpu.memory_space<hbm>>
        %dma_start3A_2673 = tpu.memref_squeeze %dma_start3A_2672 : memref<26x2x1x8x128xf32, #tpu.memory_space<hbm>> -> memref<26x2x8x128xf32, #tpu.memory_space<hbm>>
        %dma_start3A_2674 = arith.constant 0 : i32
        %dma_start3A_2675 = arith.constant 0 : i32
        %dma_start3A_2676 = arith.constant 0 : i32
        %dma_start3A_2677 = arith.constant 0 : i32
        %dma_start3A_2678 = tpu.memref_slice %arg5[%dma_start3A_2674, %dma_start3A_2675, %add3A_13, %dma_start3A_2676, %dma_start3A_2677] : memref<26x2x128x8x128xf32, #tpu.memory_space<hbm>> -> memref<26x2x1x8x128xf32, #tpu.memory_space<hbm>>
        %dma_start3A_2679 = tpu.memref_squeeze %dma_start3A_2678 : memref<26x2x1x8x128xf32, #tpu.memory_space<hbm>> -> memref<26x2x8x128xf32, #tpu.memory_space<hbm>>
        tpu.enqueue_dma source(%arg9 : memref<26x2x8x128xf32, #tpu.memory_space<vmem>>) target(%dma_start3A_2679 : memref<26x2x8x128xf32, #tpu.memory_space<hbm>>) target_semaphore(%run_scoped3A : memref<!tpu.dma_semaphore, #tpu.memory_space<semaphore_mem>>)
        %dma_wait3A_2680 = arith.constant 0 : i32
        %dma_wait3A_2681 = arith.constant 0 : i32
        %dma_wait3A_2682 = arith.constant 0 : i32
        %dma_wait3A_2683 = arith.constant 0 : i32
        %dma_wait3A_2684 = tpu.memref_slice %arg5[%dma_wait3A_2680, %dma_wait3A_2681, %add3A_13, %dma_wait3A_2682, %dma_wait3A_2683] : memref<26x2x128x8x128xf32, #tpu.memory_space<hbm>> -> memref<26x2x1x8x128xf32, #tpu.memory_space<hbm>>
        %dma_wait3A_2685 = tpu.memref_squeeze %dma_wait3A_2684 : memref<26x2x1x8x128xf32, #tpu.memory_space<hbm>> -> memref<26x2x8x128xf32, #tpu.memory_space<hbm>>
        %dma_wait3A_2686 = arith.constant 0 : i32
        %dma_wait3A_2687 = arith.constant 0 : i32
        %dma_wait3A_2688 = arith.constant 0 : i32
        %dma_wait3A_2689 = arith.constant 0 : i32
        %dma_wait3A_2690 = tpu.memref_slice %arg5[%dma_wait3A_2686, %dma_wait3A_2687, %add3A_13, %dma_wait3A_2688, %dma_wait3A_2689] : memref<26x2x128x8x128xf32, #tpu.memory_space<hbm>> -> memref<26x2x1x8x128xf32, #tpu.memory_space<hbm>>
        %dma_wait3A_2691 = tpu.memref_squeeze %dma_wait3A_2690 : memref<26x2x1x8x128xf32, #tpu.memory_space<hbm>> -> memref<26x2x8x128xf32, #tpu.memory_space<hbm>>
        tpu.wait_dma2 semaphore(%run_scoped3A : memref<!tpu.dma_semaphore, #tpu.memory_space<semaphore_mem>>) src(%arg9 : memref<26x2x8x128xf32, #tpu.memory_space<vmem>>) dst(%dma_wait3A_2691 : memref<26x2x8x128xf32, #tpu.memory_space<hbm>>)
        tpu.yield
      }) : () -> ()
    }
    %scan3A_9 = arith.constant 4 : i32
    return
  }
}

</mosaic_0001>

<sc_bundles>
// kernel: kernel.3.cloned.1.call-start
scs
__scs_entry_jumppad:
0x0: {  	(pc) =	sbr.rel $0x88, $3  }
0x1: {  	(tag) =	ssettag $0x0;
	lr =	simm.s32 $0x1  }
0x2: {  	[smem:$0x3F9E] =	sst lr;
	_ =	strace $0xD0000000  }
0x3: {  	_ = 	snop  }
0x4: {  	_ = 	snop  }
0x5: {  	_ = 	snop  }
0x6: {  	_ = 	snop  }
0x7: {  	_ = 	snop  }
__scs_overlays_trampoline_lowered:
0x8: {  	[smem:$0x3FAD] =	sst s0  }
0x9: {  	[smem:$0x3FAE] =	sst s1  }
0xa: {  	[smem:$0x3FAF] =	sst s2  }
0xb: {  	[smem:$0x3FB0] =	sst s3  }
0xc: {  	[smem:$0x3FB1] =	sst s4  }
0xd: {  	[smem:$0x3FB2] =	sst s5  }
0xe: {  	[smem:$0x3FB3] =	sst s6  }
0xf: {  	[smem:$0x3FB4] =	sst s7  }
0x10: {  	[smem:$0x3FB5] =	sst s8  }
0x11: {  	[smem:$0x3FB6] =	sst s9;
	s0 =	simm.s32 @!p0 $0x0  }
0x12: {  	s1 =	sld [smem:$0x3F9C];
	s0 =	simm.s32 @p0 $0x1  }
0x13: {  	[smem:$0x3FB7] =	sst s0;
	s0 =	simm.s32 @!p1 $0x0  }
0x14: {  	s2 =	sld [smem:$0x3F9B];
	s0 =	simm.s32 @p1 $0x1  }
0x15: {  	[smem:$0x3FB8] =	sst s0;
	s0 =	simm.s32 @!p2 $0x0  }
0x16: {  	s3 =	sld [smem:$0x3FDB];
	s0 =	simm.s32 @p2 $0x1  }
0x17: {  	s4 =	simm.s32 $0x1BF5;
	[smem:$0x3FBA] =	sst s0  }
0x18: {  	s0 =	sld [smem:$0x3F9D];
	_ =	swait.ge [sflag:s4], $0x0  }
0x19: {  	s7 =	sld [smem:$0x3F9E]  }
0x1a: {  	s8 =	sadd.s32 $0xFFFFE003, lr  }
0x1b: {  	s9 =	sadd.s32 $0xFFFFFEF7, lr;
	s5 =	simm.s32 $0xFFFFFFFF;
	p2 =	slt.u32 s8, $0xFFFFF086  }
0x1c: {  	p1 =	slt.u32 s9, $0xF7A;
	s5 =	simm.s32 @!p2 $0x0  }
0x1d: {  	s5 =	simm.s32 @p1 $0x1;
	p0 =	seq.s32 s7, s2  }
0x1e: {  	s7 =	smul.u32 @!p0 $0xF7A, s2;
	p2 =	seq.s32 @!p0 s5, $0x0  }
0x1f: {  	s9 =	smul.u32 $0xF7A, s1;
	s8 =	simm.s32 @!p0 $0x1BF5;
	p2 =	por !p2, p0  }
0x20: {  	[sflag:s8] =	ssyncset.s32 @!p0 $0xFFFFF086;
	s6 =	sadd.s32 @!p0 s3, s7;
	s7 =	simm.s32 @!p0 $0x108  }
0x21: {  	s3 =	sadd.s32 s3, s9;
	s6 =	sadd.s32 @!p0 $0x88, s6;
	s7 =	simm.s32 @p2 $0x1082  }
0x22: {  	[simem:s7], [sflag:s8] =	dma.local @!p0 [hbm:s6], $0xF7A  }
0x23: {  	s9 =	sor.u32 $0xD0000000, s2;
	s6 =	simm.s32 $0x108;
	_ =	swait.ge @!p0 [sflag:s8], $0x0  }
0x24: {  	s3 =	sadd.s32 $0x88, s3;
	s6 =	simm.s32 @!p1 $0x1082;
	[sflag:s4] =	ssyncset.s32 $0xFFFFF086  }
0x25: {  	[simem:s6], [sflag:s4] =	dma.local [hbm:s3], $0xF7A  }
0x26: {  	[smem:$0x3F9E] =	sst s1;
	(tag) =	ssettag s2;
	_ =	strace s9  }
0x27: {  	s1 =	sld [smem:$0x3FAE]  }
0x28: {  	s2 =	sld [smem:$0x3FAF]  }
0x29: {  	s4 =	sld [smem:$0x3FB1]  }
0x2a: {  	p0 =	seq.s32 s5, $0x0;
	s5 =	sld [smem:$0x3FB2]  }
0x2b: {  	s6 =	sld [smem:$0x3FB3]  }
0x2c: {  	s7 =	sld [smem:$0x3FB4]  }
0x2d: {  	s3 =	simm.s32 $0x108;
	s8 =	sld [smem:$0x3FB5]  }
0x2e: {  	s3 =	simm.s32 @!p0 $0x1082;
	s9 =	sld [smem:$0x3FB6]  }
0x2f: {  	lr =	sadd.s32 s0, s3;
	s0 =	sld [smem:$0x3FAD]  }
0x30: {  	s3 =	sld [smem:$0x3FB0]  }
0x31: {  	[smem:$0x3FB9] =	sst s10  }
0x32: {  	s10 =	sld [smem:$0x3FB7];
	_ =	sdelay $0x3  }
0x33: {  	p0 =	seq.s32 s10, $0x1;
	s10 =	sld [smem:$0x3FB9];
	_ =	sdelay $0x3  }
0x34: {  	[smem:$0x3FB9] =	sst s10  }
0x35: {  	s10 =	sld [smem:$0x3FB8];
	_ =	sdelay $0x3  }
0x36: {  	p1 =	seq.s32 s10, $0x1;
	s10 =	sld [smem:$0x3FB9];
	_ =	sdelay $0x3  }
0x37: {  	[smem:$0x3FB9] =	sst s10  }
0x38: {  	s10 =	sld [smem:$0x3FBA]  }
0x39: {  	_ = 	snop;
	(pc) =	sbr.ind lr, $3  }
0x3a: {  	_ = 	snop  }
0x3b: {  	_ = 	snop  }
0x3c: {  	p2 =	seq.s32 s10, $0x1;
	s10 =	sld [smem:$0x3FB9]  }
0x3d: {  	_ =	shalt  }
0x3e: {  	_ =	shalt  }
0x3f: {  	_ =	shalt  }
0x40: {  	_ =	shalt  }
0x41: {  	_ =	shalt  }
0x42: {  	_ =	shalt  }
0x43: {  	_ =	shalt  }
0x44: {  	_ =	shalt  }
0x45: {  	_ =	shalt  }
0x46: {  	_ =	shalt  }
0x47: {  	_ =	shalt  }
0x48: {  	_ =	shalt  }
0x49: {  	_ =	shalt  }
0x4a: {  	_ =	shalt  }
0x4b: {  	_ =	shalt  }
0x4c: {  	_ =	shalt  }
0x4d: {  	_ =	shalt  }
0x4e: {  	_ =	shalt  }
0x4f: {  	_ =	shalt  }
0x50: {  	_ =	shalt  }
0x51: {  	_ =	shalt  }
0x52: {  	_ =	shalt  }
0x53: {  	_ =	shalt  }
0x54: {  	_ =	shalt  }
0x55: {  	_ =	shalt  }
0x56: {  	_ =	shalt  }
0x57: {  	_ =	shalt  }
0x58: {  	_ =	shalt  }
0x59: {  	_ =	shalt  }
0x5a: {  	_ =	shalt  }
0x5b: {  	_ =	shalt  }
0x5c: {  	_ =	shalt  }
0x5d: {  	_ =	shalt  }
0x5e: {  	_ =	shalt  }
0x5f: {  	_ =	shalt  }
0x60: {  	_ =	shalt  }
0x61: {  	_ =	shalt  }
0x62: {  	_ =	shalt  }
0x63: {  	_ =	shalt  }
0x64: {  	_ =	shalt  }
0x65: {  	_ =	shalt  }
0x66: {  	_ =	shalt  }
0x67: {  	_ =	shalt  }
0x68: {  	_ =	shalt  }
0x69: {  	_ =	shalt  }
0x6a: {  	_ =	shalt  }
0x6b: {  	_ =	shalt  }
0x6c: {  	_ =	shalt  }
0x6d: {  	_ =	shalt  }
0x6e: {  	_ =	shalt  }
0x6f: {  	_ =	shalt  }
0x70: {  	_ =	shalt  }
0x71: {  	_ =	shalt  }
0x72: {  	_ =	shalt  }
0x73: {  	_ =	shalt  }
0x74: {  	_ =	shalt  }
0x75: {  	_ =	shalt  }
0x76: {  	_ =	shalt  }
0x77: {  	_ =	shalt  }
0x78: {  	_ =	shalt  }
0x79: {  	_ =	shalt  }
0x7a: {  	_ =	shalt  }
0x7b: {  	_ =	shalt  }
0x7c: {  	_ =	shalt  }
0x7d: {  	_ =	shalt  }
0x7e: {  	_ =	shalt  }
0x7f: {  	_ =	shalt  }
0x80: {  	_ =	shalt  }
0x81: {  	_ =	shalt  }
0x82: {  	_ =	shalt  }
0x83: {  	_ =	shalt  }
0x84: {  	_ =	shalt  }
0x85: {  	_ =	shalt  }
0x86: {  	_ =	shalt  }
0x87: {  	_ =	shalt  }
.Lfunc_end0:
.L_simem_size_0:
called_computation_lowered:
.L_overlay_start_0:
0x88: {  	s2 =	sld [smem:$0x3FD9]  }
0x89: {  	s3 =	sld [smem:$0x3FFE];
	_ =	sdelay $0x1  }
0x8a: {  	s1 =	srdreg.scid  }
0x8b: {  	s0 =	sand.u32 $0x1, s1  }
0x8c: {  	s17 =	sshll.u32 s0, $0xA;
	s2 =	sadd.s32 s3, s2  }
0x8d: {  	s2 =	sadd.s32 s2, s17  }
0x8e: {  	[smem:$0x3FC5] =	sst s2  }
0x8f: {  	_ = 	snop  }
0x90: {  	s2 =	sld [smem:$0x3FD0];
	(tm) =	ssettm $0x1  }
0x91: {  	s18 =	sld [smem:$0x3FFB];
	_ =	sdelay $0x3  }
0x92: {  	_ =	strace s18  }
0x93: {  	s3 =	sld [smem:$0x3FFC];
	_ =	sdelay $0x3  }
0x94: {  	_ =	strace s3  }
0x95: {  	s3 =	sld [smem:$0x3FFD];
	_ =	sdelay $0x3  }
0x96: {  	_ =	strace s3  }
0x97: {  	_ =	strace $0x8FFFFFFF  }
0x98: {  	s19 =	sld [smem:$0x3FDB];
	_ =	sdelay $0x1  }
0x99: {  	s4 =	simm.s32 $_scs_section_size  }
0x9a: {  	s5 =	simm.s32 $_size__tile_overlayer_lowered;
	s6 =	simm.s32 $_tile_overlayer_lowered  }
0x9b: {  	s22 =	simm.s32 $0x1BFF;
	s21 =	sshll.u32 s6, $0x1;
	s3 =	sadd.s32 s4, s19  }
0x9c: {  	s7 =	simm.s32 $0x0;
	s20 =	sshll.u32 s5, $0x1;
	s5 =	sadd.s32 s21, s3  }
0x9d: {  	[timem:s7], [sflag:s22] =	dma.local [hbm:s5], s20  }
0x9e: {  	_ =	swait.ge [sflag:s22], s20  }
0x9f: {  	s4 =	ssub.s32 $0x0, s20;
	[sflag:s22] =	ssyncset.done $0x0  }
0xa0: {  	[sflag:s22] =	ssyncadd.s32 s4;
	_ =	sdelay $0x1  }
0xa1: {  	s23 =	simm.s32 $0x1B8B  }
0xa2: {  	_ =	swait.ge [sflag:s23], $0x1  }
0xa3: {  	[sflag:s23] =	ssyncset.done $0x0  }
0xa4: {  	s25 =	simm.s32 $0x1B8E;
	s24 =	sld [smem:$0x3FFE];
	[sflag:s23] =	ssyncadd.s32 $0xFFFFFFFF  }
0xa5: {  	s26 =	simm.s32 $execute0_lowered;
	[smem:$0x3FD2] =	sst s25  }
0xa6: {  	s5 =	sshll.u32 s26, $0x1;
	_ =	strace $0x80000046;
	[dreg:$0x1] =	wrdreg $0xFFFFFFFF  }
0xa7: {  	s28 =	simm.s32 $_size_execute0_lowered;
	s3 =	sadd.s32 s3, s5;
	[dreg:$0x0] =	wrdreg $0x0  }
0xa8: {  	s5 =	sshll.u32 s28, $0x1;
	[dreg:$0x2] =	wrdreg s3  }
0xa9: {  	[dreg:$0x3] =	wrdreg s5  }
0xaa: {  	[dreg:$0x4] =	wrdreg $0xC0  }
0xab: {  	_ =	task [dreg:s7], $0x5FFFF  }
0xac: {  	[dreg:$0x1] =	wrdreg $0xFFFFFFFF  }
0xad: {  	[dreg:$0x0] =	wrdreg $0x60  }
0xae: {  	[dreg:$0x2] =	wrdreg s24  }
0xaf: {  	[dreg:$0x3] =	wrdreg s2  }
0xb0: {  	[dreg:$0x4] =	wrdreg $0x9  }
0xb1: {  	_ =	task.clear_ibuf [dreg:s7], $0x5FFFF;
	_ =	strace $0x90000046  }
0xb2: {  	s29 =	simm.s32 $0x9;
	_ =	strace $0x80000048  }
0xb3: {  	_ =	swait.ge [sflag:s29], $0x1  }
0xb4: {  	[sflag:s29] =	ssyncadd.s32 $0xFFFFFFFF  }
0xb5: {  	_ =	strace $0x90000048  }
0xb6: {  	_ =	sfence  }
0xb7: {  	s30 =	sld [smem:$0x0];
	_ =	sdelay $0x2  }
0xb8: {  	s31 =	sshll.u32 s1, $0xD;
	s1 =	sshrl.u32 s1, $0x2  }
0xb9: {  	s3 =	sand.u32 $0x4000, s31;
	s1 =	sadd.s32 s1, s30  }
0xba: {  	s0 =	sor.u32 s3, s0;
	s1 =	sshll.u32 s1, $0x11  }
0xbb: {  	s0 =	sor.u32 s1, s0  }
0xbc: {  	s0 =	sadd.s32 $0x8F2B, s0  }
0xbd: {  	[sflag:s0] =	ssyncadd.remote.s32 $0x1  }
0xbe: {  	_ =	sfence.sel $0xFFFF  }
0xbf: {  	[dreg:$0x0] =	wrdreg $0xFFFFFFFF;
	(pc) =	sbr.abs _section_cstart, $3  }
0xc0: {  	[dreg:$0x1] =	wrdreg $0xFFFFFFFF  }
0xc1: {  	_ =	task.clear_ibuf [dreg:s7], $0x2FFFF;
	_ =	strace $0x9FFFFFFF  }
0xc2: {  	(tm) =	ssettm $0x7FFFFFFF  }
0xc3: {  	_ =	shalt  }
tec
execute0_lowered:
.L_overlay_start_1:
0x0: {  	(tag) =	ssettag $0x1  }
0x1: {  	v0 =	vlaneseq.u32  }
0x2: {  	v1 =	vmul.u32 $0x20, v0  }
0x3: {  	s2 =	simm.s32 $0x0  }
0x4: {  	[smem:$0x7FF] =	sst s2;
	v0 =	vor.u32 $0x200, v1  }
0x5: {  	s0 =	rddreg [dreg:$0x0];
	_ =	strace $0x80000047;
	[tilespmem:$0x1FE30] =	vst v0;
	v0 =	vor.u32 $0x400, v1  }
0x6: {  	[tilespmem:$0x1FE40] =	vst v0;
	v0 =	vor.u32 $0x600, v1  }
0x7: {  	[tilespmem:$0x1FE50] =	vst v0;
	v0 =	vor.u32 $0x800, v1  }
0x8: {  	[tilespmem:$0x1FE60] =	vst v0;
	v0 =	vor.u32 $0xA00, v1  }
0x9: {  	[tilespmem:$0x1FE70] =	vst v0;
	v0 =	vor.u32 $0xC00, v1  }
0xa: {  	[tilespmem:$0x1FE80] =	vst v0;
	v0 =	vor.u32 $0xE00, v1  }
0xb: {  	[tilespmem:$0x1FE90] =	vst v0;
	v0 =	vor.u32 $0x1, v1  }
0xc: {  	[tilespmem:$0x1FEA0] =	vst v0;
	v0 =	vor.u32 $0x201, v1  }
0xd: {  	[tilespmem:$0x1FEB0] =	vst v0;
	v0 =	vor.u32 $0x401, v1  }
0xe: {  	[tilespmem:$0x1FEC0] =	vst v0;
	v0 =	vor.u32 $0x601, v1  }
0xf: {  	[tilespmem:$0x1FED0] =	vst v0;
	v0 =	vor.u32 $0x801, v1  }
0x10: {  	[tilespmem:$0x1FEE0] =	vst v0;
	v0 =	vor.u32 $0xA01, v1  }
0x11: {  	v31 =	vor.u32 $0xC03, v1;
	[tilespmem:$0x1FEF0] =	vst v0;
	v0 =	vor.u32 $0xC01, v1  }
0x12: {  	v32 =	vor.u32 $0xE03, v1;
	v33 =	vor.u32 $0x4, v1;
	[tilespmem:$0x1FF00] =	vst v0;
	v0 =	vor.u32 $0xE01, v1  }
0x13: {  	v34 =	vor.u32 $0x204, v1;
	v35 =	vor.u32 $0x404, v1;
	[tilespmem:$0x1FF10] =	vst v0;
	v0 =	vor.u32 $0x2, v1  }
0x14: {  	v36 =	vor.u32 $0x604, v1;
	v37 =	vor.u32 $0x804, v1;
	[tilespmem:$0x1FF20] =	vst v0;
	v0 =	vor.u32 $0x202, v1  }
0x15: {  	s1 =	srdreg.scid;
	s6 =	stileid.u32;
	v38 =	vor.u32 $0xA04, v1;
	v39 =	vor.u32 $0xC04, v1;
	[tilespmem:$0x1FF30] =	vst v0;
	v0 =	vor.u32 $0x402, v1  }
0x16: {  	s22 =	simm.s32 $0x1900;
	s23 =	simm.s32 $0xAD00;
	s28 =	simm.s32 $0xBD00;
	v40 =	vor.u32 $0xE04, v1;
	v41 =	vor.u32 $0x5, v1;
	[tilespmem:$0x1FF40] =	vst v0;
	v0 =	vor.u32 $0x602, v1  }
0x17: {  	s10 =	simm.s32 $0x2;
	s29 =	simm.s32 $0x1A80;
	s30 =	simm.s32 $0xC500;
	v42 =	vor.u32 $0x205, v1;
	v43 =	vor.u32 $0x405, v1;
	[tilespmem:$0x1FF50] =	vst v0;
	v0 =	vor.u32 $0x802, v1  }
0x18: {  	s11 =	simm.s32 $0x80;
	s31 =	simm.s32 $0x1B00;
	s9 =	simm.s32 $0xD500;
	v44 =	vor.u32 $0x605, v1;
	v45 =	vor.u32 $0x805, v1;
	[tilespmem:$0x1FF60] =	vst v0;
	v0 =	vor.u32 $0xA02, v1  }
0x19: {  	s8 =	simm.s32 $0x1C80;
	s12 =	simm.s32 $0x1;
	s13 =	simm.s32 $0xED00;
	v46 =	vor.u32 $0xA05, v1;
	v47 =	vor.u32 $0xC05, v1;
	[tilespmem:$0x1FF70] =	vst v0;
	v0 =	vor.u32 $0xC02, v1  }
0x1a: {  	s14 =	simm.s32 $0x400;
	s15 =	simm.s32 $0x20000;
	s17 =	simm.s32 $0x0;
	v48 =	vor.u32 $0xE05, v1;
	v49 =	vor.u32 $0x6, v1;
	[tilespmem:$0x1FF80] =	vst v0;
	v0 =	vor.u32 $0xE02, v1  }
0x1b: {  	s1 =	sand.u32 $0x1, s1;
	s4 =	sadd.s32 $0x800, s0;
	s5 =	sadd.s32 $0x27ACC00, s0;
	v50 =	vor.u32 $0x206, v1;
	v51 =	vor.u32 $0x406, v1;
	[tilespmem:$0x1FF90] =	vst v0;
	v0 =	vor.u32 $0x3, v1  }
0x1c: {  	s25 =	sshll.u32 s6, $0x3;
	s0 =	sadd.s32 $0x10800, s0;
	s6 =	simm.s32 $0xDD00;
	v52 =	vor.u32 $0x606, v1;
	v53 =	vor.u32 $0x806, v1;
	[tilespmem:$0x1FFA0] =	vst v0;
	v0 =	vor.u32 $0x203, v1  }
0x1d: {  	s24 =	ssub.s32 $0x2, s1;
	s1 =	sshll.u32 s1, $0x2;
	[dreg:$0x3] =	wrdreg s0;
	v54 =	vor.u32 $0xA06, v1;
	v55 =	vor.u32 $0xC06, v1;
	[tilespmem:$0x1FFB0] =	vst v0;
	v0 =	vor.u32 $0x403, v1  }
0x1e: {  	s0 =	simm.s32 $0xCD00;
	s3 =	sshrl.u32 s24, $0x1;
	s7 =	sor.u32 s1, s25;
	v56 =	vor.u32 $0xE06, v1;
	v57 =	vor.u32 $0x7, v1;
	[tilespmem:$0x1FFC0] =	vst v0;
	v0 =	vor.u32 $0x603, v1  }
0x1f: {  	s25 =	simm.s32 $0xB500;
	v58 =	vor.u32 $0x207, v1;
	v59 =	vor.u32 $0x407, v1;
	s1 =	simm.s32 $0xE500;
	s2 =	ssub.s32 s24, s3;
	[tilespmem:$0x1FFD0] =	vst v0;
	v0 =	vor.u32 $0x803, v1  }
0x20: {  	v60 =	vor.u32 $0x607, v1;
	v61 =	vor.u32 $0x807, v1;
	s24 =	simm.s32 $0x1980;
	s3 =	simm.s32 $0x1B80;
	s26 =	smax.u32 s2, $0x1;
	[tilespmem:$0x1FFE0] =	vst v0;
	v0 =	vor.u32 $0xA03, v1  }
0x21: {  	v62 =	vor.u32 $0xA07, v1;
	v63 =	vor.u32 $0xC07, v1;
	s2 =	simm.s32 $0x1C00;
	[dreg:$0x4] =	wrdreg s26;
	s26 =	simm.s32 $0x1A00;
	[tilespmem:$0x1FFF0] =	vst v0;
	v0 =	vor.u32 $0xE07, v1  }
.LBB2_1:
0x22: {  	[dreg:$0x5] =	wrdreg s17  }
0x23: {  	s16 =	simm.s32 $0x0;
	s21 =	rddreg [dreg:$0x3];
	s18 =	simm.s32 $0x1BD00  }
0x24: {  	[tilespmem:s18], [sflag:$0x2] =	stream.linear.gather [hbm4b:s21+s16], $0x1A0, $0x38;
	[tilespmem:$0x1BEA0] =	vst v63  }
0x25: {  	_ =	swait.ge [sflag:s10], $0x1A0  }
0x26: {  	[sflag:s10] =	ssyncset.done $0x0  }
0x27: {  	s16 =	simm.s32 $0x0;
	[sflag:s10] =	ssyncadd.s32 $0xFFFFFE60  }
.LBB2_2:
0x28: {  	s17 =	sadd.s32 s7, s16  }
0x29: {  	s18 =	sshll.u32 s17, $0x9  }
0x2a: {  	s19 =	sadd.s32 s4, s18;
	s18 =	simm.s32 $0x0  }
0x2b: {  	[tilespmem:s18], [sflag:$0x2] =	stream.linear.gather [hbm4b:s19+s18], $0x1000, $0x38;
	[tilespmem:$0x1BEA0] =	vst v63  }
0x2c: {  	_ =	swait.ge [sflag:s10], $0x1000  }
0x2d: {  	[sflag:s10] =	ssyncset.done $0x0  }
0x2e: {  	[sflag:s10] =	ssyncadd.s32 $0xFFFFF000  }
0x2f: {  	v2 =	vld [tilespmem:$0x1BD00]  }
0x30: {  	v3 =	vld.idx.msk [tilespmem:v1+s18+$0x0], $0xffff;
	_ =	sdelay $0x4  }
0x31: {  	v3 =	vadd.s32 v2, v3  }
0x32: {  	[tilespmem:$0x1000] =	vst v3;
	v3 =	vld [tilespmem:$0x1FE30];
	_ =	sdelay $0x7  }
0x33: {  	v3 =	vld.idx.msk [tilespmem:v3+s18+$0x0], $0xffff;
	_ =	sdelay $0x4  }
0x34: {  	v3 =	vadd.s32 v2, v3  }
0x35: {  	[tilespmem:$0x1010] =	vst v3;
	v3 =	vld [tilespmem:$0x1FE40];
	_ =	sdelay $0x7  }
0x36: {  	v3 =	vld.idx.msk [tilespmem:v3+s18+$0x0], $0xffff;
	_ =	sdelay $0x4  }
0x37: {  	v3 =	vadd.s32 v2, v3  }
0x38: {  	[tilespmem:$0x1020] =	vst v3;
	v3 =	vld [tilespmem:$0x1FE50];
	_ =	sdelay $0x7  }
0x39: {  	v3 =	vld.idx.msk [tilespmem:v3+s18+$0x0], $0xffff;
	_ =	sdelay $0x4  }
0x3a: {  	v3 =	vadd.s32 v2, v3  }
0x3b: {  	[tilespmem:$0x1030] =	vst v3;
	v3 =	vld [tilespmem:$0x1FE60];
	_ =	sdelay $0x7  }
0x3c: {  	v3 =	vld.idx.msk [tilespmem:v3+s18+$0x0], $0xffff;
	_ =	sdelay $0x4  }
0x3d: {  	v3 =	vadd.s32 v2, v3  }
0x3e: {  	[tilespmem:$0x1040] =	vst v3;
	v3 =	vld [tilespmem:$0x1FE70];
	_ =	sdelay $0x7  }
0x3f: {  	v3 =	vld.idx.msk [tilespmem:v3+s18+$0x0], $0xffff;
	_ =	sdelay $0x4  }
0x40: {  	v3 =	vadd.s32 v2, v3  }
0x41: {  	[tilespmem:$0x1050] =	vst v3;
	v3 =	vld [tilespmem:$0x1FE80];
	_ =	sdelay $0x7  }
0x42: {  	v3 =	vld.idx.msk [tilespmem:v3+s18+$0x0], $0xffff;
	_ =	sdelay $0x4  }
0x43: {  	v3 =	vadd.s32 v2, v3  }
0x44: {  	[tilespmem:$0x1060] =	vst v3;
	v3 =	vld [tilespmem:$0x1FE90];
	_ =	sdelay $0x7  }
0x45: {  	v3 =	vld.idx.msk [tilespmem:v3+s18+$0x0], $0xffff;
	_ =	sdelay $0x4  }
0x46: {  	v2 =	vadd.s32 v2, v3;
	v3 =	vld [tilespmem:$0x1FEA0];
	_ =	sdelay $0x6  }
0x47: {  	[tilespmem:$0x1070] =	vst v2;
	v2 =	vld [tilespmem:$0x1BD10]  }
0x48: {  	v3 =	vld.idx.msk [tilespmem:v3+s18+$0x0], $0xffff;
	_ =	sdelay $0x4  }
0x49: {  	v3 =	vadd.s32 v2, v3  }
0x4a: {  	[tilespmem:$0x1080] =	vst v3;
	v3 =	vld [tilespmem:$0x1FEB0];
	_ =	sdelay $0x7  }
0x4b: {  	v3 =	vld.idx.msk [tilespmem:v3+s18+$0x0], $0xffff;
	_ =	sdelay $0x4  }
0x4c: {  	v3 =	vadd.s32 v2, v3  }
0x4d: {  	[tilespmem:$0x1090] =	vst v3;
	v3 =	vld [tilespmem:$0x1FEC0];
	_ =	sdelay $0x7  }
0x4e: {  	v3 =	vld.idx.msk [tilespmem:v3+s18+$0x0], $0xffff;
	_ =	sdelay $0x4  }
0x4f: {  	v3 =	vadd.s32 v2, v3  }
0x50: {  	[tilespmem:$0x10A0] =	vst v3;
	v3 =	vld [tilespmem:$0x1FED0];
	_ =	sdelay $0x7  }
0x51: {  	v3 =	vld.idx.msk [tilespmem:v3+s18+$0x0], $0xffff;
	_ =	sdelay $0x4  }
0x52: {  	v3 =	vadd.s32 v2, v3  }
0x53: {  	[tilespmem:$0x10B0] =	vst v3;
	v3 =	vld [tilespmem:$0x1FEE0];
	_ =	sdelay $0x7  }
0x54: {  	v3 =	vld.idx.msk [tilespmem:v3+s18+$0x0], $0xffff;
	_ =	sdelay $0x4  }
0x55: {  	v3 =	vadd.s32 v2, v3  }
0x56: {  	[tilespmem:$0x10C0] =	vst v3;
	v3 =	vld [tilespmem:$0x1FEF0];
	_ =	sdelay $0x7  }
0x57: {  	v3 =	vld.idx.msk [tilespmem:v3+s18+$0x0], $0xffff;
	_ =	sdelay $0x4  }
0x58: {  	v3 =	vadd.s32 v2, v3  }
0x59: {  	[tilespmem:$0x10D0] =	vst v3;
	v3 =	vld [tilespmem:$0x1FF00];
	_ =	sdelay $0x7  }
0x5a: {  	v3 =	vld.idx.msk [tilespmem:v3+s18+$0x0], $0xffff;
	_ =	sdelay $0x4  }
0x5b: {  	v3 =	vadd.s32 v2, v3  }
0x5c: {  	[tilespmem:$0x10E0] =	vst v3;
	v3 =	vld [tilespmem:$0x1FF10];
	_ =	sdelay $0x7  }
0x5d: {  	v3 =	vld.idx.msk [tilespmem:v3+s18+$0x0], $0xffff;
	_ =	sdelay $0x4  }
0x5e: {  	v2 =	vadd.s32 v2, v3;
	v3 =	vld [tilespmem:$0x1FF20];
	_ =	sdelay $0x6  }
0x5f: {  	[tilespmem:$0x10F0] =	vst v2;
	v2 =	vld [tilespmem:$0x1BD20]  }
0x60: {  	v3 =	vld.idx.msk [tilespmem:v3+s18+$0x0], $0xffff;
	_ =	sdelay $0x4  }
0x61: {  	v3 =	vadd.s32 v2, v3  }
0x62: {  	[tilespmem:$0x1100] =	vst v3;
	v3 =	vld [tilespmem:$0x1FF30];
	_ =	sdelay $0x7  }
0x63: {  	v3 =	vld.idx.msk [tilespmem:v3+s18+$0x0], $0xffff;
	_ =	sdelay $0x4  }
0x64: {  	v3 =	vadd.s32 v2, v3  }
0x65: {  	[tilespmem:$0x1110] =	vst v3;
	v3 =	vld [tilespmem:$0x1FF40];
	_ =	sdelay $0x7  }
0x66: {  	v3 =	vld.idx.msk [tilespmem:v3+s18+$0x0], $0xffff;
	_ =	sdelay $0x4  }
0x67: {  	v3 =	vadd.s32 v2, v3  }
0x68: {  	[tilespmem:$0x1120] =	vst v3;
	v3 =	vld [tilespmem:$0x1FF50];
	_ =	sdelay $0x7  }
0x69: {  	v3 =	vld.idx.msk [tilespmem:v3+s18+$0x0], $0xffff;
	_ =	sdelay $0x4  }
0x6a: {  	v3 =	vadd.s32 v2, v3  }
0x6b: {  	[tilespmem:$0x1130] =	vst v3;
	v3 =	vld [tilespmem:$0x1FF60];
	_ =	sdelay $0x7  }
0x6c: {  	v3 =	vld.idx.msk [tilespmem:v3+s18+$0x0], $0xffff;
	_ =	sdelay $0x4  }
0x6d: {  	v3 =	vadd.s32 v2, v3  }
0x6e: {  	[tilespmem:$0x1140] =	vst v3;
	v3 =	vld [tilespmem:$0x1FF70];
	_ =	sdelay $0x7  }
0x6f: {  	v3 =	vld.idx.msk [tilespmem:v3+s18+$0x0], $0xffff;
	_ =	sdelay $0x4  }
0x70: {  	v3 =	vadd.s32 v2, v3  }
0x71: {  	[tilespmem:$0x1150] =	vst v3;
	v3 =	vld [tilespmem:$0x1FF80];
	_ =	sdelay $0x7  }
0x72: {  	v3 =	vld.idx.msk [tilespmem:v3+s18+$0x0], $0xffff;
	_ =	sdelay $0x4  }
0x73: {  	v3 =	vadd.s32 v2, v3  }
0x74: {  	[tilespmem:$0x1160] =	vst v3;
	v3 =	vld [tilespmem:$0x1FF90];
	_ =	sdelay $0x7  }
0x75: {  	v3 =	vld.idx.msk [tilespmem:v3+s18+$0x0], $0xffff;
	_ =	sdelay $0x4  }
0x76: {  	v2 =	vadd.s32 v2, v3;
	v3 =	vld [tilespmem:$0x1FFA0];
	_ =	sdelay $0x6  }
0x77: {  	[tilespmem:$0x1170] =	vst v2;
	v2 =	vld [tilespmem:$0x1BD30]  }
0x78: {  	v3 =	vld.idx.msk [tilespmem:v3+s18+$0x0], $0xffff;
	_ =	sdelay $0x4  }
0x79: {  	v3 =	vadd.s32 v2, v3  }
0x7a: {  	[tilespmem:$0x1180] =	vst v3;
	v3 =	vld [tilespmem:$0x1FFB0];
	_ =	sdelay $0x7  }
0x7b: {  	v3 =	vld.idx.msk [tilespmem:v3+s18+$0x0], $0xffff;
	_ =	sdelay $0x4  }
0x7c: {  	v3 =	vadd.s32 v2, v3  }
0x7d: {  	[tilespmem:$0x1190] =	vst v3;
	v3 =	vld [tilespmem:$0x1FFC0];
	_ =	sdelay $0x7  }
0x7e: {  	v3 =	vld.idx.msk [tilespmem:v3+s18+$0x0], $0xffff;
	_ =	sdelay $0x4  }
0x7f: {  	v3 =	vadd.s32 v2, v3  }
0x80: {  	[tilespmem:$0x11A0] =	vst v3;
	v3 =	vld [tilespmem:$0x1FFD0];
	_ =	sdelay $0x7  }
0x81: {  	v3 =	vld.idx.msk [tilespmem:v3+s18+$0x0], $0xffff;
	_ =	sdelay $0x4  }
0x82: {  	v3 =	vadd.s32 v2, v3  }
0x83: {  	[tilespmem:$0x11B0] =	vst v3;
	v3 =	vld [tilespmem:$0x1FFE0];
	_ =	sdelay $0x7  }
0x84: {  	v3 =	vld.idx.msk [tilespmem:v3+s18+$0x0], $0xffff;
	_ =	sdelay $0x4  }
0x85: {  	v3 =	vadd.s32 v2, v3  }
0x86: {  	[tilespmem:$0x11C0] =	vst v3;
	v3 =	vld [tilespmem:$0x1FFF0];
	_ =	sdelay $0x7  }
0x87: {  	v3 =	vld.idx.msk [tilespmem:v3+s18+$0x0], $0xffff;
	_ =	sdelay $0x4  }
0x88: {  	v3 =	vadd.s32 v2, v3  }
0x89: {  	[tilespmem:$0x11D0] =	vst v3  }
0x8a: {  	v3 =	vld.idx.msk [tilespmem:v31+s18+$0x0], $0xffff;
	_ =	sdelay $0x4  }
0x8b: {  	v3 =	vadd.s32 v2, v3  }
0x8c: {  	[tilespmem:$0x11E0] =	vst v3  }
0x8d: {  	v3 =	vld.idx.msk [tilespmem:v32+s18+$0x0], $0xffff;
	_ =	sdelay $0x4  }
0x8e: {  	v2 =	vadd.s32 v2, v3  }
0x8f: {  	[tilespmem:$0x11F0] =	vst v2;
	v2 =	vld [tilespmem:$0x1BD40]  }
0x90: {  	v3 =	vld.idx.msk [tilespmem:v33+s18+$0x0], $0xffff;
	_ =	sdelay $0x4  }
0x91: {  	v3 =	vadd.s32 v2, v3  }
0x92: {  	[tilespmem:$0x1200] =	vst v3  }
0x93: {  	v3 =	vld.idx.msk [tilespmem:v34+s18+$0x0], $0xffff;
	_ =	sdelay $0x4  }
0x94: {  	v3 =	vadd.s32 v2, v3  }
0x95: {  	[tilespmem:$0x1210] =	vst v3  }
0x96: {  	v3 =	vld.idx.msk [tilespmem:v35+s18+$0x0], $0xffff;
	_ =	sdelay $0x4  }
0x97: {  	v3 =	vadd.s32 v2, v3  }
0x98: {  	[tilespmem:$0x1220] =	vst v3  }
0x99: {  	v3 =	vld.idx.msk [tilespmem:v36+s18+$0x0], $0xffff;
	_ =	sdelay $0x4  }
0x9a: {  	v3 =	vadd.s32 v2, v3  }
0x9b: {  	[tilespmem:$0x1230] =	vst v3  }
0x9c: {  	v3 =	vld.idx.msk [tilespmem:v37+s18+$0x0], $0xffff;
	_ =	sdelay $0x4  }
0x9d: {  	v3 =	vadd.s32 v2, v3  }
0x9e: {  	[tilespmem:$0x1240] =	vst v3  }
0x9f: {  	v3 =	vld.idx.msk [tilespmem:v38+s18+$0x0], $0xffff;
	_ =	sdelay $0x4  }
0xa0: {  	v3 =	vadd.s32 v2, v3  }
0xa1: {  	[tilespmem:$0x1250] =	vst v3  }
0xa2: {  	v3 =	vld.idx.msk [tilespmem:v39+s18+$0x0], $0xffff;
	_ =	sdelay $0x4  }
0xa3: {  	v3 =	vadd.s32 v2, v3  }
0xa4: {  	[tilespmem:$0x1260] =	vst v3  }
0xa5: {  	v3 =	vld.idx.msk [tilespmem:v40+s18+$0x0], $0xffff;
	_ =	sdelay $0x4  }
0xa6: {  	v2 =	vadd.s32 v2, v3  }
0xa7: {  	[tilespmem:$0x1270] =	vst v2;
	v2 =	vld [tilespmem:$0x1BD50]  }
0xa8: {  	v3 =	vld.idx.msk [tilespmem:v41+s18+$0x0], $0xffff;
	_ =	sdelay $0x4  }
0xa9: {  	v3 =	vadd.s32 v2, v3  }
0xaa: {  	[tilespmem:$0x1280] =	vst v3  }
0xab: {  	v3 =	vld.idx.msk [tilespmem:v42+s18+$0x0], $0xffff;
	_ =	sdelay $0x4  }
0xac: {  	v3 =	vadd.s32 v2, v3  }
0xad: {  	[tilespmem:$0x1290] =	vst v3  }
0xae: {  	v3 =	vld.idx.msk [tilespmem:v43+s18+$0x0], $0xffff;
	_ =	sdelay $0x4  }
0xaf: {  	v3 =	vadd.s32 v2, v3  }
0xb0: {  	[tilespmem:$0x12A0] =	vst v3  }
0xb1: {  	v3 =	vld.idx.msk [tilespmem:v44+s18+$0x0], $0xffff;
	_ =	sdelay $0x4  }
0xb2: {  	v3 =	vadd.s32 v2, v3  }
0xb3: {  	[tilespmem:$0x12B0] =	vst v3  }
0xb4: {  	v3 =	vld.idx.msk [tilespmem:v45+s18+$0x0], $0xffff;
	_ =	sdelay $0x4  }
0xb5: {  	v3 =	vadd.s32 v2, v3  }
0xb6: {  	[tilespmem:$0x12C0] =	vst v3  }
0xb7: {  	v3 =	vld.idx.msk [tilespmem:v46+s18+$0x0], $0xffff;
	_ =	sdelay $0x4  }
0xb8: {  	v3 =	vadd.s32 v2, v3  }
0xb9: {  	[tilespmem:$0x12D0] =	vst v3  }
0xba: {  	v3 =	vld.idx.msk [tilespmem:v47+s18+$0x0], $0xffff;
	_ =	sdelay $0x4  }
0xbb: {  	v3 =	vadd.s32 v2, v3  }
0xbc: {  	[tilespmem:$0x12E0] =	vst v3  }
0xbd: {  	v3 =	vld.idx.msk [tilespmem:v48+s18+$0x0], $0xffff;
	_ =	sdelay $0x4  }
0xbe: {  	v2 =	vadd.s32 v2, v3  }
0xbf: {  	[tilespmem:$0x12F0] =	vst v2;
	v2 =	vld [tilespmem:$0x1BD60]  }
0xc0: {  	v3 =	vld.idx.msk [tilespmem:v49+s18+$0x0], $0xffff;
	_ =	sdelay $0x4  }
0xc1: {  	v3 =	vadd.s32 v2, v3  }
0xc2: {  	[tilespmem:$0x1300] =	vst v3  }
0xc3: {  	v3 =	vld.idx.msk [tilespmem:v50+s18+$0x0], $0xffff;
	_ =	sdelay $0x4  }
0xc4: {  	v3 =	vadd.s32 v2, v3  }
0xc5: {  	[tilespmem:$0x1310] =	vst v3  }
0xc6: {  	v3 =	vld.idx.msk [tilespmem:v51+s18+$0x0], $0xffff;
	_ =	sdelay $0x4  }
0xc7: {  	v3 =	vadd.s32 v2, v3  }
0xc8: {  	[tilespmem:$0x1320] =	vst v3  }
0xc9: {  	v3 =	vld.idx.msk [tilespmem:v52+s18+$0x0], $0xffff;
	_ =	sdelay $0x4  }
0xca: {  	v3 =	vadd.s32 v2, v3  }
0xcb: {  	[tilespmem:$0x1330] =	vst v3  }
0xcc: {  	v3 =	vld.idx.msk [tilespmem:v53+s18+$0x0], $0xffff;
	_ =	sdelay $0x4  }
0xcd: {  	v3 =	vadd.s32 v2, v3  }
0xce: {  	[tilespmem:$0x1340] =	vst v3  }
0xcf: {  	v3 =	vld.idx.msk [tilespmem:v54+s18+$0x0], $0xffff;
	_ =	sdelay $0x4  }
0xd0: {  	v3 =	vadd.s32 v2, v3  }
0xd1: {  	[tilespmem:$0x1350] =	vst v3  }
0xd2: {  	v3 =	vld.idx.msk [tilespmem:v55+s18+$0x0], $0xffff;
	_ =	sdelay $0x4  }
0xd3: {  	v3 =	vadd.s32 v2, v3  }
0xd4: {  	[tilespmem:$0x1360] =	vst v3  }
0xd5: {  	v3 =	vld.idx.msk [tilespmem:v56+s18+$0x0], $0xffff;
	_ =	sdelay $0x4  }
0xd6: {  	v2 =	vadd.s32 v2, v3  }
0xd7: {  	[tilespmem:$0x1370] =	vst v2;
	v2 =	vld [tilespmem:$0x1BD70]  }
0xd8: {  	v3 =	vld.idx.msk [tilespmem:v57+s18+$0x0], $0xffff;
	_ =	sdelay $0x4  }
0xd9: {  	v3 =	vadd.s32 v2, v3  }
0xda: {  	[tilespmem:$0x1380] =	vst v3  }
0xdb: {  	v3 =	vld.idx.msk [tilespmem:v58+s18+$0x0], $0xffff;
	_ =	sdelay $0x4  }
0xdc: {  	v3 =	vadd.s32 v2, v3  }
0xdd: {  	[tilespmem:$0x1390] =	vst v3  }
0xde: {  	v3 =	vld.idx.msk [tilespmem:v59+s18+$0x0], $0xffff;
	_ =	sdelay $0x4  }
0xdf: {  	v3 =	vadd.s32 v2, v3  }
0xe0: {  	[tilespmem:$0x13A0] =	vst v3  }
0xe1: {  	v3 =	vld.idx.msk [tilespmem:v60+s18+$0x0], $0xffff;
	_ =	sdelay $0x4  }
0xe2: {  	v3 =	vadd.s32 v2, v3  }
0xe3: {  	[tilespmem:$0x13B0] =	vst v3  }
0xe4: {  	v3 =	vld.idx.msk [tilespmem:v61+s18+$0x0], $0xffff;
	_ =	sdelay $0x4  }
0xe5: {  	v3 =	vadd.s32 v2, v3  }
0xe6: {  	[tilespmem:$0x13C0] =	vst v3  }
0xe7: {  	v3 =	vld.idx.msk [tilespmem:v62+s18+$0x0], $0xffff;
	_ =	sdelay $0x4  }
0xe8: {  	v3 =	vadd.s32 v2, v3  }
0xe9: {  	[tilespmem:$0x13D0] =	vst v3  }
0xea: {  	v3 =	vld.idx.msk [tilespmem:v63+s18+$0x0], $0xffff;
	_ =	sdelay $0x4  }
0xeb: {  	v3 =	vadd.s32 v2, v3  }
0xec: {  	[tilespmem:$0x13E0] =	vst v3  }
0xed: {  	v3 =	vld.idx.msk [tilespmem:v0+s18+$0x0], $0xffff;
	_ =	sdelay $0x1  }
0xee: {  	v4 =	vor.u32 $0x8, v1;
	_ =	sdelay $0x2  }
0xef: {  	v2 =	vadd.s32 v2, v3  }
0xf0: {  	[tilespmem:$0x13F0] =	vst v2;
	v2 =	vld [tilespmem:$0x1BD80]  }
0xf1: {  	v3 =	vld.idx.msk [tilespmem:v4+s18+$0x0], $0xffff;
	_ =	sdelay $0x1  }
0xf2: {  	v4 =	vor.u32 $0x208, v1;
	_ =	sdelay $0x2  }
0xf3: {  	v3 =	vadd.s32 v2, v3  }
0xf4: {  	[tilespmem:$0x1400] =	vst v3  }
0xf5: {  	v3 =	vld.idx.msk [tilespmem:v4+s18+$0x0], $0xffff;
	_ =	sdelay $0x1  }
0xf6: {  	v4 =	vor.u32 $0x408, v1;
	_ =	sdelay $0x2  }
0xf7: {  	v3 =	vadd.s32 v2, v3  }
0xf8: {  	[tilespmem:$0x1410] =	vst v3  }
0xf9: {  	v3 =	vld.idx.msk [tilespmem:v4+s18+$0x0], $0xffff;
	_ =	sdelay $0x1  }
0xfa: {  	v4 =	vor.u32 $0x608, v1;
	_ =	sdelay $0x2  }
0xfb: {  	v3 =	vadd.s32 v2, v3  }
0xfc: {  	[tilespmem:$0x1420] =	vst v3  }
0xfd: {  	v3 =	vld.idx.msk [tilespmem:v4+s18+$0x0], $0xffff;
	_ =	sdelay $0x1  }
0xfe: {  	v4 =	vor.u32 $0x808, v1;
	_ =	sdelay $0x2  }
0xff: {  	v3 =	vadd.s32 v2, v3  }
0x100: {  	[tilespmem:$0x1430] =	vst v3  }
0x101: {  	v3 =	vld.idx.msk [tilespmem:v4+s18+$0x0], $0xffff;
	_ =	sdelay $0x1  }
0x102: {  	v4 =	vor.u32 $0xA08, v1;
	_ =	sdelay $0x2  }
0x103: {  	v3 =	vadd.s32 v2, v3  }
0x104: {  	[tilespmem:$0x1440] =	vst v3  }
0x105: {  	v3 =	vld.idx.msk [tilespmem:v4+s18+$0x0], $0xffff;
	_ =	sdelay $0x1  }
0x106: {  	v4 =	vor.u32 $0xC08, v1;
	_ =	sdelay $0x2  }
0x107: {  	v3 =	vadd.s32 v2, v3  }
0x108: {  	[tilespmem:$0x1450] =	vst v3  }
0x109: {  	v3 =	vld.idx.msk [tilespmem:v4+s18+$0x0], $0xffff;
	_ =	sdelay $0x1  }
0x10a: {  	v4 =	vor.u32 $0xE08, v1;
	_ =	sdelay $0x2  }
0x10b: {  	v3 =	vadd.s32 v2, v3  }
0x10c: {  	[tilespmem:$0x1460] =	vst v3  }
0x10d: {  	v3 =	vld.idx.msk [tilespmem:v4+s18+$0x0], $0xffff;
	_ =	sdelay $0x1  }
0x10e: {  	v4 =	vor.u32 $0x9, v1;
	_ =	sdelay $0x2  }
0x10f: {  	v2 =	vadd.s32 v2, v3  }
0x110: {  	[tilespmem:$0x1470] =	vst v2;
	v2 =	vld [tilespmem:$0x1BD90]  }
0x111: {  	v3 =	vld.idx.msk [tilespmem:v4+s18+$0x0], $0xffff;
	_ =	sdelay $0x1  }
0x112: {  	v4 =	vor.u32 $0x209, v1;
	_ =	sdelay $0x2  }
0x113: {  	v3 =	vadd.s32 v2, v3  }
0x114: {  	[tilespmem:$0x1480] =	vst v3  }
0x115: {  	v3 =	vld.idx.msk [tilespmem:v4+s18+$0x0], $0xffff;
	_ =	sdelay $0x1  }
0x116: {  	v4 =	vor.u32 $0x409, v1;
	_ =	sdelay $0x2  }
0x117: {  	v3 =	vadd.s32 v2, v3  }
0x118: {  	[tilespmem:$0x1490] =	vst v3  }
0x119: {  	v3 =	vld.idx.msk [tilespmem:v4+s18+$0x0], $0xffff;
	_ =	sdelay $0x1  }
0x11a: {  	v4 =	vor.u32 $0x609, v1;
	_ =	sdelay $0x2  }
0x11b: {  	v3 =	vadd.s32 v2, v3  }
0x11c: {  	[tilespmem:$0x14A0] =	vst v3  }
0x11d: {  	v3 =	vld.idx.msk [tilespmem:v4+s18+$0x0], $0xffff;
	_ =	sdelay $0x1  }
0x11e: {  	v4 =	vor.u32 $0x809, v1;
	_ =	sdelay $0x2  }
0x11f: {  	v3 =	vadd.s32 v2, v3  }
0x120: {  	[tilespmem:$0x14B0] =	vst v3  }
0x121: {  	v3 =	vld.idx.msk [tilespmem:v4+s18+$0x0], $0xffff;
	_ =	sdelay $0x1  }
0x122: {  	v4 =	vor.u32 $0xA09, v1;
	_ =	sdelay $0x2  }
0x123: {  	v3 =	vadd.s32 v2, v3  }
0x124: {  	[tilespmem:$0x14C0] =	vst v3  }
0x125: {  	v3 =	vld.idx.msk [tilespmem:v4+s18+$0x0], $0xffff;
	_ =	sdelay $0x1  }
0x126: {  	v4 =	vor.u32 $0xC09, v1;
	_ =	sdelay $0x2  }
0x127: {  	v3 =	vadd.s32 v2, v3  }
0x128: {  	[tilespmem:$0x14D0] =	vst v3  }
0x129: {  	v3 =	vld.idx.msk [tilespmem:v4+s18+$0x0], $0xffff;
	_ =	sdelay $0x1  }
0x12a: {  	v4 =	vor.u32 $0xE09, v1;
	_ =	sdelay $0x2  }
0x12b: {  	v3 =	vadd.s32 v2, v3  }
0x12c: {  	[tilespmem:$0x14E0] =	vst v3  }
0x12d: {  	v3 =	vld.idx.msk [tilespmem:v4+s18+$0x0], $0xffff;
	_ =	sdelay $0x1  }
0x12e: {  	v4 =	vor.u32 $0xA, v1;
	_ =	sdelay $0x2  }
0x12f: {  	v2 =	vadd.s32 v2, v3  }
0x130: {  	[tilespmem:$0x14F0] =	vst v2;
	v2 =	vld [tilespmem:$0x1BDA0]  }
0x131: {  	v3 =	vld.idx.msk [tilespmem:v4+s18+$0x0], $0xffff;
	_ =	sdelay $0x1  }
0x132: {  	v4 =	vor.u32 $0x20A, v1;
	_ =	sdelay $0x2  }
0x133: {  	v3 =	vadd.s32 v2, v3  }
0x134: {  	[tilespmem:$0x1500] =	vst v3  }
0x135: {  	v3 =	vld.idx.msk [tilespmem:v4+s18+$0x0], $0xffff;
	_ =	sdelay $0x1  }
0x136: {  	v4 =	vor.u32 $0x40A, v1;
	_ =	sdelay $0x2  }
0x137: {  	v3 =	vadd.s32 v2, v3  }
0x138: {  	[tilespmem:$0x1510] =	vst v3  }
0x139: {  	v3 =	vld.idx.msk [tilespmem:v4+s18+$0x0], $0xffff;
	_ =	sdelay $0x1  }
0x13a: {  	v4 =	vor.u32 $0x60A, v1;
	_ =	sdelay $0x2  }
0x13b: {  	v3 =	vadd.s32 v2, v3  }
0x13c: {  	[tilespmem:$0x1520] =	vst v3  }
0x13d: {  	v3 =	vld.idx.msk [tilespmem:v4+s18+$0x0], $0xffff;
	_ =	sdelay $0x1  }
0x13e: {  	v4 =	vor.u32 $0x80A, v1;
	_ =	sdelay $0x2  }
0x13f: {  	v3 =	vadd.s32 v2, v3  }
0x140: {  	[tilespmem:$0x1530] =	vst v3  }
0x141: {  	v3 =	vld.idx.msk [tilespmem:v4+s18+$0x0], $0xffff;
	_ =	sdelay $0x1  }
0x142: {  	v4 =	vor.u32 $0xA0A, v1;
	_ =	sdelay $0x2  }
0x143: {  	v3 =	vadd.s32 v2, v3  }
0x144: {  	[tilespmem:$0x1540] =	vst v3  }
0x145: {  	v3 =	vld.idx.msk [tilespmem:v4+s18+$0x0], $0xffff;
	_ =	sdelay $0x1  }
0x146: {  	v4 =	vor.u32 $0xC0A, v1;
	_ =	sdelay $0x2  }
0x147: {  	v3 =	vadd.s32 v2, v3  }
0x148: {  	[tilespmem:$0x1550] =	vst v3  }
0x149: {  	v3 =	vld.idx.msk [tilespmem:v4+s18+$0x0], $0xffff;
	_ =	sdelay $0x1  }
0x14a: {  	v4 =	vor.u32 $0xE0A, v1;
	_ =	sdelay $0x2  }
0x14b: {  	v3 =	vadd.s32 v2, v3  }
0x14c: {  	[tilespmem:$0x1560] =	vst v3  }
0x14d: {  	v3 =	vld.idx.msk [tilespmem:v4+s18+$0x0], $0xffff;
	_ =	sdelay $0x1  }
0x14e: {  	v4 =	vor.u32 $0xB, v1;
	_ =	sdelay $0x2  }
0x14f: {  	v2 =	vadd.s32 v2, v3  }
0x150: {  	[tilespmem:$0x1570] =	vst v2;
	v2 =	vld [tilespmem:$0x1BDB0]  }
0x151: {  	v3 =	vld.idx.msk [tilespmem:v4+s18+$0x0], $0xffff;
	_ =	sdelay $0x1  }
0x152: {  	v4 =	vor.u32 $0x20B, v1;
	_ =	sdelay $0x2  }
0x153: {  	v3 =	vadd.s32 v2, v3  }
0x154: {  	[tilespmem:$0x1580] =	vst v3  }
0x155: {  	v3 =	vld.idx.msk [tilespmem:v4+s18+$0x0], $0xffff;
	_ =	sdelay $0x1  }
0x156: {  	v4 =	vor.u32 $0x40B, v1;
	_ =	sdelay $0x2  }
0x157: {  	v3 =	vadd.s32 v2, v3  }
0x158: {  	[tilespmem:$0x1590] =	vst v3  }
0x159: {  	v3 =	vld.idx.msk [tilespmem:v4+s18+$0x0], $0xffff;
	_ =	sdelay $0x1  }
0x15a: {  	v4 =	vor.u32 $0x60B, v1;
	_ =	sdelay $0x2  }
0x15b: {  	v3 =	vadd.s32 v2, v3  }
0x15c: {  	[tilespmem:$0x15A0] =	vst v3  }
0x15d: {  	v3 =	vld.idx.msk [tilespmem:v4+s18+$0x0], $0xffff;
	_ =	sdelay $0x1  }
0x15e: {  	v4 =	vor.u32 $0x80B, v1;
	_ =	sdelay $0x2  }
0x15f: {  	v3 =	vadd.s32 v2, v3  }
0x160: {  	[tilespmem:$0x15B0] =	vst v3  }
0x161: {  	v3 =	vld.idx.msk [tilespmem:v4+s18+$0x0], $0xffff;
	_ =	sdelay $0x1  }
0x162: {  	v4 =	vor.u32 $0xA0B, v1;
	_ =	sdelay $0x2  }
0x163: {  	v3 =	vadd.s32 v2, v3  }
0x164: {  	[tilespmem:$0x15C0] =	vst v3  }
0x165: {  	v3 =	vld.idx.msk [tilespmem:v4+s18+$0x0], $0xffff;
	_ =	sdelay $0x1  }
0x166: {  	v4 =	vor.u32 $0xC0B, v1;
	_ =	sdelay $0x2  }
0x167: {  	v3 =	vadd.s32 v2, v3  }
0x168: {  	[tilespmem:$0x15D0] =	vst v3  }
0x169: {  	v3 =	vld.idx.msk [tilespmem:v4+s18+$0x0], $0xffff;
	_ =	sdelay $0x1  }
0x16a: {  	v4 =	vor.u32 $0xE0B, v1;
	_ =	sdelay $0x2  }
0x16b: {  	v3 =	vadd.s32 v2, v3  }
0x16c: {  	[tilespmem:$0x15E0] =	vst v3  }
0x16d: {  	v3 =	vld.idx.msk [tilespmem:v4+s18+$0x0], $0xffff;
	_ =	sdelay $0x1  }
0x16e: {  	v4 =	vor.u32 $0xC, v1;
	_ =	sdelay $0x2  }
0x16f: {  	v2 =	vadd.s32 v2, v3  }
0x170: {  	[tilespmem:$0x15F0] =	vst v2;
	v2 =	vld [tilespmem:$0x1BDC0]  }
0x171: {  	v3 =	vld.idx.msk [tilespmem:v4+s18+$0x0], $0xffff;
	_ =	sdelay $0x1  }
0x172: {  	v4 =	vor.u32 $0x20C, v1;
	_ =	sdelay $0x2  }
0x173: {  	v3 =	vadd.s32 v2, v3  }
0x174: {  	[tilespmem:$0x1600] =	vst v3  }
0x175: {  	v3 =	vld.idx.msk [tilespmem:v4+s18+$0x0], $0xffff;
	_ =	sdelay $0x1  }
0x176: {  	v4 =	vor.u32 $0x40C, v1;
	_ =	sdelay $0x2  }
0x177: {  	v3 =	vadd.s32 v2, v3  }
0x178: {  	[tilespmem:$0x1610] =	vst v3  }
0x179: {  	v3 =	vld.idx.msk [tilespmem:v4+s18+$0x0], $0xffff;
	_ =	sdelay $0x1  }
0x17a: {  	v4 =	vor.u32 $0x60C, v1;
	_ =	sdelay $0x2  }
0x17b: {  	v3 =	vadd.s32 v2, v3  }
0x17c: {  	[tilespmem:$0x1620] =	vst v3  }
0x17d: {  	v3 =	vld.idx.msk [tilespmem:v4+s18+$0x0], $0xffff;
	_ =	sdelay $0x1  }
0x17e: {  	v4 =	vor.u32 $0x80C, v1;
	_ =	sdelay $0x2  }
0x17f: {  	v3 =	vadd.s32 v2, v3  }
0x180: {  	[tilespmem:$0x1630] =	vst v3  }
0x181: {  	v3 =	vld.idx.msk [tilespmem:v4+s18+$0x0], $0xffff;
	_ =	sdelay $0x1  }
0x182: {  	v4 =	vor.u32 $0xA0C, v1;
	_ =	sdelay $0x2  }
0x183: {  	v3 =	vadd.s32 v2, v3  }
0x184: {  	[tilespmem:$0x1640] =	vst v3  }
0x185: {  	v3 =	vld.idx.msk [tilespmem:v4+s18+$0x0], $0xffff;
	_ =	sdelay $0x1  }
0x186: {  	v4 =	vor.u32 $0xC0C, v1;
	_ =	sdelay $0x2  }
0x187: {  	v3 =	vadd.s32 v2, v3  }
0x188: {  	[tilespmem:$0x1650] =	vst v3  }
0x189: {  	v3 =	vld.idx.msk [tilespmem:v4+s18+$0x0], $0xffff;
	_ =	sdelay $0x1  }
0x18a: {  	v4 =	vor.u32 $0xE0C, v1;
	_ =	sdelay $0x2  }
0x18b: {  	v3 =	vadd.s32 v2, v3  }
0x18c: {  	[tilespmem:$0x1660] =	vst v3  }
0x18d: {  	v3 =	vld.idx.msk [tilespmem:v4+s18+$0x0], $0xffff;
	_ =	sdelay $0x1  }
0x18e: {  	v4 =	vor.u32 $0xD, v1;
	_ =	sdelay $0x2  }
0x18f: {  	v2 =	vadd.s32 v2, v3  }
0x190: {  	[tilespmem:$0x1670] =	vst v2;
	v2 =	vld [tilespmem:$0x1BDD0]  }
0x191: {  	v3 =	vld.idx.msk [tilespmem:v4+s18+$0x0], $0xffff;
	_ =	sdelay $0x1  }
0x192: {  	v4 =	vor.u32 $0x20D, v1;
	_ =	sdelay $0x2  }
0x193: {  	v3 =	vadd.s32 v2, v3  }
0x194: {  	[tilespmem:$0x1680] =	vst v3  }
0x195: {  	v3 =	vld.idx.msk [tilespmem:v4+s18+$0x0], $0xffff;
	_ =	sdelay $0x1  }
0x196: {  	v4 =	vor.u32 $0x40D, v1;
	_ =	sdelay $0x2  }
0x197: {  	v3 =	vadd.s32 v2, v3  }
0x198: {  	[tilespmem:$0x1690] =	vst v3  }
0x199: {  	v3 =	vld.idx.msk [tilespmem:v4+s18+$0x0], $0xffff;
	_ =	sdelay $0x1  }
0x19a: {  	v4 =	vor.u32 $0x60D, v1;
	_ =	sdelay $0x2  }
0x19b: {  	v3 =	vadd.s32 v2, v3  }
0x19c: {  	[tilespmem:$0x16A0] =	vst v3  }
0x19d: {  	v3 =	vld.idx.msk [tilespmem:v4+s18+$0x0], $0xffff;
	_ =	sdelay $0x1  }
0x19e: {  	v4 =	vor.u32 $0x80D, v1;
	_ =	sdelay $0x2  }
0x19f: {  	v3 =	vadd.s32 v2, v3  }
0x1a0: {  	[tilespmem:$0x16B0] =	vst v3  }
0x1a1: {  	v3 =	vld.idx.msk [tilespmem:v4+s18+$0x0], $0xffff;
	_ =	sdelay $0x1  }
0x1a2: {  	v4 =	vor.u32 $0xA0D, v1;
	_ =	sdelay $0x2  }
0x1a3: {  	v3 =	vadd.s32 v2, v3  }
0x1a4: {  	[tilespmem:$0x16C0] =	vst v3  }
0x1a5: {  	v3 =	vld.idx.msk [tilespmem:v4+s18+$0x0], $0xffff;
	_ =	sdelay $0x1  }
0x1a6: {  	v4 =	vor.u32 $0xC0D, v1;
	_ =	sdelay $0x2  }
0x1a7: {  	v3 =	vadd.s32 v2, v3  }
0x1a8: {  	[tilespmem:$0x16D0] =	vst v3  }
0x1a9: {  	v3 =	vld.idx.msk [tilespmem:v4+s18+$0x0], $0xffff;
	_ =	sdelay $0x1  }
0x1aa: {  	v4 =	vor.u32 $0xE0D, v1;
	_ =	sdelay $0x2  }
0x1ab: {  	v3 =	vadd.s32 v2, v3  }
0x1ac: {  	[tilespmem:$0x16E0] =	vst v3  }
0x1ad: {  	v3 =	vld.idx.msk [tilespmem:v4+s18+$0x0], $0xffff;
	_ =	sdelay $0x1  }
0x1ae: {  	v4 =	vor.u32 $0xE, v1;
	_ =	sdelay $0x2  }
0x1af: {  	v2 =	vadd.s32 v2, v3  }
0x1b0: {  	[tilespmem:$0x16F0] =	vst v2;
	v2 =	vld [tilespmem:$0x1BDE0]  }
0x1b1: {  	v3 =	vld.idx.msk [tilespmem:v4+s18+$0x0], $0xffff;
	_ =	sdelay $0x1  }
0x1b2: {  	v4 =	vor.u32 $0x20E, v1;
	_ =	sdelay $0x2  }
0x1b3: {  	v3 =	vadd.s32 v2, v3  }
0x1b4: {  	[tilespmem:$0x1700] =	vst v3  }
0x1b5: {  	v3 =	vld.idx.msk [tilespmem:v4+s18+$0x0], $0xffff;
	_ =	sdelay $0x1  }
0x1b6: {  	v4 =	vor.u32 $0x40E, v1;
	_ =	sdelay $0x2  }
0x1b7: {  	v3 =	vadd.s32 v2, v3  }
0x1b8: {  	[tilespmem:$0x1710] =	vst v3  }
0x1b9: {  	v3 =	vld.idx.msk [tilespmem:v4+s18+$0x0], $0xffff;
	_ =	sdelay $0x1  }
0x1ba: {  	v4 =	vor.u32 $0x60E, v1;
	_ =	sdelay $0x2  }
0x1bb: {  	v3 =	vadd.s32 v2, v3  }
0x1bc: {  	[tilespmem:$0x1720] =	vst v3  }
0x1bd: {  	v3 =	vld.idx.msk [tilespmem:v4+s18+$0x0], $0xffff;
	_ =	sdelay $0x1  }
0x1be: {  	v4 =	vor.u32 $0x80E, v1;
	_ =	sdelay $0x2  }
0x1bf: {  	v3 =	vadd.s32 v2, v3  }
0x1c0: {  	[tilespmem:$0x1730] =	vst v3  }
0x1c1: {  	v3 =	vld.idx.msk [tilespmem:v4+s18+$0x0], $0xffff;
	_ =	sdelay $0x1  }
0x1c2: {  	v4 =	vor.u32 $0xA0E, v1;
	_ =	sdelay $0x2  }
0x1c3: {  	v3 =	vadd.s32 v2, v3  }
0x1c4: {  	[tilespmem:$0x1740] =	vst v3  }
0x1c5: {  	v3 =	vld.idx.msk [tilespmem:v4+s18+$0x0], $0xffff;
	_ =	sdelay $0x1  }
0x1c6: {  	v4 =	vor.u32 $0xC0E, v1;
	_ =	sdelay $0x2  }
0x1c7: {  	v3 =	vadd.s32 v2, v3  }
0x1c8: {  	[tilespmem:$0x1750] =	vst v3  }
0x1c9: {  	v3 =	vld.idx.msk [tilespmem:v4+s18+$0x0], $0xffff;
	_ =	sdelay $0x1  }
0x1ca: {  	v4 =	vor.u32 $0xE0E, v1;
	_ =	sdelay $0x2  }
0x1cb: {  	v3 =	vadd.s32 v2, v3  }
0x1cc: {  	[tilespmem:$0x1760] =	vst v3  }
0x1cd: {  	v3 =	vld.idx.msk [tilespmem:v4+s18+$0x0], $0xffff;
	_ =	sdelay $0x1  }
0x1ce: {  	v4 =	vor.u32 $0xF, v1;
	_ =	sdelay $0x2  }
0x1cf: {  	v2 =	vadd.s32 v2, v3  }
0x1d0: {  	[tilespmem:$0x1770] =	vst v2;
	v2 =	vld [tilespmem:$0x1BDF0]  }
0x1d1: {  	v3 =	vld.idx.msk [tilespmem:v4+s18+$0x0], $0xffff;
	_ =	sdelay $0x1  }
0x1d2: {  	v4 =	vor.u32 $0x20F, v1;
	_ =	sdelay $0x2  }
0x1d3: {  	v3 =	vadd.s32 v2, v3  }
0x1d4: {  	[tilespmem:$0x1780] =	vst v3  }
0x1d5: {  	v3 =	vld.idx.msk [tilespmem:v4+s18+$0x0], $0xffff;
	_ =	sdelay $0x1  }
0x1d6: {  	v4 =	vor.u32 $0x40F, v1;
	_ =	sdelay $0x2  }
0x1d7: {  	v3 =	vadd.s32 v2, v3  }
0x1d8: {  	[tilespmem:$0x1790] =	vst v3  }
0x1d9: {  	v3 =	vld.idx.msk [tilespmem:v4+s18+$0x0], $0xffff;
	_ =	sdelay $0x1  }
0x1da: {  	v4 =	vor.u32 $0x60F, v1;
	_ =	sdelay $0x2  }
0x1db: {  	v3 =	vadd.s32 v2, v3  }
0x1dc: {  	[tilespmem:$0x17A0] =	vst v3  }
0x1dd: {  	v3 =	vld.idx.msk [tilespmem:v4+s18+$0x0], $0xffff;
	_ =	sdelay $0x1  }
0x1de: {  	v4 =	vor.u32 $0x80F, v1;
	_ =	sdelay $0x2  }
0x1df: {  	v3 =	vadd.s32 v2, v3  }
0x1e0: {  	[tilespmem:$0x17B0] =	vst v3  }
0x1e1: {  	v3 =	vld.idx.msk [tilespmem:v4+s18+$0x0], $0xffff;
	_ =	sdelay $0x1  }
0x1e2: {  	v4 =	vor.u32 $0xA0F, v1;
	_ =	sdelay $0x2  }
0x1e3: {  	v3 =	vadd.s32 v2, v3  }
0x1e4: {  	[tilespmem:$0x17C0] =	vst v3  }
0x1e5: {  	v3 =	vld.idx.msk [tilespmem:v4+s18+$0x0], $0xffff;
	_ =	sdelay $0x1  }
0x1e6: {  	v4 =	vor.u32 $0xC0F, v1;
	_ =	sdelay $0x2  }
0x1e7: {  	v3 =	vadd.s32 v2, v3  }
0x1e8: {  	[tilespmem:$0x17D0] =	vst v3  }
0x1e9: {  	v3 =	vld.idx.msk [tilespmem:v4+s18+$0x0], $0xffff;
	_ =	sdelay $0x1  }
0x1ea: {  	v4 =	vor.u32 $0xE0F, v1;
	_ =	sdelay $0x2  }
0x1eb: {  	v3 =	vadd.s32 v2, v3  }
0x1ec: {  	[tilespmem:$0x17E0] =	vst v3  }
0x1ed: {  	v3 =	vld.idx.msk [tilespmem:v4+s18+$0x0], $0xffff;
	_ =	sdelay $0x1  }
0x1ee: {  	v4 =	vor.u32 $0x10, v1;
	_ =	sdelay $0x2  }
0x1ef: {  	v2 =	vadd.s32 v2, v3  }
0x1f0: {  	[tilespmem:$0x17F0] =	vst v2;
	v2 =	vld [tilespmem:$0x1BE00]  }
0x1f1: {  	v3 =	vld.idx.msk [tilespmem:v4+s18+$0x0], $0xffff;
	_ =	sdelay $0x1  }
0x1f2: {  	v4 =	vor.u32 $0x210, v1;
	_ =	sdelay $0x2  }
0x1f3: {  	v3 =	vadd.s32 v2, v3  }
0x1f4: {  	[tilespmem:$0x1800] =	vst v3  }
0x1f5: {  	v3 =	vld.idx.msk [tilespmem:v4+s18+$0x0], $0xffff;
	_ =	sdelay $0x1  }
0x1f6: {  	v4 =	vor.u32 $0x410, v1;
	_ =	sdelay $0x2  }
0x1f7: {  	v3 =	vadd.s32 v2, v3  }
0x1f8: {  	[tilespmem:$0x1810] =	vst v3  }
0x1f9: {  	v3 =	vld.idx.msk [tilespmem:v4+s18+$0x0], $0xffff;
	_ =	sdelay $0x1  }
0x1fa: {  	v4 =	vor.u32 $0x610, v1;
	_ =	sdelay $0x2  }
0x1fb: {  	v3 =	vadd.s32 v2, v3  }
0x1fc: {  	[tilespmem:$0x1820] =	vst v3  }
0x1fd: {  	v3 =	vld.idx.msk [tilespmem:v4+s18+$0x0], $0xffff;
	_ =	sdelay $0x1  }
0x1fe: {  	v4 =	vor.u32 $0x810, v1;
	_ =	sdelay $0x2  }
0x1ff: {  	v3 =	vadd.s32 v2, v3  }
0x200: {  	[tilespmem:$0x1830] =	vst v3  }
0x201: {  	v3 =	vld.idx.msk [tilespmem:v4+s18+$0x0], $0xffff;
	_ =	sdelay $0x1  }
0x202: {  	v4 =	vor.u32 $0xA10, v1;
	_ =	sdelay $0x2  }
0x203: {  	v3 =	vadd.s32 v2, v3  }
0x204: {  	[tilespmem:$0x1840] =	vst v3  }
0x205: {  	v3 =	vld.idx.msk [tilespmem:v4+s18+$0x0], $0xffff;
	_ =	sdelay $0x1  }
0x206: {  	v4 =	vor.u32 $0xC10, v1;
	_ =	sdelay $0x2  }
0x207: {  	v3 =	vadd.s32 v2, v3  }
0x208: {  	[tilespmem:$0x1850] =	vst v3  }
0x209: {  	v3 =	vld.idx.msk [tilespmem:v4+s18+$0x0], $0xffff;
	_ =	sdelay $0x1  }
0x20a: {  	v4 =	vor.u32 $0xE10, v1;
	_ =	sdelay $0x2  }
0x20b: {  	v3 =	vadd.s32 v2, v3  }
0x20c: {  	[tilespmem:$0x1860] =	vst v3  }
0x20d: {  	v3 =	vld.idx.msk [tilespmem:v4+s18+$0x0], $0xffff;
	_ =	sdelay $0x1  }
0x20e: {  	v4 =	vor.u32 $0x11, v1;
	_ =	sdelay $0x2  }
0x20f: {  	v2 =	vadd.s32 v2, v3  }
0x210: {  	[tilespmem:$0x1870] =	vst v2;
	v2 =	vld [tilespmem:$0x1BE10]  }
0x211: {  	v3 =	vld.idx.msk [tilespmem:v4+s18+$0x0], $0xffff;
	_ =	sdelay $0x1  }
0x212: {  	v4 =	vor.u32 $0x211, v1;
	_ =	sdelay $0x2  }
0x213: {  	v3 =	vadd.s32 v2, v3  }
0x214: {  	[tilespmem:$0x1880] =	vst v3  }
0x215: {  	v3 =	vld.idx.msk [tilespmem:v4+s18+$0x0], $0xffff;
	_ =	sdelay $0x1  }
0x216: {  	v4 =	vor.u32 $0x411, v1;
	_ =	sdelay $0x2  }
0x217: {  	v3 =	vadd.s32 v2, v3  }
0x218: {  	[tilespmem:$0x1890] =	vst v3  }
0x219: {  	v3 =	vld.idx.msk [tilespmem:v4+s18+$0x0], $0xffff;
	_ =	sdelay $0x1  }
0x21a: {  	v4 =	vor.u32 $0x611, v1;
	_ =	sdelay $0x2  }
0x21b: {  	v3 =	vadd.s32 v2, v3  }
0x21c: {  	[tilespmem:$0x18A0] =	vst v3  }
0x21d: {  	v3 =	vld.idx.msk [tilespmem:v4+s18+$0x0], $0xffff;
	_ =	sdelay $0x1  }
0x21e: {  	v4 =	vor.u32 $0x811, v1;
	_ =	sdelay $0x2  }
0x21f: {  	v3 =	vadd.s32 v2, v3  }
0x220: {  	[tilespmem:$0x18B0] =	vst v3  }
0x221: {  	v3 =	vld.idx.msk [tilespmem:v4+s18+$0x0], $0xffff;
	_ =	sdelay $0x1  }
0x222: {  	v4 =	vor.u32 $0xA11, v1;
	_ =	sdelay $0x2  }
0x223: {  	v3 =	vadd.s32 v2, v3  }
0x224: {  	[tilespmem:$0x18C0] =	vst v3  }
0x225: {  	v3 =	vld.idx.msk [tilespmem:v4+s18+$0x0], $0xffff;
	_ =	sdelay $0x1  }
0x226: {  	v4 =	vor.u32 $0xC11, v1;
	_ =	sdelay $0x2  }
0x227: {  	v3 =	vadd.s32 v2, v3  }
0x228: {  	[tilespmem:$0x18D0] =	vst v3  }
0x229: {  	v3 =	vld.idx.msk [tilespmem:v4+s18+$0x0], $0xffff;
	_ =	sdelay $0x1  }
0x22a: {  	v4 =	vor.u32 $0xE11, v1;
	_ =	sdelay $0x2  }
0x22b: {  	v3 =	vadd.s32 v2, v3  }
0x22c: {  	[tilespmem:$0x18E0] =	vst v3  }
0x22d: {  	v3 =	vld.idx.msk [tilespmem:v4+s18+$0x0], $0xffff;
	_ =	sdelay $0x1  }
0x22e: {  	v4 =	vor.u32 $0x12, v1;
	_ =	sdelay $0x2  }
0x22f: {  	v2 =	vadd.s32 v2, v3  }
0x230: {  	[tilespmem:$0x18F0] =	vst v2;
	v2 =	vld [tilespmem:$0x1BE20]  }
0x231: {  	v3 =	vld.idx.msk [tilespmem:v4+s18+$0x0], $0xffff;
	_ =	sdelay $0x1  }
0x232: {  	v4 =	vor.u32 $0x212, v1;
	_ =	sdelay $0x2  }
0x233: {  	v3 =	vadd.s32 v2, v3  }
0x234: {  	[tilespmem:$0x1900] =	vst v3  }
0x235: {  	v3 =	vld.idx.msk [tilespmem:v4+s18+$0x0], $0xffff;
	_ =	sdelay $0x1  }
0x236: {  	v4 =	vor.u32 $0x412, v1;
	_ =	sdelay $0x2  }
0x237: {  	v3 =	vadd.s32 v2, v3  }
0x238: {  	[tilespmem:$0x1910] =	vst v3  }
0x239: {  	v3 =	vld.idx.msk [tilespmem:v4+s18+$0x0], $0xffff;
	_ =	sdelay $0x1  }
0x23a: {  	v4 =	vor.u32 $0x612, v1;
	_ =	sdelay $0x2  }
0x23b: {  	v3 =	vadd.s32 v2, v3  }
0x23c: {  	[tilespmem:$0x1920] =	vst v3  }
0x23d: {  	v3 =	vld.idx.msk [tilespmem:v4+s18+$0x0], $0xffff;
	_ =	sdelay $0x1  }
0x23e: {  	v4 =	vor.u32 $0x812, v1;
	_ =	sdelay $0x2  }
0x23f: {  	v3 =	vadd.s32 v2, v3  }
0x240: {  	[tilespmem:$0x1930] =	vst v3  }
0x241: {  	v3 =	vld.idx.msk [tilespmem:v4+s18+$0x0], $0xffff;
	_ =	sdelay $0x1  }
0x242: {  	v4 =	vor.u32 $0xA12, v1;
	_ =	sdelay $0x2  }
0x243: {  	v3 =	vadd.s32 v2, v3  }
0x244: {  	[tilespmem:$0x1940] =	vst v3  }
0x245: {  	v3 =	vld.idx.msk [tilespmem:v4+s18+$0x0], $0xffff;
	_ =	sdelay $0x1  }
0x246: {  	v4 =	vor.u32 $0xC12, v1;
	_ =	sdelay $0x2  }
0x247: {  	v3 =	vadd.s32 v2, v3  }
0x248: {  	[tilespmem:$0x1950] =	vst v3  }
0x249: {  	v3 =	vld.idx.msk [tilespmem:v4+s18+$0x0], $0xffff;
	_ =	sdelay $0x1  }
0x24a: {  	v4 =	vor.u32 $0xE12, v1;
	_ =	sdelay $0x2  }
0x24b: {  	v3 =	vadd.s32 v2, v3  }
0x24c: {  	[tilespmem:$0x1960] =	vst v3  }
0x24d: {  	v3 =	vld.idx.msk [tilespmem:v4+s18+$0x0], $0xffff;
	_ =	sdelay $0x1  }
0x24e: {  	v4 =	vor.u32 $0x13, v1;
	_ =	sdelay $0x2  }
0x24f: {  	v2 =	vadd.s32 v2, v3  }
0x250: {  	[tilespmem:$0x1970] =	vst v2;
	v2 =	vld [tilespmem:$0x1BE30]  }
0x251: {  	v3 =	vld.idx.msk [tilespmem:v4+s18+$0x0], $0xffff;
	_ =	sdelay $0x1  }
0x252: {  	v4 =	vor.u32 $0x213, v1;
	_ =	sdelay $0x2  }
0x253: {  	v3 =	vadd.s32 v2, v3  }
0x254: {  	[tilespmem:$0x1980] =	vst v3  }
0x255: {  	v3 =	vld.idx.msk [tilespmem:v4+s18+$0x0], $0xffff;
	_ =	sdelay $0x1  }
0x256: {  	v4 =	vor.u32 $0x413, v1;
	_ =	sdelay $0x2  }
0x257: {  	v3 =	vadd.s32 v2, v3  }
0x258: {  	[tilespmem:$0x1990] =	vst v3  }
0x259: {  	v3 =	vld.idx.msk [tilespmem:v4+s18+$0x0], $0xffff;
	_ =	sdelay $0x1  }
0x25a: {  	v4 =	vor.u32 $0x613, v1;
	_ =	sdelay $0x2  }
0x25b: {  	v3 =	vadd.s32 v2, v3  }
0x25c: {  	[tilespmem:$0x19A0] =	vst v3  }
0x25d: {  	v3 =	vld.idx.msk [tilespmem:v4+s18+$0x0], $0xffff;
	_ =	sdelay $0x1  }
0x25e: {  	v4 =	vor.u32 $0x813, v1;
	_ =	sdelay $0x2  }
0x25f: {  	v3 =	vadd.s32 v2, v3  }
0x260: {  	[tilespmem:$0x19B0] =	vst v3  }
0x261: {  	v3 =	vld.idx.msk [tilespmem:v4+s18+$0x0], $0xffff;
	_ =	sdelay $0x1  }
0x262: {  	v4 =	vor.u32 $0xA13, v1;
	_ =	sdelay $0x2  }
0x263: {  	v3 =	vadd.s32 v2, v3  }
0x264: {  	[tilespmem:$0x19C0] =	vst v3  }
0x265: {  	v3 =	vld.idx.msk [tilespmem:v4+s18+$0x0], $0xffff;
	_ =	sdelay $0x1  }
0x266: {  	v4 =	vor.u32 $0xC13, v1;
	_ =	sdelay $0x2  }
0x267: {  	v3 =	vadd.s32 v2, v3  }
0x268: {  	[tilespmem:$0x19D0] =	vst v3  }
0x269: {  	v3 =	vld.idx.msk [tilespmem:v4+s18+$0x0], $0xffff;
	_ =	sdelay $0x1  }
0x26a: {  	v4 =	vor.u32 $0xE13, v1;
	_ =	sdelay $0x2  }
0x26b: {  	v3 =	vadd.s32 v2, v3  }
0x26c: {  	[tilespmem:$0x19E0] =	vst v3  }
0x26d: {  	v3 =	vld.idx.msk [tilespmem:v4+s18+$0x0], $0xffff;
	_ =	sdelay $0x1  }
0x26e: {  	v4 =	vor.u32 $0x14, v1;
	_ =	sdelay $0x2  }
0x26f: {  	v2 =	vadd.s32 v2, v3  }
0x270: {  	[tilespmem:$0x19F0] =	vst v2;
	v2 =	vld [tilespmem:$0x1BE40]  }
0x271: {  	v3 =	vld.idx.msk [tilespmem:v4+s18+$0x0], $0xffff;
	_ =	sdelay $0x1  }
0x272: {  	v4 =	vor.u32 $0x214, v1;
	_ =	sdelay $0x2  }
0x273: {  	v3 =	vadd.s32 v2, v3  }
0x274: {  	[tilespmem:$0x1A00] =	vst v3  }
0x275: {  	v3 =	vld.idx.msk [tilespmem:v4+s18+$0x0], $0xffff;
	_ =	sdelay $0x1  }
0x276: {  	v4 =	vor.u32 $0x414, v1;
	_ =	sdelay $0x2  }
0x277: {  	v3 =	vadd.s32 v2, v3  }
0x278: {  	[tilespmem:$0x1A10] =	vst v3  }
0x279: {  	v3 =	vld.idx.msk [tilespmem:v4+s18+$0x0], $0xffff;
	_ =	sdelay $0x1  }
0x27a: {  	v4 =	vor.u32 $0x614, v1;
	_ =	sdelay $0x2  }
0x27b: {  	v3 =	vadd.s32 v2, v3  }
0x27c: {  	[tilespmem:$0x1A20] =	vst v3  }
0x27d: {  	v3 =	vld.idx.msk [tilespmem:v4+s18+$0x0], $0xffff;
	_ =	sdelay $0x1  }
0x27e: {  	v4 =	vor.u32 $0x814, v1;
	_ =	sdelay $0x2  }
0x27f: {  	v3 =	vadd.s32 v2, v3  }
0x280: {  	[tilespmem:$0x1A30] =	vst v3  }
0x281: {  	v3 =	vld.idx.msk [tilespmem:v4+s18+$0x0], $0xffff;
	_ =	sdelay $0x1  }
0x282: {  	v4 =	vor.u32 $0xA14, v1;
	_ =	sdelay $0x2  }
0x283: {  	v3 =	vadd.s32 v2, v3  }
0x284: {  	[tilespmem:$0x1A40] =	vst v3  }
0x285: {  	v3 =	vld.idx.msk [tilespmem:v4+s18+$0x0], $0xffff;
	_ =	sdelay $0x1  }
0x286: {  	v4 =	vor.u32 $0xC14, v1;
	_ =	sdelay $0x2  }
0x287: {  	v3 =	vadd.s32 v2, v3  }
0x288: {  	[tilespmem:$0x1A50] =	vst v3  }
0x289: {  	v3 =	vld.idx.msk [tilespmem:v4+s18+$0x0], $0xffff;
	_ =	sdelay $0x1  }
0x28a: {  	v4 =	vor.u32 $0xE14, v1;
	_ =	sdelay $0x2  }
0x28b: {  	v3 =	vadd.s32 v2, v3  }
0x28c: {  	[tilespmem:$0x1A60] =	vst v3  }
0x28d: {  	v3 =	vld.idx.msk [tilespmem:v4+s18+$0x0], $0xffff;
	_ =	sdelay $0x1  }
0x28e: {  	v4 =	vor.u32 $0x15, v1;
	_ =	sdelay $0x2  }
0x28f: {  	v2 =	vadd.s32 v2, v3  }
0x290: {  	[tilespmem:$0x1A70] =	vst v2;
	v2 =	vld [tilespmem:$0x1BE50]  }
0x291: {  	v3 =	vld.idx.msk [tilespmem:v4+s18+$0x0], $0xffff;
	_ =	sdelay $0x1  }
0x292: {  	v4 =	vor.u32 $0x215, v1;
	_ =	sdelay $0x2  }
0x293: {  	v3 =	vadd.s32 v2, v3  }
0x294: {  	[tilespmem:$0x1A80] =	vst v3  }
0x295: {  	v3 =	vld.idx.msk [tilespmem:v4+s18+$0x0], $0xffff;
	_ =	sdelay $0x1  }
0x296: {  	v4 =	vor.u32 $0x415, v1;
	_ =	sdelay $0x2  }
0x297: {  	v3 =	vadd.s32 v2, v3  }
0x298: {  	[tilespmem:$0x1A90] =	vst v3  }
0x299: {  	v3 =	vld.idx.msk [tilespmem:v4+s18+$0x0], $0xffff;
	_ =	sdelay $0x1  }
0x29a: {  	v4 =	vor.u32 $0x615, v1;
	_ =	sdelay $0x2  }
0x29b: {  	v3 =	vadd.s32 v2, v3  }
0x29c: {  	[tilespmem:$0x1AA0] =	vst v3  }
0x29d: {  	v3 =	vld.idx.msk [tilespmem:v4+s18+$0x0], $0xffff;
	_ =	sdelay $0x1  }
0x29e: {  	v4 =	vor.u32 $0x815, v1;
	_ =	sdelay $0x2  }
0x29f: {  	v3 =	vadd.s32 v2, v3  }
0x2a0: {  	[tilespmem:$0x1AB0] =	vst v3  }
0x2a1: {  	v3 =	vld.idx.msk [tilespmem:v4+s18+$0x0], $0xffff;
	_ =	sdelay $0x1  }
0x2a2: {  	v4 =	vor.u32 $0xA15, v1;
	_ =	sdelay $0x2  }
0x2a3: {  	v3 =	vadd.s32 v2, v3  }
0x2a4: {  	[tilespmem:$0x1AC0] =	vst v3  }
0x2a5: {  	v3 =	vld.idx.msk [tilespmem:v4+s18+$0x0], $0xffff;
	_ =	sdelay $0x1  }
0x2a6: {  	v4 =	vor.u32 $0xC15, v1;
	_ =	sdelay $0x2  }
0x2a7: {  	v3 =	vadd.s32 v2, v3  }
0x2a8: {  	[tilespmem:$0x1AD0] =	vst v3  }
0x2a9: {  	v3 =	vld.idx.msk [tilespmem:v4+s18+$0x0], $0xffff;
	_ =	sdelay $0x1  }
0x2aa: {  	v4 =	vor.u32 $0xE15, v1;
	_ =	sdelay $0x2  }
0x2ab: {  	v3 =	vadd.s32 v2, v3  }
0x2ac: {  	[tilespmem:$0x1AE0] =	vst v3  }
0x2ad: {  	v3 =	vld.idx.msk [tilespmem:v4+s18+$0x0], $0xffff;
	_ =	sdelay $0x1  }
0x2ae: {  	v4 =	vor.u32 $0x16, v1;
	_ =	sdelay $0x2  }
0x2af: {  	v2 =	vadd.s32 v2, v3  }
0x2b0: {  	[tilespmem:$0x1AF0] =	vst v2;
	v2 =	vld [tilespmem:$0x1BE60]  }
0x2b1: {  	v3 =	vld.idx.msk [tilespmem:v4+s18+$0x0], $0xffff;
	_ =	sdelay $0x1  }
0x2b2: {  	v4 =	vor.u32 $0x216, v1;
	_ =	sdelay $0x2  }
0x2b3: {  	v3 =	vadd.s32 v2, v3  }
0x2b4: {  	[tilespmem:$0x1B00] =	vst v3  }
0x2b5: {  	v3 =	vld.idx.msk [tilespmem:v4+s18+$0x0], $0xffff;
	_ =	sdelay $0x1  }
0x2b6: {  	v4 =	vor.u32 $0x416, v1;
	_ =	sdelay $0x2  }
0x2b7: {  	v3 =	vadd.s32 v2, v3  }
0x2b8: {  	[tilespmem:$0x1B10] =	vst v3  }
0x2b9: {  	v3 =	vld.idx.msk [tilespmem:v4+s18+$0x0], $0xffff;
	_ =	sdelay $0x1  }
0x2ba: {  	v4 =	vor.u32 $0x616, v1;
	_ =	sdelay $0x2  }
0x2bb: {  	v3 =	vadd.s32 v2, v3  }
0x2bc: {  	[tilespmem:$0x1B20] =	vst v3  }
0x2bd: {  	v3 =	vld.idx.msk [tilespmem:v4+s18+$0x0], $0xffff;
	_ =	sdelay $0x1  }
0x2be: {  	v4 =	vor.u32 $0x816, v1;
	_ =	sdelay $0x2  }
0x2bf: {  	v3 =	vadd.s32 v2, v3  }
0x2c0: {  	[tilespmem:$0x1B30] =	vst v3  }
0x2c1: {  	v3 =	vld.idx.msk [tilespmem:v4+s18+$0x0], $0xffff;
	_ =	sdelay $0x1  }
0x2c2: {  	v4 =	vor.u32 $0xA16, v1;
	_ =	sdelay $0x2  }
0x2c3: {  	v3 =	vadd.s32 v2, v3  }
0x2c4: {  	[tilespmem:$0x1B40] =	vst v3  }
0x2c5: {  	v3 =	vld.idx.msk [tilespmem:v4+s18+$0x0], $0xffff;
	_ =	sdelay $0x1  }
0x2c6: {  	v4 =	vor.u32 $0xC16, v1;
	_ =	sdelay $0x2  }
0x2c7: {  	v3 =	vadd.s32 v2, v3  }
0x2c8: {  	[tilespmem:$0x1B50] =	vst v3  }
0x2c9: {  	v3 =	vld.idx.msk [tilespmem:v4+s18+$0x0], $0xffff;
	_ =	sdelay $0x1  }
0x2ca: {  	v4 =	vor.u32 $0xE16, v1;
	_ =	sdelay $0x2  }
0x2cb: {  	v3 =	vadd.s32 v2, v3  }
0x2cc: {  	[tilespmem:$0x1B60] =	vst v3  }
0x2cd: {  	v3 =	vld.idx.msk [tilespmem:v4+s18+$0x0], $0xffff;
	_ =	sdelay $0x1  }
0x2ce: {  	v4 =	vor.u32 $0x17, v1;
	_ =	sdelay $0x2  }
0x2cf: {  	v2 =	vadd.s32 v2, v3  }
0x2d0: {  	[tilespmem:$0x1B70] =	vst v2;
	v2 =	vld [tilespmem:$0x1BE70]  }
0x2d1: {  	v3 =	vld.idx.msk [tilespmem:v4+s18+$0x0], $0xffff;
	_ =	sdelay $0x1  }
0x2d2: {  	v4 =	vor.u32 $0x217, v1;
	_ =	sdelay $0x2  }
0x2d3: {  	v3 =	vadd.s32 v2, v3  }
0x2d4: {  	[tilespmem:$0x1B80] =	vst v3  }
0x2d5: {  	v3 =	vld.idx.msk [tilespmem:v4+s18+$0x0], $0xffff;
	_ =	sdelay $0x1  }
0x2d6: {  	v4 =	vor.u32 $0x417, v1;
	_ =	sdelay $0x2  }
0x2d7: {  	v3 =	vadd.s32 v2, v3  }
0x2d8: {  	[tilespmem:$0x1B90] =	vst v3  }
0x2d9: {  	v3 =	vld.idx.msk [tilespmem:v4+s18+$0x0], $0xffff;
	_ =	sdelay $0x1  }
0x2da: {  	v4 =	vor.u32 $0x617, v1;
	_ =	sdelay $0x2  }
0x2db: {  	v3 =	vadd.s32 v2, v3  }
0x2dc: {  	[tilespmem:$0x1BA0] =	vst v3  }
0x2dd: {  	v3 =	vld.idx.msk [tilespmem:v4+s18+$0x0], $0xffff;
	_ =	sdelay $0x1  }
0x2de: {  	v4 =	vor.u32 $0x817, v1;
	_ =	sdelay $0x2  }
0x2df: {  	v3 =	vadd.s32 v2, v3  }
0x2e0: {  	[tilespmem:$0x1BB0] =	vst v3  }
0x2e1: {  	v3 =	vld.idx.msk [tilespmem:v4+s18+$0x0], $0xffff;
	_ =	sdelay $0x1  }
0x2e2: {  	v4 =	vor.u32 $0xA17, v1;
	_ =	sdelay $0x2  }
0x2e3: {  	v3 =	vadd.s32 v2, v3  }
0x2e4: {  	[tilespmem:$0x1BC0] =	vst v3  }
0x2e5: {  	v3 =	vld.idx.msk [tilespmem:v4+s18+$0x0], $0xffff;
	_ =	sdelay $0x1  }
0x2e6: {  	v4 =	vor.u32 $0xC17, v1;
	_ =	sdelay $0x2  }
0x2e7: {  	v3 =	vadd.s32 v2, v3  }
0x2e8: {  	[tilespmem:$0x1BD0] =	vst v3  }
0x2e9: {  	v3 =	vld.idx.msk [tilespmem:v4+s18+$0x0], $0xffff;
	_ =	sdelay $0x1  }
0x2ea: {  	v4 =	vor.u32 $0xE17, v1;
	_ =	sdelay $0x2  }
0x2eb: {  	v3 =	vadd.s32 v2, v3  }
0x2ec: {  	[tilespmem:$0x1BE0] =	vst v3  }
0x2ed: {  	v3 =	vld.idx.msk [tilespmem:v4+s18+$0x0], $0xffff;
	_ =	sdelay $0x1  }
0x2ee: {  	v4 =	vor.u32 $0x18, v1;
	_ =	sdelay $0x2  }
0x2ef: {  	v2 =	vadd.s32 v2, v3  }
0x2f0: {  	[tilespmem:$0x1BF0] =	vst v2;
	v2 =	vld [tilespmem:$0x1BE80]  }
0x2f1: {  	v3 =	vld.idx.msk [tilespmem:v4+s18+$0x0], $0xffff;
	_ =	sdelay $0x1  }
0x2f2: {  	v4 =	vor.u32 $0x218, v1;
	_ =	sdelay $0x2  }
0x2f3: {  	v3 =	vadd.s32 v2, v3  }
0x2f4: {  	[tilespmem:$0x1C00] =	vst v3  }
0x2f5: {  	v3 =	vld.idx.msk [tilespmem:v4+s18+$0x0], $0xffff;
	_ =	sdelay $0x1  }
0x2f6: {  	v4 =	vor.u32 $0x418, v1;
	_ =	sdelay $0x2  }
0x2f7: {  	v3 =	vadd.s32 v2, v3  }
0x2f8: {  	[tilespmem:$0x1C10] =	vst v3  }
0x2f9: {  	v3 =	vld.idx.msk [tilespmem:v4+s18+$0x0], $0xffff;
	_ =	sdelay $0x1  }
0x2fa: {  	v4 =	vor.u32 $0x618, v1;
	_ =	sdelay $0x2  }
0x2fb: {  	v3 =	vadd.s32 v2, v3  }
0x2fc: {  	[tilespmem:$0x1C20] =	vst v3  }
0x2fd: {  	v3 =	vld.idx.msk [tilespmem:v4+s18+$0x0], $0xffff;
	_ =	sdelay $0x1  }
0x2fe: {  	v4 =	vor.u32 $0x818, v1;
	_ =	sdelay $0x2  }
0x2ff: {  	v3 =	vadd.s32 v2, v3  }
0x300: {  	[tilespmem:$0x1C30] =	vst v3  }
0x301: {  	v3 =	vld.idx.msk [tilespmem:v4+s18+$0x0], $0xffff;
	_ =	sdelay $0x1  }
0x302: {  	v4 =	vor.u32 $0xA18, v1;
	_ =	sdelay $0x2  }
0x303: {  	v3 =	vadd.s32 v2, v3  }
0x304: {  	[tilespmem:$0x1C40] =	vst v3  }
0x305: {  	v3 =	vld.idx.msk [tilespmem:v4+s18+$0x0], $0xffff;
	_ =	sdelay $0x1  }
0x306: {  	v4 =	vor.u32 $0xC18, v1;
	_ =	sdelay $0x2  }
0x307: {  	v3 =	vadd.s32 v2, v3  }
0x308: {  	[tilespmem:$0x1C50] =	vst v3  }
0x309: {  	v3 =	vld.idx.msk [tilespmem:v4+s18+$0x0], $0xffff;
	_ =	sdelay $0x1  }
0x30a: {  	v4 =	vor.u32 $0xE18, v1;
	_ =	sdelay $0x2  }
0x30b: {  	v3 =	vadd.s32 v2, v3  }
0x30c: {  	[tilespmem:$0x1C60] =	vst v3  }
0x30d: {  	v3 =	vld.idx.msk [tilespmem:v4+s18+$0x0], $0xffff;
	_ =	sdelay $0x1  }
0x30e: {  	v4 =	vor.u32 $0x19, v1;
	_ =	sdelay $0x2  }
0x30f: {  	v2 =	vadd.s32 v2, v3  }
0x310: {  	[tilespmem:$0x1C70] =	vst v2;
	v2 =	vld [tilespmem:$0x1BE90]  }
0x311: {  	v3 =	vld.idx.msk [tilespmem:v4+s18+$0x0], $0xffff;
	_ =	sdelay $0x1  }
0x312: {  	v4 =	vor.u32 $0x219, v1;
	_ =	sdelay $0x2  }
0x313: {  	v3 =	vadd.s32 v2, v3  }
0x314: {  	[tilespmem:$0x1C80] =	vst v3  }
0x315: {  	v3 =	vld.idx.msk [tilespmem:v4+s18+$0x0], $0xffff;
	_ =	sdelay $0x1  }
0x316: {  	v4 =	vor.u32 $0x419, v1;
	_ =	sdelay $0x2  }
0x317: {  	v3 =	vadd.s32 v2, v3  }
0x318: {  	[tilespmem:$0x1C90] =	vst v3  }
0x319: {  	v3 =	vld.idx.msk [tilespmem:v4+s18+$0x0], $0xffff;
	_ =	sdelay $0x1  }
0x31a: {  	v4 =	vor.u32 $0x619, v1;
	_ =	sdelay $0x2  }
0x31b: {  	v3 =	vadd.s32 v2, v3  }
0x31c: {  	[tilespmem:$0x1CA0] =	vst v3  }
0x31d: {  	v3 =	vld.idx.msk [tilespmem:v4+s18+$0x0], $0xffff;
	_ =	sdelay $0x1  }
0x31e: {  	v4 =	vor.u32 $0x819, v1;
	_ =	sdelay $0x2  }
0x31f: {  	v3 =	vadd.s32 v2, v3  }
0x320: {  	[tilespmem:$0x1CB0] =	vst v3  }
0x321: {  	v3 =	vld.idx.msk [tilespmem:v4+s18+$0x0], $0xffff;
	_ =	sdelay $0x1  }
0x322: {  	v4 =	vor.u32 $0xA19, v1;
	_ =	sdelay $0x2  }
0x323: {  	v3 =	vadd.s32 v2, v3  }
0x324: {  	[tilespmem:$0x1CC0] =	vst v3  }
0x325: {  	v3 =	vld.idx.msk [tilespmem:v4+s18+$0x0], $0xffff;
	_ =	sdelay $0x1  }
0x326: {  	v4 =	vor.u32 $0xC19, v1;
	_ =	sdelay $0x2  }
0x327: {  	v3 =	vadd.s32 v2, v3  }
0x328: {  	[tilespmem:$0x1CD0] =	vst v3  }
0x329: {  	v3 =	vld.idx.msk [tilespmem:v4+s18+$0x0], $0xffff;
	_ =	sdelay $0x1  }
0x32a: {  	v4 =	vor.u32 $0xE19, v1;
	_ =	sdelay $0x2  }
0x32b: {  	v3 =	vadd.s32 v2, v3  }
0x32c: {  	[tilespmem:$0x1CE0] =	vst v3  }
0x32d: {  	v3 =	vld.idx.msk [tilespmem:v4+s18+$0x0], $0xffff;
	_ =	sdelay $0x4  }
0x32e: {  	v2 =	vadd.s32 v2, v3  }
0x32f: {  	s21 =	simm.s32 $0x1000;
	s20 =	simm.s32 $0x1D00;
	[tilespmem:$0x1CF0] =	vst v2  }
0x330: {  	[tilespmem:s20], [sflag:$0x1] =	stream.indirect.gather [hbm4b:s5+s11], $0x10, s21, s11, $0xb8;
	[tilespmem:$0x1BEA0] =	vst v63  }
0x331: {  	s20 =	simm.s32 $0x1080;
	s21 =	simm.s32 $0x2500  }
0x332: {  	[tilespmem:s21], [sflag:$0x1] =	stream.indirect.gather [hbm4b:s5+s11], $0x10, s20, s11, $0xb8;
	[tilespmem:$0x1BEA0] =	vst v63  }
0x333: {  	s20 =	simm.s32 $0x1100;
	s21 =	simm.s32 $0x2D00  }
0x334: {  	[tilespmem:s21], [sflag:$0x1] =	stream.indirect.gather [hbm4b:s5+s11], $0x10, s20, s11, $0xb8;
	[tilespmem:$0x1BEA0] =	vst v63  }
0x335: {  	s20 =	simm.s32 $0x1180;
	s21 =	simm.s32 $0x3500  }
0x336: {  	[tilespmem:s21], [sflag:$0x1] =	stream.indirect.gather [hbm4b:s5+s11], $0x10, s20, s11, $0xb8;
	[tilespmem:$0x1BEA0] =	vst v63  }
0x337: {  	s20 =	simm.s32 $0x1200;
	s21 =	simm.s32 $0x3D00  }
0x338: {  	[tilespmem:s21], [sflag:$0x1] =	stream.indirect.gather [hbm4b:s5+s11], $0x10, s20, s11, $0xb8;
	[tilespmem:$0x1BEA0] =	vst v63  }
0x339: {  	s20 =	simm.s32 $0x1280;
	s21 =	simm.s32 $0x4500  }
0x33a: {  	[tilespmem:s21], [sflag:$0x1] =	stream.indirect.gather [hbm4b:s5+s11], $0x10, s20, s11, $0xb8;
	[tilespmem:$0x1BEA0] =	vst v63  }
0x33b: {  	s20 =	simm.s32 $0x1300;
	s21 =	simm.s32 $0x4D00  }
0x33c: {  	[tilespmem:s21], [sflag:$0x1] =	stream.indirect.gather [hbm4b:s5+s11], $0x10, s20, s11, $0xb8;
	[tilespmem:$0x1BEA0] =	vst v63  }
0x33d: {  	s20 =	simm.s32 $0x1380;
	s21 =	simm.s32 $0x5500  }
0x33e: {  	[tilespmem:s21], [sflag:$0x1] =	stream.indirect.gather [hbm4b:s5+s11], $0x10, s20, s11, $0xb8;
	[tilespmem:$0x1BEA0] =	vst v63  }
0x33f: {  	s20 =	simm.s32 $0x1400;
	s21 =	simm.s32 $0x5D00  }
0x340: {  	[tilespmem:s21], [sflag:$0x1] =	stream.indirect.gather [hbm4b:s5+s11], $0x10, s20, s11, $0xb8;
	[tilespmem:$0x1BEA0] =	vst v63  }
0x341: {  	s20 =	simm.s32 $0x1480;
	s21 =	simm.s32 $0x6500  }
0x342: {  	[tilespmem:s21], [sflag:$0x1] =	stream.indirect.gather [hbm4b:s5+s11], $0x10, s20, s11, $0xb8;
	[tilespmem:$0x1BEA0] =	vst v63  }
0x343: {  	s20 =	simm.s32 $0x1500;
	s21 =	simm.s32 $0x6D00  }
0x344: {  	[tilespmem:s21], [sflag:$0x1] =	stream.indirect.gather [hbm4b:s5+s11], $0x10, s20, s11, $0xb8;
	[tilespmem:$0x1BEA0] =	vst v63  }
0x345: {  	s20 =	simm.s32 $0x1580;
	s21 =	simm.s32 $0x7500  }
0x346: {  	[tilespmem:s21], [sflag:$0x1] =	stream.indirect.gather [hbm4b:s5+s11], $0x10, s20, s11, $0xb8;
	[tilespmem:$0x1BEA0] =	vst v63  }
0x347: {  	s20 =	simm.s32 $0x1600;
	s21 =	simm.s32 $0x7D00  }
0x348: {  	[tilespmem:s21], [sflag:$0x1] =	stream.indirect.gather [hbm4b:s5+s11], $0x10, s20, s11, $0xb8;
	[tilespmem:$0x1BEA0] =	vst v63  }
0x349: {  	s20 =	simm.s32 $0x1680;
	s21 =	simm.s32 $0x8500  }
0x34a: {  	[tilespmem:s21], [sflag:$0x1] =	stream.indirect.gather [hbm4b:s5+s11], $0x10, s20, s11, $0xb8;
	[tilespmem:$0x1BEA0] =	vst v63  }
0x34b: {  	s20 =	simm.s32 $0x1700;
	s21 =	simm.s32 $0x8D00  }
0x34c: {  	[tilespmem:s21], [sflag:$0x1] =	stream.indirect.gather [hbm4b:s5+s11], $0x10, s20, s11, $0xb8;
	[tilespmem:$0x1BEA0] =	vst v63  }
0x34d: {  	s20 =	simm.s32 $0x1780;
	s21 =	simm.s32 $0x9500  }
0x34e: {  	[tilespmem:s21], [sflag:$0x1] =	stream.indirect.gather [hbm4b:s5+s11], $0x10, s20, s11, $0xb8;
	[tilespmem:$0x1BEA0] =	vst v63  }
0x34f: {  	s20 =	simm.s32 $0x1800;
	s21 =	simm.s32 $0x9D00  }
0x350: {  	[tilespmem:s21], [sflag:$0x1] =	stream.indirect.gather [hbm4b:s5+s11], $0x10, s20, s11, $0xb8;
	[tilespmem:$0x1BEA0] =	vst v63  }
0x351: {  	s20 =	simm.s32 $0x1880;
	s21 =	simm.s32 $0xA500  }
0x352: {  	[tilespmem:s21], [sflag:$0x1] =	stream.indirect.gather [hbm4b:s5+s11], $0x10, s20, s11, $0xb8;
	[tilespmem:$0x1BEA0] =	vst v63  }
0x353: {  	_ = 	snop  }
0x354: {  	[tilespmem:s23], [sflag:$0x1] =	stream.indirect.gather [hbm4b:s5+s11], $0x10, s22, s11, $0xb8;
	[tilespmem:$0x1BEA0] =	vst v63  }
0x355: {  	_ = 	snop  }
0x356: {  	[tilespmem:s25], [sflag:$0x1] =	stream.indirect.gather [hbm4b:s5+s11], $0x10, s24, s11, $0xb8;
	[tilespmem:$0x1BEA0] =	vst v63  }
0x357: {  	_ = 	snop  }
0x358: {  	[tilespmem:s28], [sflag:$0x1] =	stream.indirect.gather [hbm4b:s5+s11], $0x10, s26, s11, $0xb8;
	[tilespmem:$0x1BEA0] =	vst v63  }
0x359: {  	_ = 	snop  }
0x35a: {  	[tilespmem:s30], [sflag:$0x1] =	stream.indirect.gather [hbm4b:s5+s11], $0x10, s29, s11, $0xb8;
	[tilespmem:$0x1BEA0] =	vst v63  }
0x35b: {  	_ = 	snop  }
0x35c: {  	[tilespmem:s0], [sflag:$0x1] =	stream.indirect.gather [hbm4b:s5+s11], $0x10, s31, s11, $0xb8;
	[tilespmem:$0x1BEA0] =	vst v63  }
0x35d: {  	_ = 	snop  }
0x35e: {  	[tilespmem:s9], [sflag:$0x1] =	stream.indirect.gather [hbm4b:s5+s11], $0x10, s3, s11, $0xb8;
	[tilespmem:$0x1BEA0] =	vst v63  }
0x35f: {  	_ = 	snop  }
0x360: {  	[tilespmem:s6], [sflag:$0x1] =	stream.indirect.gather [hbm4b:s5+s11], $0x10, s2, s11, $0xb8;
	[tilespmem:$0x1BEA0] =	vst v63  }
0x361: {  	_ = 	snop  }
0x362: {  	[tilespmem:s1], [sflag:$0x1] =	stream.indirect.gather [hbm4b:s5+s11], $0x10, s8, s11, $0xb8;
	[tilespmem:$0x1BEA0] =	vst v63  }
0x363: {  	_ =	swait.ge [sflag:s12], $0x800  }
0x364: {  	[sflag:s12] =	ssyncset.done $0x0  }
0x365: {  	[sflag:s12] =	ssyncadd.s32 $0xFFFFF800  }
0x366: {  	_ =	swait.ge [sflag:s12], $0x800  }
0x367: {  	[sflag:s12] =	ssyncset.done $0x0  }
0x368: {  	[sflag:s12] =	ssyncadd.s32 $0xFFFFF800  }
0x369: {  	_ =	swait.ge [sflag:s12], $0x800  }
0x36a: {  	[sflag:s12] =	ssyncset.done $0x0  }
0x36b: {  	[sflag:s12] =	ssyncadd.s32 $0xFFFFF800  }
0x36c: {  	_ =	swait.ge [sflag:s12], $0x800  }
0x36d: {  	[sflag:s12] =	ssyncset.done $0x0  }
0x36e: {  	[sflag:s12] =	ssyncadd.s32 $0xFFFFF800  }
0x36f: {  	_ =	swait.ge [sflag:s12], $0x800  }
0x370: {  	[sflag:s12] =	ssyncset.done $0x0  }
0x371: {  	[sflag:s12] =	ssyncadd.s32 $0xFFFFF800  }
0x372: {  	_ =	swait.ge [sflag:s12], $0x800  }
0x373: {  	[sflag:s12] =	ssyncset.done $0x0  }
0x374: {  	[sflag:s12] =	ssyncadd.s32 $0xFFFFF800  }
0x375: {  	_ =	swait.ge [sflag:s12], $0x800  }
0x376: {  	[sflag:s12] =	ssyncset.done $0x0  }
0x377: {  	[sflag:s12] =	ssyncadd.s32 $0xFFFFF800  }
0x378: {  	_ =	swait.ge [sflag:s12], $0x800  }
0x379: {  	[sflag:s12] =	ssyncset.done $0x0  }
0x37a: {  	[sflag:s12] =	ssyncadd.s32 $0xFFFFF800  }
0x37b: {  	_ =	swait.ge [sflag:s12], $0x800  }
0x37c: {  	[sflag:s12] =	ssyncset.done $0x0  }
0x37d: {  	[sflag:s12] =	ssyncadd.s32 $0xFFFFF800  }
0x37e: {  	_ =	swait.ge [sflag:s12], $0x800  }
0x37f: {  	[sflag:s12] =	ssyncset.done $0x0  }
0x380: {  	[sflag:s12] =	ssyncadd.s32 $0xFFFFF800  }
0x381: {  	_ =	swait.ge [sflag:s12], $0x800  }
0x382: {  	[sflag:s12] =	ssyncset.done $0x0  }
0x383: {  	[sflag:s12] =	ssyncadd.s32 $0xFFFFF800  }
0x384: {  	_ =	swait.ge [sflag:s12], $0x800  }
0x385: {  	[sflag:s12] =	ssyncset.done $0x0  }
0x386: {  	[sflag:s12] =	ssyncadd.s32 $0xFFFFF800  }
0x387: {  	_ =	swait.ge [sflag:s12], $0x800  }
0x388: {  	[sflag:s12] =	ssyncset.done $0x0  }
0x389: {  	[sflag:s12] =	ssyncadd.s32 $0xFFFFF800  }
0x38a: {  	_ =	swait.ge [sflag:s12], $0x800  }
0x38b: {  	[sflag:s12] =	ssyncset.done $0x0  }
0x38c: {  	[sflag:s12] =	ssyncadd.s32 $0xFFFFF800  }
0x38d: {  	_ =	swait.ge [sflag:s12], $0x800  }
0x38e: {  	[sflag:s12] =	ssyncset.done $0x0  }
0x38f: {  	[sflag:s12] =	ssyncadd.s32 $0xFFFFF800  }
0x390: {  	_ =	swait.ge [sflag:s12], $0x800  }
0x391: {  	[sflag:s12] =	ssyncset.done $0x0  }
0x392: {  	[sflag:s12] =	ssyncadd.s32 $0xFFFFF800  }
0x393: {  	_ =	swait.ge [sflag:s12], $0x800  }
0x394: {  	[sflag:s12] =	ssyncset.done $0x0  }
0x395: {  	[sflag:s12] =	ssyncadd.s32 $0xFFFFF800  }
0x396: {  	_ =	swait.ge [sflag:s12], $0x800  }
0x397: {  	[sflag:s12] =	ssyncset.done $0x0  }
0x398: {  	[sflag:s12] =	ssyncadd.s32 $0xFFFFF800  }
0x399: {  	_ =	swait.ge [sflag:s12], $0x800  }
0x39a: {  	[sflag:s12] =	ssyncset.done $0x0  }
0x39b: {  	[sflag:s12] =	ssyncadd.s32 $0xFFFFF800  }
0x39c: {  	_ =	swait.ge [sflag:s12], $0x800  }
0x39d: {  	[sflag:s12] =	ssyncset.done $0x0  }
0x39e: {  	[sflag:s12] =	ssyncadd.s32 $0xFFFFF800  }
0x39f: {  	_ =	swait.ge [sflag:s12], $0x800  }
0x3a0: {  	[sflag:s12] =	ssyncset.done $0x0  }
0x3a1: {  	[sflag:s12] =	ssyncadd.s32 $0xFFFFF800  }
0x3a2: {  	_ =	swait.ge [sflag:s12], $0x800  }
0x3a3: {  	[sflag:s12] =	ssyncset.done $0x0  }
0x3a4: {  	[sflag:s12] =	ssyncadd.s32 $0xFFFFF800  }
0x3a5: {  	_ =	swait.ge [sflag:s12], $0x800  }
0x3a6: {  	[sflag:s12] =	ssyncset.done $0x0  }
0x3a7: {  	[sflag:s12] =	ssyncadd.s32 $0xFFFFF800  }
0x3a8: {  	_ =	swait.ge [sflag:s12], $0x800  }
0x3a9: {  	[sflag:s12] =	ssyncset.done $0x0  }
0x3aa: {  	[sflag:s12] =	ssyncadd.s32 $0xFFFFF800  }
0x3ab: {  	_ =	swait.ge [sflag:s12], $0x800  }
0x3ac: {  	v2 =	vmov s18;
	[sflag:s12] =	ssyncset.done $0x0  }
0x3ad: {  	v2 =	vand.u32 $0x7F, v2;
	[sflag:s12] =	ssyncadd.s32 $0xFFFFF800  }
0x3ae: {  	v28 =	vbroadcast v2, $0x0;
	v2 =	vlaneseq.u32;
	_ =	swait.ge [sflag:s12], $0x800  }
0x3af: {  	v2 =	vmul.u32 $0x80, v2;
	[sflag:s12] =	ssyncset.done $0x0  }
0x3b0: {  	s21 =	simm.s32 $0x0;
	[sflag:s12] =	ssyncadd.s32 $0xFFFFF800  }
0x3b1: {  	v4 =	vor.u32 v2, v28;
	v3 =	vld [tilespmem:s21+$0x1D00];
	_ =	sdelay $0x4  }
0x3b2: {  	[tilespmem:v4+s13+$0x0] =	vst.idx.msk $0xffff, v3;
	v3 =	vor.u32 $0x800, v2  }
0x3b3: {  	v4 =	vld [tilespmem:s21+$0x2500];
	v5 =	vor.u32 v3, v28;
	_ =	sdelay $0x4  }
0x3b4: {  	[tilespmem:v5+s13+$0x0] =	vst.idx.msk $0xffff, v4;
	v4 =	vor.u32 $0x1000, v2  }
0x3b5: {  	v5 =	vld [tilespmem:s21+$0x2D00];
	v6 =	vor.u32 v4, v28;
	_ =	sdelay $0x4  }
0x3b6: {  	[tilespmem:v6+s13+$0x0] =	vst.idx.msk $0xffff, v5;
	v5 =	vor.u32 $0x1800, v2  }
0x3b7: {  	v6 =	vld [tilespmem:s21+$0x3500];
	v7 =	vor.u32 v5, v28;
	_ =	sdelay $0x4  }
0x3b8: {  	[tilespmem:v7+s13+$0x0] =	vst.idx.msk $0xffff, v6;
	v6 =	vor.u32 $0x2000, v2  }
0x3b9: {  	v7 =	vld [tilespmem:s21+$0x3D00];
	v8 =	vor.u32 v6, v28;
	_ =	sdelay $0x4  }
0x3ba: {  	[tilespmem:v8+s13+$0x0] =	vst.idx.msk $0xffff, v7;
	v7 =	vor.u32 $0x2800, v2  }
0x3bb: {  	v8 =	vld [tilespmem:s21+$0x4500];
	v9 =	vor.u32 v7, v28;
	_ =	sdelay $0x4  }
0x3bc: {  	[tilespmem:v9+s13+$0x0] =	vst.idx.msk $0xffff, v8;
	v8 =	vor.u32 $0x3000, v2  }
0x3bd: {  	v9 =	vld [tilespmem:s21+$0x4D00];
	v10 =	vor.u32 v8, v28;
	_ =	sdelay $0x4  }
0x3be: {  	[tilespmem:v10+s13+$0x0] =	vst.idx.msk $0xffff, v9;
	v9 =	vor.u32 $0x3800, v2  }
0x3bf: {  	v10 =	vld [tilespmem:s21+$0x5500];
	v11 =	vor.u32 v9, v28;
	_ =	sdelay $0x4  }
0x3c0: {  	[tilespmem:v11+s13+$0x0] =	vst.idx.msk $0xffff, v10;
	v10 =	vor.u32 $0x4000, v2  }
0x3c1: {  	v11 =	vld [tilespmem:s21+$0x5D00];
	v12 =	vor.u32 v10, v28;
	_ =	sdelay $0x4  }
0x3c2: {  	[tilespmem:v12+s13+$0x0] =	vst.idx.msk $0xffff, v11;
	v11 =	vor.u32 $0x4800, v2  }
0x3c3: {  	v12 =	vld [tilespmem:s21+$0x6500];
	v13 =	vor.u32 v11, v28;
	_ =	sdelay $0x4  }
0x3c4: {  	[tilespmem:v13+s13+$0x0] =	vst.idx.msk $0xffff, v12;
	v12 =	vor.u32 $0x5000, v2  }
0x3c5: {  	v13 =	vld [tilespmem:s21+$0x6D00];
	v14 =	vor.u32 v12, v28;
	_ =	sdelay $0x4  }
0x3c6: {  	[tilespmem:v14+s13+$0x0] =	vst.idx.msk $0xffff, v13;
	v13 =	vor.u32 $0x5800, v2  }
0x3c7: {  	v14 =	vld [tilespmem:s21+$0x7500];
	v15 =	vor.u32 v13, v28;
	_ =	sdelay $0x4  }
0x3c8: {  	[tilespmem:v15+s13+$0x0] =	vst.idx.msk $0xffff, v14;
	v14 =	vor.u32 $0x6000, v2  }
0x3c9: {  	v15 =	vld [tilespmem:s21+$0x7D00];
	v16 =	vor.u32 v14, v28;
	_ =	sdelay $0x4  }
0x3ca: {  	[tilespmem:v16+s13+$0x0] =	vst.idx.msk $0xffff, v15;
	v15 =	vor.u32 $0x6800, v2  }
0x3cb: {  	v16 =	vld [tilespmem:s21+$0x8500];
	v17 =	vor.u32 v15, v28;
	_ =	sdelay $0x4  }
0x3cc: {  	[tilespmem:v17+s13+$0x0] =	vst.idx.msk $0xffff, v16;
	v16 =	vor.u32 $0x7000, v2  }
0x3cd: {  	v17 =	vld [tilespmem:s21+$0x8D00];
	v18 =	vor.u32 v16, v28;
	_ =	sdelay $0x4  }
0x3ce: {  	[tilespmem:v18+s13+$0x0] =	vst.idx.msk $0xffff, v17;
	v17 =	vor.u32 $0x7800, v2  }
0x3cf: {  	v18 =	vld [tilespmem:s21+$0x9500];
	v19 =	vor.u32 v17, v28;
	_ =	sdelay $0x4  }
0x3d0: {  	[tilespmem:v19+s13+$0x0] =	vst.idx.msk $0xffff, v18;
	v18 =	vor.u32 $0x8000, v2  }
0x3d1: {  	v19 =	vld [tilespmem:s21+$0x9D00];
	v20 =	vor.u32 v18, v28;
	_ =	sdelay $0x4  }
0x3d2: {  	[tilespmem:v20+s13+$0x0] =	vst.idx.msk $0xffff, v19;
	v19 =	vor.u32 $0x8800, v2  }
0x3d3: {  	v20 =	vld [tilespmem:s21+$0xA500];
	v21 =	vor.u32 v19, v28;
	_ =	sdelay $0x4  }
0x3d4: {  	[tilespmem:v21+s13+$0x0] =	vst.idx.msk $0xffff, v20;
	v20 =	vor.u32 $0x9000, v2  }
0x3d5: {  	v21 =	vld [tilespmem:s21+$0xAD00];
	v22 =	vor.u32 v20, v28;
	_ =	sdelay $0x4  }
0x3d6: {  	[tilespmem:v22+s13+$0x0] =	vst.idx.msk $0xffff, v21;
	v21 =	vor.u32 $0x9800, v2  }
0x3d7: {  	v22 =	vld [tilespmem:s21+$0xB500];
	v23 =	vor.u32 v21, v28;
	_ =	sdelay $0x4  }
0x3d8: {  	[tilespmem:v23+s13+$0x0] =	vst.idx.msk $0xffff, v22;
	v22 =	vor.u32 $0xA000, v2  }
0x3d9: {  	v23 =	vld [tilespmem:s21+$0xBD00];
	v24 =	vor.u32 v22, v28;
	_ =	sdelay $0x4  }
0x3da: {  	[tilespmem:v24+s13+$0x0] =	vst.idx.msk $0xffff, v23;
	v23 =	vor.u32 $0xA800, v2  }
0x3db: {  	v24 =	vld [tilespmem:s21+$0xC500];
	v25 =	vor.u32 v23, v28;
	_ =	sdelay $0x4  }
0x3dc: {  	[tilespmem:v25+s13+$0x0] =	vst.idx.msk $0xffff, v24;
	v24 =	vor.u32 $0xB000, v2  }
0x3dd: {  	v25 =	vld [tilespmem:s21+$0xCD00];
	v26 =	vor.u32 v24, v28;
	_ =	sdelay $0x4  }
0x3de: {  	[tilespmem:v26+s13+$0x0] =	vst.idx.msk $0xffff, v25;
	v25 =	vor.u32 $0xB800, v2  }
0x3df: {  	v26 =	vld [tilespmem:s21+$0xD500];
	v27 =	vor.u32 v25, v28;
	_ =	sdelay $0x4  }
0x3e0: {  	[tilespmem:v27+s13+$0x0] =	vst.idx.msk $0xffff, v26;
	v26 =	vor.u32 $0xC000, v2  }
0x3e1: {  	v27 =	vld [tilespmem:s21+$0xDD00];
	v29 =	vor.u32 v26, v28;
	_ =	sdelay $0x4  }
0x3e2: {  	[tilespmem:v29+s13+$0x0] =	vst.idx.msk $0xffff, v27;
	v27 =	vor.u32 $0xC800, v2  }
0x3e3: {  	v29 =	vld [tilespmem:s21+$0xE500];
	v30 =	vor.u32 v27, v28  }
0x3e4: {  	s19 =	simm.s32 $0x1  }
0x3e5: {  	s18 =	simm.s32 $0x40;
	s20 =	simm.s32 $0x80;
	v28 =	vmov s19  }
.LBB2_3:
0x3e6: {  	p0 =	sne.s32 s20, $0x1FC0;
	v28 =	vand.u32 $0x7F, v28  }
0x3e7: {  	v28 =	vbroadcast v28, $0x0  }
0x3e8: {  	s21 =	sshra.s32 s18, $0x2;
	s18 =	smov.u32 s20;
	[tilespmem:v30+s13+$0x0] =	vst.idx.msk $0xffff, v29  }
0x3e9: {  	v29 =	vld [tilespmem:s21+$0x1D00];
	v30 =	vor.u32 v2, v28;
	_ =	sdelay $0x4  }
0x3ea: {  	[tilespmem:v30+s13+$0x0] =	vst.idx.msk $0xffff, v29  }
0x3eb: {  	v30 =	vor.u32 v3, v28;
	v29 =	vld [tilespmem:s21+$0x2500];
	_ =	sdelay $0x4  }
0x3ec: {  	[tilespmem:v30+s13+$0x0] =	vst.idx.msk $0xffff, v29  }
0x3ed: {  	v30 =	vor.u32 v4, v28;
	v29 =	vld [tilespmem:s21+$0x2D00];
	_ =	sdelay $0x4  }
0x3ee: {  	[tilespmem:v30+s13+$0x0] =	vst.idx.msk $0xffff, v29  }
0x3ef: {  	v30 =	vor.u32 v5, v28;
	v29 =	vld [tilespmem:s21+$0x3500];
	_ =	sdelay $0x4  }
0x3f0: {  	[tilespmem:v30+s13+$0x0] =	vst.idx.msk $0xffff, v29  }
0x3f1: {  	v30 =	vor.u32 v6, v28;
	v29 =	vld [tilespmem:s21+$0x3D00];
	_ =	sdelay $0x4  }
0x3f2: {  	[tilespmem:v30+s13+$0x0] =	vst.idx.msk $0xffff, v29  }
0x3f3: {  	v30 =	vor.u32 v7, v28;
	v29 =	vld [tilespmem:s21+$0x4500];
	_ =	sdelay $0x4  }
0x3f4: {  	[tilespmem:v30+s13+$0x0] =	vst.idx.msk $0xffff, v29  }
0x3f5: {  	v30 =	vor.u32 v8, v28;
	v29 =	vld [tilespmem:s21+$0x4D00];
	_ =	sdelay $0x4  }
0x3f6: {  	[tilespmem:v30+s13+$0x0] =	vst.idx.msk $0xffff, v29  }
0x3f7: {  	v30 =	vor.u32 v9, v28;
	v29 =	vld [tilespmem:s21+$0x5500];
	_ =	sdelay $0x4  }
0x3f8: {  	[tilespmem:v30+s13+$0x0] =	vst.idx.msk $0xffff, v29  }
0x3f9: {  	v30 =	vor.u32 v10, v28;
	v29 =	vld [tilespmem:s21+$0x5D00];
	_ =	sdelay $0x4  }
0x3fa: {  	[tilespmem:v30+s13+$0x0] =	vst.idx.msk $0xffff, v29  }
0x3fb: {  	v30 =	vor.u32 v11, v28;
	v29 =	vld [tilespmem:s21+$0x6500];
	_ =	sdelay $0x4  }
0x3fc: {  	[tilespmem:v30+s13+$0x0] =	vst.idx.msk $0xffff, v29  }
0x3fd: {  	v30 =	vor.u32 v12, v28;
	v29 =	vld [tilespmem:s21+$0x6D00];
	_ =	sdelay $0x4  }
0x3fe: {  	[tilespmem:v30+s13+$0x0] =	vst.idx.msk $0xffff, v29  }
0x3ff: {  	v30 =	vor.u32 v13, v28;
	v29 =	vld [tilespmem:s21+$0x7500];
	_ =	sdelay $0x4  }
0x400: {  	[tilespmem:v30+s13+$0x0] =	vst.idx.msk $0xffff, v29  }
0x401: {  	v30 =	vor.u32 v14, v28;
	v29 =	vld [tilespmem:s21+$0x7D00];
	_ =	sdelay $0x4  }
0x402: {  	[tilespmem:v30+s13+$0x0] =	vst.idx.msk $0xffff, v29  }
0x403: {  	v30 =	vor.u32 v15, v28;
	v29 =	vld [tilespmem:s21+$0x8500];
	_ =	sdelay $0x4  }
0x404: {  	[tilespmem:v30+s13+$0x0] =	vst.idx.msk $0xffff, v29  }
0x405: {  	v30 =	vor.u32 v16, v28;
	v29 =	vld [tilespmem:s21+$0x8D00];
	_ =	sdelay $0x4  }
0x406: {  	[tilespmem:v30+s13+$0x0] =	vst.idx.msk $0xffff, v29  }
0x407: {  	v30 =	vor.u32 v17, v28;
	v29 =	vld [tilespmem:s21+$0x9500];
	_ =	sdelay $0x4  }
0x408: {  	[tilespmem:v30+s13+$0x0] =	vst.idx.msk $0xffff, v29  }
0x409: {  	v30 =	vor.u32 v18, v28;
	v29 =	vld [tilespmem:s21+$0x9D00];
	_ =	sdelay $0x4  }
0x40a: {  	[tilespmem:v30+s13+$0x0] =	vst.idx.msk $0xffff, v29  }
0x40b: {  	v30 =	vor.u32 v19, v28;
	v29 =	vld [tilespmem:s21+$0xA500];
	_ =	sdelay $0x4  }
0x40c: {  	[tilespmem:v30+s13+$0x0] =	vst.idx.msk $0xffff, v29  }
0x40d: {  	v30 =	vor.u32 v20, v28;
	v29 =	vld [tilespmem:s21+$0xAD00];
	_ =	sdelay $0x4  }
0x40e: {  	[tilespmem:v30+s13+$0x0] =	vst.idx.msk $0xffff, v29  }
0x40f: {  	v30 =	vor.u32 v21, v28;
	v29 =	vld [tilespmem:s21+$0xB500];
	_ =	sdelay $0x4  }
0x410: {  	[tilespmem:v30+s13+$0x0] =	vst.idx.msk $0xffff, v29  }
0x411: {  	v30 =	vor.u32 v22, v28;
	v29 =	vld [tilespmem:s21+$0xBD00];
	_ =	sdelay $0x4  }
0x412: {  	[tilespmem:v30+s13+$0x0] =	vst.idx.msk $0xffff, v29  }
0x413: {  	v30 =	vor.u32 v23, v28;
	v29 =	vld [tilespmem:s21+$0xC500];
	_ =	sdelay $0x4  }
0x414: {  	[tilespmem:v30+s13+$0x0] =	vst.idx.msk $0xffff, v29  }
0x415: {  	v30 =	vor.u32 v24, v28;
	v29 =	vld [tilespmem:s21+$0xCD00];
	_ =	sdelay $0x4  }
0x416: {  	[tilespmem:v30+s13+$0x0] =	vst.idx.msk $0xffff, v29  }
0x417: {  	v30 =	vor.u32 v25, v28;
	v29 =	vld [tilespmem:s21+$0xD500];
	_ =	sdelay $0x4  }
0x418: {  	[tilespmem:v30+s13+$0x0] =	vst.idx.msk $0xffff, v29  }
0x419: {  	v30 =	vor.u32 v26, v28;
	v29 =	vld [tilespmem:s21+$0xDD00];
	_ =	sdelay $0x3  }
.Ltmp0:
0x41a: {  	(pc) =	sbr.rel @p0 .LBB2_3-.Ltmp0, $4  }
0x41b: {  	[tilespmem:v30+s13+$0x0] =	vst.idx.msk $0xffff, v29  }
0x41c: {  	v30 =	vor.u32 v27, v28;
	v29 =	vld [tilespmem:s21+$0xE500]  }
0x41d: {  	s19 =	sadd.s32 $0x1, s19  }
0x41e: {  	s20 =	sadd.s32 $0x40, s20;
	v28 =	vmov s19  }
0x41f: {  	_ =	sdelay $0x1  }
0x420: {  	v28 =	vand.u32 $0x7F, v28  }
0x421: {  	v28 =	vbroadcast v28, $0x0  }
0x422: {  	s18 =	sshra.s32 s18, $0x2;
	[tilespmem:v30+s13+$0x0] =	vst.idx.msk $0xffff, v29  }
0x423: {  	v29 =	vld [tilespmem:s18+$0x1D00];
	v2 =	vor.u32 v2, v28;
	_ =	sdelay $0x4  }
0x424: {  	[tilespmem:v2+s13+$0x0] =	vst.idx.msk $0xffff, v29  }
0x425: {  	v3 =	vor.u32 v3, v28;
	v2 =	vld [tilespmem:s18+$0x2500];
	_ =	sdelay $0x4  }
0x426: {  	[tilespmem:v3+s13+$0x0] =	vst.idx.msk $0xffff, v2  }
0x427: {  	v3 =	vor.u32 v4, v28;
	v2 =	vld [tilespmem:s18+$0x2D00];
	_ =	sdelay $0x4  }
0x428: {  	[tilespmem:v3+s13+$0x0] =	vst.idx.msk $0xffff, v2  }
0x429: {  	v3 =	vor.u32 v5, v28;
	v2 =	vld [tilespmem:s18+$0x3500];
	_ =	sdelay $0x4  }
0x42a: {  	[tilespmem:v3+s13+$0x0] =	vst.idx.msk $0xffff, v2  }
0x42b: {  	v3 =	vor.u32 v6, v28;
	v2 =	vld [tilespmem:s18+$0x3D00];
	_ =	sdelay $0x4  }
0x42c: {  	[tilespmem:v3+s13+$0x0] =	vst.idx.msk $0xffff, v2  }
0x42d: {  	v3 =	vor.u32 v7, v28;
	v2 =	vld [tilespmem:s18+$0x4500];
	_ =	sdelay $0x4  }
0x42e: {  	[tilespmem:v3+s13+$0x0] =	vst.idx.msk $0xffff, v2  }
0x42f: {  	v3 =	vor.u32 v8, v28;
	v2 =	vld [tilespmem:s18+$0x4D00];
	_ =	sdelay $0x4  }
0x430: {  	[tilespmem:v3+s13+$0x0] =	vst.idx.msk $0xffff, v2  }
0x431: {  	v3 =	vor.u32 v9, v28;
	v2 =	vld [tilespmem:s18+$0x5500];
	_ =	sdelay $0x4  }
0x432: {  	[tilespmem:v3+s13+$0x0] =	vst.idx.msk $0xffff, v2  }
0x433: {  	v3 =	vor.u32 v10, v28;
	v2 =	vld [tilespmem:s18+$0x5D00];
	_ =	sdelay $0x4  }
0x434: {  	[tilespmem:v3+s13+$0x0] =	vst.idx.msk $0xffff, v2  }
0x435: {  	v3 =	vor.u32 v11, v28;
	v2 =	vld [tilespmem:s18+$0x6500];
	_ =	sdelay $0x4  }
0x436: {  	[tilespmem:v3+s13+$0x0] =	vst.idx.msk $0xffff, v2  }
0x437: {  	v3 =	vor.u32 v12, v28;
	v2 =	vld [tilespmem:s18+$0x6D00];
	_ =	sdelay $0x4  }
0x438: {  	[tilespmem:v3+s13+$0x0] =	vst.idx.msk $0xffff, v2  }
0x439: {  	v3 =	vor.u32 v13, v28;
	v2 =	vld [tilespmem:s18+$0x7500];
	_ =	sdelay $0x4  }
0x43a: {  	[tilespmem:v3+s13+$0x0] =	vst.idx.msk $0xffff, v2  }
0x43b: {  	v3 =	vor.u32 v14, v28;
	v2 =	vld [tilespmem:s18+$0x7D00];
	_ =	sdelay $0x4  }
0x43c: {  	[tilespmem:v3+s13+$0x0] =	vst.idx.msk $0xffff, v2  }
0x43d: {  	v3 =	vor.u32 v15, v28;
	v2 =	vld [tilespmem:s18+$0x8500];
	_ =	sdelay $0x4  }
0x43e: {  	[tilespmem:v3+s13+$0x0] =	vst.idx.msk $0xffff, v2  }
0x43f: {  	v3 =	vor.u32 v16, v28;
	v2 =	vld [tilespmem:s18+$0x8D00];
	_ =	sdelay $0x4  }
0x440: {  	[tilespmem:v3+s13+$0x0] =	vst.idx.msk $0xffff, v2  }
0x441: {  	v3 =	vor.u32 v17, v28;
	v2 =	vld [tilespmem:s18+$0x9500];
	_ =	sdelay $0x4  }
0x442: {  	[tilespmem:v3+s13+$0x0] =	vst.idx.msk $0xffff, v2  }
0x443: {  	v3 =	vor.u32 v18, v28;
	v2 =	vld [tilespmem:s18+$0x9D00];
	_ =	sdelay $0x4  }
0x444: {  	[tilespmem:v3+s13+$0x0] =	vst.idx.msk $0xffff, v2  }
0x445: {  	v3 =	vor.u32 v19, v28;
	v2 =	vld [tilespmem:s18+$0xA500];
	_ =	sdelay $0x4  }
0x446: {  	[tilespmem:v3+s13+$0x0] =	vst.idx.msk $0xffff, v2  }
0x447: {  	v3 =	vor.u32 v20, v28;
	v2 =	vld [tilespmem:s18+$0xAD00];
	_ =	sdelay $0x4  }
0x448: {  	[tilespmem:v3+s13+$0x0] =	vst.idx.msk $0xffff, v2  }
0x449: {  	v3 =	vor.u32 v21, v28;
	v2 =	vld [tilespmem:s18+$0xB500];
	_ =	sdelay $0x4  }
0x44a: {  	[tilespmem:v3+s13+$0x0] =	vst.idx.msk $0xffff, v2  }
0x44b: {  	v3 =	vor.u32 v22, v28;
	v2 =	vld [tilespmem:s18+$0xBD00];
	_ =	sdelay $0x4  }
0x44c: {  	[tilespmem:v3+s13+$0x0] =	vst.idx.msk $0xffff, v2  }
0x44d: {  	v3 =	vor.u32 v23, v28;
	v2 =	vld [tilespmem:s18+$0xC500];
	_ =	sdelay $0x4  }
0x44e: {  	[tilespmem:v3+s13+$0x0] =	vst.idx.msk $0xffff, v2  }
0x44f: {  	v3 =	vor.u32 v24, v28;
	v2 =	vld [tilespmem:s18+$0xCD00];
	_ =	sdelay $0x4  }
0x450: {  	[tilespmem:v3+s13+$0x0] =	vst.idx.msk $0xffff, v2  }
0x451: {  	v3 =	vor.u32 v25, v28;
	v2 =	vld [tilespmem:s18+$0xD500];
	_ =	sdelay $0x4  }
0x452: {  	[tilespmem:v3+s13+$0x0] =	vst.idx.msk $0xffff, v2  }
0x453: {  	v3 =	vor.u32 v26, v28;
	v2 =	vld [tilespmem:s18+$0xDD00];
	_ =	sdelay $0x4  }
0x454: {  	[tilespmem:v3+s13+$0x0] =	vst.idx.msk $0xffff, v2  }
0x455: {  	v3 =	vor.u32 v27, v28;
	v2 =	vld [tilespmem:s18+$0xE500];
	_ =	sdelay $0x2  }
0x456: {  	s16 =	sadd.s32 $0x1, s16  }
0x457: {  	s17 =	sshll.u32 s17, $0x7;
	s21 =	rddreg [dreg:$0x1];
	p0 =	sne.s32 s16, $0x4  }
.Ltmp1:
0x458: {  	s17 =	sadd.s32 s21, s17;
	[tilespmem:v3+s13+$0x0] =	vst.idx.msk $0xffff, v2;
	(pc) =	sbr.rel @p0 .LBB2_2-.Ltmp1, $4  }
0x459: {  	[hbm4b:s17+s14] =	stream.strided.scatter [tilespmem:s13], [sflag:$0x2], $0xD000, s15, s14, $0x38;
	[tilespmem:$0x1BEA0] =	vst v63  }
0x45a: {  	_ =	swait.ge [sflag:s10], $0xD000  }
0x45b: {  	[sflag:s10] =	ssyncset.done $0x0  }
0x45c: {  	[sflag:s10] =	ssyncadd.s32 $0xFFFF3000  }
0x45d: {  	s17 =	rddreg [dreg:$0x5]  }
0x45e: {  	s16 =	rddreg [dreg:$0x4];
	s17 =	sadd.s32 $0x1, s17  }
0x45f: {  	p0 =	sne.s32 s17, s16  }
.Ltmp2:
0x460: {  	_ = 	snop;
	(pc) =	sbr.rel @p0 .LBB2_1-.Ltmp2, $1  }
0x461: {  	_ =	sdelay $0x3  }
0x462: {  	_ =	sfence.sel $0x180000  }
0x463: {  	[bflag:$0x0] =	sbarrier.arrive $0xFFFF  }
0x464: {  	_ =	strace $0x90000047  }
0x465: {  	s0 =	stileid.u32;
	[bflag:$0x2] =	sbarrier.arrive $0xFFFF  }
0x466: {  	p0 =	sne.s32 s0, $0x0;
	s0 =	rddreg [dreg:$0x2]  }
0x467: {  	s0 =	sadd.s32 @!p0 $0x100000, s0  }
0x468: {  	[sflag:s0] =	ssyncadd.tile.s32 @!p0 $0x1;
	_ =	shalt  }
.Lfunc_end2:
_tile_overlayer_lowered:
.L_overlay_start_2:
0x469: {  	(tag) =	ssettag $0x2  }
0x46a: {  	s0 =	rddreg [dreg:$0x0];
	s2 =	stileid.u32  }
0x46b: {  	s1 =	rddreg [dreg:$0x1];
	p0 =	sne.s32 s2, $0x0  }
0x46c: {  	s3 =	rddreg [dreg:$0x2];
	[bflag:$0x3] =	sbarrier.arrive $0xFFFF;
	s2 =	simm.s32 @!p0 $0x1C02  }
0x46d: {  	[timem:s3], [sflag:s2] =	dma.local @!p0 [hbm:s0], s1  }
0x46e: {  	s0 =	simm.s32 @!p0 $0x2  }
0x46f: {  	_ =	swait.ge @!p0 [sflag:s0], s1  }
0x470: {  	s1 =	ssub.s32 @!p0 $0x0, s1;
	[sflag:s0] =	ssyncset.done @!p0 $0x0  }
0x471: {  	[sflag:s0] =	ssyncadd.s32 @!p0 s1  }
0x472: {  	[bflag:$0x3] =	sbarrier.arrive $0xFFFF  }
0x473: {  	_ =	shalt  }

</sc_bundles>
